<compile_context>
chip_gen: v7x
topology: tpu7x:2x2x1
jax: 0.10.2.dev20260603
libtpu: 0.0.44.dev20260713+nightly
codegen_flags: <defaults>
</compile_context>

<pallas_src>
import numpy as np
import jax
import jax.numpy as jnp
from jax.experimental import pallas as pl
from jax.experimental.pallas import tpu as pltpu

_SIDE = 100
_N = _SIDE * _SIDE
_D = 256
_TILE = 448.0
_SIGMA = 200.0
_G1 = float(np.exp(-(_TILE ** 2) / (2.0 * _SIGMA ** 2)))



import functools
from jax import lax
from jax.experimental.pallas import tpu_sc as plsc

_IC = 50
_DC = 2
_CW = _D // _DC
_NT = _IC * _DC
_NW = 32
_SLAB = 408
_ZI_FIX = float((1.0 + 2.0 * _G1) / (1.0 + _G1))
_R_INT = float(1.0 / (1.0 + 2.0 * _G1))
_R_EDGE = float(1.0 / (1.0 + _G1))


_NV = _CW // 16


def _in_copy(h_hbm, in_v, in_sem, t, start):
    ic = t // _DC
    col = pl.multiple_of((t - ic * _DC) * _CW, _CW)
    g0 = pl.multiple_of(ic * 200 - 104, 8)

    def go(cp):
        cp.start() if start else cp.wait()

    @pl.when(ic == 0)
    def _():
        go(pltpu.make_async_copy(h_hbm.at[pl.ds(0, 304), pl.ds(col, _CW)],
                                 in_v.at[pl.ds(104, 304), :], in_sem))

    @pl.when(ic == _IC - 1)
    def _():
        go(pltpu.make_async_copy(h_hbm.at[pl.ds(_N - 304, 304),
                                          pl.ds(col, _CW)],
                                 in_v.at[pl.ds(0, 304), :], in_sem))

    @pl.when(jnp.logical_and(ic > 0, ic < _IC - 1))
    def _():
        go(pltpu.make_async_copy(h_hbm.at[pl.ds(g0, _SLAB), pl.ds(col, _CW)],
                                 in_v, in_sem))


def _out_copy(out_hbm, t_v, out_sem, t, start):
    ic = t // _DC
    col = pl.multiple_of((t - ic * _DC) * _CW, _CW)
    cp = pltpu.make_async_copy(
        t_v.at[pl.ds(0, 200), :],
        out_hbm.at[pl.ds(pl.multiple_of(ic * 200, 8), 200), pl.ds(col, _CW)],
        out_sem)
    cp.start() if start else cp.wait()


def _sc_task(h_hbm, out_hbm, in_v, t_v, in_sem, out_sem, t, m):
    ic = t // _DC

    @pl.when(m == 0)
    def _():
        _in_copy(h_hbm, in_v, in_sem, t, start=True)

    _in_copy(h_hbm, in_v, in_sem, t, start=False)

    zeros = jnp.zeros((16,), jnp.float32)

    def zero_rows(lo, hi):
        def zbody(u, _):
            for v in range(_NV):
                in_v[u, pl.ds(v * 16, 16)] = zeros
            return 0
        lax.fori_loop(lo, hi, zbody, 0)

    @pl.when(ic == 0)
    def _():
        zero_rows(0, 104)

    @pl.when(ic == _IC - 1)
    def _():
        zero_rows(304, _SLAB)

    def abody(w, carry):
        new = []
        for v in range(_NV):
            prev, cur = carry[2 * v], carry[2 * v + 1]
            nxt = in_v[w + 5, pl.ds(v * 16, 16)]
            t_v[w, pl.ds(v * 16, 16)] = cur + _G1 * (prev + nxt)
            new += [cur, nxt]
        return tuple(new)

    def ainit(w0):
        init = []
        for v in range(_NV):
            init += [in_v[w0 + 3, pl.ds(v * 16, 16)],
                     in_v[w0 + 4, pl.ds(v * 16, 16)]]
        return tuple(init)

    lax.fori_loop(200, 400, abody, ainit(200))

    @pl.when(m > 0)
    def _():
        _out_copy(out_hbm, t_v, out_sem, t, start=False)

    lax.fori_loop(0, 200, abody, ainit(0))

    for w in (0, 100, 200, 300):
        for v in range(_NV):
            sl = pl.ds(v * 16, 16)
            t_v[w, sl] = in_v[w + 4, sl] + _G1 * in_v[w + 5, sl]
    for w in (99, 199, 299, 399):
        for v in range(_NV):
            sl = pl.ds(v * 16, 16)
            t_v[w, sl] = in_v[w + 4, sl] + _G1 * in_v[w + 3, sl]

    @pl.when(t + _NW < _NT)
    def _():
        _in_copy(h_hbm, in_v, in_sem, t + _NW, start=True)

    def bbody(o, _):
        for v in range(_NV):
            sl = pl.ds(v * 16, 16)
            acc = t_v[o + 100, sl] + _G1 * (t_v[o, sl] + t_v[o + 200, sl])
            t_v[o, sl] = (_R_INT * _R_INT) * acc
        return 0
    lax.fori_loop(0, 200, bbody, 0)

    for o in (0, 99, 100, 199):
        for v in range(_NV):
            sl = pl.ds(v * 16, 16)
            t_v[o, sl] = (_R_EDGE / _R_INT) * t_v[o, sl]

    def iscale(lo):
        def sbody(o, _):
            for v in range(_NV):
                sl = pl.ds(v * 16, 16)
                o_sl = t_v[o, sl]
                t_v[o, sl] = _ZI_FIX * o_sl
            return 0
        lax.fori_loop(lo, lo + 100, sbody, 0)

    @pl.when(ic == 0)
    def _():
        iscale(0)

    @pl.when(ic == _IC - 1)
    def _():
        iscale(100)

    _out_copy(out_hbm, t_v, out_sem, t, start=True)


@jax.jit
def _blur_sc(H):
    mesh = plsc.VectorSubcoreMesh(core_axis_name="c", subcore_axis_name="s")

    @functools.partial(
        pl.kernel, mesh=mesh,
        out_type=jax.ShapeDtypeStruct((_N, _D), jnp.float32),
        scratch_types=[
            pltpu.VMEM((_SLAB, _CW), jnp.float32),
            pltpu.VMEM((400, _CW), jnp.float32),
            pltpu.SemaphoreType.DMA,
            pltpu.SemaphoreType.DMA,
        ],
    )
    def k(h_hbm, out_hbm, in_v, t_v, in_sem, out_sem):
        wid = lax.axis_index("s") * 2 + lax.axis_index("c")

        def task_loop(m, _):
            t = wid + _NW * m

            @pl.when(t < _NT)
            def _():
                _sc_task(h_hbm, out_hbm, in_v, t_v, in_sem, out_sem, t, m)
            return 0

        lax.fori_loop(0, (_NT + _NW - 1) // _NW, task_loop, 0)
        _out_copy(out_hbm, t_v, out_sem, wid, start=False)

    return k(H)


def kernel(H, xy):
    del xy
    return _blur_sc(H)

# --- scband reference (transcript-rebuilt; emitter-appended) ---
"""Pipeline reference for scband-localized-embedding-layer-91199335563559 (READ-ONLY COPY).

The authoritative reference and input builder live on the scoring server;
editing this copy changes nothing except your own understanding.
"""

import jax, jax.numpy as jnp
import numpy as np

TILE_SIZE = 448
SIGMA = 200.0
GRID_STEP = 2
SIDE = 100
D_FEAT = 256


def setup_inputs(seed: int = 0) -> dict:
    key = jax.random.key(seed)
    gx, gy = jnp.meshgrid(jnp.arange(SIDE), jnp.arange(SIDE), indexing='ij')
    xy = jnp.stack([gx.reshape(-1), gy.reshape(-1)], axis=1).astype(jnp.float32) * TILE_SIZE
    H = jax.random.normal(jax.random.fold_in(key, 0), (SIDE * SIDE, D_FEAT), dtype=jnp.float32)
    return {"H": H, "xy": xy}


def _localized(H, xy):
    # radius = ceil(sqrt(2 * (grid_step * tile_size)^2)), as in create_weight_matrix
    radius = float(np.ceil(np.sqrt(2.0 * (GRID_STEP * TILE_SIZE) ** 2)))
    N = xy.shape[0]
    chunk = 1000
    outs = []
    for s in range(0, N, chunk):
        xy_c = jax.lax.dynamic_slice_in_dim(xy, s, chunk, axis=0)
        # pairwise squared distances from this row-chunk to all points
        d2 = jnp.sum((xy_c[:, None, :] - xy[None, :, :]) ** 2, axis=-1)
        dist = jnp.sqrt(d2)
        # radius_neighbors: keep entries with dist <= radius
        mask = dist <= radius
        w = jnp.where(mask, jnp.exp(-d2 / (2.0 * SIGMA ** 2)), 0.0)
        row_sum = jnp.sum(w, axis=1, keepdims=True)
        # rows with no neighbors are left as zero rows (original skips them)
        w = w / jnp.where(row_sum > 0.0, row_sum, 1.0)
        # W_chunk @ H ; masked-dense is numerically identical to sparse.mm
        outs.append(w @ H)
    return jnp.concatenate(outs, axis=0)


def reference(H, xy):
    return _localized(H, xy)

if __name__ == "__main__":
    import jax
    _d = setup_inputs()
    print(jax.jit(kernel)(*tuple(_d.values())))

</pallas_src>

<mosaic_0001>
#map = affine_map<(d0, d1) -> (0, 0)>
module attributes {stable_mosaic.version = 14 : i64} {
  func.func @k(%arg0: i32, %arg1: i32, %arg2: memref<10000x256xf32, #tpu.memory_space<hbm>>, %arg3: memref<10000x256xf32, #tpu.memory_space<hbm>>, %arg4: memref<408x128xf32, #tpu.memory_space<vmem>>, %arg5: memref<400x128xf32, #tpu.memory_space<vmem>>, %arg6: memref<!tpu.dma_semaphore, #tpu.memory_space<semaphore_mem>>, %arg7: memref<!tpu.dma_semaphore, #tpu.memory_space<semaphore_mem>>) attributes {dimension_semantics = [#tpu.dimension_semantics<core_parallel>, #tpu.dimension_semantics<subcore_parallel>], iteration_bounds = array<i64: 2, 16>, scalar_prefetch = 0 : i64, scratch_operands = 4 : i64, tpu.core_type = #tpu.core_type<sc_vector_subcore>, window_params = [{transform_indices = #map}, {transform_indices = #map}]} {
    %mul3A = arith.constant 2 : i32
    %mul3A_0 = arith.muli %arg1, %mul3A : i32
    %add3A = arith.addi %mul3A_0, %arg0 : i32
    %scan3A = arith.constant 0 : i32
    %scan3A_1 = arith.constant 0 : i32
    %scan3A_2 = arith.constant 4 : i32
    %scan3A_3 = arith.addi %scan3A_1, %scan3A_2 : i32
    %scan3A_4 = arith.constant 1 : i32
    %scan3A_5 = scf.for %scan3A_38 = %scan3A_1 to %scan3A_3 step %scan3A_4 iter_args(%scan3A_39 = %scan3A) -> (i32)  : i32 {
      %mul3A_40 = arith.constant 32 : i32
      %mul3A_41 = arith.muli %mul3A_40, %scan3A_38 : i32
      %add3A_42 = arith.addi %add3A, %mul3A_41 : i32
      %lt3A = arith.constant 100 : i32
      %lt3A_43 = arith.cmpi slt, %add3A_42, %lt3A : i32
      %convert_element_type3A = arith.extui %lt3A_43 : i1 to i32
      %cond3A = arith.constant 0 : i32
      %cond3A_44 = arith.cmpi ne, %convert_element_type3A, %cond3A : i32
      scf.if %cond3A_44 {
        %jit3A_46 = arith.constant 2 : i32
        %div3A_47 = arith.divsi %add3A_42, %jit3A_46 : i32
        %sign3A_48 = arith.constant 0 : i32
        %sign3A_49 = arith.cmpi sgt, %add3A_42, %sign3A_48 : i32
        %sign3A_50 = arith.extui %sign3A_49 : i1 to i32
        %sign3A_51 = arith.constant 0 : i32
        %sign3A_52 = arith.cmpi slt, %add3A_42, %sign3A_51 : i32
        %sign3A_53 = arith.extui %sign3A_52 : i1 to i32
        %sign3A_54 = arith.subi %sign3A_50, %sign3A_53 : i32
        %sign3A_55 = arith.constant 0 : i32
        %sign3A_56 = arith.cmpi sgt, %jit3A_46, %sign3A_55 : i32
        %sign3A_57 = arith.extui %sign3A_56 : i1 to i32
        %sign3A_58 = arith.constant 0 : i32
        %sign3A_59 = arith.cmpi slt, %jit3A_46, %sign3A_58 : i32
        %sign3A_60 = arith.extui %sign3A_59 : i1 to i32
        %sign3A_61 = arith.subi %sign3A_57, %sign3A_60 : i32
        %ne3A_62 = arith.cmpi ne, %sign3A_54, %sign3A_61 : i32
        %rem3A_63 = arith.remsi %add3A_42, %jit3A_46 : i32
        %ne3A_64 = arith.constant 0 : i32
        %ne3A_65 = arith.cmpi ne, %rem3A_63, %ne3A_64 : i32
        %and3A_66 = arith.andi %ne3A_62, %ne3A_65 : i1
        %sub3A_67 = arith.constant 1 : i32
        %sub3A_68 = arith.subi %div3A_47, %sub3A_67 : i32
        %select_n3A_69 = arith.select %and3A_66, %sub3A_68, %div3A_47 : i32
        %eq3A = arith.constant 0 : i32
        %eq3A_70 = arith.cmpi eq, %scan3A_38, %eq3A : i32
        %convert_element_type3A_71 = arith.extui %eq3A_70 : i1 to i32
        %cond3A_72 = arith.constant 0 : i32
        %cond3A_73 = arith.cmpi ne, %convert_element_type3A_71, %cond3A_72 : i32
        scf.if %cond3A_73 {
          %jit3A_2104 = arith.constant 2 : i32
          %div3A_2105 = arith.divsi %add3A_42, %jit3A_2104 : i32
          %sign3A_2106 = arith.constant 0 : i32
          %sign3A_2107 = arith.cmpi sgt, %add3A_42, %sign3A_2106 : i32
          %sign3A_2108 = arith.extui %sign3A_2107 : i1 to i32
          %sign3A_2109 = arith.constant 0 : i32
          %sign3A_2110 = arith.cmpi slt, %add3A_42, %sign3A_2109 : i32
          %sign3A_2111 = arith.extui %sign3A_2110 : i1 to i32
          %sign3A_2112 = arith.subi %sign3A_2108, %sign3A_2111 : i32
          %sign3A_2113 = arith.constant 0 : i32
          %sign3A_2114 = arith.cmpi sgt, %jit3A_2104, %sign3A_2113 : i32
          %sign3A_2115 = arith.extui %sign3A_2114 : i1 to i32
          %sign3A_2116 = arith.constant 0 : i32
          %sign3A_2117 = arith.cmpi slt, %jit3A_2104, %sign3A_2116 : i32
          %sign3A_2118 = arith.extui %sign3A_2117 : i1 to i32
          %sign3A_2119 = arith.subi %sign3A_2115, %sign3A_2118 : i32
          %ne3A_2120 = arith.cmpi ne, %sign3A_2112, %sign3A_2119 : i32
          %rem3A_2121 = arith.remsi %add3A_42, %jit3A_2104 : i32
          %ne3A_2122 = arith.constant 0 : i32
          %ne3A_2123 = arith.cmpi ne, %rem3A_2121, %ne3A_2122 : i32
          %and3A_2124 = arith.andi %ne3A_2120, %ne3A_2123 : i1
          %sub3A_2125 = arith.constant 1 : i32
          %sub3A_2126 = arith.subi %div3A_2105, %sub3A_2125 : i32
          %select_n3A_2127 = arith.select %and3A_2124, %sub3A_2126, %div3A_2105 : i32
          %mul3A_2128 = arith.constant 2 : i32
          %mul3A_2129 = arith.muli %select_n3A_2127, %mul3A_2128 : i32
          %sub3A_2130 = arith.subi %add3A_42, %mul3A_2129 : i32
          %mul3A_2131 = arith.constant 128 : i32
          %mul3A_2132 = arith.muli %sub3A_2130, %mul3A_2131 : i32
          %multiple_of3A_2133 = tpu.assume_multiple %mul3A_2132, 128 : i32
          %mul3A_2134 = arith.constant 200 : i32
          %mul3A_2135 = arith.muli %select_n3A_2127, %mul3A_2134 : i32
          %sub3A_2136 = arith.constant 104 : i32
          %sub3A_2137 = arith.subi %mul3A_2135, %sub3A_2136 : i32
          %multiple_of3A_2138 = tpu.assume_multiple %sub3A_2137, 8 : i32
          %eq3A_2139 = arith.constant 0 : i32
          %eq3A_2140 = arith.cmpi eq, %select_n3A_2127, %eq3A_2139 : i32
          %convert_element_type3A_2141 = arith.extui %eq3A_2140 : i1 to i32
          %cond3A_2142 = arith.constant 0 : i32
          %cond3A_2143 = arith.cmpi ne, %convert_element_type3A_2141, %cond3A_2142 : i32
          scf.if %cond3A_2143 {
            %dma_start3A_2157 = arith.constant 104 : i32
            %dma_start3A_2158 = arith.constant 0 : i32
            %dma_start3A_2159 = tpu.memref_slice %arg4[%dma_start3A_2157, %dma_start3A_2158] : memref<408x128xf32, #tpu.memory_space<vmem>> -> memref<304x128xf32, #tpu.memory_space<vmem>>
            %dma_start3A_2160 = arith.constant 0 : i32
            %dma_start3A_2161 = tpu.memref_slice %arg2[%dma_start3A_2160, %multiple_of3A_2133] : memref<10000x256xf32, #tpu.memory_space<hbm>> -> memref<304x128xf32, #tpu.memory_space<hbm>>
            %dma_start3A_2162 = arith.constant 104 : i32
            %dma_start3A_2163 = arith.constant 0 : i32
            %dma_start3A_2164 = tpu.memref_slice %arg4[%dma_start3A_2162, %dma_start3A_2163] : memref<408x128xf32, #tpu.memory_space<vmem>> -> memref<304x128xf32, #tpu.memory_space<vmem>>
            %dma_start3A_2165 = arith.constant 0 : i32
            %dma_start3A_2166 = tpu.memref_slice %arg2[%dma_start3A_2165, %multiple_of3A_2133] : memref<10000x256xf32, #tpu.memory_space<hbm>> -> memref<304x128xf32, #tpu.memory_space<hbm>>
            tpu.enqueue_dma source(%dma_start3A_2166 : memref<304x128xf32, #tpu.memory_space<hbm>>) target(%dma_start3A_2164 : memref<304x128xf32, #tpu.memory_space<vmem>>) target_semaphore(%arg6 : memref<!tpu.dma_semaphore, #tpu.memory_space<semaphore_mem>>)
          } else {
          }
          %eq3A_2144 = arith.constant 49 : i32
          %eq3A_2145 = arith.cmpi eq, %select_n3A_2127, %eq3A_2144 : i32
          %convert_element_type3A_2146 = arith.extui %eq3A_2145 : i1 to i32
          %cond3A_2147 = arith.constant 0 : i32
          %cond3A_2148 = arith.cmpi ne, %convert_element_type3A_2146, %cond3A_2147 : i32
          scf.if %cond3A_2148 {
            %dma_start3A_2157 = arith.constant 0 : i32
            %dma_start3A_2158 = arith.constant 0 : i32
            %dma_start3A_2159 = tpu.memref_slice %arg4[%dma_start3A_2157, %dma_start3A_2158] : memref<408x128xf32, #tpu.memory_space<vmem>> -> memref<304x128xf32, #tpu.memory_space<vmem>>
            %dma_start3A_2160 = arith.constant 9696 : i32
            %dma_start3A_2161 = tpu.memref_slice %arg2[%dma_start3A_2160, %multiple_of3A_2133] : memref<10000x256xf32, #tpu.memory_space<hbm>> -> memref<304x128xf32, #tpu.memory_space<hbm>>
            %dma_start3A_2162 = arith.constant 0 : i32
            %dma_start3A_2163 = arith.constant 0 : i32
            %dma_start3A_2164 = tpu.memref_slice %arg4[%dma_start3A_2162, %dma_start3A_2163] : memref<408x128xf32, #tpu.memory_space<vmem>> -> memref<304x128xf32, #tpu.memory_space<vmem>>
            %dma_start3A_2165 = arith.constant 9696 : i32
            %dma_start3A_2166 = tpu.memref_slice %arg2[%dma_start3A_2165, %multiple_of3A_2133] : memref<10000x256xf32, #tpu.memory_space<hbm>> -> memref<304x128xf32, #tpu.memory_space<hbm>>
            tpu.enqueue_dma source(%dma_start3A_2166 : memref<304x128xf32, #tpu.memory_space<hbm>>) target(%dma_start3A_2164 : memref<304x128xf32, #tpu.memory_space<vmem>>) target_semaphore(%arg6 : memref<!tpu.dma_semaphore, #tpu.memory_space<semaphore_mem>>)
          } else {
          }
          %gt3A_2149 = arith.constant 0 : i32
          %gt3A_2150 = arith.cmpi sgt, %select_n3A_2127, %gt3A_2149 : i32
          %lt3A_2151 = arith.constant 49 : i32
          %lt3A_2152 = arith.cmpi slt, %select_n3A_2127, %lt3A_2151 : i32
          %and3A_2153 = arith.andi %gt3A_2150, %lt3A_2152 : i1
          %convert_element_type3A_2154 = arith.extui %and3A_2153 : i1 to i32
          %cond3A_2155 = arith.constant 0 : i32
          %cond3A_2156 = arith.cmpi ne, %convert_element_type3A_2154, %cond3A_2155 : i32
          scf.if %cond3A_2156 {
            %dma_start3A_2157 = tpu.memref_slice %arg2[%multiple_of3A_2138, %multiple_of3A_2133] : memref<10000x256xf32, #tpu.memory_space<hbm>> -> memref<408x128xf32, #tpu.memory_space<hbm>>
            %dma_start3A_2158 = tpu.memref_slice %arg2[%multiple_of3A_2138, %multiple_of3A_2133] : memref<10000x256xf32, #tpu.memory_space<hbm>> -> memref<408x128xf32, #tpu.memory_space<hbm>>
            tpu.enqueue_dma source(%dma_start3A_2158 : memref<408x128xf32, #tpu.memory_space<hbm>>) target(%arg4 : memref<408x128xf32, #tpu.memory_space<vmem>>) target_semaphore(%arg6 : memref<!tpu.dma_semaphore, #tpu.memory_space<semaphore_mem>>)
          } else {
          }
        } else {
        }
        %jit3A_74 = arith.constant 2 : i32
        %div3A_75 = arith.divsi %add3A_42, %jit3A_74 : i32
        %sign3A_76 = arith.constant 0 : i32
        %sign3A_77 = arith.cmpi sgt, %add3A_42, %sign3A_76 : i32
        %sign3A_78 = arith.extui %sign3A_77 : i1 to i32
        %sign3A_79 = arith.constant 0 : i32
        %sign3A_80 = arith.cmpi slt, %add3A_42, %sign3A_79 : i32
        %sign3A_81 = arith.extui %sign3A_80 : i1 to i32
        %sign3A_82 = arith.subi %sign3A_78, %sign3A_81 : i32
        %sign3A_83 = arith.constant 0 : i32
        %sign3A_84 = arith.cmpi sgt, %jit3A_74, %sign3A_83 : i32
        %sign3A_85 = arith.extui %sign3A_84 : i1 to i32
        %sign3A_86 = arith.constant 0 : i32
        %sign3A_87 = arith.cmpi slt, %jit3A_74, %sign3A_86 : i32
        %sign3A_88 = arith.extui %sign3A_87 : i1 to i32
        %sign3A_89 = arith.subi %sign3A_85, %sign3A_88 : i32
        %ne3A_90 = arith.cmpi ne, %sign3A_82, %sign3A_89 : i32
        %rem3A_91 = arith.remsi %add3A_42, %jit3A_74 : i32
        %ne3A_92 = arith.constant 0 : i32
        %ne3A_93 = arith.cmpi ne, %rem3A_91, %ne3A_92 : i32
        %and3A_94 = arith.andi %ne3A_90, %ne3A_93 : i1
        %sub3A_95 = arith.constant 1 : i32
        %sub3A_96 = arith.subi %div3A_75, %sub3A_95 : i32
        %select_n3A_97 = arith.select %and3A_94, %sub3A_96, %div3A_75 : i32
        %mul3A_98 = arith.constant 2 : i32
        %mul3A_99 = arith.muli %select_n3A_97, %mul3A_98 : i32
        %sub3A_100 = arith.subi %add3A_42, %mul3A_99 : i32
        %mul3A_101 = arith.constant 128 : i32
        %mul3A_102 = arith.muli %sub3A_100, %mul3A_101 : i32
        %multiple_of3A_103 = tpu.assume_multiple %mul3A_102, 128 : i32
        %mul3A_104 = arith.constant 200 : i32
        %mul3A_105 = arith.muli %select_n3A_97, %mul3A_104 : i32
        %sub3A_106 = arith.constant 104 : i32
        %sub3A_107 = arith.subi %mul3A_105, %sub3A_106 : i32
        %multiple_of3A_108 = tpu.assume_multiple %sub3A_107, 8 : i32
        %eq3A_109 = arith.constant 0 : i32
        %eq3A_110 = arith.cmpi eq, %select_n3A_97, %eq3A_109 : i32
        %convert_element_type3A_111 = arith.extui %eq3A_110 : i1 to i32
        %cond3A_112 = arith.constant 0 : i32
        %cond3A_113 = arith.cmpi ne, %convert_element_type3A_111, %cond3A_112 : i32
        scf.if %cond3A_113 {
          %dma_wait3A_2104 = arith.constant 104 : i32
          %dma_wait3A_2105 = arith.constant 0 : i32
          %dma_wait3A_2106 = tpu.memref_slice %arg4[%dma_wait3A_2104, %dma_wait3A_2105] : memref<408x128xf32, #tpu.memory_space<vmem>> -> memref<304x128xf32, #tpu.memory_space<vmem>>
          %dma_wait3A_2107 = arith.constant 0 : i32
          %dma_wait3A_2108 = tpu.memref_slice %arg2[%dma_wait3A_2107, %multiple_of3A_103] : memref<10000x256xf32, #tpu.memory_space<hbm>> -> memref<304x128xf32, #tpu.memory_space<hbm>>
          %dma_wait3A_2109 = arith.constant 104 : i32
          %dma_wait3A_2110 = arith.constant 0 : i32
          %dma_wait3A_2111 = tpu.memref_slice %arg4[%dma_wait3A_2109, %dma_wait3A_2110] : memref<408x128xf32, #tpu.memory_space<vmem>> -> memref<304x128xf32, #tpu.memory_space<vmem>>
          %dma_wait3A_2112 = arith.constant 0 : i32
          %dma_wait3A_2113 = tpu.memref_slice %arg2[%dma_wait3A_2112, %multiple_of3A_103] : memref<10000x256xf32, #tpu.memory_space<hbm>> -> memref<304x128xf32, #tpu.memory_space<hbm>>
          tpu.wait_dma2 semaphore(%arg6 : memref<!tpu.dma_semaphore, #tpu.memory_space<semaphore_mem>>) src(%dma_wait3A_2113 : memref<304x128xf32, #tpu.memory_space<hbm>>) dst(%dma_wait3A_2111 : memref<304x128xf32, #tpu.memory_space<vmem>>)
        } else {
        }
        %eq3A_114 = arith.constant 49 : i32
        %eq3A_115 = arith.cmpi eq, %select_n3A_97, %eq3A_114 : i32
        %convert_element_type3A_116 = arith.extui %eq3A_115 : i1 to i32
        %cond3A_117 = arith.constant 0 : i32
        %cond3A_118 = arith.cmpi ne, %convert_element_type3A_116, %cond3A_117 : i32
        scf.if %cond3A_118 {
          %dma_wait3A_2104 = arith.constant 0 : i32
          %dma_wait3A_2105 = arith.constant 0 : i32
          %dma_wait3A_2106 = tpu.memref_slice %arg4[%dma_wait3A_2104, %dma_wait3A_2105] : memref<408x128xf32, #tpu.memory_space<vmem>> -> memref<304x128xf32, #tpu.memory_space<vmem>>
          %dma_wait3A_2107 = arith.constant 9696 : i32
          %dma_wait3A_2108 = tpu.memref_slice %arg2[%dma_wait3A_2107, %multiple_of3A_103] : memref<10000x256xf32, #tpu.memory_space<hbm>> -> memref<304x128xf32, #tpu.memory_space<hbm>>
          %dma_wait3A_2109 = arith.constant 0 : i32
          %dma_wait3A_2110 = arith.constant 0 : i32
          %dma_wait3A_2111 = tpu.memref_slice %arg4[%dma_wait3A_2109, %dma_wait3A_2110] : memref<408x128xf32, #tpu.memory_space<vmem>> -> memref<304x128xf32, #tpu.memory_space<vmem>>
          %dma_wait3A_2112 = arith.constant 9696 : i32
          %dma_wait3A_2113 = tpu.memref_slice %arg2[%dma_wait3A_2112, %multiple_of3A_103] : memref<10000x256xf32, #tpu.memory_space<hbm>> -> memref<304x128xf32, #tpu.memory_space<hbm>>
          tpu.wait_dma2 semaphore(%arg6 : memref<!tpu.dma_semaphore, #tpu.memory_space<semaphore_mem>>) src(%dma_wait3A_2113 : memref<304x128xf32, #tpu.memory_space<hbm>>) dst(%dma_wait3A_2111 : memref<304x128xf32, #tpu.memory_space<vmem>>)
        } else {
        }
        %gt3A = arith.constant 0 : i32
        %gt3A_119 = arith.cmpi sgt, %select_n3A_97, %gt3A : i32
        %lt3A_120 = arith.constant 49 : i32
        %lt3A_121 = arith.cmpi slt, %select_n3A_97, %lt3A_120 : i32
        %and3A_122 = arith.andi %gt3A_119, %lt3A_121 : i1
        %convert_element_type3A_123 = arith.extui %and3A_122 : i1 to i32
        %cond3A_124 = arith.constant 0 : i32
        %cond3A_125 = arith.cmpi ne, %convert_element_type3A_123, %cond3A_124 : i32
        scf.if %cond3A_125 {
          %dma_wait3A_2104 = tpu.memref_slice %arg2[%multiple_of3A_108, %multiple_of3A_103] : memref<10000x256xf32, #tpu.memory_space<hbm>> -> memref<408x128xf32, #tpu.memory_space<hbm>>
          %dma_wait3A_2105 = tpu.memref_slice %arg2[%multiple_of3A_108, %multiple_of3A_103] : memref<10000x256xf32, #tpu.memory_space<hbm>> -> memref<408x128xf32, #tpu.memory_space<hbm>>
          tpu.wait_dma2 semaphore(%arg6 : memref<!tpu.dma_semaphore, #tpu.memory_space<semaphore_mem>>) src(%dma_wait3A_2105 : memref<408x128xf32, #tpu.memory_space<hbm>>) dst(%arg4 : memref<408x128xf32, #tpu.memory_space<vmem>>)
        } else {
        }
        %broadcast_in_dim3A = arith.constant 0.000000e+00 : f32
        %broadcast_in_dim3A_126 = vector.broadcast %broadcast_in_dim3A : f32 to vector<16xf32>
        %eq3A_127 = arith.constant 0 : i32
        %eq3A_128 = arith.cmpi eq, %select_n3A_69, %eq3A_127 : i32
        %convert_element_type3A_129 = arith.extui %eq3A_128 : i1 to i32
        %cond3A_130 = arith.constant 0 : i32
        %cond3A_131 = arith.cmpi ne, %convert_element_type3A_129, %cond3A_130 : i32
        scf.if %cond3A_131 {
          %scan3A_2104 = arith.constant 0 : i32
          %scan3A_2105 = arith.constant 0 : i32
          %scan3A_2106 = arith.constant 104 : i32
          %scan3A_2107 = arith.addi %scan3A_2105, %scan3A_2106 : i32
          %scan3A_2108 = arith.constant 1 : i32
          %scan3A_2109 = scf.for %scan3A_2111 = %scan3A_2105 to %scan3A_2107 step %scan3A_2108 iter_args(%scan3A_2112 = %scan3A_2104) -> (i32)  : i32 {
            %swap3A_2113 = arith.index_cast %scan3A_2111 : i32 to index
            %swap3A_2114 = arith.constant 0 : index
            %swap3A_2115 = tpu.vector_load %arg4[%swap3A_2113, %swap3A_2114] {strides = array<i32>} : memref<408x128xf32, #tpu.memory_space<vmem>>, vector<1x16xf32>,
            %swap3A_2116 = vector.shape_cast %swap3A_2115 : vector<1x16xf32> to vector<16xf32>
            %swap3A_2117 = vector.shape_cast %broadcast_in_dim3A_126 : vector<16xf32> to vector<1x16xf32>
            tpu.vector_store %arg4[%swap3A_2113, %swap3A_2114], %swap3A_2117 {strides = array<i32>} : memref<408x128xf32, #tpu.memory_space<vmem>>, vector<1x16xf32>,
            %swap3A_2118 = arith.index_cast %scan3A_2111 : i32 to index
            %swap3A_2119 = arith.constant 16 : index
            %swap3A_2120 = tpu.vector_load %arg4[%swap3A_2118, %swap3A_2119] {strides = array<i32>} : memref<408x128xf32, #tpu.memory_space<vmem>>, vector<1x16xf32>,
            %swap3A_2121 = vector.shape_cast %swap3A_2120 : vector<1x16xf32> to vector<16xf32>
            %swap3A_2122 = vector.shape_cast %broadcast_in_dim3A_126 : vector<16xf32> to vector<1x16xf32>
            tpu.vector_store %arg4[%swap3A_2118, %swap3A_2119], %swap3A_2122 {strides = array<i32>} : memref<408x128xf32, #tpu.memory_space<vmem>>, vector<1x16xf32>,
            %swap3A_2123 = arith.index_cast %scan3A_2111 : i32 to index
            %swap3A_2124 = arith.constant 32 : index
            %swap3A_2125 = tpu.vector_load %arg4[%swap3A_2123, %swap3A_2124] {strides = array<i32>} : memref<408x128xf32, #tpu.memory_space<vmem>>, vector<1x16xf32>,
            %swap3A_2126 = vector.shape_cast %swap3A_2125 : vector<1x16xf32> to vector<16xf32>
            %swap3A_2127 = vector.shape_cast %broadcast_in_dim3A_126 : vector<16xf32> to vector<1x16xf32>
            tpu.vector_store %arg4[%swap3A_2123, %swap3A_2124], %swap3A_2127 {strides = array<i32>} : memref<408x128xf32, #tpu.memory_space<vmem>>, vector<1x16xf32>,
            %swap3A_2128 = arith.index_cast %scan3A_2111 : i32 to index
            %swap3A_2129 = arith.constant 48 : index
            %swap3A_2130 = tpu.vector_load %arg4[%swap3A_2128, %swap3A_2129] {strides = array<i32>} : memref<408x128xf32, #tpu.memory_space<vmem>>, vector<1x16xf32>,
            %swap3A_2131 = vector.shape_cast %swap3A_2130 : vector<1x16xf32> to vector<16xf32>
            %swap3A_2132 = vector.shape_cast %broadcast_in_dim3A_126 : vector<16xf32> to vector<1x16xf32>
            tpu.vector_store %arg4[%swap3A_2128, %swap3A_2129], %swap3A_2132 {strides = array<i32>} : memref<408x128xf32, #tpu.memory_space<vmem>>, vector<1x16xf32>,
            %swap3A_2133 = arith.index_cast %scan3A_2111 : i32 to index
            %swap3A_2134 = arith.constant 64 : index
            %swap3A_2135 = tpu.vector_load %arg4[%swap3A_2133, %swap3A_2134] {strides = array<i32>} : memref<408x128xf32, #tpu.memory_space<vmem>>, vector<1x16xf32>,
            %swap3A_2136 = vector.shape_cast %swap3A_2135 : vector<1x16xf32> to vector<16xf32>
            %swap3A_2137 = vector.shape_cast %broadcast_in_dim3A_126 : vector<16xf32> to vector<1x16xf32>
            tpu.vector_store %arg4[%swap3A_2133, %swap3A_2134], %swap3A_2137 {strides = array<i32>} : memref<408x128xf32, #tpu.memory_space<vmem>>, vector<1x16xf32>,
            %swap3A_2138 = arith.index_cast %scan3A_2111 : i32 to index
            %swap3A_2139 = arith.constant 80 : index
            %swap3A_2140 = tpu.vector_load %arg4[%swap3A_2138, %swap3A_2139] {strides = array<i32>} : memref<408x128xf32, #tpu.memory_space<vmem>>, vector<1x16xf32>,
            %swap3A_2141 = vector.shape_cast %swap3A_2140 : vector<1x16xf32> to vector<16xf32>
            %swap3A_2142 = vector.shape_cast %broadcast_in_dim3A_126 : vector<16xf32> to vector<1x16xf32>
            tpu.vector_store %arg4[%swap3A_2138, %swap3A_2139], %swap3A_2142 {strides = array<i32>} : memref<408x128xf32, #tpu.memory_space<vmem>>, vector<1x16xf32>,
            %swap3A_2143 = arith.index_cast %scan3A_2111 : i32 to index
            %swap3A_2144 = arith.constant 96 : index
            %swap3A_2145 = tpu.vector_load %arg4[%swap3A_2143, %swap3A_2144] {strides = array<i32>} : memref<408x128xf32, #tpu.memory_space<vmem>>, vector<1x16xf32>,
            %swap3A_2146 = vector.shape_cast %swap3A_2145 : vector<1x16xf32> to vector<16xf32>
            %swap3A_2147 = vector.shape_cast %broadcast_in_dim3A_126 : vector<16xf32> to vector<1x16xf32>
            tpu.vector_store %arg4[%swap3A_2143, %swap3A_2144], %swap3A_2147 {strides = array<i32>} : memref<408x128xf32, #tpu.memory_space<vmem>>, vector<1x16xf32>,
            %swap3A_2148 = arith.index_cast %scan3A_2111 : i32 to index
            %swap3A_2149 = arith.constant 112 : index
            %swap3A_2150 = tpu.vector_load %arg4[%swap3A_2148, %swap3A_2149] {strides = array<i32>} : memref<408x128xf32, #tpu.memory_space<vmem>>, vector<1x16xf32>,
            %swap3A_2151 = vector.shape_cast %swap3A_2150 : vector<1x16xf32> to vector<16xf32>
            %swap3A_2152 = vector.shape_cast %broadcast_in_dim3A_126 : vector<16xf32> to vector<1x16xf32>
            tpu.vector_store %arg4[%swap3A_2148, %swap3A_2149], %swap3A_2152 {strides = array<i32>} : memref<408x128xf32, #tpu.memory_space<vmem>>, vector<1x16xf32>,
            %scan3A_2153 = arith.constant 0 : i32
            scf.yield %scan3A_2153 : i32
          }
          %scan3A_2110 = arith.constant 104 : i32
        } else {
        }
        %eq3A_132 = arith.constant 49 : i32
        %eq3A_133 = arith.cmpi eq, %select_n3A_69, %eq3A_132 : i32
        %convert_element_type3A_134 = arith.extui %eq3A_133 : i1 to i32
        %cond3A_135 = arith.constant 0 : i32
        %cond3A_136 = arith.cmpi ne, %convert_element_type3A_134, %cond3A_135 : i32
        scf.if %cond3A_136 {
          %scan3A_2104 = arith.constant 0 : i32
          %scan3A_2105 = arith.constant 304 : i32
          %scan3A_2106 = arith.constant 104 : i32
          %scan3A_2107 = arith.addi %scan3A_2105, %scan3A_2106 : i32
          %scan3A_2108 = arith.constant 1 : i32
          %scan3A_2109 = scf.for %scan3A_2111 = %scan3A_2105 to %scan3A_2107 step %scan3A_2108 iter_args(%scan3A_2112 = %scan3A_2104) -> (i32)  : i32 {
            %swap3A_2113 = arith.index_cast %scan3A_2111 : i32 to index
            %swap3A_2114 = arith.constant 0 : index
            %swap3A_2115 = tpu.vector_load %arg4[%swap3A_2113, %swap3A_2114] {strides = array<i32>} : memref<408x128xf32, #tpu.memory_space<vmem>>, vector<1x16xf32>,
            %swap3A_2116 = vector.shape_cast %swap3A_2115 : vector<1x16xf32> to vector<16xf32>
            %swap3A_2117 = vector.shape_cast %broadcast_in_dim3A_126 : vector<16xf32> to vector<1x16xf32>
            tpu.vector_store %arg4[%swap3A_2113, %swap3A_2114], %swap3A_2117 {strides = array<i32>} : memref<408x128xf32, #tpu.memory_space<vmem>>, vector<1x16xf32>,
            %swap3A_2118 = arith.index_cast %scan3A_2111 : i32 to index
            %swap3A_2119 = arith.constant 16 : index
            %swap3A_2120 = tpu.vector_load %arg4[%swap3A_2118, %swap3A_2119] {strides = array<i32>} : memref<408x128xf32, #tpu.memory_space<vmem>>, vector<1x16xf32>,
            %swap3A_2121 = vector.shape_cast %swap3A_2120 : vector<1x16xf32> to vector<16xf32>
            %swap3A_2122 = vector.shape_cast %broadcast_in_dim3A_126 : vector<16xf32> to vector<1x16xf32>
            tpu.vector_store %arg4[%swap3A_2118, %swap3A_2119], %swap3A_2122 {strides = array<i32>} : memref<408x128xf32, #tpu.memory_space<vmem>>, vector<1x16xf32>,
            %swap3A_2123 = arith.index_cast %scan3A_2111 : i32 to index
            %swap3A_2124 = arith.constant 32 : index
            %swap3A_2125 = tpu.vector_load %arg4[%swap3A_2123, %swap3A_2124] {strides = array<i32>} : memref<408x128xf32, #tpu.memory_space<vmem>>, vector<1x16xf32>,
            %swap3A_2126 = vector.shape_cast %swap3A_2125 : vector<1x16xf32> to vector<16xf32>
            %swap3A_2127 = vector.shape_cast %broadcast_in_dim3A_126 : vector<16xf32> to vector<1x16xf32>
            tpu.vector_store %arg4[%swap3A_2123, %swap3A_2124], %swap3A_2127 {strides = array<i32>} : memref<408x128xf32, #tpu.memory_space<vmem>>, vector<1x16xf32>,
            %swap3A_2128 = arith.index_cast %scan3A_2111 : i32 to index
            %swap3A_2129 = arith.constant 48 : index
            %swap3A_2130 = tpu.vector_load %arg4[%swap3A_2128, %swap3A_2129] {strides = array<i32>} : memref<408x128xf32, #tpu.memory_space<vmem>>, vector<1x16xf32>,
            %swap3A_2131 = vector.shape_cast %swap3A_2130 : vector<1x16xf32> to vector<16xf32>
            %swap3A_2132 = vector.shape_cast %broadcast_in_dim3A_126 : vector<16xf32> to vector<1x16xf32>
            tpu.vector_store %arg4[%swap3A_2128, %swap3A_2129], %swap3A_2132 {strides = array<i32>} : memref<408x128xf32, #tpu.memory_space<vmem>>, vector<1x16xf32>,
            %swap3A_2133 = arith.index_cast %scan3A_2111 : i32 to index
            %swap3A_2134 = arith.constant 64 : index
            %swap3A_2135 = tpu.vector_load %arg4[%swap3A_2133, %swap3A_2134] {strides = array<i32>} : memref<408x128xf32, #tpu.memory_space<vmem>>, vector<1x16xf32>,
            %swap3A_2136 = vector.shape_cast %swap3A_2135 : vector<1x16xf32> to vector<16xf32>
            %swap3A_2137 = vector.shape_cast %broadcast_in_dim3A_126 : vector<16xf32> to vector<1x16xf32>
            tpu.vector_store %arg4[%swap3A_2133, %swap3A_2134], %swap3A_2137 {strides = array<i32>} : memref<408x128xf32, #tpu.memory_space<vmem>>, vector<1x16xf32>,
            %swap3A_2138 = arith.index_cast %scan3A_2111 : i32 to index
            %swap3A_2139 = arith.constant 80 : index
            %swap3A_2140 = tpu.vector_load %arg4[%swap3A_2138, %swap3A_2139] {strides = array<i32>} : memref<408x128xf32, #tpu.memory_space<vmem>>, vector<1x16xf32>,
            %swap3A_2141 = vector.shape_cast %swap3A_2140 : vector<1x16xf32> to vector<16xf32>
            %swap3A_2142 = vector.shape_cast %broadcast_in_dim3A_126 : vector<16xf32> to vector<1x16xf32>
            tpu.vector_store %arg4[%swap3A_2138, %swap3A_2139], %swap3A_2142 {strides = array<i32>} : memref<408x128xf32, #tpu.memory_space<vmem>>, vector<1x16xf32>,
            %swap3A_2143 = arith.index_cast %scan3A_2111 : i32 to index
            %swap3A_2144 = arith.constant 96 : index
            %swap3A_2145 = tpu.vector_load %arg4[%swap3A_2143, %swap3A_2144] {strides = array<i32>} : memref<408x128xf32, #tpu.memory_space<vmem>>, vector<1x16xf32>,
            %swap3A_2146 = vector.shape_cast %swap3A_2145 : vector<1x16xf32> to vector<16xf32>
            %swap3A_2147 = vector.shape_cast %broadcast_in_dim3A_126 : vector<16xf32> to vector<1x16xf32>
            tpu.vector_store %arg4[%swap3A_2143, %swap3A_2144], %swap3A_2147 {strides = array<i32>} : memref<408x128xf32, #tpu.memory_space<vmem>>, vector<1x16xf32>,
            %swap3A_2148 = arith.index_cast %scan3A_2111 : i32 to index
            %swap3A_2149 = arith.constant 112 : index
            %swap3A_2150 = tpu.vector_load %arg4[%swap3A_2148, %swap3A_2149] {strides = array<i32>} : memref<408x128xf32, #tpu.memory_space<vmem>>, vector<1x16xf32>,
            %swap3A_2151 = vector.shape_cast %swap3A_2150 : vector<1x16xf32> to vector<16xf32>
            %swap3A_2152 = vector.shape_cast %broadcast_in_dim3A_126 : vector<16xf32> to vector<1x16xf32>
            tpu.vector_store %arg4[%swap3A_2148, %swap3A_2149], %swap3A_2152 {strides = array<i32>} : memref<408x128xf32, #tpu.memory_space<vmem>>, vector<1x16xf32>,
            %scan3A_2153 = arith.constant 0 : i32
            scf.yield %scan3A_2153 : i32
          }
          %scan3A_2110 = arith.constant 104 : i32
        } else {
        }
        %get3A = arith.constant 203 : i32
        %get3A_137 = arith.index_cast %get3A : i32 to index
        %get3A_138 = arith.constant 0 : index
        %get3A_139 = tpu.vector_load %arg4[%get3A_137, %get3A_138] {strides = array<i32>} : memref<408x128xf32, #tpu.memory_space<vmem>>, vector<1x16xf32>,
        %get3A_140 = vector.shape_cast %get3A_139 : vector<1x16xf32> to vector<16xf32>
        %get3A_141 = arith.constant 204 : i32
        %get3A_142 = arith.index_cast %get3A_141 : i32 to index
        %get3A_143 = arith.constant 0 : index
        %get3A_144 = tpu.vector_load %arg4[%get3A_142, %get3A_143] {strides = array<i32>} : memref<408x128xf32, #tpu.memory_space<vmem>>, vector<1x16xf32>,
        %get3A_145 = vector.shape_cast %get3A_144 : vector<1x16xf32> to vector<16xf32>
        %get3A_146 = arith.constant 203 : i32
        %get3A_147 = arith.index_cast %get3A_146 : i32 to index
        %get3A_148 = arith.constant 16 : index
        %get3A_149 = tpu.vector_load %arg4[%get3A_147, %get3A_148] {strides = array<i32>} : memref<408x128xf32, #tpu.memory_space<vmem>>, vector<1x16xf32>,
        %get3A_150 = vector.shape_cast %get3A_149 : vector<1x16xf32> to vector<16xf32>
        %get3A_151 = arith.constant 204 : i32
        %get3A_152 = arith.index_cast %get3A_151 : i32 to index
        %get3A_153 = arith.constant 16 : index
        %get3A_154 = tpu.vector_load %arg4[%get3A_152, %get3A_153] {strides = array<i32>} : memref<408x128xf32, #tpu.memory_space<vmem>>, vector<1x16xf32>,
        %get3A_155 = vector.shape_cast %get3A_154 : vector<1x16xf32> to vector<16xf32>
        %get3A_156 = arith.constant 203 : i32
        %get3A_157 = arith.index_cast %get3A_156 : i32 to index
        %get3A_158 = arith.constant 32 : index
        %get3A_159 = tpu.vector_load %arg4[%get3A_157, %get3A_158] {strides = array<i32>} : memref<408x128xf32, #tpu.memory_space<vmem>>, vector<1x16xf32>,
        %get3A_160 = vector.shape_cast %get3A_159 : vector<1x16xf32> to vector<16xf32>
        %get3A_161 = arith.constant 204 : i32
        %get3A_162 = arith.index_cast %get3A_161 : i32 to index
        %get3A_163 = arith.constant 32 : index
        %get3A_164 = tpu.vector_load %arg4[%get3A_162, %get3A_163] {strides = array<i32>} : memref<408x128xf32, #tpu.memory_space<vmem>>, vector<1x16xf32>,
        %get3A_165 = vector.shape_cast %get3A_164 : vector<1x16xf32> to vector<16xf32>
        %get3A_166 = arith.constant 203 : i32
        %get3A_167 = arith.index_cast %get3A_166 : i32 to index
        %get3A_168 = arith.constant 48 : index
        %get3A_169 = tpu.vector_load %arg4[%get3A_167, %get3A_168] {strides = array<i32>} : memref<408x128xf32, #tpu.memory_space<vmem>>, vector<1x16xf32>,
        %get3A_170 = vector.shape_cast %get3A_169 : vector<1x16xf32> to vector<16xf32>
        %get3A_171 = arith.constant 204 : i32
        %get3A_172 = arith.index_cast %get3A_171 : i32 to index
        %get3A_173 = arith.constant 48 : index
        %get3A_174 = tpu.vector_load %arg4[%get3A_172, %get3A_173] {strides = array<i32>} : memref<408x128xf32, #tpu.memory_space<vmem>>, vector<1x16xf32>,
        %get3A_175 = vector.shape_cast %get3A_174 : vector<1x16xf32> to vector<16xf32>
        %get3A_176 = arith.constant 203 : i32
        %get3A_177 = arith.index_cast %get3A_176 : i32 to index
        %get3A_178 = arith.constant 64 : index
        %get3A_179 = tpu.vector_load %arg4[%get3A_177, %get3A_178] {strides = array<i32>} : memref<408x128xf32, #tpu.memory_space<vmem>>, vector<1x16xf32>,
        %get3A_180 = vector.shape_cast %get3A_179 : vector<1x16xf32> to vector<16xf32>
        %get3A_181 = arith.constant 204 : i32
        %get3A_182 = arith.index_cast %get3A_181 : i32 to index
        %get3A_183 = arith.constant 64 : index
        %get3A_184 = tpu.vector_load %arg4[%get3A_182, %get3A_183] {strides = array<i32>} : memref<408x128xf32, #tpu.memory_space<vmem>>, vector<1x16xf32>,
        %get3A_185 = vector.shape_cast %get3A_184 : vector<1x16xf32> to vector<16xf32>
        %get3A_186 = arith.constant 203 : i32
        %get3A_187 = arith.index_cast %get3A_186 : i32 to index
        %get3A_188 = arith.constant 80 : index
        %get3A_189 = tpu.vector_load %arg4[%get3A_187, %get3A_188] {strides = array<i32>} : memref<408x128xf32, #tpu.memory_space<vmem>>, vector<1x16xf32>,
        %get3A_190 = vector.shape_cast %get3A_189 : vector<1x16xf32> to vector<16xf32>
        %get3A_191 = arith.constant 204 : i32
        %get3A_192 = arith.index_cast %get3A_191 : i32 to index
        %get3A_193 = arith.constant 80 : index
        %get3A_194 = tpu.vector_load %arg4[%get3A_192, %get3A_193] {strides = array<i32>} : memref<408x128xf32, #tpu.memory_space<vmem>>, vector<1x16xf32>,
        %get3A_195 = vector.shape_cast %get3A_194 : vector<1x16xf32> to vector<16xf32>
        %get3A_196 = arith.constant 203 : i32
        %get3A_197 = arith.index_cast %get3A_196 : i32 to index
        %get3A_198 = arith.constant 96 : index
        %get3A_199 = tpu.vector_load %arg4[%get3A_197, %get3A_198] {strides = array<i32>} : memref<408x128xf32, #tpu.memory_space<vmem>>, vector<1x16xf32>,
        %get3A_200 = vector.shape_cast %get3A_199 : vector<1x16xf32> to vector<16xf32>
        %get3A_201 = arith.constant 204 : i32
        %get3A_202 = arith.index_cast %get3A_201 : i32 to index
        %get3A_203 = arith.constant 96 : index
        %get3A_204 = tpu.vector_load %arg4[%get3A_202, %get3A_203] {strides = array<i32>} : memref<408x128xf32, #tpu.memory_space<vmem>>, vector<1x16xf32>,
        %get3A_205 = vector.shape_cast %get3A_204 : vector<1x16xf32> to vector<16xf32>
        %get3A_206 = arith.constant 203 : i32
        %get3A_207 = arith.index_cast %get3A_206 : i32 to index
        %get3A_208 = arith.constant 112 : index
        %get3A_209 = tpu.vector_load %arg4[%get3A_207, %get3A_208] {strides = array<i32>} : memref<408x128xf32, #tpu.memory_space<vmem>>, vector<1x16xf32>,
        %get3A_210 = vector.shape_cast %get3A_209 : vector<1x16xf32> to vector<16xf32>
        %get3A_211 = arith.constant 204 : i32
        %get3A_212 = arith.index_cast %get3A_211 : i32 to index
        %get3A_213 = arith.constant 112 : index
        %get3A_214 = tpu.vector_load %arg4[%get3A_212, %get3A_213] {strides = array<i32>} : memref<408x128xf32, #tpu.memory_space<vmem>>, vector<1x16xf32>,
        %get3A_215 = vector.shape_cast %get3A_214 : vector<1x16xf32> to vector<16xf32>
        %scan3A_216 = arith.constant 200 : i32
        %scan3A_217 = arith.constant 200 : i32
        %scan3A_218 = arith.addi %scan3A_216, %scan3A_217 : i32
        %scan3A_219 = arith.constant 1 : i32
        %scan3A_220:16 = scf.for %scan3A_2104 = %scan3A_216 to %scan3A_218 step %scan3A_219 iter_args(%scan3A_2105 = %get3A_140, %scan3A_2106 = %get3A_145, %scan3A_2107 = %get3A_150, %scan3A_2108 = %get3A_155, %scan3A_2109 = %get3A_160, %scan3A_2110 = %get3A_165, %scan3A_2111 = %get3A_170, %scan3A_2112 = %get3A_175, %scan3A_2113 = %get3A_180, %scan3A_2114 = %get3A_185, %scan3A_2115 = %get3A_190, %scan3A_2116 = %get3A_195, %scan3A_2117 = %get3A_200, %scan3A_2118 = %get3A_205, %scan3A_2119 = %get3A_210, %scan3A_2120 = %get3A_215) -> (vector<16xf32>, vector<16xf32>, vector<16xf32>, vector<16xf32>, vector<16xf32>, vector<16xf32>, vector<16xf32>, vector<16xf32>, vector<16xf32>, vector<16xf32>, vector<16xf32>, vector<16xf32>, vector<16xf32>, vector<16xf32>, vector<16xf32>, vector<16xf32>)  : i32 {
          %add3A_2121 = arith.constant 5 : i32
          %add3A_2122 = arith.addi %scan3A_2104, %add3A_2121 : i32
          %get3A_2123 = arith.index_cast %add3A_2122 : i32 to index
          %get3A_2124 = arith.constant 0 : index
          %get3A_2125 = tpu.vector_load %arg4[%get3A_2123, %get3A_2124] {strides = array<i32>} : memref<408x128xf32, #tpu.memory_space<vmem>>, vector<1x16xf32>,
          %get3A_2126 = vector.shape_cast %get3A_2125 : vector<1x16xf32> to vector<16xf32>
          %add3A_2127 = arith.addf %scan3A_2105, %get3A_2126 : vector<16xf32>
          %mul3A_2128 = arith.constant 0.0813658162 : f32
          %mul3A_2129 = vector.broadcast %mul3A_2128 : f32 to vector<16xf32>
          %mul3A_2130 = arith.mulf %mul3A_2129, %add3A_2127 : vector<16xf32>
          %add3A_2131 = arith.addf %scan3A_2106, %mul3A_2130 : vector<16xf32>
          %swap3A_2132 = arith.index_cast %scan3A_2104 : i32 to index
          %swap3A_2133 = arith.constant 0 : index
          %swap3A_2134 = tpu.vector_load %arg5[%swap3A_2132, %swap3A_2133] {strides = array<i32>} : memref<400x128xf32, #tpu.memory_space<vmem>>, vector<1x16xf32>,
          %swap3A_2135 = vector.shape_cast %swap3A_2134 : vector<1x16xf32> to vector<16xf32>
          %swap3A_2136 = vector.shape_cast %add3A_2131 : vector<16xf32> to vector<1x16xf32>
          tpu.vector_store %arg5[%swap3A_2132, %swap3A_2133], %swap3A_2136 {strides = array<i32>} : memref<400x128xf32, #tpu.memory_space<vmem>>, vector<1x16xf32>,
          %add3A_2137 = arith.constant 5 : i32
          %add3A_2138 = arith.addi %scan3A_2104, %add3A_2137 : i32
          %get3A_2139 = arith.index_cast %add3A_2138 : i32 to index
          %get3A_2140 = arith.constant 16 : index
          %get3A_2141 = tpu.vector_load %arg4[%get3A_2139, %get3A_2140] {strides = array<i32>} : memref<408x128xf32, #tpu.memory_space<vmem>>, vector<1x16xf32>,
          %get3A_2142 = vector.shape_cast %get3A_2141 : vector<1x16xf32> to vector<16xf32>
          %add3A_2143 = arith.addf %scan3A_2107, %get3A_2142 : vector<16xf32>
          %mul3A_2144 = arith.constant 0.0813658162 : f32
          %mul3A_2145 = vector.broadcast %mul3A_2144 : f32 to vector<16xf32>
          %mul3A_2146 = arith.mulf %mul3A_2145, %add3A_2143 : vector<16xf32>
          %add3A_2147 = arith.addf %scan3A_2108, %mul3A_2146 : vector<16xf32>
          %swap3A_2148 = arith.index_cast %scan3A_2104 : i32 to index
          %swap3A_2149 = arith.constant 16 : index
          %swap3A_2150 = tpu.vector_load %arg5[%swap3A_2148, %swap3A_2149] {strides = array<i32>} : memref<400x128xf32, #tpu.memory_space<vmem>>, vector<1x16xf32>,
          %swap3A_2151 = vector.shape_cast %swap3A_2150 : vector<1x16xf32> to vector<16xf32>
          %swap3A_2152 = vector.shape_cast %add3A_2147 : vector<16xf32> to vector<1x16xf32>
          tpu.vector_store %arg5[%swap3A_2148, %swap3A_2149], %swap3A_2152 {strides = array<i32>} : memref<400x128xf32, #tpu.memory_space<vmem>>, vector<1x16xf32>,
          %add3A_2153 = arith.constant 5 : i32
          %add3A_2154 = arith.addi %scan3A_2104, %add3A_2153 : i32
          %get3A_2155 = arith.index_cast %add3A_2154 : i32 to index
          %get3A_2156 = arith.constant 32 : index
          %get3A_2157 = tpu.vector_load %arg4[%get3A_2155, %get3A_2156] {strides = array<i32>} : memref<408x128xf32, #tpu.memory_space<vmem>>, vector<1x16xf32>,
          %get3A_2158 = vector.shape_cast %get3A_2157 : vector<1x16xf32> to vector<16xf32>
          %add3A_2159 = arith.addf %scan3A_2109, %get3A_2158 : vector<16xf32>
          %mul3A_2160 = arith.constant 0.0813658162 : f32
          %mul3A_2161 = vector.broadcast %mul3A_2160 : f32 to vector<16xf32>
          %mul3A_2162 = arith.mulf %mul3A_2161, %add3A_2159 : vector<16xf32>
          %add3A_2163 = arith.addf %scan3A_2110, %mul3A_2162 : vector<16xf32>
          %swap3A_2164 = arith.index_cast %scan3A_2104 : i32 to index
          %swap3A_2165 = arith.constant 32 : index
          %swap3A_2166 = tpu.vector_load %arg5[%swap3A_2164, %swap3A_2165] {strides = array<i32>} : memref<400x128xf32, #tpu.memory_space<vmem>>, vector<1x16xf32>,
          %swap3A_2167 = vector.shape_cast %swap3A_2166 : vector<1x16xf32> to vector<16xf32>
          %swap3A_2168 = vector.shape_cast %add3A_2163 : vector<16xf32> to vector<1x16xf32>
          tpu.vector_store %arg5[%swap3A_2164, %swap3A_2165], %swap3A_2168 {strides = array<i32>} : memref<400x128xf32, #tpu.memory_space<vmem>>, vector<1x16xf32>,
          %add3A_2169 = arith.constant 5 : i32
          %add3A_2170 = arith.addi %scan3A_2104, %add3A_2169 : i32
          %get3A_2171 = arith.index_cast %add3A_2170 : i32 to index
          %get3A_2172 = arith.constant 48 : index
          %get3A_2173 = tpu.vector_load %arg4[%get3A_2171, %get3A_2172] {strides = array<i32>} : memref<408x128xf32, #tpu.memory_space<vmem>>, vector<1x16xf32>,
          %get3A_2174 = vector.shape_cast %get3A_2173 : vector<1x16xf32> to vector<16xf32>
          %add3A_2175 = arith.addf %scan3A_2111, %get3A_2174 : vector<16xf32>
          %mul3A_2176 = arith.constant 0.0813658162 : f32
          %mul3A_2177 = vector.broadcast %mul3A_2176 : f32 to vector<16xf32>
          %mul3A_2178 = arith.mulf %mul3A_2177, %add3A_2175 : vector<16xf32>
          %add3A_2179 = arith.addf %scan3A_2112, %mul3A_2178 : vector<16xf32>
          %swap3A_2180 = arith.index_cast %scan3A_2104 : i32 to index
          %swap3A_2181 = arith.constant 48 : index
          %swap3A_2182 = tpu.vector_load %arg5[%swap3A_2180, %swap3A_2181] {strides = array<i32>} : memref<400x128xf32, #tpu.memory_space<vmem>>, vector<1x16xf32>,
          %swap3A_2183 = vector.shape_cast %swap3A_2182 : vector<1x16xf32> to vector<16xf32>
          %swap3A_2184 = vector.shape_cast %add3A_2179 : vector<16xf32> to vector<1x16xf32>
          tpu.vector_store %arg5[%swap3A_2180, %swap3A_2181], %swap3A_2184 {strides = array<i32>} : memref<400x128xf32, #tpu.memory_space<vmem>>, vector<1x16xf32>,
          %add3A_2185 = arith.constant 5 : i32
          %add3A_2186 = arith.addi %scan3A_2104, %add3A_2185 : i32
          %get3A_2187 = arith.index_cast %add3A_2186 : i32 to index
          %get3A_2188 = arith.constant 64 : index
          %get3A_2189 = tpu.vector_load %arg4[%get3A_2187, %get3A_2188] {strides = array<i32>} : memref<408x128xf32, #tpu.memory_space<vmem>>, vector<1x16xf32>,
          %get3A_2190 = vector.shape_cast %get3A_2189 : vector<1x16xf32> to vector<16xf32>
          %add3A_2191 = arith.addf %scan3A_2113, %get3A_2190 : vector<16xf32>
          %mul3A_2192 = arith.constant 0.0813658162 : f32
          %mul3A_2193 = vector.broadcast %mul3A_2192 : f32 to vector<16xf32>
          %mul3A_2194 = arith.mulf %mul3A_2193, %add3A_2191 : vector<16xf32>
          %add3A_2195 = arith.addf %scan3A_2114, %mul3A_2194 : vector<16xf32>
          %swap3A_2196 = arith.index_cast %scan3A_2104 : i32 to index
          %swap3A_2197 = arith.constant 64 : index
          %swap3A_2198 = tpu.vector_load %arg5[%swap3A_2196, %swap3A_2197] {strides = array<i32>} : memref<400x128xf32, #tpu.memory_space<vmem>>, vector<1x16xf32>,
          %swap3A_2199 = vector.shape_cast %swap3A_2198 : vector<1x16xf32> to vector<16xf32>
          %swap3A_2200 = vector.shape_cast %add3A_2195 : vector<16xf32> to vector<1x16xf32>
          tpu.vector_store %arg5[%swap3A_2196, %swap3A_2197], %swap3A_2200 {strides = array<i32>} : memref<400x128xf32, #tpu.memory_space<vmem>>, vector<1x16xf32>,
          %add3A_2201 = arith.constant 5 : i32
          %add3A_2202 = arith.addi %scan3A_2104, %add3A_2201 : i32
          %get3A_2203 = arith.index_cast %add3A_2202 : i32 to index
          %get3A_2204 = arith.constant 80 : index
          %get3A_2205 = tpu.vector_load %arg4[%get3A_2203, %get3A_2204] {strides = array<i32>} : memref<408x128xf32, #tpu.memory_space<vmem>>, vector<1x16xf32>,
          %get3A_2206 = vector.shape_cast %get3A_2205 : vector<1x16xf32> to vector<16xf32>
          %add3A_2207 = arith.addf %scan3A_2115, %get3A_2206 : vector<16xf32>
          %mul3A_2208 = arith.constant 0.0813658162 : f32
          %mul3A_2209 = vector.broadcast %mul3A_2208 : f32 to vector<16xf32>
          %mul3A_2210 = arith.mulf %mul3A_2209, %add3A_2207 : vector<16xf32>
          %add3A_2211 = arith.addf %scan3A_2116, %mul3A_2210 : vector<16xf32>
          %swap3A_2212 = arith.index_cast %scan3A_2104 : i32 to index
          %swap3A_2213 = arith.constant 80 : index
          %swap3A_2214 = tpu.vector_load %arg5[%swap3A_2212, %swap3A_2213] {strides = array<i32>} : memref<400x128xf32, #tpu.memory_space<vmem>>, vector<1x16xf32>,
          %swap3A_2215 = vector.shape_cast %swap3A_2214 : vector<1x16xf32> to vector<16xf32>
          %swap3A_2216 = vector.shape_cast %add3A_2211 : vector<16xf32> to vector<1x16xf32>
          tpu.vector_store %arg5[%swap3A_2212, %swap3A_2213], %swap3A_2216 {strides = array<i32>} : memref<400x128xf32, #tpu.memory_space<vmem>>, vector<1x16xf32>,
          %add3A_2217 = arith.constant 5 : i32
          %add3A_2218 = arith.addi %scan3A_2104, %add3A_2217 : i32
          %get3A_2219 = arith.index_cast %add3A_2218 : i32 to index
          %get3A_2220 = arith.constant 96 : index
          %get3A_2221 = tpu.vector_load %arg4[%get3A_2219, %get3A_2220] {strides = array<i32>} : memref<408x128xf32, #tpu.memory_space<vmem>>, vector<1x16xf32>,
          %get3A_2222 = vector.shape_cast %get3A_2221 : vector<1x16xf32> to vector<16xf32>
          %add3A_2223 = arith.addf %scan3A_2117, %get3A_2222 : vector<16xf32>
          %mul3A_2224 = arith.constant 0.0813658162 : f32
          %mul3A_2225 = vector.broadcast %mul3A_2224 : f32 to vector<16xf32>
          %mul3A_2226 = arith.mulf %mul3A_2225, %add3A_2223 : vector<16xf32>
          %add3A_2227 = arith.addf %scan3A_2118, %mul3A_2226 : vector<16xf32>
          %swap3A_2228 = arith.index_cast %scan3A_2104 : i32 to index
          %swap3A_2229 = arith.constant 96 : index
          %swap3A_2230 = tpu.vector_load %arg5[%swap3A_2228, %swap3A_2229] {strides = array<i32>} : memref<400x128xf32, #tpu.memory_space<vmem>>, vector<1x16xf32>,
          %swap3A_2231 = vector.shape_cast %swap3A_2230 : vector<1x16xf32> to vector<16xf32>
          %swap3A_2232 = vector.shape_cast %add3A_2227 : vector<16xf32> to vector<1x16xf32>
          tpu.vector_store %arg5[%swap3A_2228, %swap3A_2229], %swap3A_2232 {strides = array<i32>} : memref<400x128xf32, #tpu.memory_space<vmem>>, vector<1x16xf32>,
          %add3A_2233 = arith.constant 5 : i32
          %add3A_2234 = arith.addi %scan3A_2104, %add3A_2233 : i32
          %get3A_2235 = arith.index_cast %add3A_2234 : i32 to index
          %get3A_2236 = arith.constant 112 : index
          %get3A_2237 = tpu.vector_load %arg4[%get3A_2235, %get3A_2236] {strides = array<i32>} : memref<408x128xf32, #tpu.memory_space<vmem>>, vector<1x16xf32>,
          %get3A_2238 = vector.shape_cast %get3A_2237 : vector<1x16xf32> to vector<16xf32>
          %add3A_2239 = arith.addf %scan3A_2119, %get3A_2238 : vector<16xf32>
          %mul3A_2240 = arith.constant 0.0813658162 : f32
          %mul3A_2241 = vector.broadcast %mul3A_2240 : f32 to vector<16xf32>
          %mul3A_2242 = arith.mulf %mul3A_2241, %add3A_2239 : vector<16xf32>
          %add3A_2243 = arith.addf %scan3A_2120, %mul3A_2242 : vector<16xf32>
          %swap3A_2244 = arith.index_cast %scan3A_2104 : i32 to index
          %swap3A_2245 = arith.constant 112 : index
          %swap3A_2246 = tpu.vector_load %arg5[%swap3A_2244, %swap3A_2245] {strides = array<i32>} : memref<400x128xf32, #tpu.memory_space<vmem>>, vector<1x16xf32>,
          %swap3A_2247 = vector.shape_cast %swap3A_2246 : vector<1x16xf32> to vector<16xf32>
          %swap3A_2248 = vector.shape_cast %add3A_2243 : vector<16xf32> to vector<1x16xf32>
          tpu.vector_store %arg5[%swap3A_2244, %swap3A_2245], %swap3A_2248 {strides = array<i32>} : memref<400x128xf32, #tpu.memory_space<vmem>>, vector<1x16xf32>,
          scf.yield %scan3A_2106, %get3A_2126, %scan3A_2108, %get3A_2142, %scan3A_2110, %get3A_2158, %scan3A_2112, %get3A_2174, %scan3A_2114, %get3A_2190, %scan3A_2116, %get3A_2206, %scan3A_2118, %get3A_2222, %scan3A_2120, %get3A_2238 : vector<16xf32>, vector<16xf32>, vector<16xf32>, vector<16xf32>, vector<16xf32>, vector<16xf32>, vector<16xf32>, vector<16xf32>, vector<16xf32>, vector<16xf32>, vector<16xf32>, vector<16xf32>, vector<16xf32>, vector<16xf32>, vector<16xf32>, vector<16xf32>
        }
        %scan3A_221 = arith.constant 200 : i32
        %gt3A_222 = arith.constant 0 : i32
        %gt3A_223 = arith.cmpi sgt, %scan3A_38, %gt3A_222 : i32
        %convert_element_type3A_224 = arith.extui %gt3A_223 : i1 to i32
        %cond3A_225 = arith.constant 0 : i32
        %cond3A_226 = arith.cmpi ne, %convert_element_type3A_224, %cond3A_225 : i32
        scf.if %cond3A_226 {
          %jit3A_2104 = arith.constant 2 : i32
          %div3A_2105 = arith.divsi %add3A_42, %jit3A_2104 : i32
          %sign3A_2106 = arith.constant 0 : i32
          %sign3A_2107 = arith.cmpi sgt, %add3A_42, %sign3A_2106 : i32
          %sign3A_2108 = arith.extui %sign3A_2107 : i1 to i32
          %sign3A_2109 = arith.constant 0 : i32
          %sign3A_2110 = arith.cmpi slt, %add3A_42, %sign3A_2109 : i32
          %sign3A_2111 = arith.extui %sign3A_2110 : i1 to i32
          %sign3A_2112 = arith.subi %sign3A_2108, %sign3A_2111 : i32
          %sign3A_2113 = arith.constant 0 : i32
          %sign3A_2114 = arith.cmpi sgt, %jit3A_2104, %sign3A_2113 : i32
          %sign3A_2115 = arith.extui %sign3A_2114 : i1 to i32
          %sign3A_2116 = arith.constant 0 : i32
          %sign3A_2117 = arith.cmpi slt, %jit3A_2104, %sign3A_2116 : i32
          %sign3A_2118 = arith.extui %sign3A_2117 : i1 to i32
          %sign3A_2119 = arith.subi %sign3A_2115, %sign3A_2118 : i32
          %ne3A_2120 = arith.cmpi ne, %sign3A_2112, %sign3A_2119 : i32
          %rem3A_2121 = arith.remsi %add3A_42, %jit3A_2104 : i32
          %ne3A_2122 = arith.constant 0 : i32
          %ne3A_2123 = arith.cmpi ne, %rem3A_2121, %ne3A_2122 : i32
          %and3A_2124 = arith.andi %ne3A_2120, %ne3A_2123 : i1
          %sub3A_2125 = arith.constant 1 : i32
          %sub3A_2126 = arith.subi %div3A_2105, %sub3A_2125 : i32
          %select_n3A_2127 = arith.select %and3A_2124, %sub3A_2126, %div3A_2105 : i32
          %mul3A_2128 = arith.constant 2 : i32
          %mul3A_2129 = arith.muli %select_n3A_2127, %mul3A_2128 : i32
          %sub3A_2130 = arith.subi %add3A_42, %mul3A_2129 : i32
          %mul3A_2131 = arith.constant 128 : i32
          %mul3A_2132 = arith.muli %sub3A_2130, %mul3A_2131 : i32
          %multiple_of3A_2133 = tpu.assume_multiple %mul3A_2132, 128 : i32
          %mul3A_2134 = arith.constant 200 : i32
          %mul3A_2135 = arith.muli %select_n3A_2127, %mul3A_2134 : i32
          %multiple_of3A_2136 = tpu.assume_multiple %mul3A_2135, 8 : i32
          %dma_wait3A_2137 = arith.constant 0 : i32
          %dma_wait3A_2138 = arith.constant 0 : i32
          %dma_wait3A_2139 = tpu.memref_slice %arg5[%dma_wait3A_2137, %dma_wait3A_2138] : memref<400x128xf32, #tpu.memory_space<vmem>> -> memref<200x128xf32, #tpu.memory_space<vmem>>
          %dma_wait3A_2140 = tpu.memref_slice %arg3[%multiple_of3A_2136, %multiple_of3A_2133] : memref<10000x256xf32, #tpu.memory_space<hbm>> -> memref<200x128xf32, #tpu.memory_space<hbm>>
          %dma_wait3A_2141 = tpu.memref_slice %arg3[%multiple_of3A_2136, %multiple_of3A_2133] : memref<10000x256xf32, #tpu.memory_space<hbm>> -> memref<200x128xf32, #tpu.memory_space<hbm>>
          %dma_wait3A_2142 = arith.constant 0 : i32
          %dma_wait3A_2143 = arith.constant 0 : i32
          %dma_wait3A_2144 = tpu.memref_slice %arg5[%dma_wait3A_2142, %dma_wait3A_2143] : memref<400x128xf32, #tpu.memory_space<vmem>> -> memref<200x128xf32, #tpu.memory_space<vmem>>
          tpu.wait_dma2 semaphore(%arg7 : memref<!tpu.dma_semaphore, #tpu.memory_space<semaphore_mem>>) src(%dma_wait3A_2144 : memref<200x128xf32, #tpu.memory_space<vmem>>) dst(%dma_wait3A_2141 : memref<200x128xf32, #tpu.memory_space<hbm>>)
        } else {
        }
        %get3A_227 = arith.constant 3 : i32
        %get3A_228 = arith.index_cast %get3A_227 : i32 to index
        %get3A_229 = arith.constant 0 : index
        %get3A_230 = tpu.vector_load %arg4[%get3A_228, %get3A_229] {strides = array<i32>} : memref<408x128xf32, #tpu.memory_space<vmem>>, vector<1x16xf32>,
        %get3A_231 = vector.shape_cast %get3A_230 : vector<1x16xf32> to vector<16xf32>
        %get3A_232 = arith.constant 4 : i32
        %get3A_233 = arith.index_cast %get3A_232 : i32 to index
        %get3A_234 = arith.constant 0 : index
        %get3A_235 = tpu.vector_load %arg4[%get3A_233, %get3A_234] {strides = array<i32>} : memref<408x128xf32, #tpu.memory_space<vmem>>, vector<1x16xf32>,
        %get3A_236 = vector.shape_cast %get3A_235 : vector<1x16xf32> to vector<16xf32>
        %get3A_237 = arith.constant 3 : i32
        %get3A_238 = arith.index_cast %get3A_237 : i32 to index
        %get3A_239 = arith.constant 16 : index
        %get3A_240 = tpu.vector_load %arg4[%get3A_238, %get3A_239] {strides = array<i32>} : memref<408x128xf32, #tpu.memory_space<vmem>>, vector<1x16xf32>,
        %get3A_241 = vector.shape_cast %get3A_240 : vector<1x16xf32> to vector<16xf32>
        %get3A_242 = arith.constant 4 : i32
        %get3A_243 = arith.index_cast %get3A_242 : i32 to index
        %get3A_244 = arith.constant 16 : index
        %get3A_245 = tpu.vector_load %arg4[%get3A_243, %get3A_244] {strides = array<i32>} : memref<408x128xf32, #tpu.memory_space<vmem>>, vector<1x16xf32>,
        %get3A_246 = vector.shape_cast %get3A_245 : vector<1x16xf32> to vector<16xf32>
        %get3A_247 = arith.constant 3 : i32
        %get3A_248 = arith.index_cast %get3A_247 : i32 to index
        %get3A_249 = arith.constant 32 : index
        %get3A_250 = tpu.vector_load %arg4[%get3A_248, %get3A_249] {strides = array<i32>} : memref<408x128xf32, #tpu.memory_space<vmem>>, vector<1x16xf32>,
        %get3A_251 = vector.shape_cast %get3A_250 : vector<1x16xf32> to vector<16xf32>
        %get3A_252 = arith.constant 4 : i32
        %get3A_253 = arith.index_cast %get3A_252 : i32 to index
        %get3A_254 = arith.constant 32 : index
        %get3A_255 = tpu.vector_load %arg4[%get3A_253, %get3A_254] {strides = array<i32>} : memref<408x128xf32, #tpu.memory_space<vmem>>, vector<1x16xf32>,
        %get3A_256 = vector.shape_cast %get3A_255 : vector<1x16xf32> to vector<16xf32>
        %get3A_257 = arith.constant 3 : i32
        %get3A_258 = arith.index_cast %get3A_257 : i32 to index
        %get3A_259 = arith.constant 48 : index
        %get3A_260 = tpu.vector_load %arg4[%get3A_258, %get3A_259] {strides = array<i32>} : memref<408x128xf32, #tpu.memory_space<vmem>>, vector<1x16xf32>,
        %get3A_261 = vector.shape_cast %get3A_260 : vector<1x16xf32> to vector<16xf32>
        %get3A_262 = arith.constant 4 : i32
        %get3A_263 = arith.index_cast %get3A_262 : i32 to index
        %get3A_264 = arith.constant 48 : index
        %get3A_265 = tpu.vector_load %arg4[%get3A_263, %get3A_264] {strides = array<i32>} : memref<408x128xf32, #tpu.memory_space<vmem>>, vector<1x16xf32>,
        %get3A_266 = vector.shape_cast %get3A_265 : vector<1x16xf32> to vector<16xf32>
        %get3A_267 = arith.constant 3 : i32
        %get3A_268 = arith.index_cast %get3A_267 : i32 to index
        %get3A_269 = arith.constant 64 : index
        %get3A_270 = tpu.vector_load %arg4[%get3A_268, %get3A_269] {strides = array<i32>} : memref<408x128xf32, #tpu.memory_space<vmem>>, vector<1x16xf32>,
        %get3A_271 = vector.shape_cast %get3A_270 : vector<1x16xf32> to vector<16xf32>
        %get3A_272 = arith.constant 4 : i32
        %get3A_273 = arith.index_cast %get3A_272 : i32 to index
        %get3A_274 = arith.constant 64 : index
        %get3A_275 = tpu.vector_load %arg4[%get3A_273, %get3A_274] {strides = array<i32>} : memref<408x128xf32, #tpu.memory_space<vmem>>, vector<1x16xf32>,
        %get3A_276 = vector.shape_cast %get3A_275 : vector<1x16xf32> to vector<16xf32>
        %get3A_277 = arith.constant 3 : i32
        %get3A_278 = arith.index_cast %get3A_277 : i32 to index
        %get3A_279 = arith.constant 80 : index
        %get3A_280 = tpu.vector_load %arg4[%get3A_278, %get3A_279] {strides = array<i32>} : memref<408x128xf32, #tpu.memory_space<vmem>>, vector<1x16xf32>,
        %get3A_281 = vector.shape_cast %get3A_280 : vector<1x16xf32> to vector<16xf32>
        %get3A_282 = arith.constant 4 : i32
        %get3A_283 = arith.index_cast %get3A_282 : i32 to index
        %get3A_284 = arith.constant 80 : index
        %get3A_285 = tpu.vector_load %arg4[%get3A_283, %get3A_284] {strides = array<i32>} : memref<408x128xf32, #tpu.memory_space<vmem>>, vector<1x16xf32>,
        %get3A_286 = vector.shape_cast %get3A_285 : vector<1x16xf32> to vector<16xf32>
        %get3A_287 = arith.constant 3 : i32
        %get3A_288 = arith.index_cast %get3A_287 : i32 to index
        %get3A_289 = arith.constant 96 : index
        %get3A_290 = tpu.vector_load %arg4[%get3A_288, %get3A_289] {strides = array<i32>} : memref<408x128xf32, #tpu.memory_space<vmem>>, vector<1x16xf32>,
        %get3A_291 = vector.shape_cast %get3A_290 : vector<1x16xf32> to vector<16xf32>
        %get3A_292 = arith.constant 4 : i32
        %get3A_293 = arith.index_cast %get3A_292 : i32 to index
        %get3A_294 = arith.constant 96 : index
        %get3A_295 = tpu.vector_load %arg4[%get3A_293, %get3A_294] {strides = array<i32>} : memref<408x128xf32, #tpu.memory_space<vmem>>, vector<1x16xf32>,
        %get3A_296 = vector.shape_cast %get3A_295 : vector<1x16xf32> to vector<16xf32>
        %get3A_297 = arith.constant 3 : i32
        %get3A_298 = arith.index_cast %get3A_297 : i32 to index
        %get3A_299 = arith.constant 112 : index
        %get3A_300 = tpu.vector_load %arg4[%get3A_298, %get3A_299] {strides = array<i32>} : memref<408x128xf32, #tpu.memory_space<vmem>>, vector<1x16xf32>,
        %get3A_301 = vector.shape_cast %get3A_300 : vector<1x16xf32> to vector<16xf32>
        %get3A_302 = arith.constant 4 : i32
        %get3A_303 = arith.index_cast %get3A_302 : i32 to index
        %get3A_304 = arith.constant 112 : index
        %get3A_305 = tpu.vector_load %arg4[%get3A_303, %get3A_304] {strides = array<i32>} : memref<408x128xf32, #tpu.memory_space<vmem>>, vector<1x16xf32>,
        %get3A_306 = vector.shape_cast %get3A_305 : vector<1x16xf32> to vector<16xf32>
        %scan3A_307 = arith.constant 0 : i32
        %scan3A_308 = arith.constant 200 : i32
        %scan3A_309 = arith.addi %scan3A_307, %scan3A_308 : i32
        %scan3A_310 = arith.constant 1 : i32
        %scan3A_311:16 = scf.for %scan3A_2104 = %scan3A_307 to %scan3A_309 step %scan3A_310 iter_args(%scan3A_2105 = %get3A_231, %scan3A_2106 = %get3A_236, %scan3A_2107 = %get3A_241, %scan3A_2108 = %get3A_246, %scan3A_2109 = %get3A_251, %scan3A_2110 = %get3A_256, %scan3A_2111 = %get3A_261, %scan3A_2112 = %get3A_266, %scan3A_2113 = %get3A_271, %scan3A_2114 = %get3A_276, %scan3A_2115 = %get3A_281, %scan3A_2116 = %get3A_286, %scan3A_2117 = %get3A_291, %scan3A_2118 = %get3A_296, %scan3A_2119 = %get3A_301, %scan3A_2120 = %get3A_306) -> (vector<16xf32>, vector<16xf32>, vector<16xf32>, vector<16xf32>, vector<16xf32>, vector<16xf32>, vector<16xf32>, vector<16xf32>, vector<16xf32>, vector<16xf32>, vector<16xf32>, vector<16xf32>, vector<16xf32>, vector<16xf32>, vector<16xf32>, vector<16xf32>)  : i32 {
          %add3A_2121 = arith.constant 5 : i32
          %add3A_2122 = arith.addi %scan3A_2104, %add3A_2121 : i32
          %get3A_2123 = arith.index_cast %add3A_2122 : i32 to index
          %get3A_2124 = arith.constant 0 : index
          %get3A_2125 = tpu.vector_load %arg4[%get3A_2123, %get3A_2124] {strides = array<i32>} : memref<408x128xf32, #tpu.memory_space<vmem>>, vector<1x16xf32>,
          %get3A_2126 = vector.shape_cast %get3A_2125 : vector<1x16xf32> to vector<16xf32>
          %add3A_2127 = arith.addf %scan3A_2105, %get3A_2126 : vector<16xf32>
          %mul3A_2128 = arith.constant 0.0813658162 : f32
          %mul3A_2129 = vector.broadcast %mul3A_2128 : f32 to vector<16xf32>
          %mul3A_2130 = arith.mulf %mul3A_2129, %add3A_2127 : vector<16xf32>
          %add3A_2131 = arith.addf %scan3A_2106, %mul3A_2130 : vector<16xf32>
          %swap3A_2132 = arith.index_cast %scan3A_2104 : i32 to index
          %swap3A_2133 = arith.constant 0 : index
          %swap3A_2134 = tpu.vector_load %arg5[%swap3A_2132, %swap3A_2133] {strides = array<i32>} : memref<400x128xf32, #tpu.memory_space<vmem>>, vector<1x16xf32>,
          %swap3A_2135 = vector.shape_cast %swap3A_2134 : vector<1x16xf32> to vector<16xf32>
          %swap3A_2136 = vector.shape_cast %add3A_2131 : vector<16xf32> to vector<1x16xf32>
          tpu.vector_store %arg5[%swap3A_2132, %swap3A_2133], %swap3A_2136 {strides = array<i32>} : memref<400x128xf32, #tpu.memory_space<vmem>>, vector<1x16xf32>,
          %add3A_2137 = arith.constant 5 : i32
          %add3A_2138 = arith.addi %scan3A_2104, %add3A_2137 : i32
          %get3A_2139 = arith.index_cast %add3A_2138 : i32 to index
          %get3A_2140 = arith.constant 16 : index
          %get3A_2141 = tpu.vector_load %arg4[%get3A_2139, %get3A_2140] {strides = array<i32>} : memref<408x128xf32, #tpu.memory_space<vmem>>, vector<1x16xf32>,
          %get3A_2142 = vector.shape_cast %get3A_2141 : vector<1x16xf32> to vector<16xf32>
          %add3A_2143 = arith.addf %scan3A_2107, %get3A_2142 : vector<16xf32>
          %mul3A_2144 = arith.constant 0.0813658162 : f32
          %mul3A_2145 = vector.broadcast %mul3A_2144 : f32 to vector<16xf32>
          %mul3A_2146 = arith.mulf %mul3A_2145, %add3A_2143 : vector<16xf32>
          %add3A_2147 = arith.addf %scan3A_2108, %mul3A_2146 : vector<16xf32>
          %swap3A_2148 = arith.index_cast %scan3A_2104 : i32 to index
          %swap3A_2149 = arith.constant 16 : index
          %swap3A_2150 = tpu.vector_load %arg5[%swap3A_2148, %swap3A_2149] {strides = array<i32>} : memref<400x128xf32, #tpu.memory_space<vmem>>, vector<1x16xf32>,
          %swap3A_2151 = vector.shape_cast %swap3A_2150 : vector<1x16xf32> to vector<16xf32>
          %swap3A_2152 = vector.shape_cast %add3A_2147 : vector<16xf32> to vector<1x16xf32>
          tpu.vector_store %arg5[%swap3A_2148, %swap3A_2149], %swap3A_2152 {strides = array<i32>} : memref<400x128xf32, #tpu.memory_space<vmem>>, vector<1x16xf32>,
          %add3A_2153 = arith.constant 5 : i32
          %add3A_2154 = arith.addi %scan3A_2104, %add3A_2153 : i32
          %get3A_2155 = arith.index_cast %add3A_2154 : i32 to index
          %get3A_2156 = arith.constant 32 : index
          %get3A_2157 = tpu.vector_load %arg4[%get3A_2155, %get3A_2156] {strides = array<i32>} : memref<408x128xf32, #tpu.memory_space<vmem>>, vector<1x16xf32>,
          %get3A_2158 = vector.shape_cast %get3A_2157 : vector<1x16xf32> to vector<16xf32>
          %add3A_2159 = arith.addf %scan3A_2109, %get3A_2158 : vector<16xf32>
          %mul3A_2160 = arith.constant 0.0813658162 : f32
          %mul3A_2161 = vector.broadcast %mul3A_2160 : f32 to vector<16xf32>
          %mul3A_2162 = arith.mulf %mul3A_2161, %add3A_2159 : vector<16xf32>
          %add3A_2163 = arith.addf %scan3A_2110, %mul3A_2162 : vector<16xf32>
          %swap3A_2164 = arith.index_cast %scan3A_2104 : i32 to index
          %swap3A_2165 = arith.constant 32 : index
          %swap3A_2166 = tpu.vector_load %arg5[%swap3A_2164, %swap3A_2165] {strides = array<i32>} : memref<400x128xf32, #tpu.memory_space<vmem>>, vector<1x16xf32>,
          %swap3A_2167 = vector.shape_cast %swap3A_2166 : vector<1x16xf32> to vector<16xf32>
          %swap3A_2168 = vector.shape_cast %add3A_2163 : vector<16xf32> to vector<1x16xf32>
          tpu.vector_store %arg5[%swap3A_2164, %swap3A_2165], %swap3A_2168 {strides = array<i32>} : memref<400x128xf32, #tpu.memory_space<vmem>>, vector<1x16xf32>,
          %add3A_2169 = arith.constant 5 : i32
          %add3A_2170 = arith.addi %scan3A_2104, %add3A_2169 : i32
          %get3A_2171 = arith.index_cast %add3A_2170 : i32 to index
          %get3A_2172 = arith.constant 48 : index
          %get3A_2173 = tpu.vector_load %arg4[%get3A_2171, %get3A_2172] {strides = array<i32>} : memref<408x128xf32, #tpu.memory_space<vmem>>, vector<1x16xf32>,
          %get3A_2174 = vector.shape_cast %get3A_2173 : vector<1x16xf32> to vector<16xf32>
          %add3A_2175 = arith.addf %scan3A_2111, %get3A_2174 : vector<16xf32>
          %mul3A_2176 = arith.constant 0.0813658162 : f32
          %mul3A_2177 = vector.broadcast %mul3A_2176 : f32 to vector<16xf32>
          %mul3A_2178 = arith.mulf %mul3A_2177, %add3A_2175 : vector<16xf32>
          %add3A_2179 = arith.addf %scan3A_2112, %mul3A_2178 : vector<16xf32>
          %swap3A_2180 = arith.index_cast %scan3A_2104 : i32 to index
          %swap3A_2181 = arith.constant 48 : index
          %swap3A_2182 = tpu.vector_load %arg5[%swap3A_2180, %swap3A_2181] {strides = array<i32>} : memref<400x128xf32, #tpu.memory_space<vmem>>, vector<1x16xf32>,
          %swap3A_2183 = vector.shape_cast %swap3A_2182 : vector<1x16xf32> to vector<16xf32>
          %swap3A_2184 = vector.shape_cast %add3A_2179 : vector<16xf32> to vector<1x16xf32>
          tpu.vector_store %arg5[%swap3A_2180, %swap3A_2181], %swap3A_2184 {strides = array<i32>} : memref<400x128xf32, #tpu.memory_space<vmem>>, vector<1x16xf32>,
          %add3A_2185 = arith.constant 5 : i32
          %add3A_2186 = arith.addi %scan3A_2104, %add3A_2185 : i32
          %get3A_2187 = arith.index_cast %add3A_2186 : i32 to index
          %get3A_2188 = arith.constant 64 : index
          %get3A_2189 = tpu.vector_load %arg4[%get3A_2187, %get3A_2188] {strides = array<i32>} : memref<408x128xf32, #tpu.memory_space<vmem>>, vector<1x16xf32>,
          %get3A_2190 = vector.shape_cast %get3A_2189 : vector<1x16xf32> to vector<16xf32>
          %add3A_2191 = arith.addf %scan3A_2113, %get3A_2190 : vector<16xf32>
          %mul3A_2192 = arith.constant 0.0813658162 : f32
          %mul3A_2193 = vector.broadcast %mul3A_2192 : f32 to vector<16xf32>
          %mul3A_2194 = arith.mulf %mul3A_2193, %add3A_2191 : vector<16xf32>
          %add3A_2195 = arith.addf %scan3A_2114, %mul3A_2194 : vector<16xf32>
          %swap3A_2196 = arith.index_cast %scan3A_2104 : i32 to index
          %swap3A_2197 = arith.constant 64 : index
          %swap3A_2198 = tpu.vector_load %arg5[%swap3A_2196, %swap3A_2197] {strides = array<i32>} : memref<400x128xf32, #tpu.memory_space<vmem>>, vector<1x16xf32>,
          %swap3A_2199 = vector.shape_cast %swap3A_2198 : vector<1x16xf32> to vector<16xf32>
          %swap3A_2200 = vector.shape_cast %add3A_2195 : vector<16xf32> to vector<1x16xf32>
          tpu.vector_store %arg5[%swap3A_2196, %swap3A_2197], %swap3A_2200 {strides = array<i32>} : memref<400x128xf32, #tpu.memory_space<vmem>>, vector<1x16xf32>,
          %add3A_2201 = arith.constant 5 : i32
          %add3A_2202 = arith.addi %scan3A_2104, %add3A_2201 : i32
          %get3A_2203 = arith.index_cast %add3A_2202 : i32 to index
          %get3A_2204 = arith.constant 80 : index
          %get3A_2205 = tpu.vector_load %arg4[%get3A_2203, %get3A_2204] {strides = array<i32>} : memref<408x128xf32, #tpu.memory_space<vmem>>, vector<1x16xf32>,
          %get3A_2206 = vector.shape_cast %get3A_2205 : vector<1x16xf32> to vector<16xf32>
          %add3A_2207 = arith.addf %scan3A_2115, %get3A_2206 : vector<16xf32>
          %mul3A_2208 = arith.constant 0.0813658162 : f32
          %mul3A_2209 = vector.broadcast %mul3A_2208 : f32 to vector<16xf32>
          %mul3A_2210 = arith.mulf %mul3A_2209, %add3A_2207 : vector<16xf32>
          %add3A_2211 = arith.addf %scan3A_2116, %mul3A_2210 : vector<16xf32>
          %swap3A_2212 = arith.index_cast %scan3A_2104 : i32 to index
          %swap3A_2213 = arith.constant 80 : index
          %swap3A_2214 = tpu.vector_load %arg5[%swap3A_2212, %swap3A_2213] {strides = array<i32>} : memref<400x128xf32, #tpu.memory_space<vmem>>, vector<1x16xf32>,
          %swap3A_2215 = vector.shape_cast %swap3A_2214 : vector<1x16xf32> to vector<16xf32>
          %swap3A_2216 = vector.shape_cast %add3A_2211 : vector<16xf32> to vector<1x16xf32>
          tpu.vector_store %arg5[%swap3A_2212, %swap3A_2213], %swap3A_2216 {strides = array<i32>} : memref<400x128xf32, #tpu.memory_space<vmem>>, vector<1x16xf32>,
          %add3A_2217 = arith.constant 5 : i32
          %add3A_2218 = arith.addi %scan3A_2104, %add3A_2217 : i32
          %get3A_2219 = arith.index_cast %add3A_2218 : i32 to index
          %get3A_2220 = arith.constant 96 : index
          %get3A_2221 = tpu.vector_load %arg4[%get3A_2219, %get3A_2220] {strides = array<i32>} : memref<408x128xf32, #tpu.memory_space<vmem>>, vector<1x16xf32>,
          %get3A_2222 = vector.shape_cast %get3A_2221 : vector<1x16xf32> to vector<16xf32>
          %add3A_2223 = arith.addf %scan3A_2117, %get3A_2222 : vector<16xf32>
          %mul3A_2224 = arith.constant 0.0813658162 : f32
          %mul3A_2225 = vector.broadcast %mul3A_2224 : f32 to vector<16xf32>
          %mul3A_2226 = arith.mulf %mul3A_2225, %add3A_2223 : vector<16xf32>
          %add3A_2227 = arith.addf %scan3A_2118, %mul3A_2226 : vector<16xf32>
          %swap3A_2228 = arith.index_cast %scan3A_2104 : i32 to index
          %swap3A_2229 = arith.constant 96 : index
          %swap3A_2230 = tpu.vector_load %arg5[%swap3A_2228, %swap3A_2229] {strides = array<i32>} : memref<400x128xf32, #tpu.memory_space<vmem>>, vector<1x16xf32>,
          %swap3A_2231 = vector.shape_cast %swap3A_2230 : vector<1x16xf32> to vector<16xf32>
          %swap3A_2232 = vector.shape_cast %add3A_2227 : vector<16xf32> to vector<1x16xf32>
          tpu.vector_store %arg5[%swap3A_2228, %swap3A_2229], %swap3A_2232 {strides = array<i32>} : memref<400x128xf32, #tpu.memory_space<vmem>>, vector<1x16xf32>,
          %add3A_2233 = arith.constant 5 : i32
          %add3A_2234 = arith.addi %scan3A_2104, %add3A_2233 : i32
          %get3A_2235 = arith.index_cast %add3A_2234 : i32 to index
          %get3A_2236 = arith.constant 112 : index
          %get3A_2237 = tpu.vector_load %arg4[%get3A_2235, %get3A_2236] {strides = array<i32>} : memref<408x128xf32, #tpu.memory_space<vmem>>, vector<1x16xf32>,
          %get3A_2238 = vector.shape_cast %get3A_2237 : vector<1x16xf32> to vector<16xf32>
          %add3A_2239 = arith.addf %scan3A_2119, %get3A_2238 : vector<16xf32>
          %mul3A_2240 = arith.constant 0.0813658162 : f32
          %mul3A_2241 = vector.broadcast %mul3A_2240 : f32 to vector<16xf32>
          %mul3A_2242 = arith.mulf %mul3A_2241, %add3A_2239 : vector<16xf32>
          %add3A_2243 = arith.addf %scan3A_2120, %mul3A_2242 : vector<16xf32>
          %swap3A_2244 = arith.index_cast %scan3A_2104 : i32 to index
          %swap3A_2245 = arith.constant 112 : index
          %swap3A_2246 = tpu.vector_load %arg5[%swap3A_2244, %swap3A_2245] {strides = array<i32>} : memref<400x128xf32, #tpu.memory_space<vmem>>, vector<1x16xf32>,
          %swap3A_2247 = vector.shape_cast %swap3A_2246 : vector<1x16xf32> to vector<16xf32>
          %swap3A_2248 = vector.shape_cast %add3A_2243 : vector<16xf32> to vector<1x16xf32>
          tpu.vector_store %arg5[%swap3A_2244, %swap3A_2245], %swap3A_2248 {strides = array<i32>} : memref<400x128xf32, #tpu.memory_space<vmem>>, vector<1x16xf32>,
          scf.yield %scan3A_2106, %get3A_2126, %scan3A_2108, %get3A_2142, %scan3A_2110, %get3A_2158, %scan3A_2112, %get3A_2174, %scan3A_2114, %get3A_2190, %scan3A_2116, %get3A_2206, %scan3A_2118, %get3A_2222, %scan3A_2120, %get3A_2238 : vector<16xf32>, vector<16xf32>, vector<16xf32>, vector<16xf32>, vector<16xf32>, vector<16xf32>, vector<16xf32>, vector<16xf32>, vector<16xf32>, vector<16xf32>, vector<16xf32>, vector<16xf32>, vector<16xf32>, vector<16xf32>, vector<16xf32>, vector<16xf32>
        }
        %scan3A_312 = arith.constant 200 : i32
        %get3A_313 = arith.constant 4 : i32
        %get3A_314 = arith.index_cast %get3A_313 : i32 to index
        %get3A_315 = arith.constant 0 : index
        %get3A_316 = tpu.vector_load %arg4[%get3A_314, %get3A_315] {strides = array<i32>} : memref<408x128xf32, #tpu.memory_space<vmem>>, vector<1x16xf32>,
        %get3A_317 = vector.shape_cast %get3A_316 : vector<1x16xf32> to vector<16xf32>
        %get3A_318 = arith.constant 5 : i32
        %get3A_319 = arith.index_cast %get3A_318 : i32 to index
        %get3A_320 = arith.constant 0 : index
        %get3A_321 = tpu.vector_load %arg4[%get3A_319, %get3A_320] {strides = array<i32>} : memref<408x128xf32, #tpu.memory_space<vmem>>, vector<1x16xf32>,
        %get3A_322 = vector.shape_cast %get3A_321 : vector<1x16xf32> to vector<16xf32>
        %mul3A_323 = arith.constant 0.0813658162 : f32
        %mul3A_324 = vector.broadcast %mul3A_323 : f32 to vector<16xf32>
        %mul3A_325 = arith.mulf %mul3A_324, %get3A_322 : vector<16xf32>
        %add3A_326 = arith.addf %get3A_317, %mul3A_325 : vector<16xf32>
        %swap3A = arith.constant 0 : i32
        %swap3A_327 = arith.index_cast %swap3A : i32 to index
        %swap3A_328 = arith.constant 0 : index
        %swap3A_329 = tpu.vector_load %arg5[%swap3A_327, %swap3A_328] {strides = array<i32>} : memref<400x128xf32, #tpu.memory_space<vmem>>, vector<1x16xf32>,
        %swap3A_330 = vector.shape_cast %swap3A_329 : vector<1x16xf32> to vector<16xf32>
        %swap3A_331 = vector.shape_cast %add3A_326 : vector<16xf32> to vector<1x16xf32>
        tpu.vector_store %arg5[%swap3A_327, %swap3A_328], %swap3A_331 {strides = array<i32>} : memref<400x128xf32, #tpu.memory_space<vmem>>, vector<1x16xf32>,
        %get3A_332 = arith.constant 4 : i32
        %get3A_333 = arith.index_cast %get3A_332 : i32 to index
        %get3A_334 = arith.constant 16 : index
        %get3A_335 = tpu.vector_load %arg4[%get3A_333, %get3A_334] {strides = array<i32>} : memref<408x128xf32, #tpu.memory_space<vmem>>, vector<1x16xf32>,
        %get3A_336 = vector.shape_cast %get3A_335 : vector<1x16xf32> to vector<16xf32>
        %get3A_337 = arith.constant 5 : i32
        %get3A_338 = arith.index_cast %get3A_337 : i32 to index
        %get3A_339 = arith.constant 16 : index
        %get3A_340 = tpu.vector_load %arg4[%get3A_338, %get3A_339] {strides = array<i32>} : memref<408x128xf32, #tpu.memory_space<vmem>>, vector<1x16xf32>,
        %get3A_341 = vector.shape_cast %get3A_340 : vector<1x16xf32> to vector<16xf32>
        %mul3A_342 = arith.constant 0.0813658162 : f32
        %mul3A_343 = vector.broadcast %mul3A_342 : f32 to vector<16xf32>
        %mul3A_344 = arith.mulf %mul3A_343, %get3A_341 : vector<16xf32>
        %add3A_345 = arith.addf %get3A_336, %mul3A_344 : vector<16xf32>
        %swap3A_346 = arith.constant 0 : i32
        %swap3A_347 = arith.index_cast %swap3A_346 : i32 to index
        %swap3A_348 = arith.constant 16 : index
        %swap3A_349 = tpu.vector_load %arg5[%swap3A_347, %swap3A_348] {strides = array<i32>} : memref<400x128xf32, #tpu.memory_space<vmem>>, vector<1x16xf32>,
        %swap3A_350 = vector.shape_cast %swap3A_349 : vector<1x16xf32> to vector<16xf32>
        %swap3A_351 = vector.shape_cast %add3A_345 : vector<16xf32> to vector<1x16xf32>
        tpu.vector_store %arg5[%swap3A_347, %swap3A_348], %swap3A_351 {strides = array<i32>} : memref<400x128xf32, #tpu.memory_space<vmem>>, vector<1x16xf32>,
        %get3A_352 = arith.constant 4 : i32
        %get3A_353 = arith.index_cast %get3A_352 : i32 to index
        %get3A_354 = arith.constant 32 : index
        %get3A_355 = tpu.vector_load %arg4[%get3A_353, %get3A_354] {strides = array<i32>} : memref<408x128xf32, #tpu.memory_space<vmem>>, vector<1x16xf32>,
        %get3A_356 = vector.shape_cast %get3A_355 : vector<1x16xf32> to vector<16xf32>
        %get3A_357 = arith.constant 5 : i32
        %get3A_358 = arith.index_cast %get3A_357 : i32 to index
        %get3A_359 = arith.constant 32 : index
        %get3A_360 = tpu.vector_load %arg4[%get3A_358, %get3A_359] {strides = array<i32>} : memref<408x128xf32, #tpu.memory_space<vmem>>, vector<1x16xf32>,
        %get3A_361 = vector.shape_cast %get3A_360 : vector<1x16xf32> to vector<16xf32>
        %mul3A_362 = arith.constant 0.0813658162 : f32
        %mul3A_363 = vector.broadcast %mul3A_362 : f32 to vector<16xf32>
        %mul3A_364 = arith.mulf %mul3A_363, %get3A_361 : vector<16xf32>
        %add3A_365 = arith.addf %get3A_356, %mul3A_364 : vector<16xf32>
        %swap3A_366 = arith.constant 0 : i32
        %swap3A_367 = arith.index_cast %swap3A_366 : i32 to index
        %swap3A_368 = arith.constant 32 : index
        %swap3A_369 = tpu.vector_load %arg5[%swap3A_367, %swap3A_368] {strides = array<i32>} : memref<400x128xf32, #tpu.memory_space<vmem>>, vector<1x16xf32>,
        %swap3A_370 = vector.shape_cast %swap3A_369 : vector<1x16xf32> to vector<16xf32>
        %swap3A_371 = vector.shape_cast %add3A_365 : vector<16xf32> to vector<1x16xf32>
        tpu.vector_store %arg5[%swap3A_367, %swap3A_368], %swap3A_371 {strides = array<i32>} : memref<400x128xf32, #tpu.memory_space<vmem>>, vector<1x16xf32>,
        %get3A_372 = arith.constant 4 : i32
        %get3A_373 = arith.index_cast %get3A_372 : i32 to index
        %get3A_374 = arith.constant 48 : index
        %get3A_375 = tpu.vector_load %arg4[%get3A_373, %get3A_374] {strides = array<i32>} : memref<408x128xf32, #tpu.memory_space<vmem>>, vector<1x16xf32>,
        %get3A_376 = vector.shape_cast %get3A_375 : vector<1x16xf32> to vector<16xf32>
        %get3A_377 = arith.constant 5 : i32
        %get3A_378 = arith.index_cast %get3A_377 : i32 to index
        %get3A_379 = arith.constant 48 : index
        %get3A_380 = tpu.vector_load %arg4[%get3A_378, %get3A_379] {strides = array<i32>} : memref<408x128xf32, #tpu.memory_space<vmem>>, vector<1x16xf32>,
        %get3A_381 = vector.shape_cast %get3A_380 : vector<1x16xf32> to vector<16xf32>
        %mul3A_382 = arith.constant 0.0813658162 : f32
        %mul3A_383 = vector.broadcast %mul3A_382 : f32 to vector<16xf32>
        %mul3A_384 = arith.mulf %mul3A_383, %get3A_381 : vector<16xf32>
        %add3A_385 = arith.addf %get3A_376, %mul3A_384 : vector<16xf32>
        %swap3A_386 = arith.constant 0 : i32
        %swap3A_387 = arith.index_cast %swap3A_386 : i32 to index
        %swap3A_388 = arith.constant 48 : index
        %swap3A_389 = tpu.vector_load %arg5[%swap3A_387, %swap3A_388] {strides = array<i32>} : memref<400x128xf32, #tpu.memory_space<vmem>>, vector<1x16xf32>,
        %swap3A_390 = vector.shape_cast %swap3A_389 : vector<1x16xf32> to vector<16xf32>
        %swap3A_391 = vector.shape_cast %add3A_385 : vector<16xf32> to vector<1x16xf32>
        tpu.vector_store %arg5[%swap3A_387, %swap3A_388], %swap3A_391 {strides = array<i32>} : memref<400x128xf32, #tpu.memory_space<vmem>>, vector<1x16xf32>,
        %get3A_392 = arith.constant 4 : i32
        %get3A_393 = arith.index_cast %get3A_392 : i32 to index
        %get3A_394 = arith.constant 64 : index
        %get3A_395 = tpu.vector_load %arg4[%get3A_393, %get3A_394] {strides = array<i32>} : memref<408x128xf32, #tpu.memory_space<vmem>>, vector<1x16xf32>,
        %get3A_396 = vector.shape_cast %get3A_395 : vector<1x16xf32> to vector<16xf32>
        %get3A_397 = arith.constant 5 : i32
        %get3A_398 = arith.index_cast %get3A_397 : i32 to index
        %get3A_399 = arith.constant 64 : index
        %get3A_400 = tpu.vector_load %arg4[%get3A_398, %get3A_399] {strides = array<i32>} : memref<408x128xf32, #tpu.memory_space<vmem>>, vector<1x16xf32>,
        %get3A_401 = vector.shape_cast %get3A_400 : vector<1x16xf32> to vector<16xf32>
        %mul3A_402 = arith.constant 0.0813658162 : f32
        %mul3A_403 = vector.broadcast %mul3A_402 : f32 to vector<16xf32>
        %mul3A_404 = arith.mulf %mul3A_403, %get3A_401 : vector<16xf32>
        %add3A_405 = arith.addf %get3A_396, %mul3A_404 : vector<16xf32>
        %swap3A_406 = arith.constant 0 : i32
        %swap3A_407 = arith.index_cast %swap3A_406 : i32 to index
        %swap3A_408 = arith.constant 64 : index
        %swap3A_409 = tpu.vector_load %arg5[%swap3A_407, %swap3A_408] {strides = array<i32>} : memref<400x128xf32, #tpu.memory_space<vmem>>, vector<1x16xf32>,
        %swap3A_410 = vector.shape_cast %swap3A_409 : vector<1x16xf32> to vector<16xf32>
        %swap3A_411 = vector.shape_cast %add3A_405 : vector<16xf32> to vector<1x16xf32>
        tpu.vector_store %arg5[%swap3A_407, %swap3A_408], %swap3A_411 {strides = array<i32>} : memref<400x128xf32, #tpu.memory_space<vmem>>, vector<1x16xf32>,
        %get3A_412 = arith.constant 4 : i32
        %get3A_413 = arith.index_cast %get3A_412 : i32 to index
        %get3A_414 = arith.constant 80 : index
        %get3A_415 = tpu.vector_load %arg4[%get3A_413, %get3A_414] {strides = array<i32>} : memref<408x128xf32, #tpu.memory_space<vmem>>, vector<1x16xf32>,
        %get3A_416 = vector.shape_cast %get3A_415 : vector<1x16xf32> to vector<16xf32>
        %get3A_417 = arith.constant 5 : i32
        %get3A_418 = arith.index_cast %get3A_417 : i32 to index
        %get3A_419 = arith.constant 80 : index
        %get3A_420 = tpu.vector_load %arg4[%get3A_418, %get3A_419] {strides = array<i32>} : memref<408x128xf32, #tpu.memory_space<vmem>>, vector<1x16xf32>,
        %get3A_421 = vector.shape_cast %get3A_420 : vector<1x16xf32> to vector<16xf32>
        %mul3A_422 = arith.constant 0.0813658162 : f32
        %mul3A_423 = vector.broadcast %mul3A_422 : f32 to vector<16xf32>
        %mul3A_424 = arith.mulf %mul3A_423, %get3A_421 : vector<16xf32>
        %add3A_425 = arith.addf %get3A_416, %mul3A_424 : vector<16xf32>
        %swap3A_426 = arith.constant 0 : i32
        %swap3A_427 = arith.index_cast %swap3A_426 : i32 to index
        %swap3A_428 = arith.constant 80 : index
        %swap3A_429 = tpu.vector_load %arg5[%swap3A_427, %swap3A_428] {strides = array<i32>} : memref<400x128xf32, #tpu.memory_space<vmem>>, vector<1x16xf32>,
        %swap3A_430 = vector.shape_cast %swap3A_429 : vector<1x16xf32> to vector<16xf32>
        %swap3A_431 = vector.shape_cast %add3A_425 : vector<16xf32> to vector<1x16xf32>
        tpu.vector_store %arg5[%swap3A_427, %swap3A_428], %swap3A_431 {strides = array<i32>} : memref<400x128xf32, #tpu.memory_space<vmem>>, vector<1x16xf32>,
        %get3A_432 = arith.constant 4 : i32
        %get3A_433 = arith.index_cast %get3A_432 : i32 to index
        %get3A_434 = arith.constant 96 : index
        %get3A_435 = tpu.vector_load %arg4[%get3A_433, %get3A_434] {strides = array<i32>} : memref<408x128xf32, #tpu.memory_space<vmem>>, vector<1x16xf32>,
        %get3A_436 = vector.shape_cast %get3A_435 : vector<1x16xf32> to vector<16xf32>
        %get3A_437 = arith.constant 5 : i32
        %get3A_438 = arith.index_cast %get3A_437 : i32 to index
        %get3A_439 = arith.constant 96 : index
        %get3A_440 = tpu.vector_load %arg4[%get3A_438, %get3A_439] {strides = array<i32>} : memref<408x128xf32, #tpu.memory_space<vmem>>, vector<1x16xf32>,
        %get3A_441 = vector.shape_cast %get3A_440 : vector<1x16xf32> to vector<16xf32>
        %mul3A_442 = arith.constant 0.0813658162 : f32
        %mul3A_443 = vector.broadcast %mul3A_442 : f32 to vector<16xf32>
        %mul3A_444 = arith.mulf %mul3A_443, %get3A_441 : vector<16xf32>
        %add3A_445 = arith.addf %get3A_436, %mul3A_444 : vector<16xf32>
        %swap3A_446 = arith.constant 0 : i32
        %swap3A_447 = arith.index_cast %swap3A_446 : i32 to index
        %swap3A_448 = arith.constant 96 : index
        %swap3A_449 = tpu.vector_load %arg5[%swap3A_447, %swap3A_448] {strides = array<i32>} : memref<400x128xf32, #tpu.memory_space<vmem>>, vector<1x16xf32>,
        %swap3A_450 = vector.shape_cast %swap3A_449 : vector<1x16xf32> to vector<16xf32>
        %swap3A_451 = vector.shape_cast %add3A_445 : vector<16xf32> to vector<1x16xf32>
        tpu.vector_store %arg5[%swap3A_447, %swap3A_448], %swap3A_451 {strides = array<i32>} : memref<400x128xf32, #tpu.memory_space<vmem>>, vector<1x16xf32>,
        %get3A_452 = arith.constant 4 : i32
        %get3A_453 = arith.index_cast %get3A_452 : i32 to index
        %get3A_454 = arith.constant 112 : index
        %get3A_455 = tpu.vector_load %arg4[%get3A_453, %get3A_454] {strides = array<i32>} : memref<408x128xf32, #tpu.memory_space<vmem>>, vector<1x16xf32>,
        %get3A_456 = vector.shape_cast %get3A_455 : vector<1x16xf32> to vector<16xf32>
        %get3A_457 = arith.constant 5 : i32
        %get3A_458 = arith.index_cast %get3A_457 : i32 to index
        %get3A_459 = arith.constant 112 : index
        %get3A_460 = tpu.vector_load %arg4[%get3A_458, %get3A_459] {strides = array<i32>} : memref<408x128xf32, #tpu.memory_space<vmem>>, vector<1x16xf32>,
        %get3A_461 = vector.shape_cast %get3A_460 : vector<1x16xf32> to vector<16xf32>
        %mul3A_462 = arith.constant 0.0813658162 : f32
        %mul3A_463 = vector.broadcast %mul3A_462 : f32 to vector<16xf32>
        %mul3A_464 = arith.mulf %mul3A_463, %get3A_461 : vector<16xf32>
        %add3A_465 = arith.addf %get3A_456, %mul3A_464 : vector<16xf32>
        %swap3A_466 = arith.constant 0 : i32
        %swap3A_467 = arith.index_cast %swap3A_466 : i32 to index
        %swap3A_468 = arith.constant 112 : index
        %swap3A_469 = tpu.vector_load %arg5[%swap3A_467, %swap3A_468] {strides = array<i32>} : memref<400x128xf32, #tpu.memory_space<vmem>>, vector<1x16xf32>,
        %swap3A_470 = vector.shape_cast %swap3A_469 : vector<1x16xf32> to vector<16xf32>
        %swap3A_471 = vector.shape_cast %add3A_465 : vector<16xf32> to vector<1x16xf32>
        tpu.vector_store %arg5[%swap3A_467, %swap3A_468], %swap3A_471 {strides = array<i32>} : memref<400x128xf32, #tpu.memory_space<vmem>>, vector<1x16xf32>,
        %get3A_472 = arith.constant 104 : i32
        %get3A_473 = arith.index_cast %get3A_472 : i32 to index
        %get3A_474 = arith.constant 0 : index
        %get3A_475 = tpu.vector_load %arg4[%get3A_473, %get3A_474] {strides = array<i32>} : memref<408x128xf32, #tpu.memory_space<vmem>>, vector<1x16xf32>,
        %get3A_476 = vector.shape_cast %get3A_475 : vector<1x16xf32> to vector<16xf32>
        %get3A_477 = arith.constant 105 : i32
        %get3A_478 = arith.index_cast %get3A_477 : i32 to index
        %get3A_479 = arith.constant 0 : index
        %get3A_480 = tpu.vector_load %arg4[%get3A_478, %get3A_479] {strides = array<i32>} : memref<408x128xf32, #tpu.memory_space<vmem>>, vector<1x16xf32>,
        %get3A_481 = vector.shape_cast %get3A_480 : vector<1x16xf32> to vector<16xf32>
        %mul3A_482 = arith.constant 0.0813658162 : f32
        %mul3A_483 = vector.broadcast %mul3A_482 : f32 to vector<16xf32>
        %mul3A_484 = arith.mulf %mul3A_483, %get3A_481 : vector<16xf32>
        %add3A_485 = arith.addf %get3A_476, %mul3A_484 : vector<16xf32>
        %swap3A_486 = arith.constant 100 : i32
        %swap3A_487 = arith.index_cast %swap3A_486 : i32 to index
        %swap3A_488 = arith.constant 0 : index
        %swap3A_489 = tpu.vector_load %arg5[%swap3A_487, %swap3A_488] {strides = array<i32>} : memref<400x128xf32, #tpu.memory_space<vmem>>, vector<1x16xf32>,
        %swap3A_490 = vector.shape_cast %swap3A_489 : vector<1x16xf32> to vector<16xf32>
        %swap3A_491 = vector.shape_cast %add3A_485 : vector<16xf32> to vector<1x16xf32>
        tpu.vector_store %arg5[%swap3A_487, %swap3A_488], %swap3A_491 {strides = array<i32>} : memref<400x128xf32, #tpu.memory_space<vmem>>, vector<1x16xf32>,
        %get3A_492 = arith.constant 104 : i32
        %get3A_493 = arith.index_cast %get3A_492 : i32 to index
        %get3A_494 = arith.constant 16 : index
        %get3A_495 = tpu.vector_load %arg4[%get3A_493, %get3A_494] {strides = array<i32>} : memref<408x128xf32, #tpu.memory_space<vmem>>, vector<1x16xf32>,
        %get3A_496 = vector.shape_cast %get3A_495 : vector<1x16xf32> to vector<16xf32>
        %get3A_497 = arith.constant 105 : i32
        %get3A_498 = arith.index_cast %get3A_497 : i32 to index
        %get3A_499 = arith.constant 16 : index
        %get3A_500 = tpu.vector_load %arg4[%get3A_498, %get3A_499] {strides = array<i32>} : memref<408x128xf32, #tpu.memory_space<vmem>>, vector<1x16xf32>,
        %get3A_501 = vector.shape_cast %get3A_500 : vector<1x16xf32> to vector<16xf32>
        %mul3A_502 = arith.constant 0.0813658162 : f32
        %mul3A_503 = vector.broadcast %mul3A_502 : f32 to vector<16xf32>
        %mul3A_504 = arith.mulf %mul3A_503, %get3A_501 : vector<16xf32>
        %add3A_505 = arith.addf %get3A_496, %mul3A_504 : vector<16xf32>
        %swap3A_506 = arith.constant 100 : i32
        %swap3A_507 = arith.index_cast %swap3A_506 : i32 to index
        %swap3A_508 = arith.constant 16 : index
        %swap3A_509 = tpu.vector_load %arg5[%swap3A_507, %swap3A_508] {strides = array<i32>} : memref<400x128xf32, #tpu.memory_space<vmem>>, vector<1x16xf32>,
        %swap3A_510 = vector.shape_cast %swap3A_509 : vector<1x16xf32> to vector<16xf32>
        %swap3A_511 = vector.shape_cast %add3A_505 : vector<16xf32> to vector<1x16xf32>
        tpu.vector_store %arg5[%swap3A_507, %swap3A_508], %swap3A_511 {strides = array<i32>} : memref<400x128xf32, #tpu.memory_space<vmem>>, vector<1x16xf32>,
        %get3A_512 = arith.constant 104 : i32
        %get3A_513 = arith.index_cast %get3A_512 : i32 to index
        %get3A_514 = arith.constant 32 : index
        %get3A_515 = tpu.vector_load %arg4[%get3A_513, %get3A_514] {strides = array<i32>} : memref<408x128xf32, #tpu.memory_space<vmem>>, vector<1x16xf32>,
        %get3A_516 = vector.shape_cast %get3A_515 : vector<1x16xf32> to vector<16xf32>
        %get3A_517 = arith.constant 105 : i32
        %get3A_518 = arith.index_cast %get3A_517 : i32 to index
        %get3A_519 = arith.constant 32 : index
        %get3A_520 = tpu.vector_load %arg4[%get3A_518, %get3A_519] {strides = array<i32>} : memref<408x128xf32, #tpu.memory_space<vmem>>, vector<1x16xf32>,
        %get3A_521 = vector.shape_cast %get3A_520 : vector<1x16xf32> to vector<16xf32>
        %mul3A_522 = arith.constant 0.0813658162 : f32
        %mul3A_523 = vector.broadcast %mul3A_522 : f32 to vector<16xf32>
        %mul3A_524 = arith.mulf %mul3A_523, %get3A_521 : vector<16xf32>
        %add3A_525 = arith.addf %get3A_516, %mul3A_524 : vector<16xf32>
        %swap3A_526 = arith.constant 100 : i32
        %swap3A_527 = arith.index_cast %swap3A_526 : i32 to index
        %swap3A_528 = arith.constant 32 : index
        %swap3A_529 = tpu.vector_load %arg5[%swap3A_527, %swap3A_528] {strides = array<i32>} : memref<400x128xf32, #tpu.memory_space<vmem>>, vector<1x16xf32>,
        %swap3A_530 = vector.shape_cast %swap3A_529 : vector<1x16xf32> to vector<16xf32>
        %swap3A_531 = vector.shape_cast %add3A_525 : vector<16xf32> to vector<1x16xf32>
        tpu.vector_store %arg5[%swap3A_527, %swap3A_528], %swap3A_531 {strides = array<i32>} : memref<400x128xf32, #tpu.memory_space<vmem>>, vector<1x16xf32>,
        %get3A_532 = arith.constant 104 : i32
        %get3A_533 = arith.index_cast %get3A_532 : i32 to index
        %get3A_534 = arith.constant 48 : index
        %get3A_535 = tpu.vector_load %arg4[%get3A_533, %get3A_534] {strides = array<i32>} : memref<408x128xf32, #tpu.memory_space<vmem>>, vector<1x16xf32>,
        %get3A_536 = vector.shape_cast %get3A_535 : vector<1x16xf32> to vector<16xf32>
        %get3A_537 = arith.constant 105 : i32
        %get3A_538 = arith.index_cast %get3A_537 : i32 to index
        %get3A_539 = arith.constant 48 : index
        %get3A_540 = tpu.vector_load %arg4[%get3A_538, %get3A_539] {strides = array<i32>} : memref<408x128xf32, #tpu.memory_space<vmem>>, vector<1x16xf32>,
        %get3A_541 = vector.shape_cast %get3A_540 : vector<1x16xf32> to vector<16xf32>
        %mul3A_542 = arith.constant 0.0813658162 : f32
        %mul3A_543 = vector.broadcast %mul3A_542 : f32 to vector<16xf32>
        %mul3A_544 = arith.mulf %mul3A_543, %get3A_541 : vector<16xf32>
        %add3A_545 = arith.addf %get3A_536, %mul3A_544 : vector<16xf32>
        %swap3A_546 = arith.constant 100 : i32
        %swap3A_547 = arith.index_cast %swap3A_546 : i32 to index
        %swap3A_548 = arith.constant 48 : index
        %swap3A_549 = tpu.vector_load %arg5[%swap3A_547, %swap3A_548] {strides = array<i32>} : memref<400x128xf32, #tpu.memory_space<vmem>>, vector<1x16xf32>,
        %swap3A_550 = vector.shape_cast %swap3A_549 : vector<1x16xf32> to vector<16xf32>
        %swap3A_551 = vector.shape_cast %add3A_545 : vector<16xf32> to vector<1x16xf32>
        tpu.vector_store %arg5[%swap3A_547, %swap3A_548], %swap3A_551 {strides = array<i32>} : memref<400x128xf32, #tpu.memory_space<vmem>>, vector<1x16xf32>,
        %get3A_552 = arith.constant 104 : i32
        %get3A_553 = arith.index_cast %get3A_552 : i32 to index
        %get3A_554 = arith.constant 64 : index
        %get3A_555 = tpu.vector_load %arg4[%get3A_553, %get3A_554] {strides = array<i32>} : memref<408x128xf32, #tpu.memory_space<vmem>>, vector<1x16xf32>,
        %get3A_556 = vector.shape_cast %get3A_555 : vector<1x16xf32> to vector<16xf32>
        %get3A_557 = arith.constant 105 : i32
        %get3A_558 = arith.index_cast %get3A_557 : i32 to index
        %get3A_559 = arith.constant 64 : index
        %get3A_560 = tpu.vector_load %arg4[%get3A_558, %get3A_559] {strides = array<i32>} : memref<408x128xf32, #tpu.memory_space<vmem>>, vector<1x16xf32>,
        %get3A_561 = vector.shape_cast %get3A_560 : vector<1x16xf32> to vector<16xf32>
        %mul3A_562 = arith.constant 0.0813658162 : f32
        %mul3A_563 = vector.broadcast %mul3A_562 : f32 to vector<16xf32>
        %mul3A_564 = arith.mulf %mul3A_563, %get3A_561 : vector<16xf32>
        %add3A_565 = arith.addf %get3A_556, %mul3A_564 : vector<16xf32>
        %swap3A_566 = arith.constant 100 : i32
        %swap3A_567 = arith.index_cast %swap3A_566 : i32 to index
        %swap3A_568 = arith.constant 64 : index
        %swap3A_569 = tpu.vector_load %arg5[%swap3A_567, %swap3A_568] {strides = array<i32>} : memref<400x128xf32, #tpu.memory_space<vmem>>, vector<1x16xf32>,
        %swap3A_570 = vector.shape_cast %swap3A_569 : vector<1x16xf32> to vector<16xf32>
        %swap3A_571 = vector.shape_cast %add3A_565 : vector<16xf32> to vector<1x16xf32>
        tpu.vector_store %arg5[%swap3A_567, %swap3A_568], %swap3A_571 {strides = array<i32>} : memref<400x128xf32, #tpu.memory_space<vmem>>, vector<1x16xf32>,
        %get3A_572 = arith.constant 104 : i32
        %get3A_573 = arith.index_cast %get3A_572 : i32 to index
        %get3A_574 = arith.constant 80 : index
        %get3A_575 = tpu.vector_load %arg4[%get3A_573, %get3A_574] {strides = array<i32>} : memref<408x128xf32, #tpu.memory_space<vmem>>, vector<1x16xf32>,
        %get3A_576 = vector.shape_cast %get3A_575 : vector<1x16xf32> to vector<16xf32>
        %get3A_577 = arith.constant 105 : i32
        %get3A_578 = arith.index_cast %get3A_577 : i32 to index
        %get3A_579 = arith.constant 80 : index
        %get3A_580 = tpu.vector_load %arg4[%get3A_578, %get3A_579] {strides = array<i32>} : memref<408x128xf32, #tpu.memory_space<vmem>>, vector<1x16xf32>,
        %get3A_581 = vector.shape_cast %get3A_580 : vector<1x16xf32> to vector<16xf32>
        %mul3A_582 = arith.constant 0.0813658162 : f32
        %mul3A_583 = vector.broadcast %mul3A_582 : f32 to vector<16xf32>
        %mul3A_584 = arith.mulf %mul3A_583, %get3A_581 : vector<16xf32>
        %add3A_585 = arith.addf %get3A_576, %mul3A_584 : vector<16xf32>
        %swap3A_586 = arith.constant 100 : i32
        %swap3A_587 = arith.index_cast %swap3A_586 : i32 to index
        %swap3A_588 = arith.constant 80 : index
        %swap3A_589 = tpu.vector_load %arg5[%swap3A_587, %swap3A_588] {strides = array<i32>} : memref<400x128xf32, #tpu.memory_space<vmem>>, vector<1x16xf32>,
        %swap3A_590 = vector.shape_cast %swap3A_589 : vector<1x16xf32> to vector<16xf32>
        %swap3A_591 = vector.shape_cast %add3A_585 : vector<16xf32> to vector<1x16xf32>
        tpu.vector_store %arg5[%swap3A_587, %swap3A_588], %swap3A_591 {strides = array<i32>} : memref<400x128xf32, #tpu.memory_space<vmem>>, vector<1x16xf32>,
        %get3A_592 = arith.constant 104 : i32
        %get3A_593 = arith.index_cast %get3A_592 : i32 to index
        %get3A_594 = arith.constant 96 : index
        %get3A_595 = tpu.vector_load %arg4[%get3A_593, %get3A_594] {strides = array<i32>} : memref<408x128xf32, #tpu.memory_space<vmem>>, vector<1x16xf32>,
        %get3A_596 = vector.shape_cast %get3A_595 : vector<1x16xf32> to vector<16xf32>
        %get3A_597 = arith.constant 105 : i32
        %get3A_598 = arith.index_cast %get3A_597 : i32 to index
        %get3A_599 = arith.constant 96 : index
        %get3A_600 = tpu.vector_load %arg4[%get3A_598, %get3A_599] {strides = array<i32>} : memref<408x128xf32, #tpu.memory_space<vmem>>, vector<1x16xf32>,
        %get3A_601 = vector.shape_cast %get3A_600 : vector<1x16xf32> to vector<16xf32>
        %mul3A_602 = arith.constant 0.0813658162 : f32
        %mul3A_603 = vector.broadcast %mul3A_602 : f32 to vector<16xf32>
        %mul3A_604 = arith.mulf %mul3A_603, %get3A_601 : vector<16xf32>
        %add3A_605 = arith.addf %get3A_596, %mul3A_604 : vector<16xf32>
        %swap3A_606 = arith.constant 100 : i32
        %swap3A_607 = arith.index_cast %swap3A_606 : i32 to index
        %swap3A_608 = arith.constant 96 : index
        %swap3A_609 = tpu.vector_load %arg5[%swap3A_607, %swap3A_608] {strides = array<i32>} : memref<400x128xf32, #tpu.memory_space<vmem>>, vector<1x16xf32>,
        %swap3A_610 = vector.shape_cast %swap3A_609 : vector<1x16xf32> to vector<16xf32>
        %swap3A_611 = vector.shape_cast %add3A_605 : vector<16xf32> to vector<1x16xf32>
        tpu.vector_store %arg5[%swap3A_607, %swap3A_608], %swap3A_611 {strides = array<i32>} : memref<400x128xf32, #tpu.memory_space<vmem>>, vector<1x16xf32>,
        %get3A_612 = arith.constant 104 : i32
        %get3A_613 = arith.index_cast %get3A_612 : i32 to index
        %get3A_614 = arith.constant 112 : index
        %get3A_615 = tpu.vector_load %arg4[%get3A_613, %get3A_614] {strides = array<i32>} : memref<408x128xf32, #tpu.memory_space<vmem>>, vector<1x16xf32>,
        %get3A_616 = vector.shape_cast %get3A_615 : vector<1x16xf32> to vector<16xf32>
        %get3A_617 = arith.constant 105 : i32
        %get3A_618 = arith.index_cast %get3A_617 : i32 to index
        %get3A_619 = arith.constant 112 : index
        %get3A_620 = tpu.vector_load %arg4[%get3A_618, %get3A_619] {strides = array<i32>} : memref<408x128xf32, #tpu.memory_space<vmem>>, vector<1x16xf32>,
        %get3A_621 = vector.shape_cast %get3A_620 : vector<1x16xf32> to vector<16xf32>
        %mul3A_622 = arith.constant 0.0813658162 : f32
        %mul3A_623 = vector.broadcast %mul3A_622 : f32 to vector<16xf32>
        %mul3A_624 = arith.mulf %mul3A_623, %get3A_621 : vector<16xf32>
        %add3A_625 = arith.addf %get3A_616, %mul3A_624 : vector<16xf32>
        %swap3A_626 = arith.constant 100 : i32
        %swap3A_627 = arith.index_cast %swap3A_626 : i32 to index
        %swap3A_628 = arith.constant 112 : index
        %swap3A_629 = tpu.vector_load %arg5[%swap3A_627, %swap3A_628] {strides = array<i32>} : memref<400x128xf32, #tpu.memory_space<vmem>>, vector<1x16xf32>,
        %swap3A_630 = vector.shape_cast %swap3A_629 : vector<1x16xf32> to vector<16xf32>
        %swap3A_631 = vector.shape_cast %add3A_625 : vector<16xf32> to vector<1x16xf32>
        tpu.vector_store %arg5[%swap3A_627, %swap3A_628], %swap3A_631 {strides = array<i32>} : memref<400x128xf32, #tpu.memory_space<vmem>>, vector<1x16xf32>,
        %get3A_632 = arith.constant 204 : i32
        %get3A_633 = arith.index_cast %get3A_632 : i32 to index
        %get3A_634 = arith.constant 0 : index
        %get3A_635 = tpu.vector_load %arg4[%get3A_633, %get3A_634] {strides = array<i32>} : memref<408x128xf32, #tpu.memory_space<vmem>>, vector<1x16xf32>,
        %get3A_636 = vector.shape_cast %get3A_635 : vector<1x16xf32> to vector<16xf32>
        %get3A_637 = arith.constant 205 : i32
        %get3A_638 = arith.index_cast %get3A_637 : i32 to index
        %get3A_639 = arith.constant 0 : index
        %get3A_640 = tpu.vector_load %arg4[%get3A_638, %get3A_639] {strides = array<i32>} : memref<408x128xf32, #tpu.memory_space<vmem>>, vector<1x16xf32>,
        %get3A_641 = vector.shape_cast %get3A_640 : vector<1x16xf32> to vector<16xf32>
        %mul3A_642 = arith.constant 0.0813658162 : f32
        %mul3A_643 = vector.broadcast %mul3A_642 : f32 to vector<16xf32>
        %mul3A_644 = arith.mulf %mul3A_643, %get3A_641 : vector<16xf32>
        %add3A_645 = arith.addf %get3A_636, %mul3A_644 : vector<16xf32>
        %swap3A_646 = arith.constant 200 : i32
        %swap3A_647 = arith.index_cast %swap3A_646 : i32 to index
        %swap3A_648 = arith.constant 0 : index
        %swap3A_649 = tpu.vector_load %arg5[%swap3A_647, %swap3A_648] {strides = array<i32>} : memref<400x128xf32, #tpu.memory_space<vmem>>, vector<1x16xf32>,
        %swap3A_650 = vector.shape_cast %swap3A_649 : vector<1x16xf32> to vector<16xf32>
        %swap3A_651 = vector.shape_cast %add3A_645 : vector<16xf32> to vector<1x16xf32>
        tpu.vector_store %arg5[%swap3A_647, %swap3A_648], %swap3A_651 {strides = array<i32>} : memref<400x128xf32, #tpu.memory_space<vmem>>, vector<1x16xf32>,
        %get3A_652 = arith.constant 204 : i32
        %get3A_653 = arith.index_cast %get3A_652 : i32 to index
        %get3A_654 = arith.constant 16 : index
        %get3A_655 = tpu.vector_load %arg4[%get3A_653, %get3A_654] {strides = array<i32>} : memref<408x128xf32, #tpu.memory_space<vmem>>, vector<1x16xf32>,
        %get3A_656 = vector.shape_cast %get3A_655 : vector<1x16xf32> to vector<16xf32>
        %get3A_657 = arith.constant 205 : i32
        %get3A_658 = arith.index_cast %get3A_657 : i32 to index
        %get3A_659 = arith.constant 16 : index
        %get3A_660 = tpu.vector_load %arg4[%get3A_658, %get3A_659] {strides = array<i32>} : memref<408x128xf32, #tpu.memory_space<vmem>>, vector<1x16xf32>,
        %get3A_661 = vector.shape_cast %get3A_660 : vector<1x16xf32> to vector<16xf32>
        %mul3A_662 = arith.constant 0.0813658162 : f32
        %mul3A_663 = vector.broadcast %mul3A_662 : f32 to vector<16xf32>
        %mul3A_664 = arith.mulf %mul3A_663, %get3A_661 : vector<16xf32>
        %add3A_665 = arith.addf %get3A_656, %mul3A_664 : vector<16xf32>
        %swap3A_666 = arith.constant 200 : i32
        %swap3A_667 = arith.index_cast %swap3A_666 : i32 to index
        %swap3A_668 = arith.constant 16 : index
        %swap3A_669 = tpu.vector_load %arg5[%swap3A_667, %swap3A_668] {strides = array<i32>} : memref<400x128xf32, #tpu.memory_space<vmem>>, vector<1x16xf32>,
        %swap3A_670 = vector.shape_cast %swap3A_669 : vector<1x16xf32> to vector<16xf32>
        %swap3A_671 = vector.shape_cast %add3A_665 : vector<16xf32> to vector<1x16xf32>
        tpu.vector_store %arg5[%swap3A_667, %swap3A_668], %swap3A_671 {strides = array<i32>} : memref<400x128xf32, #tpu.memory_space<vmem>>, vector<1x16xf32>,
        %get3A_672 = arith.constant 204 : i32
        %get3A_673 = arith.index_cast %get3A_672 : i32 to index
        %get3A_674 = arith.constant 32 : index
        %get3A_675 = tpu.vector_load %arg4[%get3A_673, %get3A_674] {strides = array<i32>} : memref<408x128xf32, #tpu.memory_space<vmem>>, vector<1x16xf32>,
        %get3A_676 = vector.shape_cast %get3A_675 : vector<1x16xf32> to vector<16xf32>
        %get3A_677 = arith.constant 205 : i32
        %get3A_678 = arith.index_cast %get3A_677 : i32 to index
        %get3A_679 = arith.constant 32 : index
        %get3A_680 = tpu.vector_load %arg4[%get3A_678, %get3A_679] {strides = array<i32>} : memref<408x128xf32, #tpu.memory_space<vmem>>, vector<1x16xf32>,
        %get3A_681 = vector.shape_cast %get3A_680 : vector<1x16xf32> to vector<16xf32>
        %mul3A_682 = arith.constant 0.0813658162 : f32
        %mul3A_683 = vector.broadcast %mul3A_682 : f32 to vector<16xf32>
        %mul3A_684 = arith.mulf %mul3A_683, %get3A_681 : vector<16xf32>
        %add3A_685 = arith.addf %get3A_676, %mul3A_684 : vector<16xf32>
        %swap3A_686 = arith.constant 200 : i32
        %swap3A_687 = arith.index_cast %swap3A_686 : i32 to index
        %swap3A_688 = arith.constant 32 : index
        %swap3A_689 = tpu.vector_load %arg5[%swap3A_687, %swap3A_688] {strides = array<i32>} : memref<400x128xf32, #tpu.memory_space<vmem>>, vector<1x16xf32>,
        %swap3A_690 = vector.shape_cast %swap3A_689 : vector<1x16xf32> to vector<16xf32>
        %swap3A_691 = vector.shape_cast %add3A_685 : vector<16xf32> to vector<1x16xf32>
        tpu.vector_store %arg5[%swap3A_687, %swap3A_688], %swap3A_691 {strides = array<i32>} : memref<400x128xf32, #tpu.memory_space<vmem>>, vector<1x16xf32>,
        %get3A_692 = arith.constant 204 : i32
        %get3A_693 = arith.index_cast %get3A_692 : i32 to index
        %get3A_694 = arith.constant 48 : index
        %get3A_695 = tpu.vector_load %arg4[%get3A_693, %get3A_694] {strides = array<i32>} : memref<408x128xf32, #tpu.memory_space<vmem>>, vector<1x16xf32>,
        %get3A_696 = vector.shape_cast %get3A_695 : vector<1x16xf32> to vector<16xf32>
        %get3A_697 = arith.constant 205 : i32
        %get3A_698 = arith.index_cast %get3A_697 : i32 to index
        %get3A_699 = arith.constant 48 : index
        %get3A_700 = tpu.vector_load %arg4[%get3A_698, %get3A_699] {strides = array<i32>} : memref<408x128xf32, #tpu.memory_space<vmem>>, vector<1x16xf32>,
        %get3A_701 = vector.shape_cast %get3A_700 : vector<1x16xf32> to vector<16xf32>
        %mul3A_702 = arith.constant 0.0813658162 : f32
        %mul3A_703 = vector.broadcast %mul3A_702 : f32 to vector<16xf32>
        %mul3A_704 = arith.mulf %mul3A_703, %get3A_701 : vector<16xf32>
        %add3A_705 = arith.addf %get3A_696, %mul3A_704 : vector<16xf32>
        %swap3A_706 = arith.constant 200 : i32
        %swap3A_707 = arith.index_cast %swap3A_706 : i32 to index
        %swap3A_708 = arith.constant 48 : index
        %swap3A_709 = tpu.vector_load %arg5[%swap3A_707, %swap3A_708] {strides = array<i32>} : memref<400x128xf32, #tpu.memory_space<vmem>>, vector<1x16xf32>,
        %swap3A_710 = vector.shape_cast %swap3A_709 : vector<1x16xf32> to vector<16xf32>
        %swap3A_711 = vector.shape_cast %add3A_705 : vector<16xf32> to vector<1x16xf32>
        tpu.vector_store %arg5[%swap3A_707, %swap3A_708], %swap3A_711 {strides = array<i32>} : memref<400x128xf32, #tpu.memory_space<vmem>>, vector<1x16xf32>,
        %get3A_712 = arith.constant 204 : i32
        %get3A_713 = arith.index_cast %get3A_712 : i32 to index
        %get3A_714 = arith.constant 64 : index
        %get3A_715 = tpu.vector_load %arg4[%get3A_713, %get3A_714] {strides = array<i32>} : memref<408x128xf32, #tpu.memory_space<vmem>>, vector<1x16xf32>,
        %get3A_716 = vector.shape_cast %get3A_715 : vector<1x16xf32> to vector<16xf32>
        %get3A_717 = arith.constant 205 : i32
        %get3A_718 = arith.index_cast %get3A_717 : i32 to index
        %get3A_719 = arith.constant 64 : index
        %get3A_720 = tpu.vector_load %arg4[%get3A_718, %get3A_719] {strides = array<i32>} : memref<408x128xf32, #tpu.memory_space<vmem>>, vector<1x16xf32>,
        %get3A_721 = vector.shape_cast %get3A_720 : vector<1x16xf32> to vector<16xf32>
        %mul3A_722 = arith.constant 0.0813658162 : f32
        %mul3A_723 = vector.broadcast %mul3A_722 : f32 to vector<16xf32>
        %mul3A_724 = arith.mulf %mul3A_723, %get3A_721 : vector<16xf32>
        %add3A_725 = arith.addf %get3A_716, %mul3A_724 : vector<16xf32>
        %swap3A_726 = arith.constant 200 : i32
        %swap3A_727 = arith.index_cast %swap3A_726 : i32 to index
        %swap3A_728 = arith.constant 64 : index
        %swap3A_729 = tpu.vector_load %arg5[%swap3A_727, %swap3A_728] {strides = array<i32>} : memref<400x128xf32, #tpu.memory_space<vmem>>, vector<1x16xf32>,
        %swap3A_730 = vector.shape_cast %swap3A_729 : vector<1x16xf32> to vector<16xf32>
        %swap3A_731 = vector.shape_cast %add3A_725 : vector<16xf32> to vector<1x16xf32>
        tpu.vector_store %arg5[%swap3A_727, %swap3A_728], %swap3A_731 {strides = array<i32>} : memref<400x128xf32, #tpu.memory_space<vmem>>, vector<1x16xf32>,
        %get3A_732 = arith.constant 204 : i32
        %get3A_733 = arith.index_cast %get3A_732 : i32 to index
        %get3A_734 = arith.constant 80 : index
        %get3A_735 = tpu.vector_load %arg4[%get3A_733, %get3A_734] {strides = array<i32>} : memref<408x128xf32, #tpu.memory_space<vmem>>, vector<1x16xf32>,
        %get3A_736 = vector.shape_cast %get3A_735 : vector<1x16xf32> to vector<16xf32>
        %get3A_737 = arith.constant 205 : i32
        %get3A_738 = arith.index_cast %get3A_737 : i32 to index
        %get3A_739 = arith.constant 80 : index
        %get3A_740 = tpu.vector_load %arg4[%get3A_738, %get3A_739] {strides = array<i32>} : memref<408x128xf32, #tpu.memory_space<vmem>>, vector<1x16xf32>,
        %get3A_741 = vector.shape_cast %get3A_740 : vector<1x16xf32> to vector<16xf32>
        %mul3A_742 = arith.constant 0.0813658162 : f32
        %mul3A_743 = vector.broadcast %mul3A_742 : f32 to vector<16xf32>
        %mul3A_744 = arith.mulf %mul3A_743, %get3A_741 : vector<16xf32>
        %add3A_745 = arith.addf %get3A_736, %mul3A_744 : vector<16xf32>
        %swap3A_746 = arith.constant 200 : i32
        %swap3A_747 = arith.index_cast %swap3A_746 : i32 to index
        %swap3A_748 = arith.constant 80 : index
        %swap3A_749 = tpu.vector_load %arg5[%swap3A_747, %swap3A_748] {strides = array<i32>} : memref<400x128xf32, #tpu.memory_space<vmem>>, vector<1x16xf32>,
        %swap3A_750 = vector.shape_cast %swap3A_749 : vector<1x16xf32> to vector<16xf32>
        %swap3A_751 = vector.shape_cast %add3A_745 : vector<16xf32> to vector<1x16xf32>
        tpu.vector_store %arg5[%swap3A_747, %swap3A_748], %swap3A_751 {strides = array<i32>} : memref<400x128xf32, #tpu.memory_space<vmem>>, vector<1x16xf32>,
        %get3A_752 = arith.constant 204 : i32
        %get3A_753 = arith.index_cast %get3A_752 : i32 to index
        %get3A_754 = arith.constant 96 : index
        %get3A_755 = tpu.vector_load %arg4[%get3A_753, %get3A_754] {strides = array<i32>} : memref<408x128xf32, #tpu.memory_space<vmem>>, vector<1x16xf32>,
        %get3A_756 = vector.shape_cast %get3A_755 : vector<1x16xf32> to vector<16xf32>
        %get3A_757 = arith.constant 205 : i32
        %get3A_758 = arith.index_cast %get3A_757 : i32 to index
        %get3A_759 = arith.constant 96 : index
        %get3A_760 = tpu.vector_load %arg4[%get3A_758, %get3A_759] {strides = array<i32>} : memref<408x128xf32, #tpu.memory_space<vmem>>, vector<1x16xf32>,
        %get3A_761 = vector.shape_cast %get3A_760 : vector<1x16xf32> to vector<16xf32>
        %mul3A_762 = arith.constant 0.0813658162 : f32
        %mul3A_763 = vector.broadcast %mul3A_762 : f32 to vector<16xf32>
        %mul3A_764 = arith.mulf %mul3A_763, %get3A_761 : vector<16xf32>
        %add3A_765 = arith.addf %get3A_756, %mul3A_764 : vector<16xf32>
        %swap3A_766 = arith.constant 200 : i32
        %swap3A_767 = arith.index_cast %swap3A_766 : i32 to index
        %swap3A_768 = arith.constant 96 : index
        %swap3A_769 = tpu.vector_load %arg5[%swap3A_767, %swap3A_768] {strides = array<i32>} : memref<400x128xf32, #tpu.memory_space<vmem>>, vector<1x16xf32>,
        %swap3A_770 = vector.shape_cast %swap3A_769 : vector<1x16xf32> to vector<16xf32>
        %swap3A_771 = vector.shape_cast %add3A_765 : vector<16xf32> to vector<1x16xf32>
        tpu.vector_store %arg5[%swap3A_767, %swap3A_768], %swap3A_771 {strides = array<i32>} : memref<400x128xf32, #tpu.memory_space<vmem>>, vector<1x16xf32>,
        %get3A_772 = arith.constant 204 : i32
        %get3A_773 = arith.index_cast %get3A_772 : i32 to index
        %get3A_774 = arith.constant 112 : index
        %get3A_775 = tpu.vector_load %arg4[%get3A_773, %get3A_774] {strides = array<i32>} : memref<408x128xf32, #tpu.memory_space<vmem>>, vector<1x16xf32>,
        %get3A_776 = vector.shape_cast %get3A_775 : vector<1x16xf32> to vector<16xf32>
        %get3A_777 = arith.constant 205 : i32
        %get3A_778 = arith.index_cast %get3A_777 : i32 to index
        %get3A_779 = arith.constant 112 : index
        %get3A_780 = tpu.vector_load %arg4[%get3A_778, %get3A_779] {strides = array<i32>} : memref<408x128xf32, #tpu.memory_space<vmem>>, vector<1x16xf32>,
        %get3A_781 = vector.shape_cast %get3A_780 : vector<1x16xf32> to vector<16xf32>
        %mul3A_782 = arith.constant 0.0813658162 : f32
        %mul3A_783 = vector.broadcast %mul3A_782 : f32 to vector<16xf32>
        %mul3A_784 = arith.mulf %mul3A_783, %get3A_781 : vector<16xf32>
        %add3A_785 = arith.addf %get3A_776, %mul3A_784 : vector<16xf32>
        %swap3A_786 = arith.constant 200 : i32
        %swap3A_787 = arith.index_cast %swap3A_786 : i32 to index
        %swap3A_788 = arith.constant 112 : index
        %swap3A_789 = tpu.vector_load %arg5[%swap3A_787, %swap3A_788] {strides = array<i32>} : memref<400x128xf32, #tpu.memory_space<vmem>>, vector<1x16xf32>,
        %swap3A_790 = vector.shape_cast %swap3A_789 : vector<1x16xf32> to vector<16xf32>
        %swap3A_791 = vector.shape_cast %add3A_785 : vector<16xf32> to vector<1x16xf32>
        tpu.vector_store %arg5[%swap3A_787, %swap3A_788], %swap3A_791 {strides = array<i32>} : memref<400x128xf32, #tpu.memory_space<vmem>>, vector<1x16xf32>,
        %get3A_792 = arith.constant 304 : i32
        %get3A_793 = arith.index_cast %get3A_792 : i32 to index
        %get3A_794 = arith.constant 0 : index
        %get3A_795 = tpu.vector_load %arg4[%get3A_793, %get3A_794] {strides = array<i32>} : memref<408x128xf32, #tpu.memory_space<vmem>>, vector<1x16xf32>,
        %get3A_796 = vector.shape_cast %get3A_795 : vector<1x16xf32> to vector<16xf32>
        %get3A_797 = arith.constant 305 : i32
        %get3A_798 = arith.index_cast %get3A_797 : i32 to index
        %get3A_799 = arith.constant 0 : index
        %get3A_800 = tpu.vector_load %arg4[%get3A_798, %get3A_799] {strides = array<i32>} : memref<408x128xf32, #tpu.memory_space<vmem>>, vector<1x16xf32>,
        %get3A_801 = vector.shape_cast %get3A_800 : vector<1x16xf32> to vector<16xf32>
        %mul3A_802 = arith.constant 0.0813658162 : f32
        %mul3A_803 = vector.broadcast %mul3A_802 : f32 to vector<16xf32>
        %mul3A_804 = arith.mulf %mul3A_803, %get3A_801 : vector<16xf32>
        %add3A_805 = arith.addf %get3A_796, %mul3A_804 : vector<16xf32>
        %swap3A_806 = arith.constant 300 : i32
        %swap3A_807 = arith.index_cast %swap3A_806 : i32 to index
        %swap3A_808 = arith.constant 0 : index
        %swap3A_809 = tpu.vector_load %arg5[%swap3A_807, %swap3A_808] {strides = array<i32>} : memref<400x128xf32, #tpu.memory_space<vmem>>, vector<1x16xf32>,
        %swap3A_810 = vector.shape_cast %swap3A_809 : vector<1x16xf32> to vector<16xf32>
        %swap3A_811 = vector.shape_cast %add3A_805 : vector<16xf32> to vector<1x16xf32>
        tpu.vector_store %arg5[%swap3A_807, %swap3A_808], %swap3A_811 {strides = array<i32>} : memref<400x128xf32, #tpu.memory_space<vmem>>, vector<1x16xf32>,
        %get3A_812 = arith.constant 304 : i32
        %get3A_813 = arith.index_cast %get3A_812 : i32 to index
        %get3A_814 = arith.constant 16 : index
        %get3A_815 = tpu.vector_load %arg4[%get3A_813, %get3A_814] {strides = array<i32>} : memref<408x128xf32, #tpu.memory_space<vmem>>, vector<1x16xf32>,
        %get3A_816 = vector.shape_cast %get3A_815 : vector<1x16xf32> to vector<16xf32>
        %get3A_817 = arith.constant 305 : i32
        %get3A_818 = arith.index_cast %get3A_817 : i32 to index
        %get3A_819 = arith.constant 16 : index
        %get3A_820 = tpu.vector_load %arg4[%get3A_818, %get3A_819] {strides = array<i32>} : memref<408x128xf32, #tpu.memory_space<vmem>>, vector<1x16xf32>,
        %get3A_821 = vector.shape_cast %get3A_820 : vector<1x16xf32> to vector<16xf32>
        %mul3A_822 = arith.constant 0.0813658162 : f32
        %mul3A_823 = vector.broadcast %mul3A_822 : f32 to vector<16xf32>
        %mul3A_824 = arith.mulf %mul3A_823, %get3A_821 : vector<16xf32>
        %add3A_825 = arith.addf %get3A_816, %mul3A_824 : vector<16xf32>
        %swap3A_826 = arith.constant 300 : i32
        %swap3A_827 = arith.index_cast %swap3A_826 : i32 to index
        %swap3A_828 = arith.constant 16 : index
        %swap3A_829 = tpu.vector_load %arg5[%swap3A_827, %swap3A_828] {strides = array<i32>} : memref<400x128xf32, #tpu.memory_space<vmem>>, vector<1x16xf32>,
        %swap3A_830 = vector.shape_cast %swap3A_829 : vector<1x16xf32> to vector<16xf32>
        %swap3A_831 = vector.shape_cast %add3A_825 : vector<16xf32> to vector<1x16xf32>
        tpu.vector_store %arg5[%swap3A_827, %swap3A_828], %swap3A_831 {strides = array<i32>} : memref<400x128xf32, #tpu.memory_space<vmem>>, vector<1x16xf32>,
        %get3A_832 = arith.constant 304 : i32
        %get3A_833 = arith.index_cast %get3A_832 : i32 to index
        %get3A_834 = arith.constant 32 : index
        %get3A_835 = tpu.vector_load %arg4[%get3A_833, %get3A_834] {strides = array<i32>} : memref<408x128xf32, #tpu.memory_space<vmem>>, vector<1x16xf32>,
        %get3A_836 = vector.shape_cast %get3A_835 : vector<1x16xf32> to vector<16xf32>
        %get3A_837 = arith.constant 305 : i32
        %get3A_838 = arith.index_cast %get3A_837 : i32 to index
        %get3A_839 = arith.constant 32 : index
        %get3A_840 = tpu.vector_load %arg4[%get3A_838, %get3A_839] {strides = array<i32>} : memref<408x128xf32, #tpu.memory_space<vmem>>, vector<1x16xf32>,
        %get3A_841 = vector.shape_cast %get3A_840 : vector<1x16xf32> to vector<16xf32>
        %mul3A_842 = arith.constant 0.0813658162 : f32
        %mul3A_843 = vector.broadcast %mul3A_842 : f32 to vector<16xf32>
        %mul3A_844 = arith.mulf %mul3A_843, %get3A_841 : vector<16xf32>
        %add3A_845 = arith.addf %get3A_836, %mul3A_844 : vector<16xf32>
        %swap3A_846 = arith.constant 300 : i32
        %swap3A_847 = arith.index_cast %swap3A_846 : i32 to index
        %swap3A_848 = arith.constant 32 : index
        %swap3A_849 = tpu.vector_load %arg5[%swap3A_847, %swap3A_848] {strides = array<i32>} : memref<400x128xf32, #tpu.memory_space<vmem>>, vector<1x16xf32>,
        %swap3A_850 = vector.shape_cast %swap3A_849 : vector<1x16xf32> to vector<16xf32>
        %swap3A_851 = vector.shape_cast %add3A_845 : vector<16xf32> to vector<1x16xf32>
        tpu.vector_store %arg5[%swap3A_847, %swap3A_848], %swap3A_851 {strides = array<i32>} : memref<400x128xf32, #tpu.memory_space<vmem>>, vector<1x16xf32>,
        %get3A_852 = arith.constant 304 : i32
        %get3A_853 = arith.index_cast %get3A_852 : i32 to index
        %get3A_854 = arith.constant 48 : index
        %get3A_855 = tpu.vector_load %arg4[%get3A_853, %get3A_854] {strides = array<i32>} : memref<408x128xf32, #tpu.memory_space<vmem>>, vector<1x16xf32>,
        %get3A_856 = vector.shape_cast %get3A_855 : vector<1x16xf32> to vector<16xf32>
        %get3A_857 = arith.constant 305 : i32
        %get3A_858 = arith.index_cast %get3A_857 : i32 to index
        %get3A_859 = arith.constant 48 : index
        %get3A_860 = tpu.vector_load %arg4[%get3A_858, %get3A_859] {strides = array<i32>} : memref<408x128xf32, #tpu.memory_space<vmem>>, vector<1x16xf32>,
        %get3A_861 = vector.shape_cast %get3A_860 : vector<1x16xf32> to vector<16xf32>
        %mul3A_862 = arith.constant 0.0813658162 : f32
        %mul3A_863 = vector.broadcast %mul3A_862 : f32 to vector<16xf32>
        %mul3A_864 = arith.mulf %mul3A_863, %get3A_861 : vector<16xf32>
        %add3A_865 = arith.addf %get3A_856, %mul3A_864 : vector<16xf32>
        %swap3A_866 = arith.constant 300 : i32
        %swap3A_867 = arith.index_cast %swap3A_866 : i32 to index
        %swap3A_868 = arith.constant 48 : index
        %swap3A_869 = tpu.vector_load %arg5[%swap3A_867, %swap3A_868] {strides = array<i32>} : memref<400x128xf32, #tpu.memory_space<vmem>>, vector<1x16xf32>,
        %swap3A_870 = vector.shape_cast %swap3A_869 : vector<1x16xf32> to vector<16xf32>
        %swap3A_871 = vector.shape_cast %add3A_865 : vector<16xf32> to vector<1x16xf32>
        tpu.vector_store %arg5[%swap3A_867, %swap3A_868], %swap3A_871 {strides = array<i32>} : memref<400x128xf32, #tpu.memory_space<vmem>>, vector<1x16xf32>,
        %get3A_872 = arith.constant 304 : i32
        %get3A_873 = arith.index_cast %get3A_872 : i32 to index
        %get3A_874 = arith.constant 64 : index
        %get3A_875 = tpu.vector_load %arg4[%get3A_873, %get3A_874] {strides = array<i32>} : memref<408x128xf32, #tpu.memory_space<vmem>>, vector<1x16xf32>,
        %get3A_876 = vector.shape_cast %get3A_875 : vector<1x16xf32> to vector<16xf32>
        %get3A_877 = arith.constant 305 : i32
        %get3A_878 = arith.index_cast %get3A_877 : i32 to index
        %get3A_879 = arith.constant 64 : index
        %get3A_880 = tpu.vector_load %arg4[%get3A_878, %get3A_879] {strides = array<i32>} : memref<408x128xf32, #tpu.memory_space<vmem>>, vector<1x16xf32>,
        %get3A_881 = vector.shape_cast %get3A_880 : vector<1x16xf32> to vector<16xf32>
        %mul3A_882 = arith.constant 0.0813658162 : f32
        %mul3A_883 = vector.broadcast %mul3A_882 : f32 to vector<16xf32>
        %mul3A_884 = arith.mulf %mul3A_883, %get3A_881 : vector<16xf32>
        %add3A_885 = arith.addf %get3A_876, %mul3A_884 : vector<16xf32>
        %swap3A_886 = arith.constant 300 : i32
        %swap3A_887 = arith.index_cast %swap3A_886 : i32 to index
        %swap3A_888 = arith.constant 64 : index
        %swap3A_889 = tpu.vector_load %arg5[%swap3A_887, %swap3A_888] {strides = array<i32>} : memref<400x128xf32, #tpu.memory_space<vmem>>, vector<1x16xf32>,
        %swap3A_890 = vector.shape_cast %swap3A_889 : vector<1x16xf32> to vector<16xf32>
        %swap3A_891 = vector.shape_cast %add3A_885 : vector<16xf32> to vector<1x16xf32>
        tpu.vector_store %arg5[%swap3A_887, %swap3A_888], %swap3A_891 {strides = array<i32>} : memref<400x128xf32, #tpu.memory_space<vmem>>, vector<1x16xf32>,
        %get3A_892 = arith.constant 304 : i32
        %get3A_893 = arith.index_cast %get3A_892 : i32 to index
        %get3A_894 = arith.constant 80 : index
        %get3A_895 = tpu.vector_load %arg4[%get3A_893, %get3A_894] {strides = array<i32>} : memref<408x128xf32, #tpu.memory_space<vmem>>, vector<1x16xf32>,
        %get3A_896 = vector.shape_cast %get3A_895 : vector<1x16xf32> to vector<16xf32>
        %get3A_897 = arith.constant 305 : i32
        %get3A_898 = arith.index_cast %get3A_897 : i32 to index
        %get3A_899 = arith.constant 80 : index
        %get3A_900 = tpu.vector_load %arg4[%get3A_898, %get3A_899] {strides = array<i32>} : memref<408x128xf32, #tpu.memory_space<vmem>>, vector<1x16xf32>,
        %get3A_901 = vector.shape_cast %get3A_900 : vector<1x16xf32> to vector<16xf32>
        %mul3A_902 = arith.constant 0.0813658162 : f32
        %mul3A_903 = vector.broadcast %mul3A_902 : f32 to vector<16xf32>
        %mul3A_904 = arith.mulf %mul3A_903, %get3A_901 : vector<16xf32>
        %add3A_905 = arith.addf %get3A_896, %mul3A_904 : vector<16xf32>
        %swap3A_906 = arith.constant 300 : i32
        %swap3A_907 = arith.index_cast %swap3A_906 : i32 to index
        %swap3A_908 = arith.constant 80 : index
        %swap3A_909 = tpu.vector_load %arg5[%swap3A_907, %swap3A_908] {strides = array<i32>} : memref<400x128xf32, #tpu.memory_space<vmem>>, vector<1x16xf32>,
        %swap3A_910 = vector.shape_cast %swap3A_909 : vector<1x16xf32> to vector<16xf32>
        %swap3A_911 = vector.shape_cast %add3A_905 : vector<16xf32> to vector<1x16xf32>
        tpu.vector_store %arg5[%swap3A_907, %swap3A_908], %swap3A_911 {strides = array<i32>} : memref<400x128xf32, #tpu.memory_space<vmem>>, vector<1x16xf32>,
        %get3A_912 = arith.constant 304 : i32
        %get3A_913 = arith.index_cast %get3A_912 : i32 to index
        %get3A_914 = arith.constant 96 : index
        %get3A_915 = tpu.vector_load %arg4[%get3A_913, %get3A_914] {strides = array<i32>} : memref<408x128xf32, #tpu.memory_space<vmem>>, vector<1x16xf32>,
        %get3A_916 = vector.shape_cast %get3A_915 : vector<1x16xf32> to vector<16xf32>
        %get3A_917 = arith.constant 305 : i32
        %get3A_918 = arith.index_cast %get3A_917 : i32 to index
        %get3A_919 = arith.constant 96 : index
        %get3A_920 = tpu.vector_load %arg4[%get3A_918, %get3A_919] {strides = array<i32>} : memref<408x128xf32, #tpu.memory_space<vmem>>, vector<1x16xf32>,
        %get3A_921 = vector.shape_cast %get3A_920 : vector<1x16xf32> to vector<16xf32>
        %mul3A_922 = arith.constant 0.0813658162 : f32
        %mul3A_923 = vector.broadcast %mul3A_922 : f32 to vector<16xf32>
        %mul3A_924 = arith.mulf %mul3A_923, %get3A_921 : vector<16xf32>
        %add3A_925 = arith.addf %get3A_916, %mul3A_924 : vector<16xf32>
        %swap3A_926 = arith.constant 300 : i32
        %swap3A_927 = arith.index_cast %swap3A_926 : i32 to index
        %swap3A_928 = arith.constant 96 : index
        %swap3A_929 = tpu.vector_load %arg5[%swap3A_927, %swap3A_928] {strides = array<i32>} : memref<400x128xf32, #tpu.memory_space<vmem>>, vector<1x16xf32>,
        %swap3A_930 = vector.shape_cast %swap3A_929 : vector<1x16xf32> to vector<16xf32>
        %swap3A_931 = vector.shape_cast %add3A_925 : vector<16xf32> to vector<1x16xf32>
        tpu.vector_store %arg5[%swap3A_927, %swap3A_928], %swap3A_931 {strides = array<i32>} : memref<400x128xf32, #tpu.memory_space<vmem>>, vector<1x16xf32>,
        %get3A_932 = arith.constant 304 : i32
        %get3A_933 = arith.index_cast %get3A_932 : i32 to index
        %get3A_934 = arith.constant 112 : index
        %get3A_935 = tpu.vector_load %arg4[%get3A_933, %get3A_934] {strides = array<i32>} : memref<408x128xf32, #tpu.memory_space<vmem>>, vector<1x16xf32>,
        %get3A_936 = vector.shape_cast %get3A_935 : vector<1x16xf32> to vector<16xf32>
        %get3A_937 = arith.constant 305 : i32
        %get3A_938 = arith.index_cast %get3A_937 : i32 to index
        %get3A_939 = arith.constant 112 : index
        %get3A_940 = tpu.vector_load %arg4[%get3A_938, %get3A_939] {strides = array<i32>} : memref<408x128xf32, #tpu.memory_space<vmem>>, vector<1x16xf32>,
        %get3A_941 = vector.shape_cast %get3A_940 : vector<1x16xf32> to vector<16xf32>
        %mul3A_942 = arith.constant 0.0813658162 : f32
        %mul3A_943 = vector.broadcast %mul3A_942 : f32 to vector<16xf32>
        %mul3A_944 = arith.mulf %mul3A_943, %get3A_941 : vector<16xf32>
        %add3A_945 = arith.addf %get3A_936, %mul3A_944 : vector<16xf32>
        %swap3A_946 = arith.constant 300 : i32
        %swap3A_947 = arith.index_cast %swap3A_946 : i32 to index
        %swap3A_948 = arith.constant 112 : index
        %swap3A_949 = tpu.vector_load %arg5[%swap3A_947, %swap3A_948] {strides = array<i32>} : memref<400x128xf32, #tpu.memory_space<vmem>>, vector<1x16xf32>,
        %swap3A_950 = vector.shape_cast %swap3A_949 : vector<1x16xf32> to vector<16xf32>
        %swap3A_951 = vector.shape_cast %add3A_945 : vector<16xf32> to vector<1x16xf32>
        tpu.vector_store %arg5[%swap3A_947, %swap3A_948], %swap3A_951 {strides = array<i32>} : memref<400x128xf32, #tpu.memory_space<vmem>>, vector<1x16xf32>,
        %get3A_952 = arith.constant 103 : i32
        %get3A_953 = arith.index_cast %get3A_952 : i32 to index
        %get3A_954 = arith.constant 0 : index
        %get3A_955 = tpu.vector_load %arg4[%get3A_953, %get3A_954] {strides = array<i32>} : memref<408x128xf32, #tpu.memory_space<vmem>>, vector<1x16xf32>,
        %get3A_956 = vector.shape_cast %get3A_955 : vector<1x16xf32> to vector<16xf32>
        %get3A_957 = arith.constant 102 : i32
        %get3A_958 = arith.index_cast %get3A_957 : i32 to index
        %get3A_959 = arith.constant 0 : index
        %get3A_960 = tpu.vector_load %arg4[%get3A_958, %get3A_959] {strides = array<i32>} : memref<408x128xf32, #tpu.memory_space<vmem>>, vector<1x16xf32>,
        %get3A_961 = vector.shape_cast %get3A_960 : vector<1x16xf32> to vector<16xf32>
        %mul3A_962 = arith.constant 0.0813658162 : f32
        %mul3A_963 = vector.broadcast %mul3A_962 : f32 to vector<16xf32>
        %mul3A_964 = arith.mulf %mul3A_963, %get3A_961 : vector<16xf32>
        %add3A_965 = arith.addf %get3A_956, %mul3A_964 : vector<16xf32>
        %swap3A_966 = arith.constant 99 : i32
        %swap3A_967 = arith.index_cast %swap3A_966 : i32 to index
        %swap3A_968 = arith.constant 0 : index
        %swap3A_969 = tpu.vector_load %arg5[%swap3A_967, %swap3A_968] {strides = array<i32>} : memref<400x128xf32, #tpu.memory_space<vmem>>, vector<1x16xf32>,
        %swap3A_970 = vector.shape_cast %swap3A_969 : vector<1x16xf32> to vector<16xf32>
        %swap3A_971 = vector.shape_cast %add3A_965 : vector<16xf32> to vector<1x16xf32>
        tpu.vector_store %arg5[%swap3A_967, %swap3A_968], %swap3A_971 {strides = array<i32>} : memref<400x128xf32, #tpu.memory_space<vmem>>, vector<1x16xf32>,
        %get3A_972 = arith.constant 103 : i32
        %get3A_973 = arith.index_cast %get3A_972 : i32 to index
        %get3A_974 = arith.constant 16 : index
        %get3A_975 = tpu.vector_load %arg4[%get3A_973, %get3A_974] {strides = array<i32>} : memref<408x128xf32, #tpu.memory_space<vmem>>, vector<1x16xf32>,
        %get3A_976 = vector.shape_cast %get3A_975 : vector<1x16xf32> to vector<16xf32>
        %get3A_977 = arith.constant 102 : i32
        %get3A_978 = arith.index_cast %get3A_977 : i32 to index
        %get3A_979 = arith.constant 16 : index
        %get3A_980 = tpu.vector_load %arg4[%get3A_978, %get3A_979] {strides = array<i32>} : memref<408x128xf32, #tpu.memory_space<vmem>>, vector<1x16xf32>,
        %get3A_981 = vector.shape_cast %get3A_980 : vector<1x16xf32> to vector<16xf32>
        %mul3A_982 = arith.constant 0.0813658162 : f32
        %mul3A_983 = vector.broadcast %mul3A_982 : f32 to vector<16xf32>
        %mul3A_984 = arith.mulf %mul3A_983, %get3A_981 : vector<16xf32>
        %add3A_985 = arith.addf %get3A_976, %mul3A_984 : vector<16xf32>
        %swap3A_986 = arith.constant 99 : i32
        %swap3A_987 = arith.index_cast %swap3A_986 : i32 to index
        %swap3A_988 = arith.constant 16 : index
        %swap3A_989 = tpu.vector_load %arg5[%swap3A_987, %swap3A_988] {strides = array<i32>} : memref<400x128xf32, #tpu.memory_space<vmem>>, vector<1x16xf32>,
        %swap3A_990 = vector.shape_cast %swap3A_989 : vector<1x16xf32> to vector<16xf32>
        %swap3A_991 = vector.shape_cast %add3A_985 : vector<16xf32> to vector<1x16xf32>
        tpu.vector_store %arg5[%swap3A_987, %swap3A_988], %swap3A_991 {strides = array<i32>} : memref<400x128xf32, #tpu.memory_space<vmem>>, vector<1x16xf32>,
        %get3A_992 = arith.constant 103 : i32
        %get3A_993 = arith.index_cast %get3A_992 : i32 to index
        %get3A_994 = arith.constant 32 : index
        %get3A_995 = tpu.vector_load %arg4[%get3A_993, %get3A_994] {strides = array<i32>} : memref<408x128xf32, #tpu.memory_space<vmem>>, vector<1x16xf32>,
        %get3A_996 = vector.shape_cast %get3A_995 : vector<1x16xf32> to vector<16xf32>
        %get3A_997 = arith.constant 102 : i32
        %get3A_998 = arith.index_cast %get3A_997 : i32 to index
        %get3A_999 = arith.constant 32 : index
        %get3A_1000 = tpu.vector_load %arg4[%get3A_998, %get3A_999] {strides = array<i32>} : memref<408x128xf32, #tpu.memory_space<vmem>>, vector<1x16xf32>,
        %get3A_1001 = vector.shape_cast %get3A_1000 : vector<1x16xf32> to vector<16xf32>
        %mul3A_1002 = arith.constant 0.0813658162 : f32
        %mul3A_1003 = vector.broadcast %mul3A_1002 : f32 to vector<16xf32>
        %mul3A_1004 = arith.mulf %mul3A_1003, %get3A_1001 : vector<16xf32>
        %add3A_1005 = arith.addf %get3A_996, %mul3A_1004 : vector<16xf32>
        %swap3A_1006 = arith.constant 99 : i32
        %swap3A_1007 = arith.index_cast %swap3A_1006 : i32 to index
        %swap3A_1008 = arith.constant 32 : index
        %swap3A_1009 = tpu.vector_load %arg5[%swap3A_1007, %swap3A_1008] {strides = array<i32>} : memref<400x128xf32, #tpu.memory_space<vmem>>, vector<1x16xf32>,
        %swap3A_1010 = vector.shape_cast %swap3A_1009 : vector<1x16xf32> to vector<16xf32>
        %swap3A_1011 = vector.shape_cast %add3A_1005 : vector<16xf32> to vector<1x16xf32>
        tpu.vector_store %arg5[%swap3A_1007, %swap3A_1008], %swap3A_1011 {strides = array<i32>} : memref<400x128xf32, #tpu.memory_space<vmem>>, vector<1x16xf32>,
        %get3A_1012 = arith.constant 103 : i32
        %get3A_1013 = arith.index_cast %get3A_1012 : i32 to index
        %get3A_1014 = arith.constant 48 : index
        %get3A_1015 = tpu.vector_load %arg4[%get3A_1013, %get3A_1014] {strides = array<i32>} : memref<408x128xf32, #tpu.memory_space<vmem>>, vector<1x16xf32>,
        %get3A_1016 = vector.shape_cast %get3A_1015 : vector<1x16xf32> to vector<16xf32>
        %get3A_1017 = arith.constant 102 : i32
        %get3A_1018 = arith.index_cast %get3A_1017 : i32 to index
        %get3A_1019 = arith.constant 48 : index
        %get3A_1020 = tpu.vector_load %arg4[%get3A_1018, %get3A_1019] {strides = array<i32>} : memref<408x128xf32, #tpu.memory_space<vmem>>, vector<1x16xf32>,
        %get3A_1021 = vector.shape_cast %get3A_1020 : vector<1x16xf32> to vector<16xf32>
        %mul3A_1022 = arith.constant 0.0813658162 : f32
        %mul3A_1023 = vector.broadcast %mul3A_1022 : f32 to vector<16xf32>
        %mul3A_1024 = arith.mulf %mul3A_1023, %get3A_1021 : vector<16xf32>
        %add3A_1025 = arith.addf %get3A_1016, %mul3A_1024 : vector<16xf32>
        %swap3A_1026 = arith.constant 99 : i32
        %swap3A_1027 = arith.index_cast %swap3A_1026 : i32 to index
        %swap3A_1028 = arith.constant 48 : index
        %swap3A_1029 = tpu.vector_load %arg5[%swap3A_1027, %swap3A_1028] {strides = array<i32>} : memref<400x128xf32, #tpu.memory_space<vmem>>, vector<1x16xf32>,
        %swap3A_1030 = vector.shape_cast %swap3A_1029 : vector<1x16xf32> to vector<16xf32>
        %swap3A_1031 = vector.shape_cast %add3A_1025 : vector<16xf32> to vector<1x16xf32>
        tpu.vector_store %arg5[%swap3A_1027, %swap3A_1028], %swap3A_1031 {strides = array<i32>} : memref<400x128xf32, #tpu.memory_space<vmem>>, vector<1x16xf32>,
        %get3A_1032 = arith.constant 103 : i32
        %get3A_1033 = arith.index_cast %get3A_1032 : i32 to index
        %get3A_1034 = arith.constant 64 : index
        %get3A_1035 = tpu.vector_load %arg4[%get3A_1033, %get3A_1034] {strides = array<i32>} : memref<408x128xf32, #tpu.memory_space<vmem>>, vector<1x16xf32>,
        %get3A_1036 = vector.shape_cast %get3A_1035 : vector<1x16xf32> to vector<16xf32>
        %get3A_1037 = arith.constant 102 : i32
        %get3A_1038 = arith.index_cast %get3A_1037 : i32 to index
        %get3A_1039 = arith.constant 64 : index
        %get3A_1040 = tpu.vector_load %arg4[%get3A_1038, %get3A_1039] {strides = array<i32>} : memref<408x128xf32, #tpu.memory_space<vmem>>, vector<1x16xf32>,
        %get3A_1041 = vector.shape_cast %get3A_1040 : vector<1x16xf32> to vector<16xf32>
        %mul3A_1042 = arith.constant 0.0813658162 : f32
        %mul3A_1043 = vector.broadcast %mul3A_1042 : f32 to vector<16xf32>
        %mul3A_1044 = arith.mulf %mul3A_1043, %get3A_1041 : vector<16xf32>
        %add3A_1045 = arith.addf %get3A_1036, %mul3A_1044 : vector<16xf32>
        %swap3A_1046 = arith.constant 99 : i32
        %swap3A_1047 = arith.index_cast %swap3A_1046 : i32 to index
        %swap3A_1048 = arith.constant 64 : index
        %swap3A_1049 = tpu.vector_load %arg5[%swap3A_1047, %swap3A_1048] {strides = array<i32>} : memref<400x128xf32, #tpu.memory_space<vmem>>, vector<1x16xf32>,
        %swap3A_1050 = vector.shape_cast %swap3A_1049 : vector<1x16xf32> to vector<16xf32>
        %swap3A_1051 = vector.shape_cast %add3A_1045 : vector<16xf32> to vector<1x16xf32>
        tpu.vector_store %arg5[%swap3A_1047, %swap3A_1048], %swap3A_1051 {strides = array<i32>} : memref<400x128xf32, #tpu.memory_space<vmem>>, vector<1x16xf32>,
        %get3A_1052 = arith.constant 103 : i32
        %get3A_1053 = arith.index_cast %get3A_1052 : i32 to index
        %get3A_1054 = arith.constant 80 : index
        %get3A_1055 = tpu.vector_load %arg4[%get3A_1053, %get3A_1054] {strides = array<i32>} : memref<408x128xf32, #tpu.memory_space<vmem>>, vector<1x16xf32>,
        %get3A_1056 = vector.shape_cast %get3A_1055 : vector<1x16xf32> to vector<16xf32>
        %get3A_1057 = arith.constant 102 : i32
        %get3A_1058 = arith.index_cast %get3A_1057 : i32 to index
        %get3A_1059 = arith.constant 80 : index
        %get3A_1060 = tpu.vector_load %arg4[%get3A_1058, %get3A_1059] {strides = array<i32>} : memref<408x128xf32, #tpu.memory_space<vmem>>, vector<1x16xf32>,
        %get3A_1061 = vector.shape_cast %get3A_1060 : vector<1x16xf32> to vector<16xf32>
        %mul3A_1062 = arith.constant 0.0813658162 : f32
        %mul3A_1063 = vector.broadcast %mul3A_1062 : f32 to vector<16xf32>
        %mul3A_1064 = arith.mulf %mul3A_1063, %get3A_1061 : vector<16xf32>
        %add3A_1065 = arith.addf %get3A_1056, %mul3A_1064 : vector<16xf32>
        %swap3A_1066 = arith.constant 99 : i32
        %swap3A_1067 = arith.index_cast %swap3A_1066 : i32 to index
        %swap3A_1068 = arith.constant 80 : index
        %swap3A_1069 = tpu.vector_load %arg5[%swap3A_1067, %swap3A_1068] {strides = array<i32>} : memref<400x128xf32, #tpu.memory_space<vmem>>, vector<1x16xf32>,
        %swap3A_1070 = vector.shape_cast %swap3A_1069 : vector<1x16xf32> to vector<16xf32>
        %swap3A_1071 = vector.shape_cast %add3A_1065 : vector<16xf32> to vector<1x16xf32>
        tpu.vector_store %arg5[%swap3A_1067, %swap3A_1068], %swap3A_1071 {strides = array<i32>} : memref<400x128xf32, #tpu.memory_space<vmem>>, vector<1x16xf32>,
        %get3A_1072 = arith.constant 103 : i32
        %get3A_1073 = arith.index_cast %get3A_1072 : i32 to index
        %get3A_1074 = arith.constant 96 : index
        %get3A_1075 = tpu.vector_load %arg4[%get3A_1073, %get3A_1074] {strides = array<i32>} : memref<408x128xf32, #tpu.memory_space<vmem>>, vector<1x16xf32>,
        %get3A_1076 = vector.shape_cast %get3A_1075 : vector<1x16xf32> to vector<16xf32>
        %get3A_1077 = arith.constant 102 : i32
        %get3A_1078 = arith.index_cast %get3A_1077 : i32 to index
        %get3A_1079 = arith.constant 96 : index
        %get3A_1080 = tpu.vector_load %arg4[%get3A_1078, %get3A_1079] {strides = array<i32>} : memref<408x128xf32, #tpu.memory_space<vmem>>, vector<1x16xf32>,
        %get3A_1081 = vector.shape_cast %get3A_1080 : vector<1x16xf32> to vector<16xf32>
        %mul3A_1082 = arith.constant 0.0813658162 : f32
        %mul3A_1083 = vector.broadcast %mul3A_1082 : f32 to vector<16xf32>
        %mul3A_1084 = arith.mulf %mul3A_1083, %get3A_1081 : vector<16xf32>
        %add3A_1085 = arith.addf %get3A_1076, %mul3A_1084 : vector<16xf32>
        %swap3A_1086 = arith.constant 99 : i32
        %swap3A_1087 = arith.index_cast %swap3A_1086 : i32 to index
        %swap3A_1088 = arith.constant 96 : index
        %swap3A_1089 = tpu.vector_load %arg5[%swap3A_1087, %swap3A_1088] {strides = array<i32>} : memref<400x128xf32, #tpu.memory_space<vmem>>, vector<1x16xf32>,
        %swap3A_1090 = vector.shape_cast %swap3A_1089 : vector<1x16xf32> to vector<16xf32>
        %swap3A_1091 = vector.shape_cast %add3A_1085 : vector<16xf32> to vector<1x16xf32>
        tpu.vector_store %arg5[%swap3A_1087, %swap3A_1088], %swap3A_1091 {strides = array<i32>} : memref<400x128xf32, #tpu.memory_space<vmem>>, vector<1x16xf32>,
        %get3A_1092 = arith.constant 103 : i32
        %get3A_1093 = arith.index_cast %get3A_1092 : i32 to index
        %get3A_1094 = arith.constant 112 : index
        %get3A_1095 = tpu.vector_load %arg4[%get3A_1093, %get3A_1094] {strides = array<i32>} : memref<408x128xf32, #tpu.memory_space<vmem>>, vector<1x16xf32>,
        %get3A_1096 = vector.shape_cast %get3A_1095 : vector<1x16xf32> to vector<16xf32>
        %get3A_1097 = arith.constant 102 : i32
        %get3A_1098 = arith.index_cast %get3A_1097 : i32 to index
        %get3A_1099 = arith.constant 112 : index
        %get3A_1100 = tpu.vector_load %arg4[%get3A_1098, %get3A_1099] {strides = array<i32>} : memref<408x128xf32, #tpu.memory_space<vmem>>, vector<1x16xf32>,
        %get3A_1101 = vector.shape_cast %get3A_1100 : vector<1x16xf32> to vector<16xf32>
        %mul3A_1102 = arith.constant 0.0813658162 : f32
        %mul3A_1103 = vector.broadcast %mul3A_1102 : f32 to vector<16xf32>
        %mul3A_1104 = arith.mulf %mul3A_1103, %get3A_1101 : vector<16xf32>
        %add3A_1105 = arith.addf %get3A_1096, %mul3A_1104 : vector<16xf32>
        %swap3A_1106 = arith.constant 99 : i32
        %swap3A_1107 = arith.index_cast %swap3A_1106 : i32 to index
        %swap3A_1108 = arith.constant 112 : index
        %swap3A_1109 = tpu.vector_load %arg5[%swap3A_1107, %swap3A_1108] {strides = array<i32>} : memref<400x128xf32, #tpu.memory_space<vmem>>, vector<1x16xf32>,
        %swap3A_1110 = vector.shape_cast %swap3A_1109 : vector<1x16xf32> to vector<16xf32>
        %swap3A_1111 = vector.shape_cast %add3A_1105 : vector<16xf32> to vector<1x16xf32>
        tpu.vector_store %arg5[%swap3A_1107, %swap3A_1108], %swap3A_1111 {strides = array<i32>} : memref<400x128xf32, #tpu.memory_space<vmem>>, vector<1x16xf32>,
        %get3A_1112 = arith.constant 203 : i32
        %get3A_1113 = arith.index_cast %get3A_1112 : i32 to index
        %get3A_1114 = arith.constant 0 : index
        %get3A_1115 = tpu.vector_load %arg4[%get3A_1113, %get3A_1114] {strides = array<i32>} : memref<408x128xf32, #tpu.memory_space<vmem>>, vector<1x16xf32>,
        %get3A_1116 = vector.shape_cast %get3A_1115 : vector<1x16xf32> to vector<16xf32>
        %get3A_1117 = arith.constant 202 : i32
        %get3A_1118 = arith.index_cast %get3A_1117 : i32 to index
        %get3A_1119 = arith.constant 0 : index
        %get3A_1120 = tpu.vector_load %arg4[%get3A_1118, %get3A_1119] {strides = array<i32>} : memref<408x128xf32, #tpu.memory_space<vmem>>, vector<1x16xf32>,
        %get3A_1121 = vector.shape_cast %get3A_1120 : vector<1x16xf32> to vector<16xf32>
        %mul3A_1122 = arith.constant 0.0813658162 : f32
        %mul3A_1123 = vector.broadcast %mul3A_1122 : f32 to vector<16xf32>
        %mul3A_1124 = arith.mulf %mul3A_1123, %get3A_1121 : vector<16xf32>
        %add3A_1125 = arith.addf %get3A_1116, %mul3A_1124 : vector<16xf32>
        %swap3A_1126 = arith.constant 199 : i32
        %swap3A_1127 = arith.index_cast %swap3A_1126 : i32 to index
        %swap3A_1128 = arith.constant 0 : index
        %swap3A_1129 = tpu.vector_load %arg5[%swap3A_1127, %swap3A_1128] {strides = array<i32>} : memref<400x128xf32, #tpu.memory_space<vmem>>, vector<1x16xf32>,
        %swap3A_1130 = vector.shape_cast %swap3A_1129 : vector<1x16xf32> to vector<16xf32>
        %swap3A_1131 = vector.shape_cast %add3A_1125 : vector<16xf32> to vector<1x16xf32>
        tpu.vector_store %arg5[%swap3A_1127, %swap3A_1128], %swap3A_1131 {strides = array<i32>} : memref<400x128xf32, #tpu.memory_space<vmem>>, vector<1x16xf32>,
        %get3A_1132 = arith.constant 203 : i32
        %get3A_1133 = arith.index_cast %get3A_1132 : i32 to index
        %get3A_1134 = arith.constant 16 : index
        %get3A_1135 = tpu.vector_load %arg4[%get3A_1133, %get3A_1134] {strides = array<i32>} : memref<408x128xf32, #tpu.memory_space<vmem>>, vector<1x16xf32>,
        %get3A_1136 = vector.shape_cast %get3A_1135 : vector<1x16xf32> to vector<16xf32>
        %get3A_1137 = arith.constant 202 : i32
        %get3A_1138 = arith.index_cast %get3A_1137 : i32 to index
        %get3A_1139 = arith.constant 16 : index
        %get3A_1140 = tpu.vector_load %arg4[%get3A_1138, %get3A_1139] {strides = array<i32>} : memref<408x128xf32, #tpu.memory_space<vmem>>, vector<1x16xf32>,
        %get3A_1141 = vector.shape_cast %get3A_1140 : vector<1x16xf32> to vector<16xf32>
        %mul3A_1142 = arith.constant 0.0813658162 : f32
        %mul3A_1143 = vector.broadcast %mul3A_1142 : f32 to vector<16xf32>
        %mul3A_1144 = arith.mulf %mul3A_1143, %get3A_1141 : vector<16xf32>
        %add3A_1145 = arith.addf %get3A_1136, %mul3A_1144 : vector<16xf32>
        %swap3A_1146 = arith.constant 199 : i32
        %swap3A_1147 = arith.index_cast %swap3A_1146 : i32 to index
        %swap3A_1148 = arith.constant 16 : index
        %swap3A_1149 = tpu.vector_load %arg5[%swap3A_1147, %swap3A_1148] {strides = array<i32>} : memref<400x128xf32, #tpu.memory_space<vmem>>, vector<1x16xf32>,
        %swap3A_1150 = vector.shape_cast %swap3A_1149 : vector<1x16xf32> to vector<16xf32>
        %swap3A_1151 = vector.shape_cast %add3A_1145 : vector<16xf32> to vector<1x16xf32>
        tpu.vector_store %arg5[%swap3A_1147, %swap3A_1148], %swap3A_1151 {strides = array<i32>} : memref<400x128xf32, #tpu.memory_space<vmem>>, vector<1x16xf32>,
        %get3A_1152 = arith.constant 203 : i32
        %get3A_1153 = arith.index_cast %get3A_1152 : i32 to index
        %get3A_1154 = arith.constant 32 : index
        %get3A_1155 = tpu.vector_load %arg4[%get3A_1153, %get3A_1154] {strides = array<i32>} : memref<408x128xf32, #tpu.memory_space<vmem>>, vector<1x16xf32>,
        %get3A_1156 = vector.shape_cast %get3A_1155 : vector<1x16xf32> to vector<16xf32>
        %get3A_1157 = arith.constant 202 : i32
        %get3A_1158 = arith.index_cast %get3A_1157 : i32 to index
        %get3A_1159 = arith.constant 32 : index
        %get3A_1160 = tpu.vector_load %arg4[%get3A_1158, %get3A_1159] {strides = array<i32>} : memref<408x128xf32, #tpu.memory_space<vmem>>, vector<1x16xf32>,
        %get3A_1161 = vector.shape_cast %get3A_1160 : vector<1x16xf32> to vector<16xf32>
        %mul3A_1162 = arith.constant 0.0813658162 : f32
        %mul3A_1163 = vector.broadcast %mul3A_1162 : f32 to vector<16xf32>
        %mul3A_1164 = arith.mulf %mul3A_1163, %get3A_1161 : vector<16xf32>
        %add3A_1165 = arith.addf %get3A_1156, %mul3A_1164 : vector<16xf32>
        %swap3A_1166 = arith.constant 199 : i32
        %swap3A_1167 = arith.index_cast %swap3A_1166 : i32 to index
        %swap3A_1168 = arith.constant 32 : index
        %swap3A_1169 = tpu.vector_load %arg5[%swap3A_1167, %swap3A_1168] {strides = array<i32>} : memref<400x128xf32, #tpu.memory_space<vmem>>, vector<1x16xf32>,
        %swap3A_1170 = vector.shape_cast %swap3A_1169 : vector<1x16xf32> to vector<16xf32>
        %swap3A_1171 = vector.shape_cast %add3A_1165 : vector<16xf32> to vector<1x16xf32>
        tpu.vector_store %arg5[%swap3A_1167, %swap3A_1168], %swap3A_1171 {strides = array<i32>} : memref<400x128xf32, #tpu.memory_space<vmem>>, vector<1x16xf32>,
        %get3A_1172 = arith.constant 203 : i32
        %get3A_1173 = arith.index_cast %get3A_1172 : i32 to index
        %get3A_1174 = arith.constant 48 : index
        %get3A_1175 = tpu.vector_load %arg4[%get3A_1173, %get3A_1174] {strides = array<i32>} : memref<408x128xf32, #tpu.memory_space<vmem>>, vector<1x16xf32>,
        %get3A_1176 = vector.shape_cast %get3A_1175 : vector<1x16xf32> to vector<16xf32>
        %get3A_1177 = arith.constant 202 : i32
        %get3A_1178 = arith.index_cast %get3A_1177 : i32 to index
        %get3A_1179 = arith.constant 48 : index
        %get3A_1180 = tpu.vector_load %arg4[%get3A_1178, %get3A_1179] {strides = array<i32>} : memref<408x128xf32, #tpu.memory_space<vmem>>, vector<1x16xf32>,
        %get3A_1181 = vector.shape_cast %get3A_1180 : vector<1x16xf32> to vector<16xf32>
        %mul3A_1182 = arith.constant 0.0813658162 : f32
        %mul3A_1183 = vector.broadcast %mul3A_1182 : f32 to vector<16xf32>
        %mul3A_1184 = arith.mulf %mul3A_1183, %get3A_1181 : vector<16xf32>
        %add3A_1185 = arith.addf %get3A_1176, %mul3A_1184 : vector<16xf32>
        %swap3A_1186 = arith.constant 199 : i32
        %swap3A_1187 = arith.index_cast %swap3A_1186 : i32 to index
        %swap3A_1188 = arith.constant 48 : index
        %swap3A_1189 = tpu.vector_load %arg5[%swap3A_1187, %swap3A_1188] {strides = array<i32>} : memref<400x128xf32, #tpu.memory_space<vmem>>, vector<1x16xf32>,
        %swap3A_1190 = vector.shape_cast %swap3A_1189 : vector<1x16xf32> to vector<16xf32>
        %swap3A_1191 = vector.shape_cast %add3A_1185 : vector<16xf32> to vector<1x16xf32>
        tpu.vector_store %arg5[%swap3A_1187, %swap3A_1188], %swap3A_1191 {strides = array<i32>} : memref<400x128xf32, #tpu.memory_space<vmem>>, vector<1x16xf32>,
        %get3A_1192 = arith.constant 203 : i32
        %get3A_1193 = arith.index_cast %get3A_1192 : i32 to index
        %get3A_1194 = arith.constant 64 : index
        %get3A_1195 = tpu.vector_load %arg4[%get3A_1193, %get3A_1194] {strides = array<i32>} : memref<408x128xf32, #tpu.memory_space<vmem>>, vector<1x16xf32>,
        %get3A_1196 = vector.shape_cast %get3A_1195 : vector<1x16xf32> to vector<16xf32>
        %get3A_1197 = arith.constant 202 : i32
        %get3A_1198 = arith.index_cast %get3A_1197 : i32 to index
        %get3A_1199 = arith.constant 64 : index
        %get3A_1200 = tpu.vector_load %arg4[%get3A_1198, %get3A_1199] {strides = array<i32>} : memref<408x128xf32, #tpu.memory_space<vmem>>, vector<1x16xf32>,
        %get3A_1201 = vector.shape_cast %get3A_1200 : vector<1x16xf32> to vector<16xf32>
        %mul3A_1202 = arith.constant 0.0813658162 : f32
        %mul3A_1203 = vector.broadcast %mul3A_1202 : f32 to vector<16xf32>
        %mul3A_1204 = arith.mulf %mul3A_1203, %get3A_1201 : vector<16xf32>
        %add3A_1205 = arith.addf %get3A_1196, %mul3A_1204 : vector<16xf32>
        %swap3A_1206 = arith.constant 199 : i32
        %swap3A_1207 = arith.index_cast %swap3A_1206 : i32 to index
        %swap3A_1208 = arith.constant 64 : index
        %swap3A_1209 = tpu.vector_load %arg5[%swap3A_1207, %swap3A_1208] {strides = array<i32>} : memref<400x128xf32, #tpu.memory_space<vmem>>, vector<1x16xf32>,
        %swap3A_1210 = vector.shape_cast %swap3A_1209 : vector<1x16xf32> to vector<16xf32>
        %swap3A_1211 = vector.shape_cast %add3A_1205 : vector<16xf32> to vector<1x16xf32>
        tpu.vector_store %arg5[%swap3A_1207, %swap3A_1208], %swap3A_1211 {strides = array<i32>} : memref<400x128xf32, #tpu.memory_space<vmem>>, vector<1x16xf32>,
        %get3A_1212 = arith.constant 203 : i32
        %get3A_1213 = arith.index_cast %get3A_1212 : i32 to index
        %get3A_1214 = arith.constant 80 : index
        %get3A_1215 = tpu.vector_load %arg4[%get3A_1213, %get3A_1214] {strides = array<i32>} : memref<408x128xf32, #tpu.memory_space<vmem>>, vector<1x16xf32>,
        %get3A_1216 = vector.shape_cast %get3A_1215 : vector<1x16xf32> to vector<16xf32>
        %get3A_1217 = arith.constant 202 : i32
        %get3A_1218 = arith.index_cast %get3A_1217 : i32 to index
        %get3A_1219 = arith.constant 80 : index
        %get3A_1220 = tpu.vector_load %arg4[%get3A_1218, %get3A_1219] {strides = array<i32>} : memref<408x128xf32, #tpu.memory_space<vmem>>, vector<1x16xf32>,
        %get3A_1221 = vector.shape_cast %get3A_1220 : vector<1x16xf32> to vector<16xf32>
        %mul3A_1222 = arith.constant 0.0813658162 : f32
        %mul3A_1223 = vector.broadcast %mul3A_1222 : f32 to vector<16xf32>
        %mul3A_1224 = arith.mulf %mul3A_1223, %get3A_1221 : vector<16xf32>
        %add3A_1225 = arith.addf %get3A_1216, %mul3A_1224 : vector<16xf32>
        %swap3A_1226 = arith.constant 199 : i32
        %swap3A_1227 = arith.index_cast %swap3A_1226 : i32 to index
        %swap3A_1228 = arith.constant 80 : index
        %swap3A_1229 = tpu.vector_load %arg5[%swap3A_1227, %swap3A_1228] {strides = array<i32>} : memref<400x128xf32, #tpu.memory_space<vmem>>, vector<1x16xf32>,
        %swap3A_1230 = vector.shape_cast %swap3A_1229 : vector<1x16xf32> to vector<16xf32>
        %swap3A_1231 = vector.shape_cast %add3A_1225 : vector<16xf32> to vector<1x16xf32>
        tpu.vector_store %arg5[%swap3A_1227, %swap3A_1228], %swap3A_1231 {strides = array<i32>} : memref<400x128xf32, #tpu.memory_space<vmem>>, vector<1x16xf32>,
        %get3A_1232 = arith.constant 203 : i32
        %get3A_1233 = arith.index_cast %get3A_1232 : i32 to index
        %get3A_1234 = arith.constant 96 : index
        %get3A_1235 = tpu.vector_load %arg4[%get3A_1233, %get3A_1234] {strides = array<i32>} : memref<408x128xf32, #tpu.memory_space<vmem>>, vector<1x16xf32>,
        %get3A_1236 = vector.shape_cast %get3A_1235 : vector<1x16xf32> to vector<16xf32>
        %get3A_1237 = arith.constant 202 : i32
        %get3A_1238 = arith.index_cast %get3A_1237 : i32 to index
        %get3A_1239 = arith.constant 96 : index
        %get3A_1240 = tpu.vector_load %arg4[%get3A_1238, %get3A_1239] {strides = array<i32>} : memref<408x128xf32, #tpu.memory_space<vmem>>, vector<1x16xf32>,
        %get3A_1241 = vector.shape_cast %get3A_1240 : vector<1x16xf32> to vector<16xf32>
        %mul3A_1242 = arith.constant 0.0813658162 : f32
        %mul3A_1243 = vector.broadcast %mul3A_1242 : f32 to vector<16xf32>
        %mul3A_1244 = arith.mulf %mul3A_1243, %get3A_1241 : vector<16xf32>
        %add3A_1245 = arith.addf %get3A_1236, %mul3A_1244 : vector<16xf32>
        %swap3A_1246 = arith.constant 199 : i32
        %swap3A_1247 = arith.index_cast %swap3A_1246 : i32 to index
        %swap3A_1248 = arith.constant 96 : index
        %swap3A_1249 = tpu.vector_load %arg5[%swap3A_1247, %swap3A_1248] {strides = array<i32>} : memref<400x128xf32, #tpu.memory_space<vmem>>, vector<1x16xf32>,
        %swap3A_1250 = vector.shape_cast %swap3A_1249 : vector<1x16xf32> to vector<16xf32>
        %swap3A_1251 = vector.shape_cast %add3A_1245 : vector<16xf32> to vector<1x16xf32>
        tpu.vector_store %arg5[%swap3A_1247, %swap3A_1248], %swap3A_1251 {strides = array<i32>} : memref<400x128xf32, #tpu.memory_space<vmem>>, vector<1x16xf32>,
        %get3A_1252 = arith.constant 203 : i32
        %get3A_1253 = arith.index_cast %get3A_1252 : i32 to index
        %get3A_1254 = arith.constant 112 : index
        %get3A_1255 = tpu.vector_load %arg4[%get3A_1253, %get3A_1254] {strides = array<i32>} : memref<408x128xf32, #tpu.memory_space<vmem>>, vector<1x16xf32>,
        %get3A_1256 = vector.shape_cast %get3A_1255 : vector<1x16xf32> to vector<16xf32>
        %get3A_1257 = arith.constant 202 : i32
        %get3A_1258 = arith.index_cast %get3A_1257 : i32 to index
        %get3A_1259 = arith.constant 112 : index
        %get3A_1260 = tpu.vector_load %arg4[%get3A_1258, %get3A_1259] {strides = array<i32>} : memref<408x128xf32, #tpu.memory_space<vmem>>, vector<1x16xf32>,
        %get3A_1261 = vector.shape_cast %get3A_1260 : vector<1x16xf32> to vector<16xf32>
        %mul3A_1262 = arith.constant 0.0813658162 : f32
        %mul3A_1263 = vector.broadcast %mul3A_1262 : f32 to vector<16xf32>
        %mul3A_1264 = arith.mulf %mul3A_1263, %get3A_1261 : vector<16xf32>
        %add3A_1265 = arith.addf %get3A_1256, %mul3A_1264 : vector<16xf32>
        %swap3A_1266 = arith.constant 199 : i32
        %swap3A_1267 = arith.index_cast %swap3A_1266 : i32 to index
        %swap3A_1268 = arith.constant 112 : index
        %swap3A_1269 = tpu.vector_load %arg5[%swap3A_1267, %swap3A_1268] {strides = array<i32>} : memref<400x128xf32, #tpu.memory_space<vmem>>, vector<1x16xf32>,
        %swap3A_1270 = vector.shape_cast %swap3A_1269 : vector<1x16xf32> to vector<16xf32>
        %swap3A_1271 = vector.shape_cast %add3A_1265 : vector<16xf32> to vector<1x16xf32>
        tpu.vector_store %arg5[%swap3A_1267, %swap3A_1268], %swap3A_1271 {strides = array<i32>} : memref<400x128xf32, #tpu.memory_space<vmem>>, vector<1x16xf32>,
        %get3A_1272 = arith.constant 303 : i32
        %get3A_1273 = arith.index_cast %get3A_1272 : i32 to index
        %get3A_1274 = arith.constant 0 : index
        %get3A_1275 = tpu.vector_load %arg4[%get3A_1273, %get3A_1274] {strides = array<i32>} : memref<408x128xf32, #tpu.memory_space<vmem>>, vector<1x16xf32>,
        %get3A_1276 = vector.shape_cast %get3A_1275 : vector<1x16xf32> to vector<16xf32>
        %get3A_1277 = arith.constant 302 : i32
        %get3A_1278 = arith.index_cast %get3A_1277 : i32 to index
        %get3A_1279 = arith.constant 0 : index
        %get3A_1280 = tpu.vector_load %arg4[%get3A_1278, %get3A_1279] {strides = array<i32>} : memref<408x128xf32, #tpu.memory_space<vmem>>, vector<1x16xf32>,
        %get3A_1281 = vector.shape_cast %get3A_1280 : vector<1x16xf32> to vector<16xf32>
        %mul3A_1282 = arith.constant 0.0813658162 : f32
        %mul3A_1283 = vector.broadcast %mul3A_1282 : f32 to vector<16xf32>
        %mul3A_1284 = arith.mulf %mul3A_1283, %get3A_1281 : vector<16xf32>
        %add3A_1285 = arith.addf %get3A_1276, %mul3A_1284 : vector<16xf32>
        %swap3A_1286 = arith.constant 299 : i32
        %swap3A_1287 = arith.index_cast %swap3A_1286 : i32 to index
        %swap3A_1288 = arith.constant 0 : index
        %swap3A_1289 = tpu.vector_load %arg5[%swap3A_1287, %swap3A_1288] {strides = array<i32>} : memref<400x128xf32, #tpu.memory_space<vmem>>, vector<1x16xf32>,
        %swap3A_1290 = vector.shape_cast %swap3A_1289 : vector<1x16xf32> to vector<16xf32>
        %swap3A_1291 = vector.shape_cast %add3A_1285 : vector<16xf32> to vector<1x16xf32>
        tpu.vector_store %arg5[%swap3A_1287, %swap3A_1288], %swap3A_1291 {strides = array<i32>} : memref<400x128xf32, #tpu.memory_space<vmem>>, vector<1x16xf32>,
        %get3A_1292 = arith.constant 303 : i32
        %get3A_1293 = arith.index_cast %get3A_1292 : i32 to index
        %get3A_1294 = arith.constant 16 : index
        %get3A_1295 = tpu.vector_load %arg4[%get3A_1293, %get3A_1294] {strides = array<i32>} : memref<408x128xf32, #tpu.memory_space<vmem>>, vector<1x16xf32>,
        %get3A_1296 = vector.shape_cast %get3A_1295 : vector<1x16xf32> to vector<16xf32>
        %get3A_1297 = arith.constant 302 : i32
        %get3A_1298 = arith.index_cast %get3A_1297 : i32 to index
        %get3A_1299 = arith.constant 16 : index
        %get3A_1300 = tpu.vector_load %arg4[%get3A_1298, %get3A_1299] {strides = array<i32>} : memref<408x128xf32, #tpu.memory_space<vmem>>, vector<1x16xf32>,
        %get3A_1301 = vector.shape_cast %get3A_1300 : vector<1x16xf32> to vector<16xf32>
        %mul3A_1302 = arith.constant 0.0813658162 : f32
        %mul3A_1303 = vector.broadcast %mul3A_1302 : f32 to vector<16xf32>
        %mul3A_1304 = arith.mulf %mul3A_1303, %get3A_1301 : vector<16xf32>
        %add3A_1305 = arith.addf %get3A_1296, %mul3A_1304 : vector<16xf32>
        %swap3A_1306 = arith.constant 299 : i32
        %swap3A_1307 = arith.index_cast %swap3A_1306 : i32 to index
        %swap3A_1308 = arith.constant 16 : index
        %swap3A_1309 = tpu.vector_load %arg5[%swap3A_1307, %swap3A_1308] {strides = array<i32>} : memref<400x128xf32, #tpu.memory_space<vmem>>, vector<1x16xf32>,
        %swap3A_1310 = vector.shape_cast %swap3A_1309 : vector<1x16xf32> to vector<16xf32>
        %swap3A_1311 = vector.shape_cast %add3A_1305 : vector<16xf32> to vector<1x16xf32>
        tpu.vector_store %arg5[%swap3A_1307, %swap3A_1308], %swap3A_1311 {strides = array<i32>} : memref<400x128xf32, #tpu.memory_space<vmem>>, vector<1x16xf32>,
        %get3A_1312 = arith.constant 303 : i32
        %get3A_1313 = arith.index_cast %get3A_1312 : i32 to index
        %get3A_1314 = arith.constant 32 : index
        %get3A_1315 = tpu.vector_load %arg4[%get3A_1313, %get3A_1314] {strides = array<i32>} : memref<408x128xf32, #tpu.memory_space<vmem>>, vector<1x16xf32>,
        %get3A_1316 = vector.shape_cast %get3A_1315 : vector<1x16xf32> to vector<16xf32>
        %get3A_1317 = arith.constant 302 : i32
        %get3A_1318 = arith.index_cast %get3A_1317 : i32 to index
        %get3A_1319 = arith.constant 32 : index
        %get3A_1320 = tpu.vector_load %arg4[%get3A_1318, %get3A_1319] {strides = array<i32>} : memref<408x128xf32, #tpu.memory_space<vmem>>, vector<1x16xf32>,
        %get3A_1321 = vector.shape_cast %get3A_1320 : vector<1x16xf32> to vector<16xf32>
        %mul3A_1322 = arith.constant 0.0813658162 : f32
        %mul3A_1323 = vector.broadcast %mul3A_1322 : f32 to vector<16xf32>
        %mul3A_1324 = arith.mulf %mul3A_1323, %get3A_1321 : vector<16xf32>
        %add3A_1325 = arith.addf %get3A_1316, %mul3A_1324 : vector<16xf32>
        %swap3A_1326 = arith.constant 299 : i32
        %swap3A_1327 = arith.index_cast %swap3A_1326 : i32 to index
        %swap3A_1328 = arith.constant 32 : index
        %swap3A_1329 = tpu.vector_load %arg5[%swap3A_1327, %swap3A_1328] {strides = array<i32>} : memref<400x128xf32, #tpu.memory_space<vmem>>, vector<1x16xf32>,
        %swap3A_1330 = vector.shape_cast %swap3A_1329 : vector<1x16xf32> to vector<16xf32>
        %swap3A_1331 = vector.shape_cast %add3A_1325 : vector<16xf32> to vector<1x16xf32>
        tpu.vector_store %arg5[%swap3A_1327, %swap3A_1328], %swap3A_1331 {strides = array<i32>} : memref<400x128xf32, #tpu.memory_space<vmem>>, vector<1x16xf32>,
        %get3A_1332 = arith.constant 303 : i32
        %get3A_1333 = arith.index_cast %get3A_1332 : i32 to index
        %get3A_1334 = arith.constant 48 : index
        %get3A_1335 = tpu.vector_load %arg4[%get3A_1333, %get3A_1334] {strides = array<i32>} : memref<408x128xf32, #tpu.memory_space<vmem>>, vector<1x16xf32>,
        %get3A_1336 = vector.shape_cast %get3A_1335 : vector<1x16xf32> to vector<16xf32>
        %get3A_1337 = arith.constant 302 : i32
        %get3A_1338 = arith.index_cast %get3A_1337 : i32 to index
        %get3A_1339 = arith.constant 48 : index
        %get3A_1340 = tpu.vector_load %arg4[%get3A_1338, %get3A_1339] {strides = array<i32>} : memref<408x128xf32, #tpu.memory_space<vmem>>, vector<1x16xf32>,
        %get3A_1341 = vector.shape_cast %get3A_1340 : vector<1x16xf32> to vector<16xf32>
        %mul3A_1342 = arith.constant 0.0813658162 : f32
        %mul3A_1343 = vector.broadcast %mul3A_1342 : f32 to vector<16xf32>
        %mul3A_1344 = arith.mulf %mul3A_1343, %get3A_1341 : vector<16xf32>
        %add3A_1345 = arith.addf %get3A_1336, %mul3A_1344 : vector<16xf32>
        %swap3A_1346 = arith.constant 299 : i32
        %swap3A_1347 = arith.index_cast %swap3A_1346 : i32 to index
        %swap3A_1348 = arith.constant 48 : index
        %swap3A_1349 = tpu.vector_load %arg5[%swap3A_1347, %swap3A_1348] {strides = array<i32>} : memref<400x128xf32, #tpu.memory_space<vmem>>, vector<1x16xf32>,
        %swap3A_1350 = vector.shape_cast %swap3A_1349 : vector<1x16xf32> to vector<16xf32>
        %swap3A_1351 = vector.shape_cast %add3A_1345 : vector<16xf32> to vector<1x16xf32>
        tpu.vector_store %arg5[%swap3A_1347, %swap3A_1348], %swap3A_1351 {strides = array<i32>} : memref<400x128xf32, #tpu.memory_space<vmem>>, vector<1x16xf32>,
        %get3A_1352 = arith.constant 303 : i32
        %get3A_1353 = arith.index_cast %get3A_1352 : i32 to index
        %get3A_1354 = arith.constant 64 : index
        %get3A_1355 = tpu.vector_load %arg4[%get3A_1353, %get3A_1354] {strides = array<i32>} : memref<408x128xf32, #tpu.memory_space<vmem>>, vector<1x16xf32>,
        %get3A_1356 = vector.shape_cast %get3A_1355 : vector<1x16xf32> to vector<16xf32>
        %get3A_1357 = arith.constant 302 : i32
        %get3A_1358 = arith.index_cast %get3A_1357 : i32 to index
        %get3A_1359 = arith.constant 64 : index
        %get3A_1360 = tpu.vector_load %arg4[%get3A_1358, %get3A_1359] {strides = array<i32>} : memref<408x128xf32, #tpu.memory_space<vmem>>, vector<1x16xf32>,
        %get3A_1361 = vector.shape_cast %get3A_1360 : vector<1x16xf32> to vector<16xf32>
        %mul3A_1362 = arith.constant 0.0813658162 : f32
        %mul3A_1363 = vector.broadcast %mul3A_1362 : f32 to vector<16xf32>
        %mul3A_1364 = arith.mulf %mul3A_1363, %get3A_1361 : vector<16xf32>
        %add3A_1365 = arith.addf %get3A_1356, %mul3A_1364 : vector<16xf32>
        %swap3A_1366 = arith.constant 299 : i32
        %swap3A_1367 = arith.index_cast %swap3A_1366 : i32 to index
        %swap3A_1368 = arith.constant 64 : index
        %swap3A_1369 = tpu.vector_load %arg5[%swap3A_1367, %swap3A_1368] {strides = array<i32>} : memref<400x128xf32, #tpu.memory_space<vmem>>, vector<1x16xf32>,
        %swap3A_1370 = vector.shape_cast %swap3A_1369 : vector<1x16xf32> to vector<16xf32>
        %swap3A_1371 = vector.shape_cast %add3A_1365 : vector<16xf32> to vector<1x16xf32>
        tpu.vector_store %arg5[%swap3A_1367, %swap3A_1368], %swap3A_1371 {strides = array<i32>} : memref<400x128xf32, #tpu.memory_space<vmem>>, vector<1x16xf32>,
        %get3A_1372 = arith.constant 303 : i32
        %get3A_1373 = arith.index_cast %get3A_1372 : i32 to index
        %get3A_1374 = arith.constant 80 : index
        %get3A_1375 = tpu.vector_load %arg4[%get3A_1373, %get3A_1374] {strides = array<i32>} : memref<408x128xf32, #tpu.memory_space<vmem>>, vector<1x16xf32>,
        %get3A_1376 = vector.shape_cast %get3A_1375 : vector<1x16xf32> to vector<16xf32>
        %get3A_1377 = arith.constant 302 : i32
        %get3A_1378 = arith.index_cast %get3A_1377 : i32 to index
        %get3A_1379 = arith.constant 80 : index
        %get3A_1380 = tpu.vector_load %arg4[%get3A_1378, %get3A_1379] {strides = array<i32>} : memref<408x128xf32, #tpu.memory_space<vmem>>, vector<1x16xf32>,
        %get3A_1381 = vector.shape_cast %get3A_1380 : vector<1x16xf32> to vector<16xf32>
        %mul3A_1382 = arith.constant 0.0813658162 : f32
        %mul3A_1383 = vector.broadcast %mul3A_1382 : f32 to vector<16xf32>
        %mul3A_1384 = arith.mulf %mul3A_1383, %get3A_1381 : vector<16xf32>
        %add3A_1385 = arith.addf %get3A_1376, %mul3A_1384 : vector<16xf32>
        %swap3A_1386 = arith.constant 299 : i32
        %swap3A_1387 = arith.index_cast %swap3A_1386 : i32 to index
        %swap3A_1388 = arith.constant 80 : index
        %swap3A_1389 = tpu.vector_load %arg5[%swap3A_1387, %swap3A_1388] {strides = array<i32>} : memref<400x128xf32, #tpu.memory_space<vmem>>, vector<1x16xf32>,
        %swap3A_1390 = vector.shape_cast %swap3A_1389 : vector<1x16xf32> to vector<16xf32>
        %swap3A_1391 = vector.shape_cast %add3A_1385 : vector<16xf32> to vector<1x16xf32>
        tpu.vector_store %arg5[%swap3A_1387, %swap3A_1388], %swap3A_1391 {strides = array<i32>} : memref<400x128xf32, #tpu.memory_space<vmem>>, vector<1x16xf32>,
        %get3A_1392 = arith.constant 303 : i32
        %get3A_1393 = arith.index_cast %get3A_1392 : i32 to index
        %get3A_1394 = arith.constant 96 : index
        %get3A_1395 = tpu.vector_load %arg4[%get3A_1393, %get3A_1394] {strides = array<i32>} : memref<408x128xf32, #tpu.memory_space<vmem>>, vector<1x16xf32>,
        %get3A_1396 = vector.shape_cast %get3A_1395 : vector<1x16xf32> to vector<16xf32>
        %get3A_1397 = arith.constant 302 : i32
        %get3A_1398 = arith.index_cast %get3A_1397 : i32 to index
        %get3A_1399 = arith.constant 96 : index
        %get3A_1400 = tpu.vector_load %arg4[%get3A_1398, %get3A_1399] {strides = array<i32>} : memref<408x128xf32, #tpu.memory_space<vmem>>, vector<1x16xf32>,
        %get3A_1401 = vector.shape_cast %get3A_1400 : vector<1x16xf32> to vector<16xf32>
        %mul3A_1402 = arith.constant 0.0813658162 : f32
        %mul3A_1403 = vector.broadcast %mul3A_1402 : f32 to vector<16xf32>
        %mul3A_1404 = arith.mulf %mul3A_1403, %get3A_1401 : vector<16xf32>
        %add3A_1405 = arith.addf %get3A_1396, %mul3A_1404 : vector<16xf32>
        %swap3A_1406 = arith.constant 299 : i32
        %swap3A_1407 = arith.index_cast %swap3A_1406 : i32 to index
        %swap3A_1408 = arith.constant 96 : index
        %swap3A_1409 = tpu.vector_load %arg5[%swap3A_1407, %swap3A_1408] {strides = array<i32>} : memref<400x128xf32, #tpu.memory_space<vmem>>, vector<1x16xf32>,
        %swap3A_1410 = vector.shape_cast %swap3A_1409 : vector<1x16xf32> to vector<16xf32>
        %swap3A_1411 = vector.shape_cast %add3A_1405 : vector<16xf32> to vector<1x16xf32>
        tpu.vector_store %arg5[%swap3A_1407, %swap3A_1408], %swap3A_1411 {strides = array<i32>} : memref<400x128xf32, #tpu.memory_space<vmem>>, vector<1x16xf32>,
        %get3A_1412 = arith.constant 303 : i32
        %get3A_1413 = arith.index_cast %get3A_1412 : i32 to index
        %get3A_1414 = arith.constant 112 : index
        %get3A_1415 = tpu.vector_load %arg4[%get3A_1413, %get3A_1414] {strides = array<i32>} : memref<408x128xf32, #tpu.memory_space<vmem>>, vector<1x16xf32>,
        %get3A_1416 = vector.shape_cast %get3A_1415 : vector<1x16xf32> to vector<16xf32>
        %get3A_1417 = arith.constant 302 : i32
        %get3A_1418 = arith.index_cast %get3A_1417 : i32 to index
        %get3A_1419 = arith.constant 112 : index
        %get3A_1420 = tpu.vector_load %arg4[%get3A_1418, %get3A_1419] {strides = array<i32>} : memref<408x128xf32, #tpu.memory_space<vmem>>, vector<1x16xf32>,
        %get3A_1421 = vector.shape_cast %get3A_1420 : vector<1x16xf32> to vector<16xf32>
        %mul3A_1422 = arith.constant 0.0813658162 : f32
        %mul3A_1423 = vector.broadcast %mul3A_1422 : f32 to vector<16xf32>
        %mul3A_1424 = arith.mulf %mul3A_1423, %get3A_1421 : vector<16xf32>
        %add3A_1425 = arith.addf %get3A_1416, %mul3A_1424 : vector<16xf32>
        %swap3A_1426 = arith.constant 299 : i32
        %swap3A_1427 = arith.index_cast %swap3A_1426 : i32 to index
        %swap3A_1428 = arith.constant 112 : index
        %swap3A_1429 = tpu.vector_load %arg5[%swap3A_1427, %swap3A_1428] {strides = array<i32>} : memref<400x128xf32, #tpu.memory_space<vmem>>, vector<1x16xf32>,
        %swap3A_1430 = vector.shape_cast %swap3A_1429 : vector<1x16xf32> to vector<16xf32>
        %swap3A_1431 = vector.shape_cast %add3A_1425 : vector<16xf32> to vector<1x16xf32>
        tpu.vector_store %arg5[%swap3A_1427, %swap3A_1428], %swap3A_1431 {strides = array<i32>} : memref<400x128xf32, #tpu.memory_space<vmem>>, vector<1x16xf32>,
        %get3A_1432 = arith.constant 403 : i32
        %get3A_1433 = arith.index_cast %get3A_1432 : i32 to index
        %get3A_1434 = arith.constant 0 : index
        %get3A_1435 = tpu.vector_load %arg4[%get3A_1433, %get3A_1434] {strides = array<i32>} : memref<408x128xf32, #tpu.memory_space<vmem>>, vector<1x16xf32>,
        %get3A_1436 = vector.shape_cast %get3A_1435 : vector<1x16xf32> to vector<16xf32>
        %get3A_1437 = arith.constant 402 : i32
        %get3A_1438 = arith.index_cast %get3A_1437 : i32 to index
        %get3A_1439 = arith.constant 0 : index
        %get3A_1440 = tpu.vector_load %arg4[%get3A_1438, %get3A_1439] {strides = array<i32>} : memref<408x128xf32, #tpu.memory_space<vmem>>, vector<1x16xf32>,
        %get3A_1441 = vector.shape_cast %get3A_1440 : vector<1x16xf32> to vector<16xf32>
        %mul3A_1442 = arith.constant 0.0813658162 : f32
        %mul3A_1443 = vector.broadcast %mul3A_1442 : f32 to vector<16xf32>
        %mul3A_1444 = arith.mulf %mul3A_1443, %get3A_1441 : vector<16xf32>
        %add3A_1445 = arith.addf %get3A_1436, %mul3A_1444 : vector<16xf32>
        %swap3A_1446 = arith.constant 399 : i32
        %swap3A_1447 = arith.index_cast %swap3A_1446 : i32 to index
        %swap3A_1448 = arith.constant 0 : index
        %swap3A_1449 = tpu.vector_load %arg5[%swap3A_1447, %swap3A_1448] {strides = array<i32>} : memref<400x128xf32, #tpu.memory_space<vmem>>, vector<1x16xf32>,
        %swap3A_1450 = vector.shape_cast %swap3A_1449 : vector<1x16xf32> to vector<16xf32>
        %swap3A_1451 = vector.shape_cast %add3A_1445 : vector<16xf32> to vector<1x16xf32>
        tpu.vector_store %arg5[%swap3A_1447, %swap3A_1448], %swap3A_1451 {strides = array<i32>} : memref<400x128xf32, #tpu.memory_space<vmem>>, vector<1x16xf32>,
        %get3A_1452 = arith.constant 403 : i32
        %get3A_1453 = arith.index_cast %get3A_1452 : i32 to index
        %get3A_1454 = arith.constant 16 : index
        %get3A_1455 = tpu.vector_load %arg4[%get3A_1453, %get3A_1454] {strides = array<i32>} : memref<408x128xf32, #tpu.memory_space<vmem>>, vector<1x16xf32>,
        %get3A_1456 = vector.shape_cast %get3A_1455 : vector<1x16xf32> to vector<16xf32>
        %get3A_1457 = arith.constant 402 : i32
        %get3A_1458 = arith.index_cast %get3A_1457 : i32 to index
        %get3A_1459 = arith.constant 16 : index
        %get3A_1460 = tpu.vector_load %arg4[%get3A_1458, %get3A_1459] {strides = array<i32>} : memref<408x128xf32, #tpu.memory_space<vmem>>, vector<1x16xf32>,
        %get3A_1461 = vector.shape_cast %get3A_1460 : vector<1x16xf32> to vector<16xf32>
        %mul3A_1462 = arith.constant 0.0813658162 : f32
        %mul3A_1463 = vector.broadcast %mul3A_1462 : f32 to vector<16xf32>
        %mul3A_1464 = arith.mulf %mul3A_1463, %get3A_1461 : vector<16xf32>
        %add3A_1465 = arith.addf %get3A_1456, %mul3A_1464 : vector<16xf32>
        %swap3A_1466 = arith.constant 399 : i32
        %swap3A_1467 = arith.index_cast %swap3A_1466 : i32 to index
        %swap3A_1468 = arith.constant 16 : index
        %swap3A_1469 = tpu.vector_load %arg5[%swap3A_1467, %swap3A_1468] {strides = array<i32>} : memref<400x128xf32, #tpu.memory_space<vmem>>, vector<1x16xf32>,
        %swap3A_1470 = vector.shape_cast %swap3A_1469 : vector<1x16xf32> to vector<16xf32>
        %swap3A_1471 = vector.shape_cast %add3A_1465 : vector<16xf32> to vector<1x16xf32>
        tpu.vector_store %arg5[%swap3A_1467, %swap3A_1468], %swap3A_1471 {strides = array<i32>} : memref<400x128xf32, #tpu.memory_space<vmem>>, vector<1x16xf32>,
        %get3A_1472 = arith.constant 403 : i32
        %get3A_1473 = arith.index_cast %get3A_1472 : i32 to index
        %get3A_1474 = arith.constant 32 : index
        %get3A_1475 = tpu.vector_load %arg4[%get3A_1473, %get3A_1474] {strides = array<i32>} : memref<408x128xf32, #tpu.memory_space<vmem>>, vector<1x16xf32>,
        %get3A_1476 = vector.shape_cast %get3A_1475 : vector<1x16xf32> to vector<16xf32>
        %get3A_1477 = arith.constant 402 : i32
        %get3A_1478 = arith.index_cast %get3A_1477 : i32 to index
        %get3A_1479 = arith.constant 32 : index
        %get3A_1480 = tpu.vector_load %arg4[%get3A_1478, %get3A_1479] {strides = array<i32>} : memref<408x128xf32, #tpu.memory_space<vmem>>, vector<1x16xf32>,
        %get3A_1481 = vector.shape_cast %get3A_1480 : vector<1x16xf32> to vector<16xf32>
        %mul3A_1482 = arith.constant 0.0813658162 : f32
        %mul3A_1483 = vector.broadcast %mul3A_1482 : f32 to vector<16xf32>
        %mul3A_1484 = arith.mulf %mul3A_1483, %get3A_1481 : vector<16xf32>
        %add3A_1485 = arith.addf %get3A_1476, %mul3A_1484 : vector<16xf32>
        %swap3A_1486 = arith.constant 399 : i32
        %swap3A_1487 = arith.index_cast %swap3A_1486 : i32 to index
        %swap3A_1488 = arith.constant 32 : index
        %swap3A_1489 = tpu.vector_load %arg5[%swap3A_1487, %swap3A_1488] {strides = array<i32>} : memref<400x128xf32, #tpu.memory_space<vmem>>, vector<1x16xf32>,
        %swap3A_1490 = vector.shape_cast %swap3A_1489 : vector<1x16xf32> to vector<16xf32>
        %swap3A_1491 = vector.shape_cast %add3A_1485 : vector<16xf32> to vector<1x16xf32>
        tpu.vector_store %arg5[%swap3A_1487, %swap3A_1488], %swap3A_1491 {strides = array<i32>} : memref<400x128xf32, #tpu.memory_space<vmem>>, vector<1x16xf32>,
        %get3A_1492 = arith.constant 403 : i32
        %get3A_1493 = arith.index_cast %get3A_1492 : i32 to index
        %get3A_1494 = arith.constant 48 : index
        %get3A_1495 = tpu.vector_load %arg4[%get3A_1493, %get3A_1494] {strides = array<i32>} : memref<408x128xf32, #tpu.memory_space<vmem>>, vector<1x16xf32>,
        %get3A_1496 = vector.shape_cast %get3A_1495 : vector<1x16xf32> to vector<16xf32>
        %get3A_1497 = arith.constant 402 : i32
        %get3A_1498 = arith.index_cast %get3A_1497 : i32 to index
        %get3A_1499 = arith.constant 48 : index
        %get3A_1500 = tpu.vector_load %arg4[%get3A_1498, %get3A_1499] {strides = array<i32>} : memref<408x128xf32, #tpu.memory_space<vmem>>, vector<1x16xf32>,
        %get3A_1501 = vector.shape_cast %get3A_1500 : vector<1x16xf32> to vector<16xf32>
        %mul3A_1502 = arith.constant 0.0813658162 : f32
        %mul3A_1503 = vector.broadcast %mul3A_1502 : f32 to vector<16xf32>
        %mul3A_1504 = arith.mulf %mul3A_1503, %get3A_1501 : vector<16xf32>
        %add3A_1505 = arith.addf %get3A_1496, %mul3A_1504 : vector<16xf32>
        %swap3A_1506 = arith.constant 399 : i32
        %swap3A_1507 = arith.index_cast %swap3A_1506 : i32 to index
        %swap3A_1508 = arith.constant 48 : index
        %swap3A_1509 = tpu.vector_load %arg5[%swap3A_1507, %swap3A_1508] {strides = array<i32>} : memref<400x128xf32, #tpu.memory_space<vmem>>, vector<1x16xf32>,
        %swap3A_1510 = vector.shape_cast %swap3A_1509 : vector<1x16xf32> to vector<16xf32>
        %swap3A_1511 = vector.shape_cast %add3A_1505 : vector<16xf32> to vector<1x16xf32>
        tpu.vector_store %arg5[%swap3A_1507, %swap3A_1508], %swap3A_1511 {strides = array<i32>} : memref<400x128xf32, #tpu.memory_space<vmem>>, vector<1x16xf32>,
        %get3A_1512 = arith.constant 403 : i32
        %get3A_1513 = arith.index_cast %get3A_1512 : i32 to index
        %get3A_1514 = arith.constant 64 : index
        %get3A_1515 = tpu.vector_load %arg4[%get3A_1513, %get3A_1514] {strides = array<i32>} : memref<408x128xf32, #tpu.memory_space<vmem>>, vector<1x16xf32>,
        %get3A_1516 = vector.shape_cast %get3A_1515 : vector<1x16xf32> to vector<16xf32>
        %get3A_1517 = arith.constant 402 : i32
        %get3A_1518 = arith.index_cast %get3A_1517 : i32 to index
        %get3A_1519 = arith.constant 64 : index
        %get3A_1520 = tpu.vector_load %arg4[%get3A_1518, %get3A_1519] {strides = array<i32>} : memref<408x128xf32, #tpu.memory_space<vmem>>, vector<1x16xf32>,
        %get3A_1521 = vector.shape_cast %get3A_1520 : vector<1x16xf32> to vector<16xf32>
        %mul3A_1522 = arith.constant 0.0813658162 : f32
        %mul3A_1523 = vector.broadcast %mul3A_1522 : f32 to vector<16xf32>
        %mul3A_1524 = arith.mulf %mul3A_1523, %get3A_1521 : vector<16xf32>
        %add3A_1525 = arith.addf %get3A_1516, %mul3A_1524 : vector<16xf32>
        %swap3A_1526 = arith.constant 399 : i32
        %swap3A_1527 = arith.index_cast %swap3A_1526 : i32 to index
        %swap3A_1528 = arith.constant 64 : index
        %swap3A_1529 = tpu.vector_load %arg5[%swap3A_1527, %swap3A_1528] {strides = array<i32>} : memref<400x128xf32, #tpu.memory_space<vmem>>, vector<1x16xf32>,
        %swap3A_1530 = vector.shape_cast %swap3A_1529 : vector<1x16xf32> to vector<16xf32>
        %swap3A_1531 = vector.shape_cast %add3A_1525 : vector<16xf32> to vector<1x16xf32>
        tpu.vector_store %arg5[%swap3A_1527, %swap3A_1528], %swap3A_1531 {strides = array<i32>} : memref<400x128xf32, #tpu.memory_space<vmem>>, vector<1x16xf32>,
        %get3A_1532 = arith.constant 403 : i32
        %get3A_1533 = arith.index_cast %get3A_1532 : i32 to index
        %get3A_1534 = arith.constant 80 : index
        %get3A_1535 = tpu.vector_load %arg4[%get3A_1533, %get3A_1534] {strides = array<i32>} : memref<408x128xf32, #tpu.memory_space<vmem>>, vector<1x16xf32>,
        %get3A_1536 = vector.shape_cast %get3A_1535 : vector<1x16xf32> to vector<16xf32>
        %get3A_1537 = arith.constant 402 : i32
        %get3A_1538 = arith.index_cast %get3A_1537 : i32 to index
        %get3A_1539 = arith.constant 80 : index
        %get3A_1540 = tpu.vector_load %arg4[%get3A_1538, %get3A_1539] {strides = array<i32>} : memref<408x128xf32, #tpu.memory_space<vmem>>, vector<1x16xf32>,
        %get3A_1541 = vector.shape_cast %get3A_1540 : vector<1x16xf32> to vector<16xf32>
        %mul3A_1542 = arith.constant 0.0813658162 : f32
        %mul3A_1543 = vector.broadcast %mul3A_1542 : f32 to vector<16xf32>
        %mul3A_1544 = arith.mulf %mul3A_1543, %get3A_1541 : vector<16xf32>
        %add3A_1545 = arith.addf %get3A_1536, %mul3A_1544 : vector<16xf32>
        %swap3A_1546 = arith.constant 399 : i32
        %swap3A_1547 = arith.index_cast %swap3A_1546 : i32 to index
        %swap3A_1548 = arith.constant 80 : index
        %swap3A_1549 = tpu.vector_load %arg5[%swap3A_1547, %swap3A_1548] {strides = array<i32>} : memref<400x128xf32, #tpu.memory_space<vmem>>, vector<1x16xf32>,
        %swap3A_1550 = vector.shape_cast %swap3A_1549 : vector<1x16xf32> to vector<16xf32>
        %swap3A_1551 = vector.shape_cast %add3A_1545 : vector<16xf32> to vector<1x16xf32>
        tpu.vector_store %arg5[%swap3A_1547, %swap3A_1548], %swap3A_1551 {strides = array<i32>} : memref<400x128xf32, #tpu.memory_space<vmem>>, vector<1x16xf32>,
        %get3A_1552 = arith.constant 403 : i32
        %get3A_1553 = arith.index_cast %get3A_1552 : i32 to index
        %get3A_1554 = arith.constant 96 : index
        %get3A_1555 = tpu.vector_load %arg4[%get3A_1553, %get3A_1554] {strides = array<i32>} : memref<408x128xf32, #tpu.memory_space<vmem>>, vector<1x16xf32>,
        %get3A_1556 = vector.shape_cast %get3A_1555 : vector<1x16xf32> to vector<16xf32>
        %get3A_1557 = arith.constant 402 : i32
        %get3A_1558 = arith.index_cast %get3A_1557 : i32 to index
        %get3A_1559 = arith.constant 96 : index
        %get3A_1560 = tpu.vector_load %arg4[%get3A_1558, %get3A_1559] {strides = array<i32>} : memref<408x128xf32, #tpu.memory_space<vmem>>, vector<1x16xf32>,
        %get3A_1561 = vector.shape_cast %get3A_1560 : vector<1x16xf32> to vector<16xf32>
        %mul3A_1562 = arith.constant 0.0813658162 : f32
        %mul3A_1563 = vector.broadcast %mul3A_1562 : f32 to vector<16xf32>
        %mul3A_1564 = arith.mulf %mul3A_1563, %get3A_1561 : vector<16xf32>
        %add3A_1565 = arith.addf %get3A_1556, %mul3A_1564 : vector<16xf32>
        %swap3A_1566 = arith.constant 399 : i32
        %swap3A_1567 = arith.index_cast %swap3A_1566 : i32 to index
        %swap3A_1568 = arith.constant 96 : index
        %swap3A_1569 = tpu.vector_load %arg5[%swap3A_1567, %swap3A_1568] {strides = array<i32>} : memref<400x128xf32, #tpu.memory_space<vmem>>, vector<1x16xf32>,
        %swap3A_1570 = vector.shape_cast %swap3A_1569 : vector<1x16xf32> to vector<16xf32>
        %swap3A_1571 = vector.shape_cast %add3A_1565 : vector<16xf32> to vector<1x16xf32>
        tpu.vector_store %arg5[%swap3A_1567, %swap3A_1568], %swap3A_1571 {strides = array<i32>} : memref<400x128xf32, #tpu.memory_space<vmem>>, vector<1x16xf32>,
        %get3A_1572 = arith.constant 403 : i32
        %get3A_1573 = arith.index_cast %get3A_1572 : i32 to index
        %get3A_1574 = arith.constant 112 : index
        %get3A_1575 = tpu.vector_load %arg4[%get3A_1573, %get3A_1574] {strides = array<i32>} : memref<408x128xf32, #tpu.memory_space<vmem>>, vector<1x16xf32>,
        %get3A_1576 = vector.shape_cast %get3A_1575 : vector<1x16xf32> to vector<16xf32>
        %get3A_1577 = arith.constant 402 : i32
        %get3A_1578 = arith.index_cast %get3A_1577 : i32 to index
        %get3A_1579 = arith.constant 112 : index
        %get3A_1580 = tpu.vector_load %arg4[%get3A_1578, %get3A_1579] {strides = array<i32>} : memref<408x128xf32, #tpu.memory_space<vmem>>, vector<1x16xf32>,
        %get3A_1581 = vector.shape_cast %get3A_1580 : vector<1x16xf32> to vector<16xf32>
        %mul3A_1582 = arith.constant 0.0813658162 : f32
        %mul3A_1583 = vector.broadcast %mul3A_1582 : f32 to vector<16xf32>
        %mul3A_1584 = arith.mulf %mul3A_1583, %get3A_1581 : vector<16xf32>
        %add3A_1585 = arith.addf %get3A_1576, %mul3A_1584 : vector<16xf32>
        %swap3A_1586 = arith.constant 399 : i32
        %swap3A_1587 = arith.index_cast %swap3A_1586 : i32 to index
        %swap3A_1588 = arith.constant 112 : index
        %swap3A_1589 = tpu.vector_load %arg5[%swap3A_1587, %swap3A_1588] {strides = array<i32>} : memref<400x128xf32, #tpu.memory_space<vmem>>, vector<1x16xf32>,
        %swap3A_1590 = vector.shape_cast %swap3A_1589 : vector<1x16xf32> to vector<16xf32>
        %swap3A_1591 = vector.shape_cast %add3A_1585 : vector<16xf32> to vector<1x16xf32>
        tpu.vector_store %arg5[%swap3A_1587, %swap3A_1588], %swap3A_1591 {strides = array<i32>} : memref<400x128xf32, #tpu.memory_space<vmem>>, vector<1x16xf32>,
        %add3A_1592 = arith.constant 32 : i32
        %add3A_1593 = arith.addi %add3A_42, %add3A_1592 : i32
        %lt3A_1594 = arith.constant 100 : i32
        %lt3A_1595 = arith.cmpi slt, %add3A_1593, %lt3A_1594 : i32
        %convert_element_type3A_1596 = arith.extui %lt3A_1595 : i1 to i32
        %cond3A_1597 = arith.constant 0 : i32
        %cond3A_1598 = arith.cmpi ne, %convert_element_type3A_1596, %cond3A_1597 : i32
        scf.if %cond3A_1598 {
          %add3A_2104 = arith.constant 32 : i32
          %add3A_2105 = arith.addi %add3A_42, %add3A_2104 : i32
          %jit3A_2106 = arith.constant 2 : i32
          %div3A_2107 = arith.divsi %add3A_2105, %jit3A_2106 : i32
          %sign3A_2108 = arith.constant 0 : i32
          %sign3A_2109 = arith.cmpi sgt, %add3A_2105, %sign3A_2108 : i32
          %sign3A_2110 = arith.extui %sign3A_2109 : i1 to i32
          %sign3A_2111 = arith.constant 0 : i32
          %sign3A_2112 = arith.cmpi slt, %add3A_2105, %sign3A_2111 : i32
          %sign3A_2113 = arith.extui %sign3A_2112 : i1 to i32
          %sign3A_2114 = arith.subi %sign3A_2110, %sign3A_2113 : i32
          %sign3A_2115 = arith.constant 0 : i32
          %sign3A_2116 = arith.cmpi sgt, %jit3A_2106, %sign3A_2115 : i32
          %sign3A_2117 = arith.extui %sign3A_2116 : i1 to i32
          %sign3A_2118 = arith.constant 0 : i32
          %sign3A_2119 = arith.cmpi slt, %jit3A_2106, %sign3A_2118 : i32
          %sign3A_2120 = arith.extui %sign3A_2119 : i1 to i32
          %sign3A_2121 = arith.subi %sign3A_2117, %sign3A_2120 : i32
          %ne3A_2122 = arith.cmpi ne, %sign3A_2114, %sign3A_2121 : i32
          %rem3A_2123 = arith.remsi %add3A_2105, %jit3A_2106 : i32
          %ne3A_2124 = arith.constant 0 : i32
          %ne3A_2125 = arith.cmpi ne, %rem3A_2123, %ne3A_2124 : i32
          %and3A_2126 = arith.andi %ne3A_2122, %ne3A_2125 : i1
          %sub3A_2127 = arith.constant 1 : i32
          %sub3A_2128 = arith.subi %div3A_2107, %sub3A_2127 : i32
          %select_n3A_2129 = arith.select %and3A_2126, %sub3A_2128, %div3A_2107 : i32
          %mul3A_2130 = arith.constant 2 : i32
          %mul3A_2131 = arith.muli %select_n3A_2129, %mul3A_2130 : i32
          %sub3A_2132 = arith.subi %add3A_2105, %mul3A_2131 : i32
          %mul3A_2133 = arith.constant 128 : i32
          %mul3A_2134 = arith.muli %sub3A_2132, %mul3A_2133 : i32
          %multiple_of3A_2135 = tpu.assume_multiple %mul3A_2134, 128 : i32
          %mul3A_2136 = arith.constant 200 : i32
          %mul3A_2137 = arith.muli %select_n3A_2129, %mul3A_2136 : i32
          %sub3A_2138 = arith.constant 104 : i32
          %sub3A_2139 = arith.subi %mul3A_2137, %sub3A_2138 : i32
          %multiple_of3A_2140 = tpu.assume_multiple %sub3A_2139, 8 : i32
          %eq3A_2141 = arith.constant 0 : i32
          %eq3A_2142 = arith.cmpi eq, %select_n3A_2129, %eq3A_2141 : i32
          %convert_element_type3A_2143 = arith.extui %eq3A_2142 : i1 to i32
          %cond3A_2144 = arith.constant 0 : i32
          %cond3A_2145 = arith.cmpi ne, %convert_element_type3A_2143, %cond3A_2144 : i32
          scf.if %cond3A_2145 {
            %dma_start3A_2159 = arith.constant 104 : i32
            %dma_start3A_2160 = arith.constant 0 : i32
            %dma_start3A_2161 = tpu.memref_slice %arg4[%dma_start3A_2159, %dma_start3A_2160] : memref<408x128xf32, #tpu.memory_space<vmem>> -> memref<304x128xf32, #tpu.memory_space<vmem>>
            %dma_start3A_2162 = arith.constant 0 : i32
            %dma_start3A_2163 = tpu.memref_slice %arg2[%dma_start3A_2162, %multiple_of3A_2135] : memref<10000x256xf32, #tpu.memory_space<hbm>> -> memref<304x128xf32, #tpu.memory_space<hbm>>
            %dma_start3A_2164 = arith.constant 104 : i32
            %dma_start3A_2165 = arith.constant 0 : i32
            %dma_start3A_2166 = tpu.memref_slice %arg4[%dma_start3A_2164, %dma_start3A_2165] : memref<408x128xf32, #tpu.memory_space<vmem>> -> memref<304x128xf32, #tpu.memory_space<vmem>>
            %dma_start3A_2167 = arith.constant 0 : i32
            %dma_start3A_2168 = tpu.memref_slice %arg2[%dma_start3A_2167, %multiple_of3A_2135] : memref<10000x256xf32, #tpu.memory_space<hbm>> -> memref<304x128xf32, #tpu.memory_space<hbm>>
            tpu.enqueue_dma source(%dma_start3A_2168 : memref<304x128xf32, #tpu.memory_space<hbm>>) target(%dma_start3A_2166 : memref<304x128xf32, #tpu.memory_space<vmem>>) target_semaphore(%arg6 : memref<!tpu.dma_semaphore, #tpu.memory_space<semaphore_mem>>)
          } else {
          }
          %eq3A_2146 = arith.constant 49 : i32
          %eq3A_2147 = arith.cmpi eq, %select_n3A_2129, %eq3A_2146 : i32
          %convert_element_type3A_2148 = arith.extui %eq3A_2147 : i1 to i32
          %cond3A_2149 = arith.constant 0 : i32
          %cond3A_2150 = arith.cmpi ne, %convert_element_type3A_2148, %cond3A_2149 : i32
          scf.if %cond3A_2150 {
            %dma_start3A_2159 = arith.constant 0 : i32
            %dma_start3A_2160 = arith.constant 0 : i32
            %dma_start3A_2161 = tpu.memref_slice %arg4[%dma_start3A_2159, %dma_start3A_2160] : memref<408x128xf32, #tpu.memory_space<vmem>> -> memref<304x128xf32, #tpu.memory_space<vmem>>
            %dma_start3A_2162 = arith.constant 9696 : i32
            %dma_start3A_2163 = tpu.memref_slice %arg2[%dma_start3A_2162, %multiple_of3A_2135] : memref<10000x256xf32, #tpu.memory_space<hbm>> -> memref<304x128xf32, #tpu.memory_space<hbm>>
            %dma_start3A_2164 = arith.constant 0 : i32
            %dma_start3A_2165 = arith.constant 0 : i32
            %dma_start3A_2166 = tpu.memref_slice %arg4[%dma_start3A_2164, %dma_start3A_2165] : memref<408x128xf32, #tpu.memory_space<vmem>> -> memref<304x128xf32, #tpu.memory_space<vmem>>
            %dma_start3A_2167 = arith.constant 9696 : i32
            %dma_start3A_2168 = tpu.memref_slice %arg2[%dma_start3A_2167, %multiple_of3A_2135] : memref<10000x256xf32, #tpu.memory_space<hbm>> -> memref<304x128xf32, #tpu.memory_space<hbm>>
            tpu.enqueue_dma source(%dma_start3A_2168 : memref<304x128xf32, #tpu.memory_space<hbm>>) target(%dma_start3A_2166 : memref<304x128xf32, #tpu.memory_space<vmem>>) target_semaphore(%arg6 : memref<!tpu.dma_semaphore, #tpu.memory_space<semaphore_mem>>)
          } else {
          }
          %gt3A_2151 = arith.constant 0 : i32
          %gt3A_2152 = arith.cmpi sgt, %select_n3A_2129, %gt3A_2151 : i32
          %lt3A_2153 = arith.constant 49 : i32
          %lt3A_2154 = arith.cmpi slt, %select_n3A_2129, %lt3A_2153 : i32
          %and3A_2155 = arith.andi %gt3A_2152, %lt3A_2154 : i1
          %convert_element_type3A_2156 = arith.extui %and3A_2155 : i1 to i32
          %cond3A_2157 = arith.constant 0 : i32
          %cond3A_2158 = arith.cmpi ne, %convert_element_type3A_2156, %cond3A_2157 : i32
          scf.if %cond3A_2158 {
            %dma_start3A_2159 = tpu.memref_slice %arg2[%multiple_of3A_2140, %multiple_of3A_2135] : memref<10000x256xf32, #tpu.memory_space<hbm>> -> memref<408x128xf32, #tpu.memory_space<hbm>>
            %dma_start3A_2160 = tpu.memref_slice %arg2[%multiple_of3A_2140, %multiple_of3A_2135] : memref<10000x256xf32, #tpu.memory_space<hbm>> -> memref<408x128xf32, #tpu.memory_space<hbm>>
            tpu.enqueue_dma source(%dma_start3A_2160 : memref<408x128xf32, #tpu.memory_space<hbm>>) target(%arg4 : memref<408x128xf32, #tpu.memory_space<vmem>>) target_semaphore(%arg6 : memref<!tpu.dma_semaphore, #tpu.memory_space<semaphore_mem>>)
          } else {
          }
        } else {
        }
        %scan3A_1599 = arith.constant 0 : i32
        %scan3A_1600 = arith.constant 0 : i32
        %scan3A_1601 = arith.constant 200 : i32
        %scan3A_1602 = arith.addi %scan3A_1600, %scan3A_1601 : i32
        %scan3A_1603 = arith.constant 1 : i32
        %scan3A_1604 = scf.for %scan3A_2104 = %scan3A_1600 to %scan3A_1602 step %scan3A_1603 iter_args(%scan3A_2105 = %scan3A_1599) -> (i32)  : i32 {
          %add3A_2106 = arith.constant 100 : i32
          %add3A_2107 = arith.addi %scan3A_2104, %add3A_2106 : i32
          %get3A_2108 = arith.index_cast %add3A_2107 : i32 to index
          %get3A_2109 = arith.constant 0 : index
          %get3A_2110 = tpu.vector_load %arg5[%get3A_2108, %get3A_2109] {strides = array<i32>} : memref<400x128xf32, #tpu.memory_space<vmem>>, vector<1x16xf32>,
          %get3A_2111 = vector.shape_cast %get3A_2110 : vector<1x16xf32> to vector<16xf32>
          %get3A_2112 = arith.index_cast %scan3A_2104 : i32 to index
          %get3A_2113 = arith.constant 0 : index
          %get3A_2114 = tpu.vector_load %arg5[%get3A_2112, %get3A_2113] {strides = array<i32>} : memref<400x128xf32, #tpu.memory_space<vmem>>, vector<1x16xf32>,
          %get3A_2115 = vector.shape_cast %get3A_2114 : vector<1x16xf32> to vector<16xf32>
          %add3A_2116 = arith.constant 200 : i32
          %add3A_2117 = arith.addi %scan3A_2104, %add3A_2116 : i32
          %get3A_2118 = arith.index_cast %add3A_2117 : i32 to index
          %get3A_2119 = arith.constant 0 : index
          %get3A_2120 = tpu.vector_load %arg5[%get3A_2118, %get3A_2119] {strides = array<i32>} : memref<400x128xf32, #tpu.memory_space<vmem>>, vector<1x16xf32>,
          %get3A_2121 = vector.shape_cast %get3A_2120 : vector<1x16xf32> to vector<16xf32>
          %add3A_2122 = arith.addf %get3A_2115, %get3A_2121 : vector<16xf32>
          %mul3A_2123 = arith.constant 0.0813658162 : f32
          %mul3A_2124 = vector.broadcast %mul3A_2123 : f32 to vector<16xf32>
          %mul3A_2125 = arith.mulf %mul3A_2124, %add3A_2122 : vector<16xf32>
          %add3A_2126 = arith.addf %get3A_2111, %mul3A_2125 : vector<16xf32>
          %mul3A_2127 = arith.constant 0.739675164 : f32
          %mul3A_2128 = vector.broadcast %mul3A_2127 : f32 to vector<16xf32>
          %mul3A_2129 = arith.mulf %mul3A_2128, %add3A_2126 : vector<16xf32>
          %swap3A_2130 = arith.index_cast %scan3A_2104 : i32 to index
          %swap3A_2131 = arith.constant 0 : index
          %swap3A_2132 = tpu.vector_load %arg5[%swap3A_2130, %swap3A_2131] {strides = array<i32>} : memref<400x128xf32, #tpu.memory_space<vmem>>, vector<1x16xf32>,
          %swap3A_2133 = vector.shape_cast %swap3A_2132 : vector<1x16xf32> to vector<16xf32>
          %swap3A_2134 = vector.shape_cast %mul3A_2129 : vector<16xf32> to vector<1x16xf32>
          tpu.vector_store %arg5[%swap3A_2130, %swap3A_2131], %swap3A_2134 {strides = array<i32>} : memref<400x128xf32, #tpu.memory_space<vmem>>, vector<1x16xf32>,
          %add3A_2135 = arith.constant 100 : i32
          %add3A_2136 = arith.addi %scan3A_2104, %add3A_2135 : i32
          %get3A_2137 = arith.index_cast %add3A_2136 : i32 to index
          %get3A_2138 = arith.constant 16 : index
          %get3A_2139 = tpu.vector_load %arg5[%get3A_2137, %get3A_2138] {strides = array<i32>} : memref<400x128xf32, #tpu.memory_space<vmem>>, vector<1x16xf32>,
          %get3A_2140 = vector.shape_cast %get3A_2139 : vector<1x16xf32> to vector<16xf32>
          %get3A_2141 = arith.index_cast %scan3A_2104 : i32 to index
          %get3A_2142 = arith.constant 16 : index
          %get3A_2143 = tpu.vector_load %arg5[%get3A_2141, %get3A_2142] {strides = array<i32>} : memref<400x128xf32, #tpu.memory_space<vmem>>, vector<1x16xf32>,
          %get3A_2144 = vector.shape_cast %get3A_2143 : vector<1x16xf32> to vector<16xf32>
          %add3A_2145 = arith.constant 200 : i32
          %add3A_2146 = arith.addi %scan3A_2104, %add3A_2145 : i32
          %get3A_2147 = arith.index_cast %add3A_2146 : i32 to index
          %get3A_2148 = arith.constant 16 : index
          %get3A_2149 = tpu.vector_load %arg5[%get3A_2147, %get3A_2148] {strides = array<i32>} : memref<400x128xf32, #tpu.memory_space<vmem>>, vector<1x16xf32>,
          %get3A_2150 = vector.shape_cast %get3A_2149 : vector<1x16xf32> to vector<16xf32>
          %add3A_2151 = arith.addf %get3A_2144, %get3A_2150 : vector<16xf32>
          %mul3A_2152 = arith.constant 0.0813658162 : f32
          %mul3A_2153 = vector.broadcast %mul3A_2152 : f32 to vector<16xf32>
          %mul3A_2154 = arith.mulf %mul3A_2153, %add3A_2151 : vector<16xf32>
          %add3A_2155 = arith.addf %get3A_2140, %mul3A_2154 : vector<16xf32>
          %mul3A_2156 = arith.constant 0.739675164 : f32
          %mul3A_2157 = vector.broadcast %mul3A_2156 : f32 to vector<16xf32>
          %mul3A_2158 = arith.mulf %mul3A_2157, %add3A_2155 : vector<16xf32>
          %swap3A_2159 = arith.index_cast %scan3A_2104 : i32 to index
          %swap3A_2160 = arith.constant 16 : index
          %swap3A_2161 = tpu.vector_load %arg5[%swap3A_2159, %swap3A_2160] {strides = array<i32>} : memref<400x128xf32, #tpu.memory_space<vmem>>, vector<1x16xf32>,
          %swap3A_2162 = vector.shape_cast %swap3A_2161 : vector<1x16xf32> to vector<16xf32>
          %swap3A_2163 = vector.shape_cast %mul3A_2158 : vector<16xf32> to vector<1x16xf32>
          tpu.vector_store %arg5[%swap3A_2159, %swap3A_2160], %swap3A_2163 {strides = array<i32>} : memref<400x128xf32, #tpu.memory_space<vmem>>, vector<1x16xf32>,
          %add3A_2164 = arith.constant 100 : i32
          %add3A_2165 = arith.addi %scan3A_2104, %add3A_2164 : i32
          %get3A_2166 = arith.index_cast %add3A_2165 : i32 to index
          %get3A_2167 = arith.constant 32 : index
          %get3A_2168 = tpu.vector_load %arg5[%get3A_2166, %get3A_2167] {strides = array<i32>} : memref<400x128xf32, #tpu.memory_space<vmem>>, vector<1x16xf32>,
          %get3A_2169 = vector.shape_cast %get3A_2168 : vector<1x16xf32> to vector<16xf32>
          %get3A_2170 = arith.index_cast %scan3A_2104 : i32 to index
          %get3A_2171 = arith.constant 32 : index
          %get3A_2172 = tpu.vector_load %arg5[%get3A_2170, %get3A_2171] {strides = array<i32>} : memref<400x128xf32, #tpu.memory_space<vmem>>, vector<1x16xf32>,
          %get3A_2173 = vector.shape_cast %get3A_2172 : vector<1x16xf32> to vector<16xf32>
          %add3A_2174 = arith.constant 200 : i32
          %add3A_2175 = arith.addi %scan3A_2104, %add3A_2174 : i32
          %get3A_2176 = arith.index_cast %add3A_2175 : i32 to index
          %get3A_2177 = arith.constant 32 : index
          %get3A_2178 = tpu.vector_load %arg5[%get3A_2176, %get3A_2177] {strides = array<i32>} : memref<400x128xf32, #tpu.memory_space<vmem>>, vector<1x16xf32>,
          %get3A_2179 = vector.shape_cast %get3A_2178 : vector<1x16xf32> to vector<16xf32>
          %add3A_2180 = arith.addf %get3A_2173, %get3A_2179 : vector<16xf32>
          %mul3A_2181 = arith.constant 0.0813658162 : f32
          %mul3A_2182 = vector.broadcast %mul3A_2181 : f32 to vector<16xf32>
          %mul3A_2183 = arith.mulf %mul3A_2182, %add3A_2180 : vector<16xf32>
          %add3A_2184 = arith.addf %get3A_2169, %mul3A_2183 : vector<16xf32>
          %mul3A_2185 = arith.constant 0.739675164 : f32
          %mul3A_2186 = vector.broadcast %mul3A_2185 : f32 to vector<16xf32>
          %mul3A_2187 = arith.mulf %mul3A_2186, %add3A_2184 : vector<16xf32>
          %swap3A_2188 = arith.index_cast %scan3A_2104 : i32 to index
          %swap3A_2189 = arith.constant 32 : index
          %swap3A_2190 = tpu.vector_load %arg5[%swap3A_2188, %swap3A_2189] {strides = array<i32>} : memref<400x128xf32, #tpu.memory_space<vmem>>, vector<1x16xf32>,
          %swap3A_2191 = vector.shape_cast %swap3A_2190 : vector<1x16xf32> to vector<16xf32>
          %swap3A_2192 = vector.shape_cast %mul3A_2187 : vector<16xf32> to vector<1x16xf32>
          tpu.vector_store %arg5[%swap3A_2188, %swap3A_2189], %swap3A_2192 {strides = array<i32>} : memref<400x128xf32, #tpu.memory_space<vmem>>, vector<1x16xf32>,
          %add3A_2193 = arith.constant 100 : i32
          %add3A_2194 = arith.addi %scan3A_2104, %add3A_2193 : i32
          %get3A_2195 = arith.index_cast %add3A_2194 : i32 to index
          %get3A_2196 = arith.constant 48 : index
          %get3A_2197 = tpu.vector_load %arg5[%get3A_2195, %get3A_2196] {strides = array<i32>} : memref<400x128xf32, #tpu.memory_space<vmem>>, vector<1x16xf32>,
          %get3A_2198 = vector.shape_cast %get3A_2197 : vector<1x16xf32> to vector<16xf32>
          %get3A_2199 = arith.index_cast %scan3A_2104 : i32 to index
          %get3A_2200 = arith.constant 48 : index
          %get3A_2201 = tpu.vector_load %arg5[%get3A_2199, %get3A_2200] {strides = array<i32>} : memref<400x128xf32, #tpu.memory_space<vmem>>, vector<1x16xf32>,
          %get3A_2202 = vector.shape_cast %get3A_2201 : vector<1x16xf32> to vector<16xf32>
          %add3A_2203 = arith.constant 200 : i32
          %add3A_2204 = arith.addi %scan3A_2104, %add3A_2203 : i32
          %get3A_2205 = arith.index_cast %add3A_2204 : i32 to index
          %get3A_2206 = arith.constant 48 : index
          %get3A_2207 = tpu.vector_load %arg5[%get3A_2205, %get3A_2206] {strides = array<i32>} : memref<400x128xf32, #tpu.memory_space<vmem>>, vector<1x16xf32>,
          %get3A_2208 = vector.shape_cast %get3A_2207 : vector<1x16xf32> to vector<16xf32>
          %add3A_2209 = arith.addf %get3A_2202, %get3A_2208 : vector<16xf32>
          %mul3A_2210 = arith.constant 0.0813658162 : f32
          %mul3A_2211 = vector.broadcast %mul3A_2210 : f32 to vector<16xf32>
          %mul3A_2212 = arith.mulf %mul3A_2211, %add3A_2209 : vector<16xf32>
          %add3A_2213 = arith.addf %get3A_2198, %mul3A_2212 : vector<16xf32>
          %mul3A_2214 = arith.constant 0.739675164 : f32
          %mul3A_2215 = vector.broadcast %mul3A_2214 : f32 to vector<16xf32>
          %mul3A_2216 = arith.mulf %mul3A_2215, %add3A_2213 : vector<16xf32>
          %swap3A_2217 = arith.index_cast %scan3A_2104 : i32 to index
          %swap3A_2218 = arith.constant 48 : index
          %swap3A_2219 = tpu.vector_load %arg5[%swap3A_2217, %swap3A_2218] {strides = array<i32>} : memref<400x128xf32, #tpu.memory_space<vmem>>, vector<1x16xf32>,
          %swap3A_2220 = vector.shape_cast %swap3A_2219 : vector<1x16xf32> to vector<16xf32>
          %swap3A_2221 = vector.shape_cast %mul3A_2216 : vector<16xf32> to vector<1x16xf32>
          tpu.vector_store %arg5[%swap3A_2217, %swap3A_2218], %swap3A_2221 {strides = array<i32>} : memref<400x128xf32, #tpu.memory_space<vmem>>, vector<1x16xf32>,
          %add3A_2222 = arith.constant 100 : i32
          %add3A_2223 = arith.addi %scan3A_2104, %add3A_2222 : i32
          %get3A_2224 = arith.index_cast %add3A_2223 : i32 to index
          %get3A_2225 = arith.constant 64 : index
          %get3A_2226 = tpu.vector_load %arg5[%get3A_2224, %get3A_2225] {strides = array<i32>} : memref<400x128xf32, #tpu.memory_space<vmem>>, vector<1x16xf32>,
          %get3A_2227 = vector.shape_cast %get3A_2226 : vector<1x16xf32> to vector<16xf32>
          %get3A_2228 = arith.index_cast %scan3A_2104 : i32 to index
          %get3A_2229 = arith.constant 64 : index
          %get3A_2230 = tpu.vector_load %arg5[%get3A_2228, %get3A_2229] {strides = array<i32>} : memref<400x128xf32, #tpu.memory_space<vmem>>, vector<1x16xf32>,
          %get3A_2231 = vector.shape_cast %get3A_2230 : vector<1x16xf32> to vector<16xf32>
          %add3A_2232 = arith.constant 200 : i32
          %add3A_2233 = arith.addi %scan3A_2104, %add3A_2232 : i32
          %get3A_2234 = arith.index_cast %add3A_2233 : i32 to index
          %get3A_2235 = arith.constant 64 : index
          %get3A_2236 = tpu.vector_load %arg5[%get3A_2234, %get3A_2235] {strides = array<i32>} : memref<400x128xf32, #tpu.memory_space<vmem>>, vector<1x16xf32>,
          %get3A_2237 = vector.shape_cast %get3A_2236 : vector<1x16xf32> to vector<16xf32>
          %add3A_2238 = arith.addf %get3A_2231, %get3A_2237 : vector<16xf32>
          %mul3A_2239 = arith.constant 0.0813658162 : f32
          %mul3A_2240 = vector.broadcast %mul3A_2239 : f32 to vector<16xf32>
          %mul3A_2241 = arith.mulf %mul3A_2240, %add3A_2238 : vector<16xf32>
          %add3A_2242 = arith.addf %get3A_2227, %mul3A_2241 : vector<16xf32>
          %mul3A_2243 = arith.constant 0.739675164 : f32
          %mul3A_2244 = vector.broadcast %mul3A_2243 : f32 to vector<16xf32>
          %mul3A_2245 = arith.mulf %mul3A_2244, %add3A_2242 : vector<16xf32>
          %swap3A_2246 = arith.index_cast %scan3A_2104 : i32 to index
          %swap3A_2247 = arith.constant 64 : index
          %swap3A_2248 = tpu.vector_load %arg5[%swap3A_2246, %swap3A_2247] {strides = array<i32>} : memref<400x128xf32, #tpu.memory_space<vmem>>, vector<1x16xf32>,
          %swap3A_2249 = vector.shape_cast %swap3A_2248 : vector<1x16xf32> to vector<16xf32>
          %swap3A_2250 = vector.shape_cast %mul3A_2245 : vector<16xf32> to vector<1x16xf32>
          tpu.vector_store %arg5[%swap3A_2246, %swap3A_2247], %swap3A_2250 {strides = array<i32>} : memref<400x128xf32, #tpu.memory_space<vmem>>, vector<1x16xf32>,
          %add3A_2251 = arith.constant 100 : i32
          %add3A_2252 = arith.addi %scan3A_2104, %add3A_2251 : i32
          %get3A_2253 = arith.index_cast %add3A_2252 : i32 to index
          %get3A_2254 = arith.constant 80 : index
          %get3A_2255 = tpu.vector_load %arg5[%get3A_2253, %get3A_2254] {strides = array<i32>} : memref<400x128xf32, #tpu.memory_space<vmem>>, vector<1x16xf32>,
          %get3A_2256 = vector.shape_cast %get3A_2255 : vector<1x16xf32> to vector<16xf32>
          %get3A_2257 = arith.index_cast %scan3A_2104 : i32 to index
          %get3A_2258 = arith.constant 80 : index
          %get3A_2259 = tpu.vector_load %arg5[%get3A_2257, %get3A_2258] {strides = array<i32>} : memref<400x128xf32, #tpu.memory_space<vmem>>, vector<1x16xf32>,
          %get3A_2260 = vector.shape_cast %get3A_2259 : vector<1x16xf32> to vector<16xf32>
          %add3A_2261 = arith.constant 200 : i32
          %add3A_2262 = arith.addi %scan3A_2104, %add3A_2261 : i32
          %get3A_2263 = arith.index_cast %add3A_2262 : i32 to index
          %get3A_2264 = arith.constant 80 : index
          %get3A_2265 = tpu.vector_load %arg5[%get3A_2263, %get3A_2264] {strides = array<i32>} : memref<400x128xf32, #tpu.memory_space<vmem>>, vector<1x16xf32>,
          %get3A_2266 = vector.shape_cast %get3A_2265 : vector<1x16xf32> to vector<16xf32>
          %add3A_2267 = arith.addf %get3A_2260, %get3A_2266 : vector<16xf32>
          %mul3A_2268 = arith.constant 0.0813658162 : f32
          %mul3A_2269 = vector.broadcast %mul3A_2268 : f32 to vector<16xf32>
          %mul3A_2270 = arith.mulf %mul3A_2269, %add3A_2267 : vector<16xf32>
          %add3A_2271 = arith.addf %get3A_2256, %mul3A_2270 : vector<16xf32>
          %mul3A_2272 = arith.constant 0.739675164 : f32
          %mul3A_2273 = vector.broadcast %mul3A_2272 : f32 to vector<16xf32>
          %mul3A_2274 = arith.mulf %mul3A_2273, %add3A_2271 : vector<16xf32>
          %swap3A_2275 = arith.index_cast %scan3A_2104 : i32 to index
          %swap3A_2276 = arith.constant 80 : index
          %swap3A_2277 = tpu.vector_load %arg5[%swap3A_2275, %swap3A_2276] {strides = array<i32>} : memref<400x128xf32, #tpu.memory_space<vmem>>, vector<1x16xf32>,
          %swap3A_2278 = vector.shape_cast %swap3A_2277 : vector<1x16xf32> to vector<16xf32>
          %swap3A_2279 = vector.shape_cast %mul3A_2274 : vector<16xf32> to vector<1x16xf32>
          tpu.vector_store %arg5[%swap3A_2275, %swap3A_2276], %swap3A_2279 {strides = array<i32>} : memref<400x128xf32, #tpu.memory_space<vmem>>, vector<1x16xf32>,
          %add3A_2280 = arith.constant 100 : i32
          %add3A_2281 = arith.addi %scan3A_2104, %add3A_2280 : i32
          %get3A_2282 = arith.index_cast %add3A_2281 : i32 to index
          %get3A_2283 = arith.constant 96 : index
          %get3A_2284 = tpu.vector_load %arg5[%get3A_2282, %get3A_2283] {strides = array<i32>} : memref<400x128xf32, #tpu.memory_space<vmem>>, vector<1x16xf32>,
          %get3A_2285 = vector.shape_cast %get3A_2284 : vector<1x16xf32> to vector<16xf32>
          %get3A_2286 = arith.index_cast %scan3A_2104 : i32 to index
          %get3A_2287 = arith.constant 96 : index
          %get3A_2288 = tpu.vector_load %arg5[%get3A_2286, %get3A_2287] {strides = array<i32>} : memref<400x128xf32, #tpu.memory_space<vmem>>, vector<1x16xf32>,
          %get3A_2289 = vector.shape_cast %get3A_2288 : vector<1x16xf32> to vector<16xf32>
          %add3A_2290 = arith.constant 200 : i32
          %add3A_2291 = arith.addi %scan3A_2104, %add3A_2290 : i32
          %get3A_2292 = arith.index_cast %add3A_2291 : i32 to index
          %get3A_2293 = arith.constant 96 : index
          %get3A_2294 = tpu.vector_load %arg5[%get3A_2292, %get3A_2293] {strides = array<i32>} : memref<400x128xf32, #tpu.memory_space<vmem>>, vector<1x16xf32>,
          %get3A_2295 = vector.shape_cast %get3A_2294 : vector<1x16xf32> to vector<16xf32>
          %add3A_2296 = arith.addf %get3A_2289, %get3A_2295 : vector<16xf32>
          %mul3A_2297 = arith.constant 0.0813658162 : f32
          %mul3A_2298 = vector.broadcast %mul3A_2297 : f32 to vector<16xf32>
          %mul3A_2299 = arith.mulf %mul3A_2298, %add3A_2296 : vector<16xf32>
          %add3A_2300 = arith.addf %get3A_2285, %mul3A_2299 : vector<16xf32>
          %mul3A_2301 = arith.constant 0.739675164 : f32
          %mul3A_2302 = vector.broadcast %mul3A_2301 : f32 to vector<16xf32>
          %mul3A_2303 = arith.mulf %mul3A_2302, %add3A_2300 : vector<16xf32>
          %swap3A_2304 = arith.index_cast %scan3A_2104 : i32 to index
          %swap3A_2305 = arith.constant 96 : index
          %swap3A_2306 = tpu.vector_load %arg5[%swap3A_2304, %swap3A_2305] {strides = array<i32>} : memref<400x128xf32, #tpu.memory_space<vmem>>, vector<1x16xf32>,
          %swap3A_2307 = vector.shape_cast %swap3A_2306 : vector<1x16xf32> to vector<16xf32>
          %swap3A_2308 = vector.shape_cast %mul3A_2303 : vector<16xf32> to vector<1x16xf32>
          tpu.vector_store %arg5[%swap3A_2304, %swap3A_2305], %swap3A_2308 {strides = array<i32>} : memref<400x128xf32, #tpu.memory_space<vmem>>, vector<1x16xf32>,
          %add3A_2309 = arith.constant 100 : i32
          %add3A_2310 = arith.addi %scan3A_2104, %add3A_2309 : i32
          %get3A_2311 = arith.index_cast %add3A_2310 : i32 to index
          %get3A_2312 = arith.constant 112 : index
          %get3A_2313 = tpu.vector_load %arg5[%get3A_2311, %get3A_2312] {strides = array<i32>} : memref<400x128xf32, #tpu.memory_space<vmem>>, vector<1x16xf32>,
          %get3A_2314 = vector.shape_cast %get3A_2313 : vector<1x16xf32> to vector<16xf32>
          %get3A_2315 = arith.index_cast %scan3A_2104 : i32 to index
          %get3A_2316 = arith.constant 112 : index
          %get3A_2317 = tpu.vector_load %arg5[%get3A_2315, %get3A_2316] {strides = array<i32>} : memref<400x128xf32, #tpu.memory_space<vmem>>, vector<1x16xf32>,
          %get3A_2318 = vector.shape_cast %get3A_2317 : vector<1x16xf32> to vector<16xf32>
          %add3A_2319 = arith.constant 200 : i32
          %add3A_2320 = arith.addi %scan3A_2104, %add3A_2319 : i32
          %get3A_2321 = arith.index_cast %add3A_2320 : i32 to index
          %get3A_2322 = arith.constant 112 : index
          %get3A_2323 = tpu.vector_load %arg5[%get3A_2321, %get3A_2322] {strides = array<i32>} : memref<400x128xf32, #tpu.memory_space<vmem>>, vector<1x16xf32>,
          %get3A_2324 = vector.shape_cast %get3A_2323 : vector<1x16xf32> to vector<16xf32>
          %add3A_2325 = arith.addf %get3A_2318, %get3A_2324 : vector<16xf32>
          %mul3A_2326 = arith.constant 0.0813658162 : f32
          %mul3A_2327 = vector.broadcast %mul3A_2326 : f32 to vector<16xf32>
          %mul3A_2328 = arith.mulf %mul3A_2327, %add3A_2325 : vector<16xf32>
          %add3A_2329 = arith.addf %get3A_2314, %mul3A_2328 : vector<16xf32>
          %mul3A_2330 = arith.constant 0.739675164 : f32
          %mul3A_2331 = vector.broadcast %mul3A_2330 : f32 to vector<16xf32>
          %mul3A_2332 = arith.mulf %mul3A_2331, %add3A_2329 : vector<16xf32>
          %swap3A_2333 = arith.index_cast %scan3A_2104 : i32 to index
          %swap3A_2334 = arith.constant 112 : index
          %swap3A_2335 = tpu.vector_load %arg5[%swap3A_2333, %swap3A_2334] {strides = array<i32>} : memref<400x128xf32, #tpu.memory_space<vmem>>, vector<1x16xf32>,
          %swap3A_2336 = vector.shape_cast %swap3A_2335 : vector<1x16xf32> to vector<16xf32>
          %swap3A_2337 = vector.shape_cast %mul3A_2332 : vector<16xf32> to vector<1x16xf32>
          tpu.vector_store %arg5[%swap3A_2333, %swap3A_2334], %swap3A_2337 {strides = array<i32>} : memref<400x128xf32, #tpu.memory_space<vmem>>, vector<1x16xf32>,
          %scan3A_2338 = arith.constant 0 : i32
          scf.yield %scan3A_2338 : i32
        }
        %scan3A_1605 = arith.constant 200 : i32
        %get3A_1606 = arith.constant 0 : i32
        %get3A_1607 = arith.index_cast %get3A_1606 : i32 to index
        %get3A_1608 = arith.constant 0 : index
        %get3A_1609 = tpu.vector_load %arg5[%get3A_1607, %get3A_1608] {strides = array<i32>} : memref<400x128xf32, #tpu.memory_space<vmem>>, vector<1x16xf32>,
        %get3A_1610 = vector.shape_cast %get3A_1609 : vector<1x16xf32> to vector<16xf32>
        %mul3A_1611 = arith.constant 1.07524359 : f32
        %mul3A_1612 = vector.broadcast %mul3A_1611 : f32 to vector<16xf32>
        %mul3A_1613 = arith.mulf %mul3A_1612, %get3A_1610 : vector<16xf32>
        %swap3A_1614 = arith.constant 0 : i32
        %swap3A_1615 = arith.index_cast %swap3A_1614 : i32 to index
        %swap3A_1616 = arith.constant 0 : index
        %swap3A_1617 = tpu.vector_load %arg5[%swap3A_1615, %swap3A_1616] {strides = array<i32>} : memref<400x128xf32, #tpu.memory_space<vmem>>, vector<1x16xf32>,
        %swap3A_1618 = vector.shape_cast %swap3A_1617 : vector<1x16xf32> to vector<16xf32>
        %swap3A_1619 = vector.shape_cast %mul3A_1613 : vector<16xf32> to vector<1x16xf32>
        tpu.vector_store %arg5[%swap3A_1615, %swap3A_1616], %swap3A_1619 {strides = array<i32>} : memref<400x128xf32, #tpu.memory_space<vmem>>, vector<1x16xf32>,
        %get3A_1620 = arith.constant 0 : i32
        %get3A_1621 = arith.index_cast %get3A_1620 : i32 to index
        %get3A_1622 = arith.constant 16 : index
        %get3A_1623 = tpu.vector_load %arg5[%get3A_1621, %get3A_1622] {strides = array<i32>} : memref<400x128xf32, #tpu.memory_space<vmem>>, vector<1x16xf32>,
        %get3A_1624 = vector.shape_cast %get3A_1623 : vector<1x16xf32> to vector<16xf32>
        %mul3A_1625 = arith.constant 1.07524359 : f32
        %mul3A_1626 = vector.broadcast %mul3A_1625 : f32 to vector<16xf32>
        %mul3A_1627 = arith.mulf %mul3A_1626, %get3A_1624 : vector<16xf32>
        %swap3A_1628 = arith.constant 0 : i32
        %swap3A_1629 = arith.index_cast %swap3A_1628 : i32 to index
        %swap3A_1630 = arith.constant 16 : index
        %swap3A_1631 = tpu.vector_load %arg5[%swap3A_1629, %swap3A_1630] {strides = array<i32>} : memref<400x128xf32, #tpu.memory_space<vmem>>, vector<1x16xf32>,
        %swap3A_1632 = vector.shape_cast %swap3A_1631 : vector<1x16xf32> to vector<16xf32>
        %swap3A_1633 = vector.shape_cast %mul3A_1627 : vector<16xf32> to vector<1x16xf32>
        tpu.vector_store %arg5[%swap3A_1629, %swap3A_1630], %swap3A_1633 {strides = array<i32>} : memref<400x128xf32, #tpu.memory_space<vmem>>, vector<1x16xf32>,
        %get3A_1634 = arith.constant 0 : i32
        %get3A_1635 = arith.index_cast %get3A_1634 : i32 to index
        %get3A_1636 = arith.constant 32 : index
        %get3A_1637 = tpu.vector_load %arg5[%get3A_1635, %get3A_1636] {strides = array<i32>} : memref<400x128xf32, #tpu.memory_space<vmem>>, vector<1x16xf32>,
        %get3A_1638 = vector.shape_cast %get3A_1637 : vector<1x16xf32> to vector<16xf32>
        %mul3A_1639 = arith.constant 1.07524359 : f32
        %mul3A_1640 = vector.broadcast %mul3A_1639 : f32 to vector<16xf32>
        %mul3A_1641 = arith.mulf %mul3A_1640, %get3A_1638 : vector<16xf32>
        %swap3A_1642 = arith.constant 0 : i32
        %swap3A_1643 = arith.index_cast %swap3A_1642 : i32 to index
        %swap3A_1644 = arith.constant 32 : index
        %swap3A_1645 = tpu.vector_load %arg5[%swap3A_1643, %swap3A_1644] {strides = array<i32>} : memref<400x128xf32, #tpu.memory_space<vmem>>, vector<1x16xf32>,
        %swap3A_1646 = vector.shape_cast %swap3A_1645 : vector<1x16xf32> to vector<16xf32>
        %swap3A_1647 = vector.shape_cast %mul3A_1641 : vector<16xf32> to vector<1x16xf32>
        tpu.vector_store %arg5[%swap3A_1643, %swap3A_1644], %swap3A_1647 {strides = array<i32>} : memref<400x128xf32, #tpu.memory_space<vmem>>, vector<1x16xf32>,
        %get3A_1648 = arith.constant 0 : i32
        %get3A_1649 = arith.index_cast %get3A_1648 : i32 to index
        %get3A_1650 = arith.constant 48 : index
        %get3A_1651 = tpu.vector_load %arg5[%get3A_1649, %get3A_1650] {strides = array<i32>} : memref<400x128xf32, #tpu.memory_space<vmem>>, vector<1x16xf32>,
        %get3A_1652 = vector.shape_cast %get3A_1651 : vector<1x16xf32> to vector<16xf32>
        %mul3A_1653 = arith.constant 1.07524359 : f32
        %mul3A_1654 = vector.broadcast %mul3A_1653 : f32 to vector<16xf32>
        %mul3A_1655 = arith.mulf %mul3A_1654, %get3A_1652 : vector<16xf32>
        %swap3A_1656 = arith.constant 0 : i32
        %swap3A_1657 = arith.index_cast %swap3A_1656 : i32 to index
        %swap3A_1658 = arith.constant 48 : index
        %swap3A_1659 = tpu.vector_load %arg5[%swap3A_1657, %swap3A_1658] {strides = array<i32>} : memref<400x128xf32, #tpu.memory_space<vmem>>, vector<1x16xf32>,
        %swap3A_1660 = vector.shape_cast %swap3A_1659 : vector<1x16xf32> to vector<16xf32>
        %swap3A_1661 = vector.shape_cast %mul3A_1655 : vector<16xf32> to vector<1x16xf32>
        tpu.vector_store %arg5[%swap3A_1657, %swap3A_1658], %swap3A_1661 {strides = array<i32>} : memref<400x128xf32, #tpu.memory_space<vmem>>, vector<1x16xf32>,
        %get3A_1662 = arith.constant 0 : i32
        %get3A_1663 = arith.index_cast %get3A_1662 : i32 to index
        %get3A_1664 = arith.constant 64 : index
        %get3A_1665 = tpu.vector_load %arg5[%get3A_1663, %get3A_1664] {strides = array<i32>} : memref<400x128xf32, #tpu.memory_space<vmem>>, vector<1x16xf32>,
        %get3A_1666 = vector.shape_cast %get3A_1665 : vector<1x16xf32> to vector<16xf32>
        %mul3A_1667 = arith.constant 1.07524359 : f32
        %mul3A_1668 = vector.broadcast %mul3A_1667 : f32 to vector<16xf32>
        %mul3A_1669 = arith.mulf %mul3A_1668, %get3A_1666 : vector<16xf32>
        %swap3A_1670 = arith.constant 0 : i32
        %swap3A_1671 = arith.index_cast %swap3A_1670 : i32 to index
        %swap3A_1672 = arith.constant 64 : index
        %swap3A_1673 = tpu.vector_load %arg5[%swap3A_1671, %swap3A_1672] {strides = array<i32>} : memref<400x128xf32, #tpu.memory_space<vmem>>, vector<1x16xf32>,
        %swap3A_1674 = vector.shape_cast %swap3A_1673 : vector<1x16xf32> to vector<16xf32>
        %swap3A_1675 = vector.shape_cast %mul3A_1669 : vector<16xf32> to vector<1x16xf32>
        tpu.vector_store %arg5[%swap3A_1671, %swap3A_1672], %swap3A_1675 {strides = array<i32>} : memref<400x128xf32, #tpu.memory_space<vmem>>, vector<1x16xf32>,
        %get3A_1676 = arith.constant 0 : i32
        %get3A_1677 = arith.index_cast %get3A_1676 : i32 to index
        %get3A_1678 = arith.constant 80 : index
        %get3A_1679 = tpu.vector_load %arg5[%get3A_1677, %get3A_1678] {strides = array<i32>} : memref<400x128xf32, #tpu.memory_space<vmem>>, vector<1x16xf32>,
        %get3A_1680 = vector.shape_cast %get3A_1679 : vector<1x16xf32> to vector<16xf32>
        %mul3A_1681 = arith.constant 1.07524359 : f32
        %mul3A_1682 = vector.broadcast %mul3A_1681 : f32 to vector<16xf32>
        %mul3A_1683 = arith.mulf %mul3A_1682, %get3A_1680 : vector<16xf32>
        %swap3A_1684 = arith.constant 0 : i32
        %swap3A_1685 = arith.index_cast %swap3A_1684 : i32 to index
        %swap3A_1686 = arith.constant 80 : index
        %swap3A_1687 = tpu.vector_load %arg5[%swap3A_1685, %swap3A_1686] {strides = array<i32>} : memref<400x128xf32, #tpu.memory_space<vmem>>, vector<1x16xf32>,
        %swap3A_1688 = vector.shape_cast %swap3A_1687 : vector<1x16xf32> to vector<16xf32>
        %swap3A_1689 = vector.shape_cast %mul3A_1683 : vector<16xf32> to vector<1x16xf32>
        tpu.vector_store %arg5[%swap3A_1685, %swap3A_1686], %swap3A_1689 {strides = array<i32>} : memref<400x128xf32, #tpu.memory_space<vmem>>, vector<1x16xf32>,
        %get3A_1690 = arith.constant 0 : i32
        %get3A_1691 = arith.index_cast %get3A_1690 : i32 to index
        %get3A_1692 = arith.constant 96 : index
        %get3A_1693 = tpu.vector_load %arg5[%get3A_1691, %get3A_1692] {strides = array<i32>} : memref<400x128xf32, #tpu.memory_space<vmem>>, vector<1x16xf32>,
        %get3A_1694 = vector.shape_cast %get3A_1693 : vector<1x16xf32> to vector<16xf32>
        %mul3A_1695 = arith.constant 1.07524359 : f32
        %mul3A_1696 = vector.broadcast %mul3A_1695 : f32 to vector<16xf32>
        %mul3A_1697 = arith.mulf %mul3A_1696, %get3A_1694 : vector<16xf32>
        %swap3A_1698 = arith.constant 0 : i32
        %swap3A_1699 = arith.index_cast %swap3A_1698 : i32 to index
        %swap3A_1700 = arith.constant 96 : index
        %swap3A_1701 = tpu.vector_load %arg5[%swap3A_1699, %swap3A_1700] {strides = array<i32>} : memref<400x128xf32, #tpu.memory_space<vmem>>, vector<1x16xf32>,
        %swap3A_1702 = vector.shape_cast %swap3A_1701 : vector<1x16xf32> to vector<16xf32>
        %swap3A_1703 = vector.shape_cast %mul3A_1697 : vector<16xf32> to vector<1x16xf32>
        tpu.vector_store %arg5[%swap3A_1699, %swap3A_1700], %swap3A_1703 {strides = array<i32>} : memref<400x128xf32, #tpu.memory_space<vmem>>, vector<1x16xf32>,
        %get3A_1704 = arith.constant 0 : i32
        %get3A_1705 = arith.index_cast %get3A_1704 : i32 to index
        %get3A_1706 = arith.constant 112 : index
        %get3A_1707 = tpu.vector_load %arg5[%get3A_1705, %get3A_1706] {strides = array<i32>} : memref<400x128xf32, #tpu.memory_space<vmem>>, vector<1x16xf32>,
        %get3A_1708 = vector.shape_cast %get3A_1707 : vector<1x16xf32> to vector<16xf32>
        %mul3A_1709 = arith.constant 1.07524359 : f32
        %mul3A_1710 = vector.broadcast %mul3A_1709 : f32 to vector<16xf32>
        %mul3A_1711 = arith.mulf %mul3A_1710, %get3A_1708 : vector<16xf32>
        %swap3A_1712 = arith.constant 0 : i32
        %swap3A_1713 = arith.index_cast %swap3A_1712 : i32 to index
        %swap3A_1714 = arith.constant 112 : index
        %swap3A_1715 = tpu.vector_load %arg5[%swap3A_1713, %swap3A_1714] {strides = array<i32>} : memref<400x128xf32, #tpu.memory_space<vmem>>, vector<1x16xf32>,
        %swap3A_1716 = vector.shape_cast %swap3A_1715 : vector<1x16xf32> to vector<16xf32>
        %swap3A_1717 = vector.shape_cast %mul3A_1711 : vector<16xf32> to vector<1x16xf32>
        tpu.vector_store %arg5[%swap3A_1713, %swap3A_1714], %swap3A_1717 {strides = array<i32>} : memref<400x128xf32, #tpu.memory_space<vmem>>, vector<1x16xf32>,
        %get3A_1718 = arith.constant 99 : i32
        %get3A_1719 = arith.index_cast %get3A_1718 : i32 to index
        %get3A_1720 = arith.constant 0 : index
        %get3A_1721 = tpu.vector_load %arg5[%get3A_1719, %get3A_1720] {strides = array<i32>} : memref<400x128xf32, #tpu.memory_space<vmem>>, vector<1x16xf32>,
        %get3A_1722 = vector.shape_cast %get3A_1721 : vector<1x16xf32> to vector<16xf32>
        %mul3A_1723 = arith.constant 1.07524359 : f32
        %mul3A_1724 = vector.broadcast %mul3A_1723 : f32 to vector<16xf32>
        %mul3A_1725 = arith.mulf %mul3A_1724, %get3A_1722 : vector<16xf32>
        %swap3A_1726 = arith.constant 99 : i32
        %swap3A_1727 = arith.index_cast %swap3A_1726 : i32 to index
        %swap3A_1728 = arith.constant 0 : index
        %swap3A_1729 = tpu.vector_load %arg5[%swap3A_1727, %swap3A_1728] {strides = array<i32>} : memref<400x128xf32, #tpu.memory_space<vmem>>, vector<1x16xf32>,
        %swap3A_1730 = vector.shape_cast %swap3A_1729 : vector<1x16xf32> to vector<16xf32>
        %swap3A_1731 = vector.shape_cast %mul3A_1725 : vector<16xf32> to vector<1x16xf32>
        tpu.vector_store %arg5[%swap3A_1727, %swap3A_1728], %swap3A_1731 {strides = array<i32>} : memref<400x128xf32, #tpu.memory_space<vmem>>, vector<1x16xf32>,
        %get3A_1732 = arith.constant 99 : i32
        %get3A_1733 = arith.index_cast %get3A_1732 : i32 to index
        %get3A_1734 = arith.constant 16 : index
        %get3A_1735 = tpu.vector_load %arg5[%get3A_1733, %get3A_1734] {strides = array<i32>} : memref<400x128xf32, #tpu.memory_space<vmem>>, vector<1x16xf32>,
        %get3A_1736 = vector.shape_cast %get3A_1735 : vector<1x16xf32> to vector<16xf32>
        %mul3A_1737 = arith.constant 1.07524359 : f32
        %mul3A_1738 = vector.broadcast %mul3A_1737 : f32 to vector<16xf32>
        %mul3A_1739 = arith.mulf %mul3A_1738, %get3A_1736 : vector<16xf32>
        %swap3A_1740 = arith.constant 99 : i32
        %swap3A_1741 = arith.index_cast %swap3A_1740 : i32 to index
        %swap3A_1742 = arith.constant 16 : index
        %swap3A_1743 = tpu.vector_load %arg5[%swap3A_1741, %swap3A_1742] {strides = array<i32>} : memref<400x128xf32, #tpu.memory_space<vmem>>, vector<1x16xf32>,
        %swap3A_1744 = vector.shape_cast %swap3A_1743 : vector<1x16xf32> to vector<16xf32>
        %swap3A_1745 = vector.shape_cast %mul3A_1739 : vector<16xf32> to vector<1x16xf32>
        tpu.vector_store %arg5[%swap3A_1741, %swap3A_1742], %swap3A_1745 {strides = array<i32>} : memref<400x128xf32, #tpu.memory_space<vmem>>, vector<1x16xf32>,
        %get3A_1746 = arith.constant 99 : i32
        %get3A_1747 = arith.index_cast %get3A_1746 : i32 to index
        %get3A_1748 = arith.constant 32 : index
        %get3A_1749 = tpu.vector_load %arg5[%get3A_1747, %get3A_1748] {strides = array<i32>} : memref<400x128xf32, #tpu.memory_space<vmem>>, vector<1x16xf32>,
        %get3A_1750 = vector.shape_cast %get3A_1749 : vector<1x16xf32> to vector<16xf32>
        %mul3A_1751 = arith.constant 1.07524359 : f32
        %mul3A_1752 = vector.broadcast %mul3A_1751 : f32 to vector<16xf32>
        %mul3A_1753 = arith.mulf %mul3A_1752, %get3A_1750 : vector<16xf32>
        %swap3A_1754 = arith.constant 99 : i32
        %swap3A_1755 = arith.index_cast %swap3A_1754 : i32 to index
        %swap3A_1756 = arith.constant 32 : index
        %swap3A_1757 = tpu.vector_load %arg5[%swap3A_1755, %swap3A_1756] {strides = array<i32>} : memref<400x128xf32, #tpu.memory_space<vmem>>, vector<1x16xf32>,
        %swap3A_1758 = vector.shape_cast %swap3A_1757 : vector<1x16xf32> to vector<16xf32>
        %swap3A_1759 = vector.shape_cast %mul3A_1753 : vector<16xf32> to vector<1x16xf32>
        tpu.vector_store %arg5[%swap3A_1755, %swap3A_1756], %swap3A_1759 {strides = array<i32>} : memref<400x128xf32, #tpu.memory_space<vmem>>, vector<1x16xf32>,
        %get3A_1760 = arith.constant 99 : i32
        %get3A_1761 = arith.index_cast %get3A_1760 : i32 to index
        %get3A_1762 = arith.constant 48 : index
        %get3A_1763 = tpu.vector_load %arg5[%get3A_1761, %get3A_1762] {strides = array<i32>} : memref<400x128xf32, #tpu.memory_space<vmem>>, vector<1x16xf32>,
        %get3A_1764 = vector.shape_cast %get3A_1763 : vector<1x16xf32> to vector<16xf32>
        %mul3A_1765 = arith.constant 1.07524359 : f32
        %mul3A_1766 = vector.broadcast %mul3A_1765 : f32 to vector<16xf32>
        %mul3A_1767 = arith.mulf %mul3A_1766, %get3A_1764 : vector<16xf32>
        %swap3A_1768 = arith.constant 99 : i32
        %swap3A_1769 = arith.index_cast %swap3A_1768 : i32 to index
        %swap3A_1770 = arith.constant 48 : index
        %swap3A_1771 = tpu.vector_load %arg5[%swap3A_1769, %swap3A_1770] {strides = array<i32>} : memref<400x128xf32, #tpu.memory_space<vmem>>, vector<1x16xf32>,
        %swap3A_1772 = vector.shape_cast %swap3A_1771 : vector<1x16xf32> to vector<16xf32>
        %swap3A_1773 = vector.shape_cast %mul3A_1767 : vector<16xf32> to vector<1x16xf32>
        tpu.vector_store %arg5[%swap3A_1769, %swap3A_1770], %swap3A_1773 {strides = array<i32>} : memref<400x128xf32, #tpu.memory_space<vmem>>, vector<1x16xf32>,
        %get3A_1774 = arith.constant 99 : i32
        %get3A_1775 = arith.index_cast %get3A_1774 : i32 to index
        %get3A_1776 = arith.constant 64 : index
        %get3A_1777 = tpu.vector_load %arg5[%get3A_1775, %get3A_1776] {strides = array<i32>} : memref<400x128xf32, #tpu.memory_space<vmem>>, vector<1x16xf32>,
        %get3A_1778 = vector.shape_cast %get3A_1777 : vector<1x16xf32> to vector<16xf32>
        %mul3A_1779 = arith.constant 1.07524359 : f32
        %mul3A_1780 = vector.broadcast %mul3A_1779 : f32 to vector<16xf32>
        %mul3A_1781 = arith.mulf %mul3A_1780, %get3A_1778 : vector<16xf32>
        %swap3A_1782 = arith.constant 99 : i32
        %swap3A_1783 = arith.index_cast %swap3A_1782 : i32 to index
        %swap3A_1784 = arith.constant 64 : index
        %swap3A_1785 = tpu.vector_load %arg5[%swap3A_1783, %swap3A_1784] {strides = array<i32>} : memref<400x128xf32, #tpu.memory_space<vmem>>, vector<1x16xf32>,
        %swap3A_1786 = vector.shape_cast %swap3A_1785 : vector<1x16xf32> to vector<16xf32>
        %swap3A_1787 = vector.shape_cast %mul3A_1781 : vector<16xf32> to vector<1x16xf32>
        tpu.vector_store %arg5[%swap3A_1783, %swap3A_1784], %swap3A_1787 {strides = array<i32>} : memref<400x128xf32, #tpu.memory_space<vmem>>, vector<1x16xf32>,
        %get3A_1788 = arith.constant 99 : i32
        %get3A_1789 = arith.index_cast %get3A_1788 : i32 to index
        %get3A_1790 = arith.constant 80 : index
        %get3A_1791 = tpu.vector_load %arg5[%get3A_1789, %get3A_1790] {strides = array<i32>} : memref<400x128xf32, #tpu.memory_space<vmem>>, vector<1x16xf32>,
        %get3A_1792 = vector.shape_cast %get3A_1791 : vector<1x16xf32> to vector<16xf32>
        %mul3A_1793 = arith.constant 1.07524359 : f32
        %mul3A_1794 = vector.broadcast %mul3A_1793 : f32 to vector<16xf32>
        %mul3A_1795 = arith.mulf %mul3A_1794, %get3A_1792 : vector<16xf32>
        %swap3A_1796 = arith.constant 99 : i32
        %swap3A_1797 = arith.index_cast %swap3A_1796 : i32 to index
        %swap3A_1798 = arith.constant 80 : index
        %swap3A_1799 = tpu.vector_load %arg5[%swap3A_1797, %swap3A_1798] {strides = array<i32>} : memref<400x128xf32, #tpu.memory_space<vmem>>, vector<1x16xf32>,
        %swap3A_1800 = vector.shape_cast %swap3A_1799 : vector<1x16xf32> to vector<16xf32>
        %swap3A_1801 = vector.shape_cast %mul3A_1795 : vector<16xf32> to vector<1x16xf32>
        tpu.vector_store %arg5[%swap3A_1797, %swap3A_1798], %swap3A_1801 {strides = array<i32>} : memref<400x128xf32, #tpu.memory_space<vmem>>, vector<1x16xf32>,
        %get3A_1802 = arith.constant 99 : i32
        %get3A_1803 = arith.index_cast %get3A_1802 : i32 to index
        %get3A_1804 = arith.constant 96 : index
        %get3A_1805 = tpu.vector_load %arg5[%get3A_1803, %get3A_1804] {strides = array<i32>} : memref<400x128xf32, #tpu.memory_space<vmem>>, vector<1x16xf32>,
        %get3A_1806 = vector.shape_cast %get3A_1805 : vector<1x16xf32> to vector<16xf32>
        %mul3A_1807 = arith.constant 1.07524359 : f32
        %mul3A_1808 = vector.broadcast %mul3A_1807 : f32 to vector<16xf32>
        %mul3A_1809 = arith.mulf %mul3A_1808, %get3A_1806 : vector<16xf32>
        %swap3A_1810 = arith.constant 99 : i32
        %swap3A_1811 = arith.index_cast %swap3A_1810 : i32 to index
        %swap3A_1812 = arith.constant 96 : index
        %swap3A_1813 = tpu.vector_load %arg5[%swap3A_1811, %swap3A_1812] {strides = array<i32>} : memref<400x128xf32, #tpu.memory_space<vmem>>, vector<1x16xf32>,
        %swap3A_1814 = vector.shape_cast %swap3A_1813 : vector<1x16xf32> to vector<16xf32>
        %swap3A_1815 = vector.shape_cast %mul3A_1809 : vector<16xf32> to vector<1x16xf32>
        tpu.vector_store %arg5[%swap3A_1811, %swap3A_1812], %swap3A_1815 {strides = array<i32>} : memref<400x128xf32, #tpu.memory_space<vmem>>, vector<1x16xf32>,
        %get3A_1816 = arith.constant 99 : i32
        %get3A_1817 = arith.index_cast %get3A_1816 : i32 to index
        %get3A_1818 = arith.constant 112 : index
        %get3A_1819 = tpu.vector_load %arg5[%get3A_1817, %get3A_1818] {strides = array<i32>} : memref<400x128xf32, #tpu.memory_space<vmem>>, vector<1x16xf32>,
        %get3A_1820 = vector.shape_cast %get3A_1819 : vector<1x16xf32> to vector<16xf32>
        %mul3A_1821 = arith.constant 1.07524359 : f32
        %mul3A_1822 = vector.broadcast %mul3A_1821 : f32 to vector<16xf32>
        %mul3A_1823 = arith.mulf %mul3A_1822, %get3A_1820 : vector<16xf32>
        %swap3A_1824 = arith.constant 99 : i32
        %swap3A_1825 = arith.index_cast %swap3A_1824 : i32 to index
        %swap3A_1826 = arith.constant 112 : index
        %swap3A_1827 = tpu.vector_load %arg5[%swap3A_1825, %swap3A_1826] {strides = array<i32>} : memref<400x128xf32, #tpu.memory_space<vmem>>, vector<1x16xf32>,
        %swap3A_1828 = vector.shape_cast %swap3A_1827 : vector<1x16xf32> to vector<16xf32>
        %swap3A_1829 = vector.shape_cast %mul3A_1823 : vector<16xf32> to vector<1x16xf32>
        tpu.vector_store %arg5[%swap3A_1825, %swap3A_1826], %swap3A_1829 {strides = array<i32>} : memref<400x128xf32, #tpu.memory_space<vmem>>, vector<1x16xf32>,
        %get3A_1830 = arith.constant 100 : i32
        %get3A_1831 = arith.index_cast %get3A_1830 : i32 to index
        %get3A_1832 = arith.constant 0 : index
        %get3A_1833 = tpu.vector_load %arg5[%get3A_1831, %get3A_1832] {strides = array<i32>} : memref<400x128xf32, #tpu.memory_space<vmem>>, vector<1x16xf32>,
        %get3A_1834 = vector.shape_cast %get3A_1833 : vector<1x16xf32> to vector<16xf32>
        %mul3A_1835 = arith.constant 1.07524359 : f32
        %mul3A_1836 = vector.broadcast %mul3A_1835 : f32 to vector<16xf32>
        %mul3A_1837 = arith.mulf %mul3A_1836, %get3A_1834 : vector<16xf32>
        %swap3A_1838 = arith.constant 100 : i32
        %swap3A_1839 = arith.index_cast %swap3A_1838 : i32 to index
        %swap3A_1840 = arith.constant 0 : index
        %swap3A_1841 = tpu.vector_load %arg5[%swap3A_1839, %swap3A_1840] {strides = array<i32>} : memref<400x128xf32, #tpu.memory_space<vmem>>, vector<1x16xf32>,
        %swap3A_1842 = vector.shape_cast %swap3A_1841 : vector<1x16xf32> to vector<16xf32>
        %swap3A_1843 = vector.shape_cast %mul3A_1837 : vector<16xf32> to vector<1x16xf32>
        tpu.vector_store %arg5[%swap3A_1839, %swap3A_1840], %swap3A_1843 {strides = array<i32>} : memref<400x128xf32, #tpu.memory_space<vmem>>, vector<1x16xf32>,
        %get3A_1844 = arith.constant 100 : i32
        %get3A_1845 = arith.index_cast %get3A_1844 : i32 to index
        %get3A_1846 = arith.constant 16 : index
        %get3A_1847 = tpu.vector_load %arg5[%get3A_1845, %get3A_1846] {strides = array<i32>} : memref<400x128xf32, #tpu.memory_space<vmem>>, vector<1x16xf32>,
        %get3A_1848 = vector.shape_cast %get3A_1847 : vector<1x16xf32> to vector<16xf32>
        %mul3A_1849 = arith.constant 1.07524359 : f32
        %mul3A_1850 = vector.broadcast %mul3A_1849 : f32 to vector<16xf32>
        %mul3A_1851 = arith.mulf %mul3A_1850, %get3A_1848 : vector<16xf32>
        %swap3A_1852 = arith.constant 100 : i32
        %swap3A_1853 = arith.index_cast %swap3A_1852 : i32 to index
        %swap3A_1854 = arith.constant 16 : index
        %swap3A_1855 = tpu.vector_load %arg5[%swap3A_1853, %swap3A_1854] {strides = array<i32>} : memref<400x128xf32, #tpu.memory_space<vmem>>, vector<1x16xf32>,
        %swap3A_1856 = vector.shape_cast %swap3A_1855 : vector<1x16xf32> to vector<16xf32>
        %swap3A_1857 = vector.shape_cast %mul3A_1851 : vector<16xf32> to vector<1x16xf32>
        tpu.vector_store %arg5[%swap3A_1853, %swap3A_1854], %swap3A_1857 {strides = array<i32>} : memref<400x128xf32, #tpu.memory_space<vmem>>, vector<1x16xf32>,
        %get3A_1858 = arith.constant 100 : i32
        %get3A_1859 = arith.index_cast %get3A_1858 : i32 to index
        %get3A_1860 = arith.constant 32 : index
        %get3A_1861 = tpu.vector_load %arg5[%get3A_1859, %get3A_1860] {strides = array<i32>} : memref<400x128xf32, #tpu.memory_space<vmem>>, vector<1x16xf32>,
        %get3A_1862 = vector.shape_cast %get3A_1861 : vector<1x16xf32> to vector<16xf32>
        %mul3A_1863 = arith.constant 1.07524359 : f32
        %mul3A_1864 = vector.broadcast %mul3A_1863 : f32 to vector<16xf32>
        %mul3A_1865 = arith.mulf %mul3A_1864, %get3A_1862 : vector<16xf32>
        %swap3A_1866 = arith.constant 100 : i32
        %swap3A_1867 = arith.index_cast %swap3A_1866 : i32 to index
        %swap3A_1868 = arith.constant 32 : index
        %swap3A_1869 = tpu.vector_load %arg5[%swap3A_1867, %swap3A_1868] {strides = array<i32>} : memref<400x128xf32, #tpu.memory_space<vmem>>, vector<1x16xf32>,
        %swap3A_1870 = vector.shape_cast %swap3A_1869 : vector<1x16xf32> to vector<16xf32>
        %swap3A_1871 = vector.shape_cast %mul3A_1865 : vector<16xf32> to vector<1x16xf32>
        tpu.vector_store %arg5[%swap3A_1867, %swap3A_1868], %swap3A_1871 {strides = array<i32>} : memref<400x128xf32, #tpu.memory_space<vmem>>, vector<1x16xf32>,
        %get3A_1872 = arith.constant 100 : i32
        %get3A_1873 = arith.index_cast %get3A_1872 : i32 to index
        %get3A_1874 = arith.constant 48 : index
        %get3A_1875 = tpu.vector_load %arg5[%get3A_1873, %get3A_1874] {strides = array<i32>} : memref<400x128xf32, #tpu.memory_space<vmem>>, vector<1x16xf32>,
        %get3A_1876 = vector.shape_cast %get3A_1875 : vector<1x16xf32> to vector<16xf32>
        %mul3A_1877 = arith.constant 1.07524359 : f32
        %mul3A_1878 = vector.broadcast %mul3A_1877 : f32 to vector<16xf32>
        %mul3A_1879 = arith.mulf %mul3A_1878, %get3A_1876 : vector<16xf32>
        %swap3A_1880 = arith.constant 100 : i32
        %swap3A_1881 = arith.index_cast %swap3A_1880 : i32 to index
        %swap3A_1882 = arith.constant 48 : index
        %swap3A_1883 = tpu.vector_load %arg5[%swap3A_1881, %swap3A_1882] {strides = array<i32>} : memref<400x128xf32, #tpu.memory_space<vmem>>, vector<1x16xf32>,
        %swap3A_1884 = vector.shape_cast %swap3A_1883 : vector<1x16xf32> to vector<16xf32>
        %swap3A_1885 = vector.shape_cast %mul3A_1879 : vector<16xf32> to vector<1x16xf32>
        tpu.vector_store %arg5[%swap3A_1881, %swap3A_1882], %swap3A_1885 {strides = array<i32>} : memref<400x128xf32, #tpu.memory_space<vmem>>, vector<1x16xf32>,
        %get3A_1886 = arith.constant 100 : i32
        %get3A_1887 = arith.index_cast %get3A_1886 : i32 to index
        %get3A_1888 = arith.constant 64 : index
        %get3A_1889 = tpu.vector_load %arg5[%get3A_1887, %get3A_1888] {strides = array<i32>} : memref<400x128xf32, #tpu.memory_space<vmem>>, vector<1x16xf32>,
        %get3A_1890 = vector.shape_cast %get3A_1889 : vector<1x16xf32> to vector<16xf32>
        %mul3A_1891 = arith.constant 1.07524359 : f32
        %mul3A_1892 = vector.broadcast %mul3A_1891 : f32 to vector<16xf32>
        %mul3A_1893 = arith.mulf %mul3A_1892, %get3A_1890 : vector<16xf32>
        %swap3A_1894 = arith.constant 100 : i32
        %swap3A_1895 = arith.index_cast %swap3A_1894 : i32 to index
        %swap3A_1896 = arith.constant 64 : index
        %swap3A_1897 = tpu.vector_load %arg5[%swap3A_1895, %swap3A_1896] {strides = array<i32>} : memref<400x128xf32, #tpu.memory_space<vmem>>, vector<1x16xf32>,
        %swap3A_1898 = vector.shape_cast %swap3A_1897 : vector<1x16xf32> to vector<16xf32>
        %swap3A_1899 = vector.shape_cast %mul3A_1893 : vector<16xf32> to vector<1x16xf32>
        tpu.vector_store %arg5[%swap3A_1895, %swap3A_1896], %swap3A_1899 {strides = array<i32>} : memref<400x128xf32, #tpu.memory_space<vmem>>, vector<1x16xf32>,
        %get3A_1900 = arith.constant 100 : i32
        %get3A_1901 = arith.index_cast %get3A_1900 : i32 to index
        %get3A_1902 = arith.constant 80 : index
        %get3A_1903 = tpu.vector_load %arg5[%get3A_1901, %get3A_1902] {strides = array<i32>} : memref<400x128xf32, #tpu.memory_space<vmem>>, vector<1x16xf32>,
        %get3A_1904 = vector.shape_cast %get3A_1903 : vector<1x16xf32> to vector<16xf32>
        %mul3A_1905 = arith.constant 1.07524359 : f32
        %mul3A_1906 = vector.broadcast %mul3A_1905 : f32 to vector<16xf32>
        %mul3A_1907 = arith.mulf %mul3A_1906, %get3A_1904 : vector<16xf32>
        %swap3A_1908 = arith.constant 100 : i32
        %swap3A_1909 = arith.index_cast %swap3A_1908 : i32 to index
        %swap3A_1910 = arith.constant 80 : index
        %swap3A_1911 = tpu.vector_load %arg5[%swap3A_1909, %swap3A_1910] {strides = array<i32>} : memref<400x128xf32, #tpu.memory_space<vmem>>, vector<1x16xf32>,
        %swap3A_1912 = vector.shape_cast %swap3A_1911 : vector<1x16xf32> to vector<16xf32>
        %swap3A_1913 = vector.shape_cast %mul3A_1907 : vector<16xf32> to vector<1x16xf32>
        tpu.vector_store %arg5[%swap3A_1909, %swap3A_1910], %swap3A_1913 {strides = array<i32>} : memref<400x128xf32, #tpu.memory_space<vmem>>, vector<1x16xf32>,
        %get3A_1914 = arith.constant 100 : i32
        %get3A_1915 = arith.index_cast %get3A_1914 : i32 to index
        %get3A_1916 = arith.constant 96 : index
        %get3A_1917 = tpu.vector_load %arg5[%get3A_1915, %get3A_1916] {strides = array<i32>} : memref<400x128xf32, #tpu.memory_space<vmem>>, vector<1x16xf32>,
        %get3A_1918 = vector.shape_cast %get3A_1917 : vector<1x16xf32> to vector<16xf32>
        %mul3A_1919 = arith.constant 1.07524359 : f32
        %mul3A_1920 = vector.broadcast %mul3A_1919 : f32 to vector<16xf32>
        %mul3A_1921 = arith.mulf %mul3A_1920, %get3A_1918 : vector<16xf32>
        %swap3A_1922 = arith.constant 100 : i32
        %swap3A_1923 = arith.index_cast %swap3A_1922 : i32 to index
        %swap3A_1924 = arith.constant 96 : index
        %swap3A_1925 = tpu.vector_load %arg5[%swap3A_1923, %swap3A_1924] {strides = array<i32>} : memref<400x128xf32, #tpu.memory_space<vmem>>, vector<1x16xf32>,
        %swap3A_1926 = vector.shape_cast %swap3A_1925 : vector<1x16xf32> to vector<16xf32>
        %swap3A_1927 = vector.shape_cast %mul3A_1921 : vector<16xf32> to vector<1x16xf32>
        tpu.vector_store %arg5[%swap3A_1923, %swap3A_1924], %swap3A_1927 {strides = array<i32>} : memref<400x128xf32, #tpu.memory_space<vmem>>, vector<1x16xf32>,
        %get3A_1928 = arith.constant 100 : i32
        %get3A_1929 = arith.index_cast %get3A_1928 : i32 to index
        %get3A_1930 = arith.constant 112 : index
        %get3A_1931 = tpu.vector_load %arg5[%get3A_1929, %get3A_1930] {strides = array<i32>} : memref<400x128xf32, #tpu.memory_space<vmem>>, vector<1x16xf32>,
        %get3A_1932 = vector.shape_cast %get3A_1931 : vector<1x16xf32> to vector<16xf32>
        %mul3A_1933 = arith.constant 1.07524359 : f32
        %mul3A_1934 = vector.broadcast %mul3A_1933 : f32 to vector<16xf32>
        %mul3A_1935 = arith.mulf %mul3A_1934, %get3A_1932 : vector<16xf32>
        %swap3A_1936 = arith.constant 100 : i32
        %swap3A_1937 = arith.index_cast %swap3A_1936 : i32 to index
        %swap3A_1938 = arith.constant 112 : index
        %swap3A_1939 = tpu.vector_load %arg5[%swap3A_1937, %swap3A_1938] {strides = array<i32>} : memref<400x128xf32, #tpu.memory_space<vmem>>, vector<1x16xf32>,
        %swap3A_1940 = vector.shape_cast %swap3A_1939 : vector<1x16xf32> to vector<16xf32>
        %swap3A_1941 = vector.shape_cast %mul3A_1935 : vector<16xf32> to vector<1x16xf32>
        tpu.vector_store %arg5[%swap3A_1937, %swap3A_1938], %swap3A_1941 {strides = array<i32>} : memref<400x128xf32, #tpu.memory_space<vmem>>, vector<1x16xf32>,
        %get3A_1942 = arith.constant 199 : i32
        %get3A_1943 = arith.index_cast %get3A_1942 : i32 to index
        %get3A_1944 = arith.constant 0 : index
        %get3A_1945 = tpu.vector_load %arg5[%get3A_1943, %get3A_1944] {strides = array<i32>} : memref<400x128xf32, #tpu.memory_space<vmem>>, vector<1x16xf32>,
        %get3A_1946 = vector.shape_cast %get3A_1945 : vector<1x16xf32> to vector<16xf32>
        %mul3A_1947 = arith.constant 1.07524359 : f32
        %mul3A_1948 = vector.broadcast %mul3A_1947 : f32 to vector<16xf32>
        %mul3A_1949 = arith.mulf %mul3A_1948, %get3A_1946 : vector<16xf32>
        %swap3A_1950 = arith.constant 199 : i32
        %swap3A_1951 = arith.index_cast %swap3A_1950 : i32 to index
        %swap3A_1952 = arith.constant 0 : index
        %swap3A_1953 = tpu.vector_load %arg5[%swap3A_1951, %swap3A_1952] {strides = array<i32>} : memref<400x128xf32, #tpu.memory_space<vmem>>, vector<1x16xf32>,
        %swap3A_1954 = vector.shape_cast %swap3A_1953 : vector<1x16xf32> to vector<16xf32>
        %swap3A_1955 = vector.shape_cast %mul3A_1949 : vector<16xf32> to vector<1x16xf32>
        tpu.vector_store %arg5[%swap3A_1951, %swap3A_1952], %swap3A_1955 {strides = array<i32>} : memref<400x128xf32, #tpu.memory_space<vmem>>, vector<1x16xf32>,
        %get3A_1956 = arith.constant 199 : i32
        %get3A_1957 = arith.index_cast %get3A_1956 : i32 to index
        %get3A_1958 = arith.constant 16 : index
        %get3A_1959 = tpu.vector_load %arg5[%get3A_1957, %get3A_1958] {strides = array<i32>} : memref<400x128xf32, #tpu.memory_space<vmem>>, vector<1x16xf32>,
        %get3A_1960 = vector.shape_cast %get3A_1959 : vector<1x16xf32> to vector<16xf32>
        %mul3A_1961 = arith.constant 1.07524359 : f32
        %mul3A_1962 = vector.broadcast %mul3A_1961 : f32 to vector<16xf32>
        %mul3A_1963 = arith.mulf %mul3A_1962, %get3A_1960 : vector<16xf32>
        %swap3A_1964 = arith.constant 199 : i32
        %swap3A_1965 = arith.index_cast %swap3A_1964 : i32 to index
        %swap3A_1966 = arith.constant 16 : index
        %swap3A_1967 = tpu.vector_load %arg5[%swap3A_1965, %swap3A_1966] {strides = array<i32>} : memref<400x128xf32, #tpu.memory_space<vmem>>, vector<1x16xf32>,
        %swap3A_1968 = vector.shape_cast %swap3A_1967 : vector<1x16xf32> to vector<16xf32>
        %swap3A_1969 = vector.shape_cast %mul3A_1963 : vector<16xf32> to vector<1x16xf32>
        tpu.vector_store %arg5[%swap3A_1965, %swap3A_1966], %swap3A_1969 {strides = array<i32>} : memref<400x128xf32, #tpu.memory_space<vmem>>, vector<1x16xf32>,
        %get3A_1970 = arith.constant 199 : i32
        %get3A_1971 = arith.index_cast %get3A_1970 : i32 to index
        %get3A_1972 = arith.constant 32 : index
        %get3A_1973 = tpu.vector_load %arg5[%get3A_1971, %get3A_1972] {strides = array<i32>} : memref<400x128xf32, #tpu.memory_space<vmem>>, vector<1x16xf32>,
        %get3A_1974 = vector.shape_cast %get3A_1973 : vector<1x16xf32> to vector<16xf32>
        %mul3A_1975 = arith.constant 1.07524359 : f32
        %mul3A_1976 = vector.broadcast %mul3A_1975 : f32 to vector<16xf32>
        %mul3A_1977 = arith.mulf %mul3A_1976, %get3A_1974 : vector<16xf32>
        %swap3A_1978 = arith.constant 199 : i32
        %swap3A_1979 = arith.index_cast %swap3A_1978 : i32 to index
        %swap3A_1980 = arith.constant 32 : index
        %swap3A_1981 = tpu.vector_load %arg5[%swap3A_1979, %swap3A_1980] {strides = array<i32>} : memref<400x128xf32, #tpu.memory_space<vmem>>, vector<1x16xf32>,
        %swap3A_1982 = vector.shape_cast %swap3A_1981 : vector<1x16xf32> to vector<16xf32>
        %swap3A_1983 = vector.shape_cast %mul3A_1977 : vector<16xf32> to vector<1x16xf32>
        tpu.vector_store %arg5[%swap3A_1979, %swap3A_1980], %swap3A_1983 {strides = array<i32>} : memref<400x128xf32, #tpu.memory_space<vmem>>, vector<1x16xf32>,
        %get3A_1984 = arith.constant 199 : i32
        %get3A_1985 = arith.index_cast %get3A_1984 : i32 to index
        %get3A_1986 = arith.constant 48 : index
        %get3A_1987 = tpu.vector_load %arg5[%get3A_1985, %get3A_1986] {strides = array<i32>} : memref<400x128xf32, #tpu.memory_space<vmem>>, vector<1x16xf32>,
        %get3A_1988 = vector.shape_cast %get3A_1987 : vector<1x16xf32> to vector<16xf32>
        %mul3A_1989 = arith.constant 1.07524359 : f32
        %mul3A_1990 = vector.broadcast %mul3A_1989 : f32 to vector<16xf32>
        %mul3A_1991 = arith.mulf %mul3A_1990, %get3A_1988 : vector<16xf32>
        %swap3A_1992 = arith.constant 199 : i32
        %swap3A_1993 = arith.index_cast %swap3A_1992 : i32 to index
        %swap3A_1994 = arith.constant 48 : index
        %swap3A_1995 = tpu.vector_load %arg5[%swap3A_1993, %swap3A_1994] {strides = array<i32>} : memref<400x128xf32, #tpu.memory_space<vmem>>, vector<1x16xf32>,
        %swap3A_1996 = vector.shape_cast %swap3A_1995 : vector<1x16xf32> to vector<16xf32>
        %swap3A_1997 = vector.shape_cast %mul3A_1991 : vector<16xf32> to vector<1x16xf32>
        tpu.vector_store %arg5[%swap3A_1993, %swap3A_1994], %swap3A_1997 {strides = array<i32>} : memref<400x128xf32, #tpu.memory_space<vmem>>, vector<1x16xf32>,
        %get3A_1998 = arith.constant 199 : i32
        %get3A_1999 = arith.index_cast %get3A_1998 : i32 to index
        %get3A_2000 = arith.constant 64 : index
        %get3A_2001 = tpu.vector_load %arg5[%get3A_1999, %get3A_2000] {strides = array<i32>} : memref<400x128xf32, #tpu.memory_space<vmem>>, vector<1x16xf32>,
        %get3A_2002 = vector.shape_cast %get3A_2001 : vector<1x16xf32> to vector<16xf32>
        %mul3A_2003 = arith.constant 1.07524359 : f32
        %mul3A_2004 = vector.broadcast %mul3A_2003 : f32 to vector<16xf32>
        %mul3A_2005 = arith.mulf %mul3A_2004, %get3A_2002 : vector<16xf32>
        %swap3A_2006 = arith.constant 199 : i32
        %swap3A_2007 = arith.index_cast %swap3A_2006 : i32 to index
        %swap3A_2008 = arith.constant 64 : index
        %swap3A_2009 = tpu.vector_load %arg5[%swap3A_2007, %swap3A_2008] {strides = array<i32>} : memref<400x128xf32, #tpu.memory_space<vmem>>, vector<1x16xf32>,
        %swap3A_2010 = vector.shape_cast %swap3A_2009 : vector<1x16xf32> to vector<16xf32>
        %swap3A_2011 = vector.shape_cast %mul3A_2005 : vector<16xf32> to vector<1x16xf32>
        tpu.vector_store %arg5[%swap3A_2007, %swap3A_2008], %swap3A_2011 {strides = array<i32>} : memref<400x128xf32, #tpu.memory_space<vmem>>, vector<1x16xf32>,
        %get3A_2012 = arith.constant 199 : i32
        %get3A_2013 = arith.index_cast %get3A_2012 : i32 to index
        %get3A_2014 = arith.constant 80 : index
        %get3A_2015 = tpu.vector_load %arg5[%get3A_2013, %get3A_2014] {strides = array<i32>} : memref<400x128xf32, #tpu.memory_space<vmem>>, vector<1x16xf32>,
        %get3A_2016 = vector.shape_cast %get3A_2015 : vector<1x16xf32> to vector<16xf32>
        %mul3A_2017 = arith.constant 1.07524359 : f32
        %mul3A_2018 = vector.broadcast %mul3A_2017 : f32 to vector<16xf32>
        %mul3A_2019 = arith.mulf %mul3A_2018, %get3A_2016 : vector<16xf32>
        %swap3A_2020 = arith.constant 199 : i32
        %swap3A_2021 = arith.index_cast %swap3A_2020 : i32 to index
        %swap3A_2022 = arith.constant 80 : index
        %swap3A_2023 = tpu.vector_load %arg5[%swap3A_2021, %swap3A_2022] {strides = array<i32>} : memref<400x128xf32, #tpu.memory_space<vmem>>, vector<1x16xf32>,
        %swap3A_2024 = vector.shape_cast %swap3A_2023 : vector<1x16xf32> to vector<16xf32>
        %swap3A_2025 = vector.shape_cast %mul3A_2019 : vector<16xf32> to vector<1x16xf32>
        tpu.vector_store %arg5[%swap3A_2021, %swap3A_2022], %swap3A_2025 {strides = array<i32>} : memref<400x128xf32, #tpu.memory_space<vmem>>, vector<1x16xf32>,
        %get3A_2026 = arith.constant 199 : i32
        %get3A_2027 = arith.index_cast %get3A_2026 : i32 to index
        %get3A_2028 = arith.constant 96 : index
        %get3A_2029 = tpu.vector_load %arg5[%get3A_2027, %get3A_2028] {strides = array<i32>} : memref<400x128xf32, #tpu.memory_space<vmem>>, vector<1x16xf32>,
        %get3A_2030 = vector.shape_cast %get3A_2029 : vector<1x16xf32> to vector<16xf32>
        %mul3A_2031 = arith.constant 1.07524359 : f32
        %mul3A_2032 = vector.broadcast %mul3A_2031 : f32 to vector<16xf32>
        %mul3A_2033 = arith.mulf %mul3A_2032, %get3A_2030 : vector<16xf32>
        %swap3A_2034 = arith.constant 199 : i32
        %swap3A_2035 = arith.index_cast %swap3A_2034 : i32 to index
        %swap3A_2036 = arith.constant 96 : index
        %swap3A_2037 = tpu.vector_load %arg5[%swap3A_2035, %swap3A_2036] {strides = array<i32>} : memref<400x128xf32, #tpu.memory_space<vmem>>, vector<1x16xf32>,
        %swap3A_2038 = vector.shape_cast %swap3A_2037 : vector<1x16xf32> to vector<16xf32>
        %swap3A_2039 = vector.shape_cast %mul3A_2033 : vector<16xf32> to vector<1x16xf32>
        tpu.vector_store %arg5[%swap3A_2035, %swap3A_2036], %swap3A_2039 {strides = array<i32>} : memref<400x128xf32, #tpu.memory_space<vmem>>, vector<1x16xf32>,
        %get3A_2040 = arith.constant 199 : i32
        %get3A_2041 = arith.index_cast %get3A_2040 : i32 to index
        %get3A_2042 = arith.constant 112 : index
        %get3A_2043 = tpu.vector_load %arg5[%get3A_2041, %get3A_2042] {strides = array<i32>} : memref<400x128xf32, #tpu.memory_space<vmem>>, vector<1x16xf32>,
        %get3A_2044 = vector.shape_cast %get3A_2043 : vector<1x16xf32> to vector<16xf32>
        %mul3A_2045 = arith.constant 1.07524359 : f32
        %mul3A_2046 = vector.broadcast %mul3A_2045 : f32 to vector<16xf32>
        %mul3A_2047 = arith.mulf %mul3A_2046, %get3A_2044 : vector<16xf32>
        %swap3A_2048 = arith.constant 199 : i32
        %swap3A_2049 = arith.index_cast %swap3A_2048 : i32 to index
        %swap3A_2050 = arith.constant 112 : index
        %swap3A_2051 = tpu.vector_load %arg5[%swap3A_2049, %swap3A_2050] {strides = array<i32>} : memref<400x128xf32, #tpu.memory_space<vmem>>, vector<1x16xf32>,
        %swap3A_2052 = vector.shape_cast %swap3A_2051 : vector<1x16xf32> to vector<16xf32>
        %swap3A_2053 = vector.shape_cast %mul3A_2047 : vector<16xf32> to vector<1x16xf32>
        tpu.vector_store %arg5[%swap3A_2049, %swap3A_2050], %swap3A_2053 {strides = array<i32>} : memref<400x128xf32, #tpu.memory_space<vmem>>, vector<1x16xf32>,
        %eq3A_2054 = arith.constant 0 : i32
        %eq3A_2055 = arith.cmpi eq, %select_n3A_69, %eq3A_2054 : i32
        %convert_element_type3A_2056 = arith.extui %eq3A_2055 : i1 to i32
        %cond3A_2057 = arith.constant 0 : i32
        %cond3A_2058 = arith.cmpi ne, %convert_element_type3A_2056, %cond3A_2057 : i32
        scf.if %cond3A_2058 {
          %scan3A_2104 = arith.constant 0 : i32
          %scan3A_2105 = arith.constant 0 : i32
          %scan3A_2106 = arith.constant 100 : i32
          %scan3A_2107 = arith.addi %scan3A_2105, %scan3A_2106 : i32
          %scan3A_2108 = arith.constant 1 : i32
          %scan3A_2109 = scf.for %scan3A_2111 = %scan3A_2105 to %scan3A_2107 step %scan3A_2108 iter_args(%scan3A_2112 = %scan3A_2104) -> (i32)  : i32 {
            %get3A_2113 = arith.index_cast %scan3A_2111 : i32 to index
            %get3A_2114 = arith.constant 0 : index
            %get3A_2115 = tpu.vector_load %arg5[%get3A_2113, %get3A_2114] {strides = array<i32>} : memref<400x128xf32, #tpu.memory_space<vmem>>, vector<1x16xf32>,
            %get3A_2116 = vector.shape_cast %get3A_2115 : vector<1x16xf32> to vector<16xf32>
            %mul3A_2117 = arith.constant 1.07524359 : f32
            %mul3A_2118 = vector.broadcast %mul3A_2117 : f32 to vector<16xf32>
            %mul3A_2119 = arith.mulf %mul3A_2118, %get3A_2116 : vector<16xf32>
            %swap3A_2120 = arith.index_cast %scan3A_2111 : i32 to index
            %swap3A_2121 = arith.constant 0 : index
            %swap3A_2122 = tpu.vector_load %arg5[%swap3A_2120, %swap3A_2121] {strides = array<i32>} : memref<400x128xf32, #tpu.memory_space<vmem>>, vector<1x16xf32>,
            %swap3A_2123 = vector.shape_cast %swap3A_2122 : vector<1x16xf32> to vector<16xf32>
            %swap3A_2124 = vector.shape_cast %mul3A_2119 : vector<16xf32> to vector<1x16xf32>
            tpu.vector_store %arg5[%swap3A_2120, %swap3A_2121], %swap3A_2124 {strides = array<i32>} : memref<400x128xf32, #tpu.memory_space<vmem>>, vector<1x16xf32>,
            %get3A_2125 = arith.index_cast %scan3A_2111 : i32 to index
            %get3A_2126 = arith.constant 16 : index
            %get3A_2127 = tpu.vector_load %arg5[%get3A_2125, %get3A_2126] {strides = array<i32>} : memref<400x128xf32, #tpu.memory_space<vmem>>, vector<1x16xf32>,
            %get3A_2128 = vector.shape_cast %get3A_2127 : vector<1x16xf32> to vector<16xf32>
            %mul3A_2129 = arith.constant 1.07524359 : f32
            %mul3A_2130 = vector.broadcast %mul3A_2129 : f32 to vector<16xf32>
            %mul3A_2131 = arith.mulf %mul3A_2130, %get3A_2128 : vector<16xf32>
            %swap3A_2132 = arith.index_cast %scan3A_2111 : i32 to index
            %swap3A_2133 = arith.constant 16 : index
            %swap3A_2134 = tpu.vector_load %arg5[%swap3A_2132, %swap3A_2133] {strides = array<i32>} : memref<400x128xf32, #tpu.memory_space<vmem>>, vector<1x16xf32>,
            %swap3A_2135 = vector.shape_cast %swap3A_2134 : vector<1x16xf32> to vector<16xf32>
            %swap3A_2136 = vector.shape_cast %mul3A_2131 : vector<16xf32> to vector<1x16xf32>
            tpu.vector_store %arg5[%swap3A_2132, %swap3A_2133], %swap3A_2136 {strides = array<i32>} : memref<400x128xf32, #tpu.memory_space<vmem>>, vector<1x16xf32>,
            %get3A_2137 = arith.index_cast %scan3A_2111 : i32 to index
            %get3A_2138 = arith.constant 32 : index
            %get3A_2139 = tpu.vector_load %arg5[%get3A_2137, %get3A_2138] {strides = array<i32>} : memref<400x128xf32, #tpu.memory_space<vmem>>, vector<1x16xf32>,
            %get3A_2140 = vector.shape_cast %get3A_2139 : vector<1x16xf32> to vector<16xf32>
            %mul3A_2141 = arith.constant 1.07524359 : f32
            %mul3A_2142 = vector.broadcast %mul3A_2141 : f32 to vector<16xf32>
            %mul3A_2143 = arith.mulf %mul3A_2142, %get3A_2140 : vector<16xf32>
            %swap3A_2144 = arith.index_cast %scan3A_2111 : i32 to index
            %swap3A_2145 = arith.constant 32 : index
            %swap3A_2146 = tpu.vector_load %arg5[%swap3A_2144, %swap3A_2145] {strides = array<i32>} : memref<400x128xf32, #tpu.memory_space<vmem>>, vector<1x16xf32>,
            %swap3A_2147 = vector.shape_cast %swap3A_2146 : vector<1x16xf32> to vector<16xf32>
            %swap3A_2148 = vector.shape_cast %mul3A_2143 : vector<16xf32> to vector<1x16xf32>
            tpu.vector_store %arg5[%swap3A_2144, %swap3A_2145], %swap3A_2148 {strides = array<i32>} : memref<400x128xf32, #tpu.memory_space<vmem>>, vector<1x16xf32>,
            %get3A_2149 = arith.index_cast %scan3A_2111 : i32 to index
            %get3A_2150 = arith.constant 48 : index
            %get3A_2151 = tpu.vector_load %arg5[%get3A_2149, %get3A_2150] {strides = array<i32>} : memref<400x128xf32, #tpu.memory_space<vmem>>, vector<1x16xf32>,
            %get3A_2152 = vector.shape_cast %get3A_2151 : vector<1x16xf32> to vector<16xf32>
            %mul3A_2153 = arith.constant 1.07524359 : f32
            %mul3A_2154 = vector.broadcast %mul3A_2153 : f32 to vector<16xf32>
            %mul3A_2155 = arith.mulf %mul3A_2154, %get3A_2152 : vector<16xf32>
            %swap3A_2156 = arith.index_cast %scan3A_2111 : i32 to index
            %swap3A_2157 = arith.constant 48 : index
            %swap3A_2158 = tpu.vector_load %arg5[%swap3A_2156, %swap3A_2157] {strides = array<i32>} : memref<400x128xf32, #tpu.memory_space<vmem>>, vector<1x16xf32>,
            %swap3A_2159 = vector.shape_cast %swap3A_2158 : vector<1x16xf32> to vector<16xf32>
            %swap3A_2160 = vector.shape_cast %mul3A_2155 : vector<16xf32> to vector<1x16xf32>
            tpu.vector_store %arg5[%swap3A_2156, %swap3A_2157], %swap3A_2160 {strides = array<i32>} : memref<400x128xf32, #tpu.memory_space<vmem>>, vector<1x16xf32>,
            %get3A_2161 = arith.index_cast %scan3A_2111 : i32 to index
            %get3A_2162 = arith.constant 64 : index
            %get3A_2163 = tpu.vector_load %arg5[%get3A_2161, %get3A_2162] {strides = array<i32>} : memref<400x128xf32, #tpu.memory_space<vmem>>, vector<1x16xf32>,
            %get3A_2164 = vector.shape_cast %get3A_2163 : vector<1x16xf32> to vector<16xf32>
            %mul3A_2165 = arith.constant 1.07524359 : f32
            %mul3A_2166 = vector.broadcast %mul3A_2165 : f32 to vector<16xf32>
            %mul3A_2167 = arith.mulf %mul3A_2166, %get3A_2164 : vector<16xf32>
            %swap3A_2168 = arith.index_cast %scan3A_2111 : i32 to index
            %swap3A_2169 = arith.constant 64 : index
            %swap3A_2170 = tpu.vector_load %arg5[%swap3A_2168, %swap3A_2169] {strides = array<i32>} : memref<400x128xf32, #tpu.memory_space<vmem>>, vector<1x16xf32>,
            %swap3A_2171 = vector.shape_cast %swap3A_2170 : vector<1x16xf32> to vector<16xf32>
            %swap3A_2172 = vector.shape_cast %mul3A_2167 : vector<16xf32> to vector<1x16xf32>
            tpu.vector_store %arg5[%swap3A_2168, %swap3A_2169], %swap3A_2172 {strides = array<i32>} : memref<400x128xf32, #tpu.memory_space<vmem>>, vector<1x16xf32>,
            %get3A_2173 = arith.index_cast %scan3A_2111 : i32 to index
            %get3A_2174 = arith.constant 80 : index
            %get3A_2175 = tpu.vector_load %arg5[%get3A_2173, %get3A_2174] {strides = array<i32>} : memref<400x128xf32, #tpu.memory_space<vmem>>, vector<1x16xf32>,
            %get3A_2176 = vector.shape_cast %get3A_2175 : vector<1x16xf32> to vector<16xf32>
            %mul3A_2177 = arith.constant 1.07524359 : f32
            %mul3A_2178 = vector.broadcast %mul3A_2177 : f32 to vector<16xf32>
            %mul3A_2179 = arith.mulf %mul3A_2178, %get3A_2176 : vector<16xf32>
            %swap3A_2180 = arith.index_cast %scan3A_2111 : i32 to index
            %swap3A_2181 = arith.constant 80 : index
            %swap3A_2182 = tpu.vector_load %arg5[%swap3A_2180, %swap3A_2181] {strides = array<i32>} : memref<400x128xf32, #tpu.memory_space<vmem>>, vector<1x16xf32>,
            %swap3A_2183 = vector.shape_cast %swap3A_2182 : vector<1x16xf32> to vector<16xf32>
            %swap3A_2184 = vector.shape_cast %mul3A_2179 : vector<16xf32> to vector<1x16xf32>
            tpu.vector_store %arg5[%swap3A_2180, %swap3A_2181], %swap3A_2184 {strides = array<i32>} : memref<400x128xf32, #tpu.memory_space<vmem>>, vector<1x16xf32>,
            %get3A_2185 = arith.index_cast %scan3A_2111 : i32 to index
            %get3A_2186 = arith.constant 96 : index
            %get3A_2187 = tpu.vector_load %arg5[%get3A_2185, %get3A_2186] {strides = array<i32>} : memref<400x128xf32, #tpu.memory_space<vmem>>, vector<1x16xf32>,
            %get3A_2188 = vector.shape_cast %get3A_2187 : vector<1x16xf32> to vector<16xf32>
            %mul3A_2189 = arith.constant 1.07524359 : f32
            %mul3A_2190 = vector.broadcast %mul3A_2189 : f32 to vector<16xf32>
            %mul3A_2191 = arith.mulf %mul3A_2190, %get3A_2188 : vector<16xf32>
            %swap3A_2192 = arith.index_cast %scan3A_2111 : i32 to index
            %swap3A_2193 = arith.constant 96 : index
            %swap3A_2194 = tpu.vector_load %arg5[%swap3A_2192, %swap3A_2193] {strides = array<i32>} : memref<400x128xf32, #tpu.memory_space<vmem>>, vector<1x16xf32>,
            %swap3A_2195 = vector.shape_cast %swap3A_2194 : vector<1x16xf32> to vector<16xf32>
            %swap3A_2196 = vector.shape_cast %mul3A_2191 : vector<16xf32> to vector<1x16xf32>
            tpu.vector_store %arg5[%swap3A_2192, %swap3A_2193], %swap3A_2196 {strides = array<i32>} : memref<400x128xf32, #tpu.memory_space<vmem>>, vector<1x16xf32>,
            %get3A_2197 = arith.index_cast %scan3A_2111 : i32 to index
            %get3A_2198 = arith.constant 112 : index
            %get3A_2199 = tpu.vector_load %arg5[%get3A_2197, %get3A_2198] {strides = array<i32>} : memref<400x128xf32, #tpu.memory_space<vmem>>, vector<1x16xf32>,
            %get3A_2200 = vector.shape_cast %get3A_2199 : vector<1x16xf32> to vector<16xf32>
            %mul3A_2201 = arith.constant 1.07524359 : f32
            %mul3A_2202 = vector.broadcast %mul3A_2201 : f32 to vector<16xf32>
            %mul3A_2203 = arith.mulf %mul3A_2202, %get3A_2200 : vector<16xf32>
            %swap3A_2204 = arith.index_cast %scan3A_2111 : i32 to index
            %swap3A_2205 = arith.constant 112 : index
            %swap3A_2206 = tpu.vector_load %arg5[%swap3A_2204, %swap3A_2205] {strides = array<i32>} : memref<400x128xf32, #tpu.memory_space<vmem>>, vector<1x16xf32>,
            %swap3A_2207 = vector.shape_cast %swap3A_2206 : vector<1x16xf32> to vector<16xf32>
            %swap3A_2208 = vector.shape_cast %mul3A_2203 : vector<16xf32> to vector<1x16xf32>
            tpu.vector_store %arg5[%swap3A_2204, %swap3A_2205], %swap3A_2208 {strides = array<i32>} : memref<400x128xf32, #tpu.memory_space<vmem>>, vector<1x16xf32>,
            %scan3A_2209 = arith.constant 0 : i32
            scf.yield %scan3A_2209 : i32
          }
          %scan3A_2110 = arith.constant 100 : i32
        } else {
        }
        %eq3A_2059 = arith.constant 49 : i32
        %eq3A_2060 = arith.cmpi eq, %select_n3A_69, %eq3A_2059 : i32
        %convert_element_type3A_2061 = arith.extui %eq3A_2060 : i1 to i32
        %cond3A_2062 = arith.constant 0 : i32
        %cond3A_2063 = arith.cmpi ne, %convert_element_type3A_2061, %cond3A_2062 : i32
        scf.if %cond3A_2063 {
          %scan3A_2104 = arith.constant 0 : i32
          %scan3A_2105 = arith.constant 100 : i32
          %scan3A_2106 = arith.constant 100 : i32
          %scan3A_2107 = arith.addi %scan3A_2105, %scan3A_2106 : i32
          %scan3A_2108 = arith.constant 1 : i32
          %scan3A_2109 = scf.for %scan3A_2111 = %scan3A_2105 to %scan3A_2107 step %scan3A_2108 iter_args(%scan3A_2112 = %scan3A_2104) -> (i32)  : i32 {
            %get3A_2113 = arith.index_cast %scan3A_2111 : i32 to index
            %get3A_2114 = arith.constant 0 : index
            %get3A_2115 = tpu.vector_load %arg5[%get3A_2113, %get3A_2114] {strides = array<i32>} : memref<400x128xf32, #tpu.memory_space<vmem>>, vector<1x16xf32>,
            %get3A_2116 = vector.shape_cast %get3A_2115 : vector<1x16xf32> to vector<16xf32>
            %mul3A_2117 = arith.constant 1.07524359 : f32
            %mul3A_2118 = vector.broadcast %mul3A_2117 : f32 to vector<16xf32>
            %mul3A_2119 = arith.mulf %mul3A_2118, %get3A_2116 : vector<16xf32>
            %swap3A_2120 = arith.index_cast %scan3A_2111 : i32 to index
            %swap3A_2121 = arith.constant 0 : index
            %swap3A_2122 = tpu.vector_load %arg5[%swap3A_2120, %swap3A_2121] {strides = array<i32>} : memref<400x128xf32, #tpu.memory_space<vmem>>, vector<1x16xf32>,
            %swap3A_2123 = vector.shape_cast %swap3A_2122 : vector<1x16xf32> to vector<16xf32>
            %swap3A_2124 = vector.shape_cast %mul3A_2119 : vector<16xf32> to vector<1x16xf32>
            tpu.vector_store %arg5[%swap3A_2120, %swap3A_2121], %swap3A_2124 {strides = array<i32>} : memref<400x128xf32, #tpu.memory_space<vmem>>, vector<1x16xf32>,
            %get3A_2125 = arith.index_cast %scan3A_2111 : i32 to index
            %get3A_2126 = arith.constant 16 : index
            %get3A_2127 = tpu.vector_load %arg5[%get3A_2125, %get3A_2126] {strides = array<i32>} : memref<400x128xf32, #tpu.memory_space<vmem>>, vector<1x16xf32>,
            %get3A_2128 = vector.shape_cast %get3A_2127 : vector<1x16xf32> to vector<16xf32>
            %mul3A_2129 = arith.constant 1.07524359 : f32
            %mul3A_2130 = vector.broadcast %mul3A_2129 : f32 to vector<16xf32>
            %mul3A_2131 = arith.mulf %mul3A_2130, %get3A_2128 : vector<16xf32>
            %swap3A_2132 = arith.index_cast %scan3A_2111 : i32 to index
            %swap3A_2133 = arith.constant 16 : index
            %swap3A_2134 = tpu.vector_load %arg5[%swap3A_2132, %swap3A_2133] {strides = array<i32>} : memref<400x128xf32, #tpu.memory_space<vmem>>, vector<1x16xf32>,
            %swap3A_2135 = vector.shape_cast %swap3A_2134 : vector<1x16xf32> to vector<16xf32>
            %swap3A_2136 = vector.shape_cast %mul3A_2131 : vector<16xf32> to vector<1x16xf32>
            tpu.vector_store %arg5[%swap3A_2132, %swap3A_2133], %swap3A_2136 {strides = array<i32>} : memref<400x128xf32, #tpu.memory_space<vmem>>, vector<1x16xf32>,
            %get3A_2137 = arith.index_cast %scan3A_2111 : i32 to index
            %get3A_2138 = arith.constant 32 : index
            %get3A_2139 = tpu.vector_load %arg5[%get3A_2137, %get3A_2138] {strides = array<i32>} : memref<400x128xf32, #tpu.memory_space<vmem>>, vector<1x16xf32>,
            %get3A_2140 = vector.shape_cast %get3A_2139 : vector<1x16xf32> to vector<16xf32>
            %mul3A_2141 = arith.constant 1.07524359 : f32
            %mul3A_2142 = vector.broadcast %mul3A_2141 : f32 to vector<16xf32>
            %mul3A_2143 = arith.mulf %mul3A_2142, %get3A_2140 : vector<16xf32>
            %swap3A_2144 = arith.index_cast %scan3A_2111 : i32 to index
            %swap3A_2145 = arith.constant 32 : index
            %swap3A_2146 = tpu.vector_load %arg5[%swap3A_2144, %swap3A_2145] {strides = array<i32>} : memref<400x128xf32, #tpu.memory_space<vmem>>, vector<1x16xf32>,
            %swap3A_2147 = vector.shape_cast %swap3A_2146 : vector<1x16xf32> to vector<16xf32>
            %swap3A_2148 = vector.shape_cast %mul3A_2143 : vector<16xf32> to vector<1x16xf32>
            tpu.vector_store %arg5[%swap3A_2144, %swap3A_2145], %swap3A_2148 {strides = array<i32>} : memref<400x128xf32, #tpu.memory_space<vmem>>, vector<1x16xf32>,
            %get3A_2149 = arith.index_cast %scan3A_2111 : i32 to index
            %get3A_2150 = arith.constant 48 : index
            %get3A_2151 = tpu.vector_load %arg5[%get3A_2149, %get3A_2150] {strides = array<i32>} : memref<400x128xf32, #tpu.memory_space<vmem>>, vector<1x16xf32>,
            %get3A_2152 = vector.shape_cast %get3A_2151 : vector<1x16xf32> to vector<16xf32>
            %mul3A_2153 = arith.constant 1.07524359 : f32
            %mul3A_2154 = vector.broadcast %mul3A_2153 : f32 to vector<16xf32>
            %mul3A_2155 = arith.mulf %mul3A_2154, %get3A_2152 : vector<16xf32>
            %swap3A_2156 = arith.index_cast %scan3A_2111 : i32 to index
            %swap3A_2157 = arith.constant 48 : index
            %swap3A_2158 = tpu.vector_load %arg5[%swap3A_2156, %swap3A_2157] {strides = array<i32>} : memref<400x128xf32, #tpu.memory_space<vmem>>, vector<1x16xf32>,
            %swap3A_2159 = vector.shape_cast %swap3A_2158 : vector<1x16xf32> to vector<16xf32>
            %swap3A_2160 = vector.shape_cast %mul3A_2155 : vector<16xf32> to vector<1x16xf32>
            tpu.vector_store %arg5[%swap3A_2156, %swap3A_2157], %swap3A_2160 {strides = array<i32>} : memref<400x128xf32, #tpu.memory_space<vmem>>, vector<1x16xf32>,
            %get3A_2161 = arith.index_cast %scan3A_2111 : i32 to index
            %get3A_2162 = arith.constant 64 : index
            %get3A_2163 = tpu.vector_load %arg5[%get3A_2161, %get3A_2162] {strides = array<i32>} : memref<400x128xf32, #tpu.memory_space<vmem>>, vector<1x16xf32>,
            %get3A_2164 = vector.shape_cast %get3A_2163 : vector<1x16xf32> to vector<16xf32>
            %mul3A_2165 = arith.constant 1.07524359 : f32
            %mul3A_2166 = vector.broadcast %mul3A_2165 : f32 to vector<16xf32>
            %mul3A_2167 = arith.mulf %mul3A_2166, %get3A_2164 : vector<16xf32>
            %swap3A_2168 = arith.index_cast %scan3A_2111 : i32 to index
            %swap3A_2169 = arith.constant 64 : index
            %swap3A_2170 = tpu.vector_load %arg5[%swap3A_2168, %swap3A_2169] {strides = array<i32>} : memref<400x128xf32, #tpu.memory_space<vmem>>, vector<1x16xf32>,
            %swap3A_2171 = vector.shape_cast %swap3A_2170 : vector<1x16xf32> to vector<16xf32>
            %swap3A_2172 = vector.shape_cast %mul3A_2167 : vector<16xf32> to vector<1x16xf32>
            tpu.vector_store %arg5[%swap3A_2168, %swap3A_2169], %swap3A_2172 {strides = array<i32>} : memref<400x128xf32, #tpu.memory_space<vmem>>, vector<1x16xf32>,
            %get3A_2173 = arith.index_cast %scan3A_2111 : i32 to index
            %get3A_2174 = arith.constant 80 : index
            %get3A_2175 = tpu.vector_load %arg5[%get3A_2173, %get3A_2174] {strides = array<i32>} : memref<400x128xf32, #tpu.memory_space<vmem>>, vector<1x16xf32>,
            %get3A_2176 = vector.shape_cast %get3A_2175 : vector<1x16xf32> to vector<16xf32>
            %mul3A_2177 = arith.constant 1.07524359 : f32
            %mul3A_2178 = vector.broadcast %mul3A_2177 : f32 to vector<16xf32>
            %mul3A_2179 = arith.mulf %mul3A_2178, %get3A_2176 : vector<16xf32>
            %swap3A_2180 = arith.index_cast %scan3A_2111 : i32 to index
            %swap3A_2181 = arith.constant 80 : index
            %swap3A_2182 = tpu.vector_load %arg5[%swap3A_2180, %swap3A_2181] {strides = array<i32>} : memref<400x128xf32, #tpu.memory_space<vmem>>, vector<1x16xf32>,
            %swap3A_2183 = vector.shape_cast %swap3A_2182 : vector<1x16xf32> to vector<16xf32>
            %swap3A_2184 = vector.shape_cast %mul3A_2179 : vector<16xf32> to vector<1x16xf32>
            tpu.vector_store %arg5[%swap3A_2180, %swap3A_2181], %swap3A_2184 {strides = array<i32>} : memref<400x128xf32, #tpu.memory_space<vmem>>, vector<1x16xf32>,
            %get3A_2185 = arith.index_cast %scan3A_2111 : i32 to index
            %get3A_2186 = arith.constant 96 : index
            %get3A_2187 = tpu.vector_load %arg5[%get3A_2185, %get3A_2186] {strides = array<i32>} : memref<400x128xf32, #tpu.memory_space<vmem>>, vector<1x16xf32>,
            %get3A_2188 = vector.shape_cast %get3A_2187 : vector<1x16xf32> to vector<16xf32>
            %mul3A_2189 = arith.constant 1.07524359 : f32
            %mul3A_2190 = vector.broadcast %mul3A_2189 : f32 to vector<16xf32>
            %mul3A_2191 = arith.mulf %mul3A_2190, %get3A_2188 : vector<16xf32>
            %swap3A_2192 = arith.index_cast %scan3A_2111 : i32 to index
            %swap3A_2193 = arith.constant 96 : index
            %swap3A_2194 = tpu.vector_load %arg5[%swap3A_2192, %swap3A_2193] {strides = array<i32>} : memref<400x128xf32, #tpu.memory_space<vmem>>, vector<1x16xf32>,
            %swap3A_2195 = vector.shape_cast %swap3A_2194 : vector<1x16xf32> to vector<16xf32>
            %swap3A_2196 = vector.shape_cast %mul3A_2191 : vector<16xf32> to vector<1x16xf32>
            tpu.vector_store %arg5[%swap3A_2192, %swap3A_2193], %swap3A_2196 {strides = array<i32>} : memref<400x128xf32, #tpu.memory_space<vmem>>, vector<1x16xf32>,
            %get3A_2197 = arith.index_cast %scan3A_2111 : i32 to index
            %get3A_2198 = arith.constant 112 : index
            %get3A_2199 = tpu.vector_load %arg5[%get3A_2197, %get3A_2198] {strides = array<i32>} : memref<400x128xf32, #tpu.memory_space<vmem>>, vector<1x16xf32>,
            %get3A_2200 = vector.shape_cast %get3A_2199 : vector<1x16xf32> to vector<16xf32>
            %mul3A_2201 = arith.constant 1.07524359 : f32
            %mul3A_2202 = vector.broadcast %mul3A_2201 : f32 to vector<16xf32>
            %mul3A_2203 = arith.mulf %mul3A_2202, %get3A_2200 : vector<16xf32>
            %swap3A_2204 = arith.index_cast %scan3A_2111 : i32 to index
            %swap3A_2205 = arith.constant 112 : index
            %swap3A_2206 = tpu.vector_load %arg5[%swap3A_2204, %swap3A_2205] {strides = array<i32>} : memref<400x128xf32, #tpu.memory_space<vmem>>, vector<1x16xf32>,
            %swap3A_2207 = vector.shape_cast %swap3A_2206 : vector<1x16xf32> to vector<16xf32>
            %swap3A_2208 = vector.shape_cast %mul3A_2203 : vector<16xf32> to vector<1x16xf32>
            tpu.vector_store %arg5[%swap3A_2204, %swap3A_2205], %swap3A_2208 {strides = array<i32>} : memref<400x128xf32, #tpu.memory_space<vmem>>, vector<1x16xf32>,
            %scan3A_2209 = arith.constant 0 : i32
            scf.yield %scan3A_2209 : i32
          }
          %scan3A_2110 = arith.constant 100 : i32
        } else {
        }
        %jit3A_2064 = arith.constant 2 : i32
        %div3A_2065 = arith.divsi %add3A_42, %jit3A_2064 : i32
        %sign3A_2066 = arith.constant 0 : i32
        %sign3A_2067 = arith.cmpi sgt, %add3A_42, %sign3A_2066 : i32
        %sign3A_2068 = arith.extui %sign3A_2067 : i1 to i32
        %sign3A_2069 = arith.constant 0 : i32
        %sign3A_2070 = arith.cmpi slt, %add3A_42, %sign3A_2069 : i32
        %sign3A_2071 = arith.extui %sign3A_2070 : i1 to i32
        %sign3A_2072 = arith.subi %sign3A_2068, %sign3A_2071 : i32
        %sign3A_2073 = arith.constant 0 : i32
        %sign3A_2074 = arith.cmpi sgt, %jit3A_2064, %sign3A_2073 : i32
        %sign3A_2075 = arith.extui %sign3A_2074 : i1 to i32
        %sign3A_2076 = arith.constant 0 : i32
        %sign3A_2077 = arith.cmpi slt, %jit3A_2064, %sign3A_2076 : i32
        %sign3A_2078 = arith.extui %sign3A_2077 : i1 to i32
        %sign3A_2079 = arith.subi %sign3A_2075, %sign3A_2078 : i32
        %ne3A_2080 = arith.cmpi ne, %sign3A_2072, %sign3A_2079 : i32
        %rem3A_2081 = arith.remsi %add3A_42, %jit3A_2064 : i32
        %ne3A_2082 = arith.constant 0 : i32
        %ne3A_2083 = arith.cmpi ne, %rem3A_2081, %ne3A_2082 : i32
        %and3A_2084 = arith.andi %ne3A_2080, %ne3A_2083 : i1
        %sub3A_2085 = arith.constant 1 : i32
        %sub3A_2086 = arith.subi %div3A_2065, %sub3A_2085 : i32
        %select_n3A_2087 = arith.select %and3A_2084, %sub3A_2086, %div3A_2065 : i32
        %mul3A_2088 = arith.constant 2 : i32
        %mul3A_2089 = arith.muli %select_n3A_2087, %mul3A_2088 : i32
        %sub3A_2090 = arith.subi %add3A_42, %mul3A_2089 : i32
        %mul3A_2091 = arith.constant 128 : i32
        %mul3A_2092 = arith.muli %sub3A_2090, %mul3A_2091 : i32
        %multiple_of3A_2093 = tpu.assume_multiple %mul3A_2092, 128 : i32
        %mul3A_2094 = arith.constant 200 : i32
        %mul3A_2095 = arith.muli %select_n3A_2087, %mul3A_2094 : i32
        %multiple_of3A_2096 = tpu.assume_multiple %mul3A_2095, 8 : i32
        %dma_start3A = arith.constant 0 : i32
        %dma_start3A_2097 = arith.constant 0 : i32
        %dma_start3A_2098 = tpu.memref_slice %arg5[%dma_start3A, %dma_start3A_2097] : memref<400x128xf32, #tpu.memory_space<vmem>> -> memref<200x128xf32, #tpu.memory_space<vmem>>
        %dma_start3A_2099 = tpu.memref_slice %arg3[%multiple_of3A_2096, %multiple_of3A_2093] : memref<10000x256xf32, #tpu.memory_space<hbm>> -> memref<200x128xf32, #tpu.memory_space<hbm>>
        %dma_start3A_2100 = tpu.memref_slice %arg3[%multiple_of3A_2096, %multiple_of3A_2093] : memref<10000x256xf32, #tpu.memory_space<hbm>> -> memref<200x128xf32, #tpu.memory_space<hbm>>
        %dma_start3A_2101 = arith.constant 0 : i32
        %dma_start3A_2102 = arith.constant 0 : i32
        %dma_start3A_2103 = tpu.memref_slice %arg5[%dma_start3A_2101, %dma_start3A_2102] : memref<400x128xf32, #tpu.memory_space<vmem>> -> memref<200x128xf32, #tpu.memory_space<vmem>>
        tpu.enqueue_dma source(%dma_start3A_2103 : memref<200x128xf32, #tpu.memory_space<vmem>>) target(%dma_start3A_2100 : memref<200x128xf32, #tpu.memory_space<hbm>>) target_semaphore(%arg7 : memref<!tpu.dma_semaphore, #tpu.memory_space<semaphore_mem>>)
      } else {
      }
      %scan3A_45 = arith.constant 0 : i32
      scf.yield %scan3A_45 : i32
    }
    %scan3A_6 = arith.constant 4 : i32
    %jit3A = arith.constant 2 : i32
    %div3A = arith.divsi %add3A, %jit3A : i32
    %sign3A = arith.constant 0 : i32
    %sign3A_7 = arith.cmpi sgt, %add3A, %sign3A : i32
    %sign3A_8 = arith.extui %sign3A_7 : i1 to i32
    %sign3A_9 = arith.constant 0 : i32
    %sign3A_10 = arith.cmpi slt, %add3A, %sign3A_9 : i32
    %sign3A_11 = arith.extui %sign3A_10 : i1 to i32
    %sign3A_12 = arith.subi %sign3A_8, %sign3A_11 : i32
    %sign3A_13 = arith.constant 0 : i32
    %sign3A_14 = arith.cmpi sgt, %jit3A, %sign3A_13 : i32
    %sign3A_15 = arith.extui %sign3A_14 : i1 to i32
    %sign3A_16 = arith.constant 0 : i32
    %sign3A_17 = arith.cmpi slt, %jit3A, %sign3A_16 : i32
    %sign3A_18 = arith.extui %sign3A_17 : i1 to i32
    %sign3A_19 = arith.subi %sign3A_15, %sign3A_18 : i32
    %ne3A = arith.cmpi ne, %sign3A_12, %sign3A_19 : i32
    %rem3A = arith.remsi %add3A, %jit3A : i32
    %ne3A_20 = arith.constant 0 : i32
    %ne3A_21 = arith.cmpi ne, %rem3A, %ne3A_20 : i32
    %and3A = arith.andi %ne3A, %ne3A_21 : i1
    %sub3A = arith.constant 1 : i32
    %sub3A_22 = arith.subi %div3A, %sub3A : i32
    %select_n3A = arith.select %and3A, %sub3A_22, %div3A : i32
    %mul3A_23 = arith.constant 2 : i32
    %mul3A_24 = arith.muli %select_n3A, %mul3A_23 : i32
    %sub3A_25 = arith.subi %add3A, %mul3A_24 : i32
    %mul3A_26 = arith.constant 128 : i32
    %mul3A_27 = arith.muli %sub3A_25, %mul3A_26 : i32
    %multiple_of3A = tpu.assume_multiple %mul3A_27, 128 : i32
    %mul3A_28 = arith.constant 200 : i32
    %mul3A_29 = arith.muli %select_n3A, %mul3A_28 : i32
    %multiple_of3A_30 = tpu.assume_multiple %mul3A_29, 8 : i32
    %dma_wait3A = arith.constant 0 : i32
    %dma_wait3A_31 = arith.constant 0 : i32
    %dma_wait3A_32 = tpu.memref_slice %arg5[%dma_wait3A, %dma_wait3A_31] : memref<400x128xf32, #tpu.memory_space<vmem>> -> memref<200x128xf32, #tpu.memory_space<vmem>>
    %dma_wait3A_33 = tpu.memref_slice %arg3[%multiple_of3A_30, %multiple_of3A] : memref<10000x256xf32, #tpu.memory_space<hbm>> -> memref<200x128xf32, #tpu.memory_space<hbm>>
    %dma_wait3A_34 = tpu.memref_slice %arg3[%multiple_of3A_30, %multiple_of3A] : memref<10000x256xf32, #tpu.memory_space<hbm>> -> memref<200x128xf32, #tpu.memory_space<hbm>>
    %dma_wait3A_35 = arith.constant 0 : i32
    %dma_wait3A_36 = arith.constant 0 : i32
    %dma_wait3A_37 = tpu.memref_slice %arg5[%dma_wait3A_35, %dma_wait3A_36] : memref<400x128xf32, #tpu.memory_space<vmem>> -> memref<200x128xf32, #tpu.memory_space<vmem>>
    tpu.wait_dma2 semaphore(%arg7 : memref<!tpu.dma_semaphore, #tpu.memory_space<semaphore_mem>>) src(%dma_wait3A_37 : memref<200x128xf32, #tpu.memory_space<vmem>>) dst(%dma_wait3A_34 : memref<200x128xf32, #tpu.memory_space<hbm>>)
    return
  }
}

</mosaic_0001>

<sc_bundles>
// kernel: _blur_sc.3.cloned.1.call-start
scs
__scs_entry_jumppad:
0x0: {  	(pc) =	sbr.rel $0x88, $3  }
0x1: {  	(tag) =	ssettag $0x0;
	lr =	simm.s32 $0x1  }
0x2: {  	[smem:$0x3FA0] =	sst lr;
	_ =	strace $0xD0000000  }
0x3: {  	_ = 	snop  }
0x4: {  	_ = 	snop  }
0x5: {  	_ = 	snop  }
0x6: {  	_ = 	snop  }
0x7: {  	_ = 	snop  }
__scs_overlays_trampoline_lowered:
0x8: {  	[smem:$0x3FAF] =	sst s0  }
0x9: {  	[smem:$0x3FB0] =	sst s1  }
0xa: {  	[smem:$0x3FB1] =	sst s2  }
0xb: {  	[smem:$0x3FB2] =	sst s3  }
0xc: {  	[smem:$0x3FB3] =	sst s4  }
0xd: {  	[smem:$0x3FB4] =	sst s5  }
0xe: {  	[smem:$0x3FB5] =	sst s6  }
0xf: {  	[smem:$0x3FB6] =	sst s7  }
0x10: {  	[smem:$0x3FB7] =	sst s8  }
0x11: {  	[smem:$0x3FB8] =	sst s9;
	s0 =	simm.s32 @!p0 $0x0  }
0x12: {  	s1 =	sld [smem:$0x3F9E];
	s0 =	simm.s32 @p0 $0x1  }
0x13: {  	[smem:$0x3FB9] =	sst s0;
	s0 =	simm.s32 @!p1 $0x0  }
0x14: {  	s2 =	sld [smem:$0x3F9D];
	s0 =	simm.s32 @p1 $0x1  }
0x15: {  	[smem:$0x3FBA] =	sst s0;
	s0 =	simm.s32 @!p2 $0x0  }
0x16: {  	s3 =	sld [smem:$0x3FDB];
	s0 =	simm.s32 @p2 $0x1  }
0x17: {  	s4 =	simm.s32 $0x1BF5;
	[smem:$0x3FBC] =	sst s0  }
0x18: {  	s0 =	sld [smem:$0x3F9F];
	_ =	swait.ge [sflag:s4], $0x0  }
0x19: {  	s7 =	sld [smem:$0x3FA0]  }
0x1a: {  	s8 =	sadd.s32 $0xFFFFE003, lr  }
0x1b: {  	s9 =	sadd.s32 $0xFFFFFEF7, lr;
	s5 =	simm.s32 $0xFFFFFFFF;
	p2 =	slt.u32 s8, $0xFFFFF086  }
0x1c: {  	p1 =	slt.u32 s9, $0xF7A;
	s5 =	simm.s32 @!p2 $0x0  }
0x1d: {  	s5 =	simm.s32 @p1 $0x1;
	p0 =	seq.s32 s7, s2  }
0x1e: {  	s7 =	smul.u32 @!p0 $0xF7A, s2;
	p2 =	seq.s32 @!p0 s5, $0x0  }
0x1f: {  	s9 =	smul.u32 $0xF7A, s1;
	s8 =	simm.s32 @!p0 $0x1BF5;
	p2 =	por !p2, p0  }
0x20: {  	[sflag:s8] =	ssyncset.s32 @!p0 $0xFFFFF086;
	s6 =	sadd.s32 @!p0 s3, s7;
	s7 =	simm.s32 @!p0 $0x108  }
0x21: {  	s3 =	sadd.s32 s3, s9;
	s6 =	sadd.s32 @!p0 $0x88, s6;
	s7 =	simm.s32 @p2 $0x1082  }
0x22: {  	[simem:s7], [sflag:s8] =	dma.local @!p0 [hbm:s6], $0xF7A  }
0x23: {  	s9 =	sor.u32 $0xD0000000, s2;
	s6 =	simm.s32 $0x108;
	_ =	swait.ge @!p0 [sflag:s8], $0x0  }
0x24: {  	s3 =	sadd.s32 $0x88, s3;
	s6 =	simm.s32 @!p1 $0x1082;
	[sflag:s4] =	ssyncset.s32 $0xFFFFF086  }
0x25: {  	[simem:s6], [sflag:s4] =	dma.local [hbm:s3], $0xF7A  }
0x26: {  	[smem:$0x3FA0] =	sst s1;
	(tag) =	ssettag s2;
	_ =	strace s9  }
0x27: {  	s1 =	sld [smem:$0x3FB0]  }
0x28: {  	s2 =	sld [smem:$0x3FB1]  }
0x29: {  	s4 =	sld [smem:$0x3FB3]  }
0x2a: {  	p0 =	seq.s32 s5, $0x0;
	s5 =	sld [smem:$0x3FB4]  }
0x2b: {  	s6 =	sld [smem:$0x3FB5]  }
0x2c: {  	s7 =	sld [smem:$0x3FB6]  }
0x2d: {  	s3 =	simm.s32 $0x108;
	s8 =	sld [smem:$0x3FB7]  }
0x2e: {  	s3 =	simm.s32 @!p0 $0x1082;
	s9 =	sld [smem:$0x3FB8]  }
0x2f: {  	lr =	sadd.s32 s0, s3;
	s0 =	sld [smem:$0x3FAF]  }
0x30: {  	s3 =	sld [smem:$0x3FB2]  }
0x31: {  	[smem:$0x3FBB] =	sst s10  }
0x32: {  	s10 =	sld [smem:$0x3FB9];
	_ =	sdelay $0x3  }
0x33: {  	p0 =	seq.s32 s10, $0x1;
	s10 =	sld [smem:$0x3FBB];
	_ =	sdelay $0x3  }
0x34: {  	[smem:$0x3FBB] =	sst s10  }
0x35: {  	s10 =	sld [smem:$0x3FBA];
	_ =	sdelay $0x3  }
0x36: {  	p1 =	seq.s32 s10, $0x1;
	s10 =	sld [smem:$0x3FBB];
	_ =	sdelay $0x3  }
0x37: {  	[smem:$0x3FBB] =	sst s10  }
0x38: {  	s10 =	sld [smem:$0x3FBC]  }
0x39: {  	_ = 	snop;
	(pc) =	sbr.ind lr, $3  }
0x3a: {  	_ = 	snop  }
0x3b: {  	_ = 	snop  }
0x3c: {  	p2 =	seq.s32 s10, $0x1;
	s10 =	sld [smem:$0x3FBB]  }
0x3d: {  	_ =	shalt  }
0x3e: {  	_ =	shalt  }
0x3f: {  	_ =	shalt  }
0x40: {  	_ =	shalt  }
0x41: {  	_ =	shalt  }
0x42: {  	_ =	shalt  }
0x43: {  	_ =	shalt  }
0x44: {  	_ =	shalt  }
0x45: {  	_ =	shalt  }
0x46: {  	_ =	shalt  }
0x47: {  	_ =	shalt  }
0x48: {  	_ =	shalt  }
0x49: {  	_ =	shalt  }
0x4a: {  	_ =	shalt  }
0x4b: {  	_ =	shalt  }
0x4c: {  	_ =	shalt  }
0x4d: {  	_ =	shalt  }
0x4e: {  	_ =	shalt  }
0x4f: {  	_ =	shalt  }
0x50: {  	_ =	shalt  }
0x51: {  	_ =	shalt  }
0x52: {  	_ =	shalt  }
0x53: {  	_ =	shalt  }
0x54: {  	_ =	shalt  }
0x55: {  	_ =	shalt  }
0x56: {  	_ =	shalt  }
0x57: {  	_ =	shalt  }
0x58: {  	_ =	shalt  }
0x59: {  	_ =	shalt  }
0x5a: {  	_ =	shalt  }
0x5b: {  	_ =	shalt  }
0x5c: {  	_ =	shalt  }
0x5d: {  	_ =	shalt  }
0x5e: {  	_ =	shalt  }
0x5f: {  	_ =	shalt  }
0x60: {  	_ =	shalt  }
0x61: {  	_ =	shalt  }
0x62: {  	_ =	shalt  }
0x63: {  	_ =	shalt  }
0x64: {  	_ =	shalt  }
0x65: {  	_ =	shalt  }
0x66: {  	_ =	shalt  }
0x67: {  	_ =	shalt  }
0x68: {  	_ =	shalt  }
0x69: {  	_ =	shalt  }
0x6a: {  	_ =	shalt  }
0x6b: {  	_ =	shalt  }
0x6c: {  	_ =	shalt  }
0x6d: {  	_ =	shalt  }
0x6e: {  	_ =	shalt  }
0x6f: {  	_ =	shalt  }
0x70: {  	_ =	shalt  }
0x71: {  	_ =	shalt  }
0x72: {  	_ =	shalt  }
0x73: {  	_ =	shalt  }
0x74: {  	_ =	shalt  }
0x75: {  	_ =	shalt  }
0x76: {  	_ =	shalt  }
0x77: {  	_ =	shalt  }
0x78: {  	_ =	shalt  }
0x79: {  	_ =	shalt  }
0x7a: {  	_ =	shalt  }
0x7b: {  	_ =	shalt  }
0x7c: {  	_ =	shalt  }
0x7d: {  	_ =	shalt  }
0x7e: {  	_ =	shalt  }
0x7f: {  	_ =	shalt  }
0x80: {  	_ =	shalt  }
0x81: {  	_ =	shalt  }
0x82: {  	_ =	shalt  }
0x83: {  	_ =	shalt  }
0x84: {  	_ =	shalt  }
0x85: {  	_ =	shalt  }
0x86: {  	_ =	shalt  }
0x87: {  	_ =	shalt  }
.Lfunc_end0:
.L_simem_size_0:
called_computation_lowered:
.L_overlay_start_0:
0x88: {  	s2 =	sld [smem:$0x3FD9]  }
0x89: {  	s3 =	sld [smem:$0x3FFE];
	_ =	sdelay $0x1  }
0x8a: {  	s1 =	srdreg.scid  }
0x8b: {  	s0 =	sand.u32 $0x1, s1  }
0x8c: {  	s18 =	sshll.u32 s0, $0xA;
	s2 =	sadd.s32 s3, s2  }
0x8d: {  	s2 =	sadd.s32 s2, s18  }
0x8e: {  	[smem:$0x3FC7] =	sst s2  }
0x8f: {  	_ = 	snop  }
0x90: {  	s2 =	sld [smem:$0x3FC9]  }
0x91: {  	s19 =	sld [smem:$0x3FD0];
	(tm) =	ssettm $0x1  }
0x92: {  	s4 =	sld [smem:$0x3FFB];
	_ =	sdelay $0x3  }
0x93: {  	_ =	strace s4  }
0x94: {  	s4 =	sld [smem:$0x3FFC];
	_ =	sdelay $0x3  }
0x95: {  	_ =	strace s4  }
0x96: {  	s4 =	sld [smem:$0x3FFD];
	_ =	sdelay $0x3  }
0x97: {  	_ =	strace s4  }
0x98: {  	_ =	strace $0x8FFFFFFF  }
0x99: {  	s20 =	sld [smem:$0x3FDB];
	_ =	sdelay $0x1  }
0x9a: {  	s5 =	simm.s32 $_scs_section_size  }
0x9b: {  	s6 =	simm.s32 $_size__tile_overlayer_lowered;
	s7 =	simm.s32 $_tile_overlayer_lowered  }
0x9c: {  	s23 =	simm.s32 $0x1BFF;
	s22 =	sshll.u32 s7, $0x1;
	s4 =	sadd.s32 s5, s20  }
0x9d: {  	s8 =	simm.s32 $0x0;
	s21 =	sshll.u32 s6, $0x1;
	s6 =	sadd.s32 s22, s4  }
0x9e: {  	[timem:s8], [sflag:s23] =	dma.local [hbm:s6], s21  }
0x9f: {  	_ =	swait.ge [sflag:s23], s21  }
0xa0: {  	s5 =	ssub.s32 $0x0, s21;
	[sflag:s23] =	ssyncset.done $0x0  }
0xa1: {  	[sflag:s23] =	ssyncadd.s32 s5;
	_ =	sdelay $0x1  }
0xa2: {  	s24 =	simm.s32 $0x1B8B  }
0xa3: {  	_ =	swait.ge [sflag:s24], $0x1  }
0xa4: {  	[sflag:s24] =	ssyncset.done $0x0  }
0xa5: {  	s25 =	simm.s32 $0x1B8E;
	[sflag:s24] =	ssyncadd.s32 $0xFFFFFFFF  }
0xa6: {  	s26 =	simm.s32 $execute0_lowered;
	[smem:$0x3FD2] =	sst s25  }
0xa7: {  	s5 =	sshll.u32 s26, $0x1;
	_ =	strace $0x80000046;
	[dreg:$0x1] =	wrdreg $0xFFFFFFFF  }
0xa8: {  	s28 =	simm.s32 $_size_execute0_lowered;
	s4 =	sadd.s32 s4, s5;
	[dreg:$0x0] =	wrdreg $0x0  }
0xa9: {  	s5 =	sshll.u32 s28, $0x1;
	[dreg:$0x2] =	wrdreg s4  }
0xaa: {  	[dreg:$0x3] =	wrdreg s5  }
0xab: {  	[dreg:$0x4] =	wrdreg $0xC0  }
0xac: {  	_ =	task [dreg:s8], $0x5FFFF  }
0xad: {  	[dreg:$0x1] =	wrdreg $0xFFFFFFFF  }
0xae: {  	[dreg:$0x0] =	wrdreg $0x60  }
0xaf: {  	[dreg:$0x2] =	wrdreg s2  }
0xb0: {  	[dreg:$0x3] =	wrdreg s19  }
0xb1: {  	[dreg:$0x4] =	wrdreg $0x9  }
0xb2: {  	_ =	task.clear_ibuf [dreg:s8], $0x5FFFF;
	_ =	strace $0x90000046  }
0xb3: {  	s29 =	simm.s32 $0x9;
	_ =	strace $0x80000048  }
0xb4: {  	_ =	swait.ge [sflag:s29], $0x1  }
0xb5: {  	[sflag:s29] =	ssyncadd.s32 $0xFFFFFFFF  }
0xb6: {  	_ =	strace $0x90000048  }
0xb7: {  	_ =	sfence  }
0xb8: {  	s30 =	sld [smem:$0x0];
	_ =	sdelay $0x2  }
0xb9: {  	s31 =	sshll.u32 s1, $0xD;
	s1 =	sshrl.u32 s1, $0x2  }
0xba: {  	s3 =	sand.u32 $0x4000, s31;
	s1 =	sadd.s32 s1, s30  }
0xbb: {  	s0 =	sor.u32 s3, s0;
	s1 =	sshll.u32 s1, $0x11  }
0xbc: {  	s0 =	sor.u32 s1, s0  }
0xbd: {  	s0 =	sadd.s32 $0x8F2B, s0  }
0xbe: {  	[sflag:s0] =	ssyncadd.remote.s32 $0x1  }
0xbf: {  	_ =	sfence.sel $0xFFFF  }
0xc0: {  	[dreg:$0x0] =	wrdreg $0xFFFFFFFF;
	(pc) =	sbr.abs _section_cstart, $3  }
0xc1: {  	[dreg:$0x1] =	wrdreg $0xFFFFFFFF  }
0xc2: {  	_ =	task.clear_ibuf [dreg:s8], $0x2FFFF;
	_ =	strace $0x9FFFFFFF  }
0xc3: {  	(tm) =	ssettm $0x7FFFFFFF  }
tec
execute0_lowered:
.L_overlay_start_1:
0x0: {  	(tag) =	ssettag $0x1  }
0x1: {  	s1 =	rddreg [dreg:$0x0]  }
0x2: {  	s3 =	rddreg [dreg:$0x1]  }
0x3: {  	s0 =	rddreg [dreg:$0x2];
	s5 =	srdreg.scid;
	s4 =	simm.s32 $0x0  }
0x4: {  	s2 =	stileid.u32;
	s9 =	simm.s32 $0x1;
	s10 =	simm.s32 $0x400  }
0x5: {  	s11 =	simm.s32 $0x800;
	s12 =	simm.s32 $0x3400;
	s13 =	simm.s32 $0xCC00  }
.Ltmp0:
0x6: {  	s14 =	simm.s32 $0x2;
	s6 =	sand.u32 $0x1, s5;
	(pc) =	sbr.rel .LBB2_1-.Ltmp0, $4  }
0x7: {  	s15 =	simm.s32 $0x0;
	[smem:$0x7FF] =	sst s4;
	s7 =	ssub.s32 $0x2, s6  }
0x8: {  	s31 =	sshll.u32 s2, $0x1;
	_ =	strace $0x80000047;
	s8 =	sshrl.u32 s7, $0x1  }
0x9: {  	s5 =	sor.u32 s6, s31;
	p0 =	seq.s32 s6, $0x1;
	s8 =	ssub.s32 s7, s8  }
0xa: {  	v0 =	vimm.f32 $0.0e+00;
	s6 =	sshll.u32 s5, $0x7;
	s7 =	sadd.s32 $0x4BC00, s1;
	s8 =	smax.u32 s8, $0x1  }
.LBB2_36:
0xb: {  	s15 =	sadd.s32 $0x1, s15  }
0xc: {  	p1 =	sne.s32 s15, s8  }
.Ltmp1:
0xd: {  	_ = 	snop;
	(pc) =	sbr.rel @!p1 .LBB2_37-.Ltmp1, $4  }
0xe: {  	_ = 	snop  }
0xf: {  	_ =	swait.ge [sflag:s14], $0x6400  }
0x10: {  	[sflag:s14] =	ssyncset.done $0x0  }
0x11: {  	[sflag:s14] =	ssyncadd.s32 $0xFFFF9C00  }
.LBB2_1:
.Ltmp2:
0x12: {  	(pc) =	sbr.rel .LBB2_2-.Ltmp2, $2  }
0x13: {  	_ =	sdelay $0x2  }
0x14: {  	s16 =	simm.s32 $0x0  }
.LBB2_34:
0x15: {  	s18 =	smul.u32 $0xC800, s18  }
0x16: {  	s17 =	sshll.u32 s17, $0xA  }
0x17: {  	s17 =	sadd.s32 s17, s18  }
0x18: {  	s17 =	ssub.s32 s17, s19  }
0x19: {  	s17 =	sshrl.u32 s17, $0x3  }
0x1a: {  	s17 =	sadd.s32 s3, s17  }
0x1b: {  	[hbm4b:s17+s10] =	stream.strided.scatter [tilespmem:s13], [sflag:$0x2], $0x6400, s11, s10, $0x38;
	[tilespmem:$0x19400] =	vst v63  }
.LBB2_35:
0x1c: {  	s16 =	sadd.s32 $0x1, s16  }
0x1d: {  	p1 =	sne.s32 s16, $0x4  }
.Ltmp3:
0x1e: {  	_ = 	snop;
	(pc) =	sbr.rel @!p1 .LBB2_36-.Ltmp3, $1  }
0x1f: {  	_ =	sdelay $0x3  }
.LBB2_2:
0x20: {  	s17 =	sshll.u32 s16, $0x5  }
0x21: {  	s17 =	sor.u32 s5, s17  }
0x22: {  	p1 =	sgt.u32 s17, $0x63  }
.Ltmp4:
0x23: {  	_ = 	snop;
	(pc) =	sbr.rel @p1 .LBB2_35-.Ltmp4, $1  }
0x24: {  	_ =	sdelay $0x3  }
0x25: {  	p1 =	seq.s32 s17, $0x0  }
0x26: {  	p1 =	por !p1, !p0  }
0x27: {  	s18 =	simm.s32 $0x1;
	p1 =	por !p1, !p1  }
0x28: {  	s18 =	simm.s32 @!p1 $0x0;
	p1 =	sne.s32 s16, $0x0  }
.Ltmp5:
0x29: {  	_ = 	snop;
	(pc) =	sbr.rel @!p1 .LBB2_4-.Ltmp5, $3  }
0x2a: {  	_ =	sdelay $0x1  }
0x2b: {  	s19 =	sshrl.u32 s17, $0x1  }
0x2c: {  	s18 =	ssub.s32 s19, s18  }
.LBB2_16:
0x2d: {  	p1 =	seq.s32 s18, $0x0  }
.Ltmp6:
0x2e: {  	_ = 	snop;
	(pc) =	sbr.rel @p1 .LBB2_7-.Ltmp6, $1  }
0x2f: {  	_ =	sdelay $0x3  }
0x30: {  	p1 =	seq.s32 s18, $0x31  }
.Ltmp7:
0x31: {  	_ = 	snop;
	(pc) =	sbr.rel @p1 .LBB2_11-.Ltmp7, $1  }
0x32: {  	_ =	sdelay $0x3  }
0x33: {  	s19 =	sadd.s32 $0xFFFFFFFF, s18  }
0x34: {  	p3 =	sgt.u32 s19, $0x2F  }
.Ltmp8:
0x35: {  	_ = 	snop;
	(pc) =	sbr.rel @p3 .LBB2_20-.Ltmp8, $4  }
.Ltmp9:
0x36: {  	_ = 	snop;
	(pc) =	sbr.rel @!p3 .LBB2_19-.Ltmp9, $4  }
0x37: {  	_ = 	snop  }
0x38: {  	_ = 	snop  }
0x39: {  	p2 =	por $0x0, $0x0;
	p1 =	por $0x0, $0x0;
	s19 =	sshll.u32 s18, $0xB  }
0x3a: {  	_ = 	snop  }
.LBB2_4:
0x3b: {  	p1 =	seq.s32 s18, $0x31  }
.Ltmp10:
0x3c: {  	_ = 	snop;
	(pc) =	sbr.rel @p1 .LBB2_10-.Ltmp10, $3  }
0x3d: {  	_ =	sdelay $0x1  }
0x3e: {  	s19 =	sshll.u32 s18, $0x8  }
0x3f: {  	s19 =	ssub.s32 s6, s19  }
0x40: {  	p1 =	sne.s32 s18, $0x0  }
.Ltmp11:
0x41: {  	_ = 	snop;
	(pc) =	sbr.rel @p1 .LBB2_14-.Ltmp11, $1  }
0x42: {  	_ =	sdelay $0x3  }
0x43: {  	s19 =	sadd.s32 s1, s19  }
0x44: {  	[tilespmem:s12], [sflag:$0x1] =	stream.strided.gather [hbm4b:s19+s10], $0x9800, s11, s10, $0x38;
	[tilespmem:$0x19400] =	vst v63  }
.LBB2_7:
0x45: {  	p1 =	por $0x0, $0x0  }
.Ltmp12:
0x46: {  	_ = 	snop;
	(pc) =	sbr.rel @p1 .LBB2_9-.Ltmp12, $4  }
0x47: {  	_ = 	snop  }
0x48: {  	_ =	swait.ge [sflag:s9], $0x9800  }
0x49: {  	s19 =	simm.s32 $0x0;
	[sflag:s9] =	ssyncset.done $0x0  }
0x4a: {  	s20 =	simm.s32 $0x0;
	s21 =	simm.s32 $0x200;
	[sflag:s9] =	ssyncadd.s32 $0xFFFF6800  }
.LBB2_8:
0x4b: {  	p1 =	seq.s32 s21, $0xCE00;
	[tilespmem:s20+$0x70] =	vst v0  }
0x4c: {  	[tilespmem:s20+$0x0] =	vst v0  }
0x4d: {  	[tilespmem:s20+$0x10] =	vst v0  }
.Ltmp13:
0x4e: {  	[tilespmem:s20+$0x20] =	vst v0;
	(pc) =	sbr.rel @!p1 .LBB2_8-.Ltmp13, $4  }
0x4f: {  	[tilespmem:s20+$0x30] =	vst v0  }
0x50: {  	[tilespmem:s20+$0x40] =	vst v0  }
0x51: {  	[tilespmem:s20+$0x50] =	vst v0  }
0x52: {  	[tilespmem:s20+$0x60] =	vst v0;
	s20 =	sshra.s32 s21, $0x2;
	s21 =	sadd.s32 $0x200, s21  }
.LBB2_9:
0x53: {  	[tilespmem:s20+$0x70] =	vst v0  }
0x54: {  	[tilespmem:s20+$0x0] =	vst v0  }
0x55: {  	[tilespmem:s20+$0x10] =	vst v0  }
.Ltmp14:
0x56: {  	[tilespmem:s20+$0x20] =	vst v0;
	(pc) =	sbr.rel .LBB2_20-.Ltmp14, $4  }
0x57: {  	[tilespmem:s20+$0x30] =	vst v0  }
0x58: {  	[tilespmem:s20+$0x40] =	vst v0  }
0x59: {  	[tilespmem:s20+$0x50] =	vst v0  }
0x5a: {  	[tilespmem:s20+$0x60] =	vst v0;
	p1 =	por $0x0, $0x0;
	p2 =	por $0x1, $0x1  }
.LBB2_10:
0x5b: {  	s19 =	sadd.s32 s19, s7  }
0x5c: {  	[tilespmem:s4], [sflag:$0x1] =	stream.strided.gather [hbm4b:s19+s10], $0x9800, s11, s10, $0x38;
	[tilespmem:$0x19400] =	vst v63  }
.LBB2_11:
0x5d: {  	_ =	swait.ge [sflag:s9], $0x9800  }
0x5e: {  	[sflag:s9] =	ssyncset.done $0x0  }
0x5f: {  	s19 =	simm.s32 $0x0;
	s20 =	simm.s32 $0x200;
	[sflag:s9] =	ssyncadd.s32 $0xFFFF6800  }
.LBB2_12:
0x60: {  	p1 =	sne.s32 s20, $0xCE00;
	[tilespmem:s19+$0x9870] =	vst v0  }
0x61: {  	[tilespmem:s19+$0x9800] =	vst v0  }
0x62: {  	[tilespmem:s19+$0x9810] =	vst v0  }
.Ltmp15:
0x63: {  	[tilespmem:s19+$0x9820] =	vst v0;
	(pc) =	sbr.rel @p1 .LBB2_12-.Ltmp15, $4  }
0x64: {  	[tilespmem:s19+$0x9830] =	vst v0  }
0x65: {  	[tilespmem:s19+$0x9840] =	vst v0  }
0x66: {  	[tilespmem:s19+$0x9850] =	vst v0  }
0x67: {  	[tilespmem:s19+$0x9860] =	vst v0;
	s19 =	sshra.s32 s20, $0x2;
	s20 =	sadd.s32 $0x200, s20  }
0x68: {  	[tilespmem:s19+$0x9870] =	vst v0  }
0x69: {  	[tilespmem:s19+$0x9800] =	vst v0  }
0x6a: {  	[tilespmem:s19+$0x9810] =	vst v0  }
.Ltmp16:
0x6b: {  	[tilespmem:s19+$0x9820] =	vst v0;
	(pc) =	sbr.rel .LBB2_20-.Ltmp16, $4  }
0x6c: {  	[tilespmem:s19+$0x9830] =	vst v0  }
0x6d: {  	[tilespmem:s19+$0x9840] =	vst v0  }
0x6e: {  	[tilespmem:s19+$0x9850] =	vst v0  }
0x6f: {  	[tilespmem:s19+$0x9860] =	vst v0;
	p1 =	por $0x1, $0x1;
	s19 =	simm.s32 $0x18800;
	p2 =	por $0x0, $0x0  }
.LBB2_14:
0x70: {  	s20 =	sadd.s32 $0xFFFFFFFF, s18  }
0x71: {  	p1 =	sgt.u32 s20, $0x2F  }
.Ltmp17:
0x72: {  	_ = 	snop;
	(pc) =	sbr.rel @p1 .LBB2_16-.Ltmp17, $1  }
0x73: {  	_ =	sdelay $0x3  }
0x74: {  	s20 =	smul.u32 $0xC800, s18;
	_ =	sdelay $0x1  }
0x75: {  	s20 =	sadd.s32 $0xFFFF9800, s20  }
0x76: {  	s20 =	sshrl.u32 s20, $0x3  }
0x77: {  	s19 =	sadd.s32 s19, s20  }
0x78: {  	s19 =	sand.u32 $0x1FFFFF80, s19  }
0x79: {  	s19 =	sadd.s32 s1, s19  }
0x7a: {  	[tilespmem:s4], [sflag:$0x1] =	stream.strided.gather [hbm4b:s19+s10], $0xCC00, s11, s10, $0x38;
	[tilespmem:$0x19400] =	vst v63  }
0x7b: {  	s19 =	sshll.u32 s18, $0xB  }
.LBB2_19:
0x7c: {  	_ =	swait.ge [sflag:s9], $0xCC00  }
0x7d: {  	[sflag:s9] =	ssyncset.done $0x0  }
0x7e: {  	p2 =	por $0x0, $0x0;
	p1 =	por $0x0, $0x0;
	[sflag:s9] =	ssyncadd.s32 $0xFFFF3400  }
.LBB2_20:
0x7f: {  	v1 =	vld [tilespmem:$0x6580]  }
0x80: {  	v4 =	vld [tilespmem:$0x6600]  }
0x81: {  	v2 =	vld [tilespmem:$0x6590]  }
0x82: {  	v6 =	vld [tilespmem:$0x6610]  }
0x83: {  	v3 =	vld [tilespmem:$0x65A0]  }
0x84: {  	v8 =	vld [tilespmem:$0x6620]  }
0x85: {  	v5 =	vld [tilespmem:$0x65B0]  }
0x86: {  	v10 =	vld [tilespmem:$0x6630]  }
0x87: {  	v7 =	vld [tilespmem:$0x65C0]  }
0x88: {  	v12 =	vld [tilespmem:$0x6640]  }
0x89: {  	v9 =	vld [tilespmem:$0x65D0]  }
0x8a: {  	v14 =	vld [tilespmem:$0x6650]  }
0x8b: {  	v11 =	vld [tilespmem:$0x65E0]  }
0x8c: {  	v15 =	vld [tilespmem:$0x6660]  }
0x8d: {  	v13 =	vld [tilespmem:$0x65F0]  }
0x8e: {  	s20 =	simm.s32 $0x0;
	v16 =	vld [tilespmem:$0x6670]  }
.LBB2_21:
0x8f: {  	s21 =	sshra.s32 s20, $0x2  }
0x90: {  	v17 =	vmov v1;
	v1 =	vmov v4;
	v4 =	vld [tilespmem:s21+$0x6680]  }
0x91: {  	v18 =	vmov v2;
	v2 =	vmov v6;
	v6 =	vld [tilespmem:s21+$0x6690]  }
0x92: {  	v19 =	vmov v3;
	v3 =	vmov v8;
	v8 =	vld [tilespmem:s21+$0x66A0]  }
0x93: {  	v20 =	vmov v5;
	v5 =	vmov v10;
	v10 =	vld [tilespmem:s21+$0x66B0]  }
0x94: {  	v21 =	vmov v7;
	v7 =	vmov v12;
	v12 =	vld [tilespmem:s21+$0x66C0]  }
0x95: {  	v22 =	vmov v9;
	v9 =	vmov v14;
	v14 =	vld [tilespmem:s21+$0x66D0];
	v17 =	vadd.f32 v4, v17  }
0x96: {  	v23 =	vmov v11;
	v11 =	vmov v15;
	v15 =	vld [tilespmem:s21+$0x66E0];
	v18 =	vadd.f32 v6, v18  }
0x97: {  	v24 =	vmovc v13;
	v13 =	vmov v16;
	v16 =	vld [tilespmem:s21+$0x66F0];
	v19 =	vadd.f32 v8, v19;
	v17 =	vmul.f32 $8.136581620e-02, v17  }
0x98: {  	v20 =	vadd.f32 v10, v20;
	v18 =	vmul.f32 $8.136581620e-02, v18  }
0x99: {  	v21 =	vadd.f32 v12, v21;
	v19 =	vmul.f32 $8.136581620e-02, v19;
	v17 =	vadd.f32 v17, v1  }
0x9a: {  	v22 =	vadd.f32 v14, v22;
	v20 =	vmul.f32 $8.136581620e-02, v20;
	v18 =	vadd.f32 v18, v2  }
0x9b: {  	v60 =	vadd.f32 v15, v23;
	[tilespmem:s21+$0x13000] =	vst v17;
	v17 =	vadd.f32 v19, v3;
	v19 =	vmul.f32 $8.136581620e-02, v21  }
0x9c: {  	v62 =	vadd.f32 v16, v24;
	v61 =	vmul.f32 $8.136581620e-02, v22;
	[tilespmem:s21+$0x13010] =	vst v18;
	v18 =	vadd.f32 v20, v5  }
0x9d: {  	p3 =	sne.s32 s20, $0x18E00;
	[tilespmem:s21+$0x13020] =	vst v17;
	v17 =	vadd.f32 v19, v7;
	v19 =	vmul.f32 $8.136581620e-02, v60  }
.Ltmp18:
0x9e: {  	v63 =	vmul.f32 $8.136581620e-02, v62;
	[tilespmem:s21+$0x13030] =	vst v18;
	v18 =	vadd.f32 v61, v9;
	(pc) =	sbr.rel @p3 .LBB2_21-.Ltmp18, $4  }
0x9f: {  	[tilespmem:s21+$0x13040] =	vst v17;
	v17 =	vadd.f32 v19, v11  }
0xa0: {  	[tilespmem:s21+$0x13050] =	vst v18;
	v18 =	vadd.f32 v63, v13  }
0xa1: {  	[tilespmem:s21+$0x13060] =	vst v17  }
0xa2: {  	s20 =	sadd.s32 $0x200, s20;
	[tilespmem:s21+$0x13070] =	vst v18  }
0xa3: {  	p3 =	seq.s32 s16, $0x0  }
0xa4: {  	s20 =	simm.s32 @!p3 $0x2  }
0xa5: {  	_ =	swait.ge @!p3 [sflag:s20], $0x6400  }
0xa6: {  	[sflag:s20] =	ssyncset.done @!p3 $0x0  }
0xa7: {  	[sflag:s20] =	ssyncadd.s32 @!p3 $0xFFFF9C00  }
0xa8: {  	v1 =	vld [tilespmem:$0x180]  }
0xa9: {  	v4 =	vld [tilespmem:$0x200]  }
0xaa: {  	v2 =	vld [tilespmem:$0x190]  }
0xab: {  	v6 =	vld [tilespmem:$0x210]  }
0xac: {  	v3 =	vld [tilespmem:$0x1A0]  }
0xad: {  	v8 =	vld [tilespmem:$0x220]  }
0xae: {  	v5 =	vld [tilespmem:$0x1B0]  }
0xaf: {  	v10 =	vld [tilespmem:$0x230]  }
0xb0: {  	v7 =	vld [tilespmem:$0x1C0]  }
0xb1: {  	v12 =	vld [tilespmem:$0x240]  }
0xb2: {  	v9 =	vld [tilespmem:$0x1D0]  }
0xb3: {  	v14 =	vld [tilespmem:$0x250]  }
0xb4: {  	v11 =	vld [tilespmem:$0x1E0]  }
0xb5: {  	v15 =	vld [tilespmem:$0x260]  }
0xb6: {  	v13 =	vld [tilespmem:$0x1F0]  }
0xb7: {  	s20 =	simm.s32 $0x0;
	v16 =	vld [tilespmem:$0x270]  }
.LBB2_23:
0xb8: {  	s21 =	sshra.s32 s20, $0x2  }
0xb9: {  	v17 =	vmov v1;
	v1 =	vmov v4;
	v4 =	vld [tilespmem:s21+$0x280]  }
0xba: {  	v18 =	vmov v2;
	v2 =	vmov v6;
	v6 =	vld [tilespmem:s21+$0x290]  }
0xbb: {  	v19 =	vmov v3;
	v3 =	vmov v8;
	v8 =	vld [tilespmem:s21+$0x2A0]  }
0xbc: {  	v20 =	vmov v5;
	v5 =	vmov v10;
	v10 =	vld [tilespmem:s21+$0x2B0]  }
0xbd: {  	v21 =	vmov v7;
	v7 =	vmov v12;
	v12 =	vld [tilespmem:s21+$0x2C0]  }
0xbe: {  	v22 =	vmov v9;
	v9 =	vmov v14;
	v14 =	vld [tilespmem:s21+$0x2D0];
	v17 =	vadd.f32 v4, v17  }
0xbf: {  	v23 =	vmov v11;
	v11 =	vmov v15;
	v15 =	vld [tilespmem:s21+$0x2E0];
	v18 =	vadd.f32 v6, v18  }
0xc0: {  	v24 =	vmovc v13;
	v13 =	vmov v16;
	v16 =	vld [tilespmem:s21+$0x2F0];
	v19 =	vadd.f32 v8, v19;
	v17 =	vmul.f32 $8.136581620e-02, v17  }
0xc1: {  	v20 =	vadd.f32 v10, v20;
	v18 =	vmul.f32 $8.136581620e-02, v18  }
0xc2: {  	v21 =	vadd.f32 v12, v21;
	v19 =	vmul.f32 $8.136581620e-02, v19;
	v17 =	vadd.f32 v17, v1  }
0xc3: {  	v22 =	vadd.f32 v14, v22;
	v20 =	vmul.f32 $8.136581620e-02, v20;
	v18 =	vadd.f32 v18, v2  }
0xc4: {  	v60 =	vadd.f32 v15, v23;
	[tilespmem:s21+$0xCC00] =	vst v17;
	v17 =	vadd.f32 v19, v3;
	v19 =	vmul.f32 $8.136581620e-02, v21  }
0xc5: {  	v62 =	vadd.f32 v16, v24;
	v61 =	vmul.f32 $8.136581620e-02, v22;
	[tilespmem:s21+$0xCC10] =	vst v18;
	v18 =	vadd.f32 v20, v5  }
0xc6: {  	p3 =	sne.s32 s20, $0x18E00;
	[tilespmem:s21+$0xCC20] =	vst v17;
	v17 =	vadd.f32 v19, v7;
	v19 =	vmul.f32 $8.136581620e-02, v60  }
.Ltmp19:
0xc7: {  	v63 =	vmul.f32 $8.136581620e-02, v62;
	[tilespmem:s21+$0xCC30] =	vst v18;
	v18 =	vadd.f32 v61, v9;
	(pc) =	sbr.rel @p3 .LBB2_23-.Ltmp19, $4  }
0xc8: {  	[tilespmem:s21+$0xCC40] =	vst v17;
	v17 =	vadd.f32 v19, v11  }
0xc9: {  	[tilespmem:s21+$0xCC50] =	vst v18;
	v18 =	vadd.f32 v63, v13  }
0xca: {  	[tilespmem:s21+$0xCC60] =	vst v17  }
0xcb: {  	s20 =	sadd.s32 $0x200, s20;
	[tilespmem:s21+$0xCC70] =	vst v18  }
0xcc: {  	v4 =	vld [tilespmem:$0x200]  }
0xcd: {  	v2 =	vld [tilespmem:$0x280]  }
0xce: {  	v7 =	vld [tilespmem:$0x210]  }
0xcf: {  	v8 =	vld [tilespmem:$0x290]  }
0xd0: {  	v9 =	vld [tilespmem:$0x220]  }
0xd1: {  	v10 =	vld [tilespmem:$0x2A0]  }
0xd2: {  	v11 =	vld [tilespmem:$0x230]  }
0xd3: {  	v12 =	vld [tilespmem:$0x2B0]  }
0xd4: {  	v13 =	vld [tilespmem:$0x240]  }
0xd5: {  	v14 =	vld [tilespmem:$0x2C0]  }
0xd6: {  	v15 =	vld [tilespmem:$0x250]  }
0xd7: {  	v16 =	vld [tilespmem:$0x2D0]  }
0xd8: {  	v17 =	vld [tilespmem:$0x260]  }
0xd9: {  	v18 =	vld [tilespmem:$0x2E0]  }
0xda: {  	v19 =	vld [tilespmem:$0x270]  }
0xdb: {  	v20 =	vld [tilespmem:$0x2F0]  }
0xdc: {  	v21 =	vld [tilespmem:$0x3400]  }
0xdd: {  	v22 =	vld [tilespmem:$0x3480]  }
0xde: {  	v23 =	vld [tilespmem:$0x3410]  }
0xdf: {  	v24 =	vld [tilespmem:$0x3490]  }
0xe0: {  	v25 =	vld [tilespmem:$0x3420]  }
0xe1: {  	v26 =	vld [tilespmem:$0x34A0]  }
0xe2: {  	v27 =	vld [tilespmem:$0x3430]  }
0xe3: {  	v28 =	vld [tilespmem:$0x34B0]  }
0xe4: {  	v29 =	vld [tilespmem:$0x3440]  }
0xe5: {  	v30 =	vld [tilespmem:$0x34C0]  }
0xe6: {  	v31 =	vld [tilespmem:$0x3450]  }
0xe7: {  	v32 =	vld [tilespmem:$0x34D0]  }
0xe8: {  	v33 =	vld [tilespmem:$0x3460]  }
0xe9: {  	v34 =	vld [tilespmem:$0x34E0]  }
0xea: {  	v35 =	vld [tilespmem:$0x3470]  }
0xeb: {  	v36 =	vld [tilespmem:$0x34F0]  }
0xec: {  	v37 =	vld [tilespmem:$0x6600]  }
0xed: {  	v38 =	vld [tilespmem:$0x6680]  }
0xee: {  	v39 =	vld [tilespmem:$0x6610]  }
0xef: {  	v40 =	vld [tilespmem:$0x6690]  }
0xf0: {  	v41 =	vld [tilespmem:$0x6620]  }
0xf1: {  	v42 =	vld [tilespmem:$0x66A0]  }
0xf2: {  	v43 =	vld [tilespmem:$0x6630]  }
0xf3: {  	v44 =	vld [tilespmem:$0x66B0]  }
0xf4: {  	v45 =	vld [tilespmem:$0x6640]  }
0xf5: {  	v46 =	vld [tilespmem:$0x66C0]  }
0xf6: {  	v47 =	vld [tilespmem:$0x6650]  }
0xf7: {  	v48 =	vld [tilespmem:$0x66D0]  }
0xf8: {  	v49 =	vld [tilespmem:$0x6660]  }
0xf9: {  	v50 =	vld [tilespmem:$0x66E0]  }
0xfa: {  	v51 =	vld [tilespmem:$0x6670]  }
0xfb: {  	v52 =	vld [tilespmem:$0x66F0]  }
0xfc: {  	v53 =	vld [tilespmem:$0x9800]  }
0xfd: {  	v54 =	vld [tilespmem:$0x9880]  }
0xfe: {  	v55 =	vld [tilespmem:$0x9810]  }
0xff: {  	v56 =	vld [tilespmem:$0x9890]  }
0x100: {  	v57 =	vld [tilespmem:$0x9820]  }
0x101: {  	v1 =	vld [tilespmem:$0x9850]  }
0x102: {  	v58 =	vld [tilespmem:$0x98A0]  }
0x103: {  	v59 =	vld [tilespmem:$0x9830]  }
0x104: {  	v60 =	vld [tilespmem:$0x98B0]  }
0x105: {  	v61 =	vld [tilespmem:$0x9840];
	v2 =	vmul.f32 $8.136581620e-02, v2  }
0x106: {  	[tilespmem:$0x1FFA0] =	vst v1;
	v1 =	vld [tilespmem:$0x9860];
	v12 =	vmul.f32 $8.136581620e-02, v12  }
0x107: {  	v62 =	vld [tilespmem:$0x98C0];
	v2 =	vadd.f32 v2, v4  }
0x108: {  	v3 =	vld [tilespmem:$0x98D0];
	v10 =	vmul.f32 $8.136581620e-02, v10;
	v11 =	vadd.f32 v12, v11  }
0x109: {  	v5 =	vld [tilespmem:$0x98E0];
	v12 =	vmul.f32 $8.136581620e-02, v16;
	[tilespmem:$0xCC00] =	vst v2  }
0x10a: {  	v6 =	vld [tilespmem:$0x98F0];
	v2 =	vadd.f32 v10, v9;
	v9 =	vmul.f32 $8.136581620e-02, v14;
	[tilespmem:$0xCC30] =	vst v11  }
0x10b: {  	v11 =	vadd.f32 v12, v15;
	v12 =	vmul.f32 $8.136581620e-02, v20;
	[tilespmem:$0x1FFB0] =	vst v1;
	v1 =	vld [tilespmem:$0x9870]  }
0x10c: {  	v63 =	vld [tilespmem:$0x3300];
	[tilespmem:$0xCC20] =	vst v2;
	v2 =	vadd.f32 v9, v13  }
0x10d: {  	v4 =	vld [tilespmem:$0x3320];
	v9 =	vmul.f32 $8.136581620e-02, v18;
	[tilespmem:$0xCC50] =	vst v11;
	v11 =	vadd.f32 v12, v19  }
0x10e: {  	v16 =	vld [tilespmem:$0x33E0];
	v12 =	vmul.f32 $8.136581620e-02, v24;
	[tilespmem:$0xCC40] =	vst v2  }
0x10f: {  	v10 =	vld [tilespmem:$0x3330];
	v2 =	vadd.f32 v9, v17;
	v9 =	vmul.f32 $8.136581620e-02, v22;
	[tilespmem:$0xCC70] =	vst v11  }
0x110: {  	v14 =	vld [tilespmem:$0x33D0];
	v11 =	vadd.f32 v12, v23;
	v12 =	vmul.f32 $8.136581620e-02, v28;
	[tilespmem:$0x1FFC0] =	vst v1  }
0x111: {  	v15 =	vld [tilespmem:$0x3350];
	[tilespmem:$0xCC60] =	vst v2;
	v2 =	vadd.f32 v9, v21;
	v9 =	vmul.f32 $8.136581620e-02, v26  }
0x112: {  	v1 =	vld [tilespmem:$0x3380];
	[tilespmem:$0xFE10] =	vst v11;
	v11 =	vadd.f32 v12, v27;
	v12 =	vmul.f32 $8.136581620e-02, v32  }
0x113: {  	v20 =	vld [tilespmem:$0x6580];
	[tilespmem:$0xFE00] =	vst v2;
	v2 =	vadd.f32 v9, v25  }
0x114: {  	v13 =	vld [tilespmem:$0x3340];
	v9 =	vmul.f32 $8.136581620e-02, v30;
	[tilespmem:$0xFE30] =	vst v11;
	v11 =	vadd.f32 v12, v31  }
0x115: {  	v18 =	vld [tilespmem:$0x33F0];
	v12 =	vmul.f32 $8.136581620e-02, v36;
	[tilespmem:$0xFE20] =	vst v2  }
0x116: {  	v19 =	vld [tilespmem:$0x3370];
	v2 =	vadd.f32 v9, v29;
	v9 =	vmul.f32 $8.136581620e-02, v34;
	[tilespmem:$0xFE50] =	vst v11  }
0x117: {  	v11 =	vadd.f32 v12, v35;
	v12 =	vmul.f32 $8.136581620e-02, v40;
	[tilespmem:$0x1FFE0] =	vst v1;
	v1 =	vld [tilespmem:$0x3390]  }
0x118: {  	v24 =	vld [tilespmem:$0x65A0];
	[tilespmem:$0xFE40] =	vst v2;
	v2 =	vadd.f32 v9, v33  }
0x119: {  	v17 =	vld [tilespmem:$0x3360];
	[tilespmem:$0xFE70] =	vst v11;
	v11 =	vadd.f32 v12, v39;
	v12 =	vmul.f32 $8.136581620e-02, v44  }
0x11a: {  	v22 =	vld [tilespmem:$0x6590];
	v9 =	vmul.f32 $8.136581620e-02, v38;
	[tilespmem:$0xFE60] =	vst v2  }
0x11b: {  	v23 =	vld [tilespmem:$0x6510];
	[tilespmem:$0x13010] =	vst v11;
	v11 =	vadd.f32 v12, v43;
	v12 =	vmul.f32 $8.136581620e-02, v48  }
0x11c: {  	v21 =	vld [tilespmem:$0x6500];
	v2 =	vadd.f32 v9, v37;
	v9 =	vmul.f32 $8.136581620e-02, v42;
	[tilespmem:$0x1FFF0] =	vst v1  }
0x11d: {  	v25 =	vld [tilespmem:$0x6520];
	[tilespmem:$0x13030] =	vst v11;
	v11 =	vadd.f32 v12, v47;
	v12 =	vmul.f32 $8.136581620e-02, v52  }
0x11e: {  	v40 =	vld [tilespmem:$0x65B0];
	[tilespmem:$0x13000] =	vst v2;
	v2 =	vadd.f32 v9, v41;
	v9 =	vmul.f32 $8.136581620e-02, v46  }
0x11f: {  	v44 =	vld [tilespmem:$0x65C0];
	[tilespmem:$0x13050] =	vst v11;
	v11 =	vadd.f32 v12, v51;
	v12 =	vmul.f32 $8.136581620e-02, v56  }
0x120: {  	v42 =	vld [tilespmem:$0x6530];
	[tilespmem:$0x13020] =	vst v2;
	v2 =	vadd.f32 v9, v45;
	v9 =	vmul.f32 $8.136581620e-02, v50  }
0x121: {  	v48 =	vld [tilespmem:$0x65D0];
	[tilespmem:$0x13070] =	vst v11;
	v11 =	vadd.f32 v12, v55;
	v12 =	vmul.f32 $8.136581620e-02, v60  }
0x122: {  	v1 =	vld [tilespmem:$0x3310];
	[tilespmem:$0x13040] =	vst v2;
	v2 =	vadd.f32 v9, v49  }
0x123: {  	v46 =	vld [tilespmem:$0x6540];
	v9 =	vmul.f32 $8.136581620e-02, v54;
	[tilespmem:$0x16210] =	vst v11;
	v11 =	vadd.f32 v12, v59  }
0x124: {  	v52 =	vld [tilespmem:$0x65E0];
	[tilespmem:$0x13060] =	vst v2  }
0x125: {  	v2 =	vadd.f32 v9, v53;
	v9 =	vmul.f32 $8.136581620e-02, v58;
	[tilespmem:$0x16230] =	vst v11;
	v11 =	vld [tilespmem:$0x1FFA0]  }
0x126: {  	v50 =	vld [tilespmem:$0x6550]  }
0x127: {  	v56 =	vld [tilespmem:$0x65F0];
	[tilespmem:$0x16200] =	vst v2;
	v2 =	vadd.f32 v9, v57;
	v9 =	vmul.f32 $8.136581620e-02, v62  }
0x128: {  	v3 =	vmul.f32 $8.136581620e-02, v3;
	v54 =	vld [tilespmem:$0x6560]  }
0x129: {  	v60 =	vld [tilespmem:$0x97A0];
	[tilespmem:$0x16220] =	vst v2;
	v2 =	vadd.f32 v9, v61  }
0x12a: {  	[tilespmem:$0x1FFD0] =	vst v1;
	v1 =	vmul.f32 $8.136581620e-02, v8;
	v8 =	vld [tilespmem:$0x33A0];
	v3 =	vadd.f32 v3, v11  }
0x12b: {  	[tilespmem:$0x16240] =	vst v2;
	v2 =	vld [tilespmem:$0x1FFB0]  }
0x12c: {  	[tilespmem:$0x16250] =	vst v3;
	v3 =	vld [tilespmem:$0x1FFC0]  }
0x12d: {  	v58 =	vld [tilespmem:$0x6570]  }
0x12e: {  	v5 =	vmul.f32 $8.136581620e-02, v5;
	v12 =	vld [tilespmem:$0x9780]  }
0x12f: {  	v6 =	vmul.f32 $8.136581620e-02, v6;
	v59 =	vld [tilespmem:$0x9710]  }
0x130: {  	v7 =	vadd.f32 v1, v7;
	v1 =	vld [tilespmem:$0x33B0];
	v2 =	vadd.f32 v5, v2  }
0x131: {  	v3 =	vadd.f32 v6, v3;
	v6 =	vld [tilespmem:$0x1FFD0]  }
0x132: {  	[tilespmem:$0x16260] =	vst v2;
	v2 =	vld [tilespmem:$0x1FFE0]  }
0x133: {  	[tilespmem:$0x16270] =	vst v3;
	v3 =	vld [tilespmem:$0x1FFF0]  }
0x134: {  	v62 =	vld [tilespmem:$0xC990]  }
0x135: {  	[tilespmem:$0xCC10] =	vst v7;
	v7 =	vld [tilespmem:$0x33C0];
	v5 =	vmul.f32 $8.136581620e-02, v63  }
0x136: {  	v9 =	vld [tilespmem:$0x9700];
	v6 =	vmul.f32 $8.136581620e-02, v6  }
0x137: {  	v4 =	vmul.f32 $8.136581620e-02, v4;
	v61 =	vld [tilespmem:$0xC900];
	v2 =	vadd.f32 v5, v2  }
0x138: {  	v11 =	vld [tilespmem:$0x9790];
	v3 =	vadd.f32 v6, v3;
	v6 =	vmul.f32 $8.136581620e-02, v10  }
0x139: {  	v63 =	vld [tilespmem:$0xC9A0];
	[tilespmem:$0xFD80] =	vst v2;
	v2 =	vadd.f32 v4, v8;
	v4 =	vmul.f32 $8.136581620e-02, v13  }
0x13a: {  	v5 =	vld [tilespmem:$0x9720];
	[tilespmem:$0xFD90] =	vst v3;
	v1 =	vadd.f32 v6, v1;
	v3 =	vmul.f32 $8.136581620e-02, v15  }
0x13b: {  	v8 =	vld [tilespmem:$0x9730];
	[tilespmem:$0xFDA0] =	vst v2;
	v2 =	vadd.f32 v4, v7;
	v4 =	vmul.f32 $8.136581620e-02, v17  }
0x13c: {  	v13 =	vld [tilespmem:$0x97D0];
	[tilespmem:$0xFDB0] =	vst v1;
	v1 =	vadd.f32 v3, v14;
	v3 =	vmul.f32 $8.136581620e-02, v19  }
0x13d: {  	v10 =	vld [tilespmem:$0x97B0];
	[tilespmem:$0xFDC0] =	vst v2;
	v2 =	vadd.f32 v4, v16;
	v4 =	vmul.f32 $8.136581620e-02, v21  }
0x13e: {  	v7 =	vld [tilespmem:$0x9740];
	[tilespmem:$0xFDD0] =	vst v1;
	v1 =	vadd.f32 v3, v18;
	v3 =	vmul.f32 $8.136581620e-02, v23  }
0x13f: {  	v17 =	vld [tilespmem:$0x97F0];
	[tilespmem:$0xFDE0] =	vst v2;
	v2 =	vadd.f32 v4, v20;
	v4 =	vmul.f32 $8.136581620e-02, v25  }
0x140: {  	v6 =	vld [tilespmem:$0x97C0];
	[tilespmem:$0xFDF0] =	vst v1;
	v1 =	vadd.f32 v3, v22;
	v3 =	vmul.f32 $8.136581620e-02, v42  }
0x141: {  	v15 =	vld [tilespmem:$0x97E0];
	[tilespmem:$0x12F80] =	vst v2;
	v2 =	vadd.f32 v4, v24;
	v4 =	vmul.f32 $8.136581620e-02, v46  }
0x142: {  	v16 =	vld [tilespmem:$0x9760];
	[tilespmem:$0x12F90] =	vst v1;
	v1 =	vadd.f32 v3, v40;
	v3 =	vmul.f32 $8.136581620e-02, v50  }
0x143: {  	v14 =	vld [tilespmem:$0x9750];
	[tilespmem:$0x12FA0] =	vst v2;
	v2 =	vadd.f32 v4, v44;
	v4 =	vmul.f32 $8.136581620e-02, v54  }
0x144: {  	v19 =	vld [tilespmem:$0xC980];
	[tilespmem:$0x12FB0] =	vst v1;
	v1 =	vadd.f32 v3, v48;
	v3 =	vmul.f32 $8.136581620e-02, v58  }
0x145: {  	v18 =	vld [tilespmem:$0x9770];
	[tilespmem:$0x12FC0] =	vst v2;
	v2 =	vadd.f32 v4, v52;
	v4 =	vmul.f32 $8.136581620e-02, v9  }
0x146: {  	v9 =	vld [tilespmem:$0xC910];
	[tilespmem:$0x12FD0] =	vst v1;
	v1 =	vadd.f32 v3, v56;
	v3 =	vmul.f32 $8.136581620e-02, v59  }
0x147: {  	[tilespmem:$0x12FE0] =	vst v2;
	v2 =	vadd.f32 v4, v12;
	v4 =	vmul.f32 $8.136581620e-02, v5;
	v5 =	vld [tilespmem:$0xC920]  }
0x148: {  	v12 =	vld [tilespmem:$0xC950];
	[tilespmem:$0x12FF0] =	vst v1;
	v1 =	vadd.f32 v3, v11;
	v3 =	vmul.f32 $8.136581620e-02, v8  }
0x149: {  	[tilespmem:$0x16180] =	vst v2;
	v2 =	vadd.f32 v4, v60;
	v4 =	vmul.f32 $8.136581620e-02, v7;
	v7 =	vld [tilespmem:$0xC930]  }
0x14a: {  	v8 =	vld [tilespmem:$0xC9B0];
	[tilespmem:$0x16190] =	vst v1;
	v1 =	vadd.f32 v3, v10;
	v3 =	vmul.f32 $8.136581620e-02, v14  }
0x14b: {  	v11 =	vld [tilespmem:$0xC9D0];
	[tilespmem:$0x161A0] =	vst v2;
	v2 =	vadd.f32 v4, v6;
	v4 =	vmul.f32 $8.136581620e-02, v16  }
0x14c: {  	v6 =	vld [tilespmem:$0xC940];
	[tilespmem:$0x161B0] =	vst v1;
	v1 =	vadd.f32 v3, v13;
	v3 =	vmul.f32 $8.136581620e-02, v18  }
0x14d: {  	v10 =	vld [tilespmem:$0xC9C0];
	[tilespmem:$0x161C0] =	vst v2;
	v2 =	vadd.f32 v4, v15;
	v4 =	vmul.f32 $8.136581620e-02, v61  }
0x14e: {  	p3 =	sgt.u32 s17, $0x43;
	[tilespmem:$0x161D0] =	vst v1;
	v1 =	vadd.f32 v3, v17;
	v3 =	vmul.f32 $8.136581620e-02, v9;
	v9 =	vld [tilespmem:$0xC960]  }
0x14f: {  	s20 =	sadd.s32 @!p3 $0x20, s17;
	[tilespmem:$0x161E0] =	vst v2;
	v2 =	vadd.f32 v4, v19;
	v4 =	vmul.f32 $8.136581620e-02, v5;
	v5 =	vld [tilespmem:$0xC970]  }
0x150: {  	p5 =	sgt.u32 @!p3 s17, $0x41;
	s21 =	sshrl.u32 @!p3 s20, $0x1;
	[tilespmem:$0x161F0] =	vst v1;
	v1 =	vadd.f32 v3, v62;
	v3 =	vmul.f32 $8.136581620e-02, v7;
	v7 =	vld [tilespmem:$0xC9E0]  }
0x151: {  	s20 =	sshll.u32 @!p3 s20, $0x7;
	s22 =	sshll.u32 @!p3 s21, $0x8;
	p4 =	sne.s32 @!p3 s21, $0x31;
	[tilespmem:$0x19380] =	vst v2;
	v2 =	vadd.f32 v4, v63;
	v4 =	vmul.f32 $8.136581620e-02, v6;
	v6 =	vld [tilespmem:$0xC9F0]  }
0x152: {  	s20 =	ssub.s32 @!p3 s20, s22;
	p4 =	por p4, p3;
	p3 =	por p5, p3;
	[tilespmem:$0x19390] =	vst v1;
	v1 =	vadd.f32 v3, v8;
	v3 =	vmul.f32 $8.136581620e-02, v12  }
0x153: {  	s21 =	smul.u32 @!p3 $0xC800, s21;
	[tilespmem:$0x193A0] =	vst v2;
	v2 =	vadd.f32 v4, v10;
	v4 =	vmul.f32 $8.136581620e-02, v9  }
0x154: {  	[tilespmem:$0x193B0] =	vst v1;
	v1 =	vadd.f32 v3, v11;
	v3 =	vmul.f32 $8.136581620e-02, v5  }
0x155: {  	s21 =	sadd.s32 @!p3 $0xFFFF9800, s21;
	[tilespmem:$0x193C0] =	vst v2;
	v2 =	vadd.f32 v4, v7  }
0x156: {  	s22 =	sadd.s32 @!p4 s20, s7;
	s21 =	sshrl.u32 @!p3 s21, $0x3;
	[tilespmem:$0x193D0] =	vst v1;
	v1 =	vadd.f32 v3, v6  }
0x157: {  	s23 =	simm.s32 @!p4 $0x400;
	s24 =	simm.s32 @!p4 $0x800;
	s20 =	sadd.s32 @!p3 s20, s21;
	[tilespmem:$0x193E0] =	vst v2  }
0x158: {  	s25 =	simm.s32 @!p4 $0x0;
	s21 =	simm.s32 @!p3 $0x400;
	s20 =	sand.u32 @!p3 $0x1FFFFF80, s20;
	[tilespmem:$0x193F0] =	vst v1  }
0x159: {  	[tilespmem:s25], [sflag:$0x1] =	stream.strided.gather @!p4 [hbm4b:s22+s23], $0x9800, s24, s23, $0x38;
	[tilespmem:$0x19400] =	vst v63  }
0x15a: {  	s20 =	sadd.s32 @!p3 s1, s20;
	s22 =	simm.s32 @!p3 $0x800;
	s23 =	simm.s32 @!p3 $0x0  }
0x15b: {  	[tilespmem:s23], [sflag:$0x1] =	stream.strided.gather @!p3 [hbm4b:s20+s21], $0xCC00, s22, s21, $0x38;
	[tilespmem:$0x19400] =	vst v63  }
0x15c: {  	s20 =	simm.s32 $0x0  }
0x15d: {  	v4 =	vld [tilespmem:s20+$0xFE00]  }
0x15e: {  	v3 =	vld [tilespmem:s20+$0xFE10]  }
0x15f: {  	v2 =	vld [tilespmem:s20+$0xFE20]  }
0x160: {  	v1 =	vld [tilespmem:s20+$0xFE30]  }
0x161: {  	v11 =	vld [tilespmem:s20+$0x13000]  }
0x162: {  	v12 =	vld [tilespmem:s20+$0x13010]  }
0x163: {  	v10 =	vld [tilespmem:s20+$0x13020]  }
0x164: {  	v9 =	vld [tilespmem:s20+$0x13030]  }
0x165: {  	v8 =	vld [tilespmem:s20+$0x13040]  }
0x166: {  	v7 =	vld [tilespmem:s20+$0x13050]  }
0x167: {  	v13 =	vld [tilespmem:s20+$0xCC00]  }
0x168: {  	v16 =	vld [tilespmem:s20+$0xCC10]  }
0x169: {  	v6 =	vld [tilespmem:s20+$0x13060]  }
0x16a: {  	v5 =	vld [tilespmem:s20+$0x13070]  }
0x16b: {  	v15 =	vld [tilespmem:s20+$0xCC20]  }
0x16c: {  	v14 =	vld [tilespmem:s20+$0xCC30];
	v11 =	vadd.f32 v11, v13  }
0x16d: {  	v16 =	vadd.f32 v12, v16;
	v13 =	vld [tilespmem:s20+$0xCC40]  }
0x16e: {  	v12 =	vld [tilespmem:s20+$0xCC50];
	v17 =	vmul.f32 $8.136581620e-02, v11  }
0x16f: {  	s21 =	simm.s32 $0x200;
	v16 =	vmul.f32 $8.136581620e-02, v16;
	v11 =	vld [tilespmem:s20+$0xCC60]  }
.LBB2_25:
0x170: {  	p3 =	sne.s32 s21, $0x18E00;
	v4 =	vadd.f32 v17, v4;
	v10 =	vadd.f32 v10, v15;
	v15 =	vld [tilespmem:s20+$0xCC70]  }
0x171: {  	v3 =	vadd.f32 v16, v3;
	v9 =	vadd.f32 v9, v14;
	v14 =	vld [tilespmem:s20+$0xFE40]  }
0x172: {  	v16 =	vmul.f32 $7.396751640e-01, v4;
	v4 =	vmul.f32 $8.136581620e-02, v10;
	v8 =	vadd.f32 v8, v13;
	v10 =	vld [tilespmem:s20+$0xFE50]  }
0x173: {  	v13 =	vmul.f32 $7.396751640e-01, v3;
	v3 =	vmul.f32 $8.136581620e-02, v9;
	v7 =	vadd.f32 v7, v12;
	v9 =	vld [tilespmem:s20+$0xFE60]  }
0x174: {  	s22 =	sshra.s32 s21, $0x2;
	v2 =	vadd.f32 v4, v2;
	v8 =	vmul.f32 $8.136581620e-02, v8;
	v6 =	vadd.f32 v6, v11;
	v11 =	vld [tilespmem:s20+$0xFE70]  }
0x175: {  	v4 =	vld [tilespmem:s22+$0xFE00];
	v1 =	vadd.f32 v3, v1;
	v7 =	vmul.f32 $8.136581620e-02, v7;
	v5 =	vadd.f32 v5, v15  }
0x176: {  	v3 =	vld [tilespmem:s22+$0xFE10];
	[tilespmem:s20+$0xCC00] =	vst v16;
	v12 =	vmul.f32 $7.396751640e-01, v2;
	v8 =	vadd.f32 v8, v14;
	v6 =	vmul.f32 $8.136581620e-02, v6  }
0x177: {  	v2 =	vld [tilespmem:s22+$0xFE20];
	[tilespmem:s20+$0xCC10] =	vst v13;
	v13 =	vmul.f32 $7.396751640e-01, v1;
	v7 =	vadd.f32 v7, v10;
	v5 =	vmul.f32 $8.136581620e-02, v5  }
0x178: {  	v1 =	vld [tilespmem:s22+$0xFE30];
	[tilespmem:s20+$0xCC20] =	vst v12;
	v8 =	vmul.f32 $7.396751640e-01, v8;
	v6 =	vadd.f32 v6, v9  }
0x179: {  	v12 =	vld [tilespmem:s22+$0x13000];
	[tilespmem:s20+$0xCC30] =	vst v13;
	v7 =	vmul.f32 $7.396751640e-01, v7;
	v5 =	vadd.f32 v5, v11  }
0x17a: {  	v11 =	vld [tilespmem:s22+$0x13010];
	[tilespmem:s20+$0xCC40] =	vst v8;
	v6 =	vmul.f32 $7.396751640e-01, v6  }
0x17b: {  	v10 =	vld [tilespmem:s22+$0x13020];
	[tilespmem:s20+$0xCC50] =	vst v7;
	v5 =	vmul.f32 $7.396751640e-01, v5  }
0x17c: {  	v9 =	vld [tilespmem:s22+$0x13030];
	[tilespmem:s20+$0xCC60] =	vst v6  }
0x17d: {  	v8 =	vld [tilespmem:s22+$0x13040];
	[tilespmem:s20+$0xCC70] =	vst v5;
	s20 =	smov.u32 s22  }
0x17e: {  	v7 =	vld [tilespmem:s20+$0x13050]  }
0x17f: {  	v13 =	vld [tilespmem:s20+$0xCC00]  }
0x180: {  	v16 =	vld [tilespmem:s20+$0xCC10]  }
0x181: {  	v6 =	vld [tilespmem:s20+$0x13060]  }
0x182: {  	v5 =	vld [tilespmem:s20+$0x13070]  }
.Ltmp20:
0x183: {  	v15 =	vld [tilespmem:s20+$0xCC20];
	(pc) =	sbr.rel @p3 .LBB2_25-.Ltmp20, $4  }
0x184: {  	v12 =	vadd.f32 v12, v13;
	v14 =	vld [tilespmem:s20+$0xCC30]  }
0x185: {  	v11 =	vadd.f32 v11, v16;
	v13 =	vld [tilespmem:s20+$0xCC40]  }
0x186: {  	v17 =	vmul.f32 $8.136581620e-02, v12;
	v12 =	vld [tilespmem:s20+$0xCC50]  }
0x187: {  	s21 =	sadd.s32 $0x200, s21;
	v16 =	vmul.f32 $8.136581620e-02, v11;
	v11 =	vld [tilespmem:s20+$0xCC60]  }
0x188: {  	v4 =	vadd.f32 v17, v4;
	v10 =	vadd.f32 v10, v15;
	v33 =	vld [tilespmem:s20+$0xCC70]  }
0x189: {  	v34 =	vld [tilespmem:s20+$0xFE40];
	v3 =	vadd.f32 v16, v3;
	v9 =	vadd.f32 v9, v14  }
0x18a: {  	v35 =	vld [tilespmem:s20+$0xFE50];
	v4 =	vmul.f32 $7.396751640e-01, v4;
	v10 =	vmul.f32 $8.136581620e-02, v10;
	v8 =	vadd.f32 v8, v13  }
0x18b: {  	v36 =	vld [tilespmem:s20+$0xFE60];
	v3 =	vmul.f32 $7.396751640e-01, v3;
	v9 =	vmul.f32 $8.136581620e-02, v9;
	v7 =	vadd.f32 v7, v12  }
0x18c: {  	v37 =	vld [tilespmem:s20+$0xFE70];
	v2 =	vadd.f32 v10, v2;
	v8 =	vmul.f32 $8.136581620e-02, v8;
	v6 =	vadd.f32 v6, v11  }
0x18d: {  	v1 =	vadd.f32 v9, v1;
	v7 =	vmul.f32 $8.136581620e-02, v7;
	v5 =	vadd.f32 v5, v33  }
0x18e: {  	[tilespmem:s20+$0xCC00] =	vst v4;
	v2 =	vmul.f32 $7.396751640e-01, v2;
	v38 =	vadd.f32 v8, v34;
	v6 =	vmul.f32 $8.136581620e-02, v6  }
0x18f: {  	[tilespmem:s20+$0xCC10] =	vst v3;
	v1 =	vmul.f32 $7.396751640e-01, v1;
	v3 =	vadd.f32 v7, v35;
	v5 =	vmul.f32 $8.136581620e-02, v5  }
0x190: {  	[tilespmem:s20+$0xCC20] =	vst v2;
	v2 =	vmul.f32 $7.396751640e-01, v38;
	v39 =	vadd.f32 v6, v36  }
0x191: {  	[tilespmem:s20+$0xCC30] =	vst v1;
	v1 =	vmul.f32 $7.396751640e-01, v3;
	v3 =	vadd.f32 v5, v37  }
0x192: {  	[tilespmem:s20+$0xCC40] =	vst v2;
	v2 =	vmul.f32 $7.396751640e-01, v39  }
0x193: {  	[tilespmem:s20+$0xCC50] =	vst v1;
	v1 =	vmul.f32 $7.396751640e-01, v3  }
0x194: {  	[tilespmem:s20+$0xCC60] =	vst v2  }
0x195: {  	[tilespmem:s20+$0xCC70] =	vst v1  }
0x196: {  	v1 =	vld [tilespmem:$0xCC00]  }
0x197: {  	v2 =	vld [tilespmem:$0xCC10]  }
0x198: {  	v3 =	vld [tilespmem:$0xCC20]  }
0x199: {  	v40 =	vld [tilespmem:$0xCC30]  }
0x19a: {  	v41 =	vld [tilespmem:$0xCC40]  }
0x19b: {  	v42 =	vld [tilespmem:$0xCC50];
	v1 =	vmul.f32 $1.075243590e+00, v1  }
0x19c: {  	v43 =	vld [tilespmem:$0xCC60];
	v2 =	vmul.f32 $1.075243590e+00, v2  }
0x19d: {  	[tilespmem:$0xCC00] =	vst v1;
	v1 =	vmul.f32 $1.075243590e+00, v3;
	v3 =	vld [tilespmem:$0xCC70]  }
0x19e: {  	v44 =	vld [tilespmem:$0xFD80];
	[tilespmem:$0xCC10] =	vst v2;
	v2 =	vmul.f32 $1.075243590e+00, v40  }
0x19f: {  	v45 =	vld [tilespmem:$0xFD90];
	[tilespmem:$0xCC20] =	vst v1;
	v1 =	vmul.f32 $1.075243590e+00, v41  }
0x1a0: {  	v46 =	vld [tilespmem:$0xFDA0];
	[tilespmem:$0xCC30] =	vst v2;
	v2 =	vmul.f32 $1.075243590e+00, v42  }
0x1a1: {  	v47 =	vld [tilespmem:$0xFDB0];
	[tilespmem:$0xCC40] =	vst v1;
	v1 =	vmul.f32 $1.075243590e+00, v43  }
0x1a2: {  	[tilespmem:$0xCC50] =	vst v2;
	v2 =	vmul.f32 $1.075243590e+00, v3;
	v3 =	vld [tilespmem:$0xFDC0]  }
0x1a3: {  	v48 =	vld [tilespmem:$0xFDD0];
	[tilespmem:$0xCC60] =	vst v1;
	v1 =	vmul.f32 $1.075243590e+00, v44  }
0x1a4: {  	v49 =	vld [tilespmem:$0xFDE0];
	[tilespmem:$0xCC70] =	vst v2;
	v2 =	vmul.f32 $1.075243590e+00, v45  }
0x1a5: {  	v50 =	vld [tilespmem:$0xFDF0];
	[tilespmem:$0xFD80] =	vst v1;
	v1 =	vmul.f32 $1.075243590e+00, v46  }
0x1a6: {  	v51 =	vld [tilespmem:$0xFE00];
	[tilespmem:$0xFD90] =	vst v2;
	v2 =	vmul.f32 $1.075243590e+00, v47  }
0x1a7: {  	[tilespmem:$0xFDA0] =	vst v1;
	v1 =	vmul.f32 $1.075243590e+00, v3;
	v3 =	vld [tilespmem:$0xFE10]  }
0x1a8: {  	v52 =	vld [tilespmem:$0xFE20];
	[tilespmem:$0xFDB0] =	vst v2;
	v2 =	vmul.f32 $1.075243590e+00, v48  }
0x1a9: {  	v53 =	vld [tilespmem:$0xFE30];
	[tilespmem:$0xFDC0] =	vst v1;
	v1 =	vmul.f32 $1.075243590e+00, v49  }
0x1aa: {  	v54 =	vld [tilespmem:$0xFE40];
	[tilespmem:$0xFDD0] =	vst v2;
	v2 =	vmul.f32 $1.075243590e+00, v50  }
0x1ab: {  	v55 =	vld [tilespmem:$0xFE50];
	[tilespmem:$0xFDE0] =	vst v1;
	v1 =	vmul.f32 $1.075243590e+00, v51  }
0x1ac: {  	[tilespmem:$0xFDF0] =	vst v2;
	v2 =	vmul.f32 $1.075243590e+00, v3;
	v3 =	vld [tilespmem:$0xFE60]  }
0x1ad: {  	v56 =	vld [tilespmem:$0xFE70];
	[tilespmem:$0xFE00] =	vst v1;
	v1 =	vmul.f32 $1.075243590e+00, v52  }
0x1ae: {  	v57 =	vld [tilespmem:$0x12F80];
	[tilespmem:$0xFE10] =	vst v2;
	v2 =	vmul.f32 $1.075243590e+00, v53  }
0x1af: {  	v58 =	vld [tilespmem:$0x12F90];
	[tilespmem:$0xFE20] =	vst v1;
	v1 =	vmul.f32 $1.075243590e+00, v54  }
0x1b0: {  	v59 =	vld [tilespmem:$0x12FA0];
	[tilespmem:$0xFE30] =	vst v2;
	v2 =	vmul.f32 $1.075243590e+00, v55  }
0x1b1: {  	[tilespmem:$0xFE40] =	vst v1;
	v1 =	vmul.f32 $1.075243590e+00, v3;
	v3 =	vld [tilespmem:$0x12FB0]  }
0x1b2: {  	v60 =	vld [tilespmem:$0x12FC0];
	[tilespmem:$0xFE50] =	vst v2;
	v2 =	vmul.f32 $1.075243590e+00, v56  }
0x1b3: {  	v61 =	vld [tilespmem:$0x12FD0];
	[tilespmem:$0xFE60] =	vst v1;
	v1 =	vmul.f32 $1.075243590e+00, v57  }
0x1b4: {  	v62 =	vld [tilespmem:$0x12FE0];
	[tilespmem:$0xFE70] =	vst v2;
	v2 =	vmul.f32 $1.075243590e+00, v58  }
0x1b5: {  	v63 =	vld [tilespmem:$0x12FF0];
	[tilespmem:$0x12F80] =	vst v1;
	v1 =	vmul.f32 $1.075243590e+00, v59  }
0x1b6: {  	[tilespmem:$0x12F90] =	vst v2;
	v2 =	vmul.f32 $1.075243590e+00, v3  }
0x1b7: {  	[tilespmem:$0x12FA0] =	vst v1;
	v1 =	vmul.f32 $1.075243590e+00, v60  }
.Ltmp21:
0x1b8: {  	[tilespmem:$0x12FB0] =	vst v2;
	v2 =	vmul.f32 $1.075243590e+00, v61;
	(pc) =	sbr.rel @!p2 .LBB2_30-.Ltmp21, $4  }
0x1b9: {  	[tilespmem:$0x12FC0] =	vst v1;
	v1 =	vmul.f32 $1.075243590e+00, v62  }
0x1ba: {  	[tilespmem:$0x12FD0] =	vst v2;
	v2 =	vmul.f32 $1.075243590e+00, v63  }
0x1bb: {  	[tilespmem:$0x12FE0] =	vst v1  }
0x1bc: {  	[tilespmem:$0x12FF0] =	vst v2  }
0x1bd: {  	s20 =	simm.s32 $0x0  }
0x1be: {  	v4 =	vld [tilespmem:s20+$0xCC00]  }
0x1bf: {  	v6 =	vld [tilespmem:s20+$0xCC10]  }
0x1c0: {  	v5 =	vld [tilespmem:s20+$0xCC20]  }
0x1c1: {  	v3 =	vld [tilespmem:s20+$0xCC30]  }
0x1c2: {  	v1 =	vld [tilespmem:s20+$0xCC40]  }
0x1c3: {  	v2 =	vld [tilespmem:s20+$0xCC50];
	v7 =	vmul.f32 $1.075243590e+00, v4  }
0x1c4: {  	s21 =	simm.s32 $0x200;
	v6 =	vmul.f32 $1.075243590e+00, v6;
	v4 =	vld [tilespmem:s20+$0xCC60]  }
.LBB2_28:
0x1c5: {  	s22 =	sshra.s32 s21, $0x2;
	p2 =	sne.s32 s21, $0xC600;
	[tilespmem:s20+$0xCC00] =	vst v7;
	v5 =	vmul.f32 $1.075243590e+00, v5;
	v7 =	vld [tilespmem:s20+$0xCC70]  }
0x1c6: {  	v8 =	vld [tilespmem:s22+$0xCC00];
	[tilespmem:s20+$0xCC10] =	vst v6;
	v3 =	vmul.f32 $1.075243590e+00, v3  }
0x1c7: {  	v6 =	vld [tilespmem:s22+$0xCC10];
	[tilespmem:s20+$0xCC20] =	vst v5;
	v1 =	vmul.f32 $1.075243590e+00, v1  }
.Ltmp22:
0x1c8: {  	v5 =	vld [tilespmem:s22+$0xCC20];
	[tilespmem:s20+$0xCC30] =	vst v3;
	v2 =	vmul.f32 $1.075243590e+00, v2;
	(pc) =	sbr.rel @p2 .LBB2_28-.Ltmp22, $4  }
0x1c9: {  	v3 =	vld [tilespmem:s22+$0xCC30];
	[tilespmem:s20+$0xCC40] =	vst v1;
	v4 =	vmul.f32 $1.075243590e+00, v4  }
0x1ca: {  	v1 =	vld [tilespmem:s22+$0xCC40];
	[tilespmem:s20+$0xCC50] =	vst v2;
	v9 =	vmul.f32 $1.075243590e+00, v7  }
0x1cb: {  	v7 =	vmul.f32 $1.075243590e+00, v8;
	v2 =	vld [tilespmem:s22+$0xCC50];
	[tilespmem:s20+$0xCC60] =	vst v4  }
0x1cc: {  	s21 =	sadd.s32 $0x200, s21;
	v6 =	vmul.f32 $1.075243590e+00, v6;
	v4 =	vld [tilespmem:s22+$0xCC60];
	[tilespmem:s20+$0xCC70] =	vst v9;
	s20 =	smov.u32 s22  }
0x1cd: {  	[tilespmem:s20+$0xCC00] =	vst v7;
	v5 =	vmul.f32 $1.075243590e+00, v5;
	v63 =	vld [tilespmem:s20+$0xCC70]  }
0x1ce: {  	[tilespmem:s20+$0xCC10] =	vst v6;
	v3 =	vmul.f32 $1.075243590e+00, v3  }
0x1cf: {  	[tilespmem:s20+$0xCC20] =	vst v5;
	v1 =	vmul.f32 $1.075243590e+00, v1  }
0x1d0: {  	[tilespmem:s20+$0xCC30] =	vst v3;
	v2 =	vmul.f32 $1.075243590e+00, v2  }
0x1d1: {  	[tilespmem:s20+$0xCC40] =	vst v1;
	v1 =	vmul.f32 $1.075243590e+00, v4  }
0x1d2: {  	[tilespmem:s20+$0xCC50] =	vst v2;
	v2 =	vmul.f32 $1.075243590e+00, v63  }
0x1d3: {  	[tilespmem:s20+$0xCC60] =	vst v1  }
0x1d4: {  	[tilespmem:s20+$0xCC70] =	vst v2  }
.LBB2_30:
.Ltmp23:
0x1d5: {  	(pc) =	sbr.rel @!p1 .LBB2_34-.Ltmp23, $1  }
0x1d6: {  	_ =	sdelay $0x3  }
0x1d7: {  	s20 =	simm.s32 $0x0  }
0x1d8: {  	v4 =	vld [tilespmem:s20+$0xFE00]  }
0x1d9: {  	v6 =	vld [tilespmem:s20+$0xFE10]  }
0x1da: {  	v5 =	vld [tilespmem:s20+$0xFE20]  }
0x1db: {  	v3 =	vld [tilespmem:s20+$0xFE30]  }
0x1dc: {  	v1 =	vld [tilespmem:s20+$0xFE40]  }
0x1dd: {  	v2 =	vld [tilespmem:s20+$0xFE50];
	v7 =	vmul.f32 $1.075243590e+00, v4  }
0x1de: {  	s21 =	simm.s32 $0x200;
	v6 =	vmul.f32 $1.075243590e+00, v6;
	v4 =	vld [tilespmem:s20+$0xFE60]  }
.LBB2_32:
0x1df: {  	s22 =	sshra.s32 s21, $0x2;
	p1 =	sne.s32 s21, $0xC600;
	[tilespmem:s20+$0xFE00] =	vst v7;
	v5 =	vmul.f32 $1.075243590e+00, v5;
	v7 =	vld [tilespmem:s20+$0xFE70]  }
0x1e0: {  	v8 =	vld [tilespmem:s22+$0xFE00];
	[tilespmem:s20+$0xFE10] =	vst v6;
	v3 =	vmul.f32 $1.075243590e+00, v3  }
0x1e1: {  	v6 =	vld [tilespmem:s22+$0xFE10];
	[tilespmem:s20+$0xFE20] =	vst v5;
	v1 =	vmul.f32 $1.075243590e+00, v1  }
.Ltmp24:
0x1e2: {  	v5 =	vld [tilespmem:s22+$0xFE20];
	[tilespmem:s20+$0xFE30] =	vst v3;
	v2 =	vmul.f32 $1.075243590e+00, v2;
	(pc) =	sbr.rel @p1 .LBB2_32-.Ltmp24, $4  }
0x1e3: {  	v3 =	vld [tilespmem:s22+$0xFE30];
	[tilespmem:s20+$0xFE40] =	vst v1;
	v4 =	vmul.f32 $1.075243590e+00, v4  }
0x1e4: {  	v1 =	vld [tilespmem:s22+$0xFE40];
	[tilespmem:s20+$0xFE50] =	vst v2;
	v9 =	vmul.f32 $1.075243590e+00, v7  }
0x1e5: {  	v7 =	vmul.f32 $1.075243590e+00, v8;
	v2 =	vld [tilespmem:s22+$0xFE50];
	[tilespmem:s20+$0xFE60] =	vst v4  }
0x1e6: {  	s21 =	sadd.s32 $0x200, s21;
	v6 =	vmul.f32 $1.075243590e+00, v6;
	v4 =	vld [tilespmem:s22+$0xFE60];
	[tilespmem:s20+$0xFE70] =	vst v9;
	s20 =	smov.u32 s22  }
0x1e7: {  	[tilespmem:s20+$0xFE00] =	vst v7;
	v5 =	vmul.f32 $1.075243590e+00, v5;
	v63 =	vld [tilespmem:s20+$0xFE70]  }
0x1e8: {  	[tilespmem:s20+$0xFE10] =	vst v6;
	v3 =	vmul.f32 $1.075243590e+00, v3  }
0x1e9: {  	[tilespmem:s20+$0xFE20] =	vst v5;
	v1 =	vmul.f32 $1.075243590e+00, v1  }
.Ltmp25:
0x1ea: {  	[tilespmem:s20+$0xFE30] =	vst v3;
	v2 =	vmul.f32 $1.075243590e+00, v2;
	(pc) =	sbr.rel .LBB2_34-.Ltmp25, $4  }
0x1eb: {  	[tilespmem:s20+$0xFE40] =	vst v1;
	v1 =	vmul.f32 $1.075243590e+00, v4  }
0x1ec: {  	[tilespmem:s20+$0xFE50] =	vst v2;
	v2 =	vmul.f32 $1.075243590e+00, v63  }
0x1ed: {  	[tilespmem:s20+$0xFE60] =	vst v1  }
0x1ee: {  	[tilespmem:s20+$0xFE70] =	vst v2  }
.LBB2_37:
0x1ef: {  	_ =	sfence.sel $0x180000  }
0x1f0: {  	[bflag:$0x0] =	sbarrier.arrive $0xFFFF  }
0x1f1: {  	p0 =	sne.s32 s2, $0x0;
	_ =	strace $0x90000047  }
0x1f2: {  	s0 =	sadd.s32 @!p0 $0x100000, s0;
	[bflag:$0x2] =	sbarrier.arrive $0xFFFF  }
0x1f3: {  	[sflag:s0] =	ssyncadd.tile.s32 @!p0 $0x1;
	_ =	shalt  }
.Lfunc_end2:
_tile_overlayer_lowered:
.L_overlay_start_2:
0x1f4: {  	(tag) =	ssettag $0x2  }
0x1f5: {  	s0 =	rddreg [dreg:$0x0];
	s2 =	stileid.u32  }
0x1f6: {  	s1 =	rddreg [dreg:$0x1];
	p0 =	sne.s32 s2, $0x0  }
0x1f7: {  	s3 =	rddreg [dreg:$0x2];
	[bflag:$0x3] =	sbarrier.arrive $0xFFFF;
	s2 =	simm.s32 @!p0 $0x1C03  }
0x1f8: {  	[timem:s3], [sflag:s2] =	dma.local @!p0 [hbm:s0], s1  }
0x1f9: {  	s0 =	simm.s32 @!p0 $0x3  }
0x1fa: {  	_ =	swait.ge @!p0 [sflag:s0], s1  }
0x1fb: {  	s1 =	ssub.s32 @!p0 $0x0, s1;
	[sflag:s0] =	ssyncset.done @!p0 $0x0  }
0x1fc: {  	[sflag:s0] =	ssyncadd.s32 @!p0 s1  }
0x1fd: {  	[bflag:$0x3] =	sbarrier.arrive $0xFFFF  }
0x1fe: {  	_ =	shalt  }

</sc_bundles>
